<compile_context>
chip_gen: v7x
topology: tpu7x:2x2x1
jax: 0.10.2.dev20260603
libtpu: 0.0.44.dev20260713+nightly
codegen_flags: <defaults>
</compile_context>

<pallas_src>
import functools

import jax
import jax.numpy as jnp
from jax import lax
from jax.experimental import pallas as pl
from jax.experimental.pallas import tpu as pltpu
from jax.experimental.pallas import tpu_sc as plsc

F32 = jnp.float32

_NC = 2
_NS = 16
_LN = 16
_NW = _NC * _NS




def _matmul_bias_body(x_ref, w_ref, b_ref, o_ref):
    o_ref[...] = (
        jnp.dot(x_ref[...], w_ref[...], preferred_element_type=F32) + b_ref[...]
    )


def _tc_matmul_bias(x, w, b, nb):
    n, _ = x.shape
    h = w.shape[1]
    return pl.pallas_call(
        _matmul_bias_body,
        grid=(n // nb,),
        in_specs=[
            pl.BlockSpec((nb, x.shape[1]), lambda i: (i, 0)),
            pl.BlockSpec(w.shape, lambda i: (0, 0)),
            pl.BlockSpec((1, h), lambda i: (0, 0)),
        ],
        out_specs=pl.BlockSpec((nb, h), lambda i: (i, 0)),
        out_shape=jax.ShapeDtypeStruct((n, h), F32),
    )(x, w, b.reshape(1, h))


def _ec_body(ea_ref, we_ref, ce_ref, o0_ref, o1_ref, o2_ref):
    ea = ea_ref[...]
    outs = (o0_ref, o1_ref, o2_ref)
    for l in range(3):
        outs[l][...] = (
            jnp.dot(ea, we_ref[l], preferred_element_type=F32) + ce_ref[l]
        )


def _tc_ec(edge_attr, we, ce, eb):
    e, ed = edge_attr.shape
    nl, _, h = we.shape
    return pl.pallas_call(
        _ec_body,
        grid=(e // eb,),
        in_specs=[
            pl.BlockSpec((eb, ed), lambda i: (i, 0)),
            pl.BlockSpec((nl, ed, h), lambda i: (0, 0, 0)),
            pl.BlockSpec((nl, 1, h), lambda i: (0, 0, 0)),
        ],
        out_specs=[pl.BlockSpec((eb, h), lambda i: (i, 0))] * 3,
        out_shape=[jax.ShapeDtypeStruct((e, h), F32)] * 3,
    )(edge_attr, we, ce.reshape(nl, 1, h))


def _ab_body(h_ref, wi_ref, wj_ref, a_ref, b_ref):
    hb = h_ref[...]
    a_ref[...] = jnp.dot(hb, wi_ref[...], preferred_element_type=F32)
    b_ref[...] = jnp.dot(hb, wj_ref[...], preferred_element_type=F32)


def _tc_ab(h, wi, wj, nb):
    n, d = h.shape
    return pl.pallas_call(
        _ab_body,
        grid=(n // nb,),
        in_specs=[
            pl.BlockSpec((nb, d), lambda i: (i, 0)),
            pl.BlockSpec(wi.shape, lambda i: (0, 0)),
            pl.BlockSpec(wj.shape, lambda i: (0, 0)),
        ],
        out_specs=[pl.BlockSpec((nb, d), lambda i: (i, 0))] * 2,
        out_shape=[jax.ShapeDtypeStruct((n, d), F32)] * 2,
    )(h, wi, wj)


def _upd_body(rp_ref, h_ref, deg_ref, w2_ref, b2_ref, u1a_ref, u1b_ref,
              ub1_ref, u2_ref, ub2_ref, g_ref, lb_ref, o_ref):
    rsum = rp_ref[0] + rp_ref[1]
    aggr = (
        jnp.dot(rsum, w2_ref[...], preferred_element_type=F32)
        + deg_ref[...] * b2_ref[...]
    )
    hb = h_ref[...]
    t = jnp.maximum(
        jnp.dot(hb, u1a_ref[...], preferred_element_type=F32)
        + jnp.dot(aggr, u1b_ref[...], preferred_element_type=F32)
        + ub1_ref[...],
        0.0,
    )
    v = hb + jnp.dot(t, u2_ref[...], preferred_element_type=F32) + ub2_ref[...]
    mu = jnp.mean(v, axis=1, keepdims=True)
    var = jnp.mean((v - mu) ** 2, axis=1, keepdims=True)
    o_ref[...] = (v - mu) * lax.rsqrt(var + 1e-5) * g_ref[...] + lb_ref[...]


def _tc_update(rp, h, deg2, w2, b2, u1a, u1b, ub1, u2, ub2, g, lb, nb):
    n, d = h.shape
    wspec = pl.BlockSpec((d, d), lambda i: (0, 0))
    vspec = pl.BlockSpec((1, d), lambda i: (0, 0))
    return pl.pallas_call(
        _upd_body,
        grid=(n // nb,),
        in_specs=[
            pl.BlockSpec((2, nb, d), lambda i: (0, i, 0)),
            pl.BlockSpec((nb, d), lambda i: (i, 0)),
            pl.BlockSpec((nb, 1), lambda i: (i, 0)),
            wspec, vspec, wspec, wspec, vspec, wspec, vspec, vspec, vspec,
        ],
        out_specs=pl.BlockSpec((nb, d), lambda i: (i, 0)),
        out_shape=jax.ShapeDtypeStruct((n, d), F32),
    )(rp, h, deg2, w2, b2.reshape(1, d), u1a, u1b, ub1.reshape(1, d),
      u2, ub2.reshape(1, d), g.reshape(1, d), lb.reshape(1, d))




@functools.lru_cache(maxsize=None)
def _make_edge_kernel(n, e, h):
    epw = e // _NW
    ch = 80
    nchunk = epw // ch
    zr = 32
    np_ = -(-n // (_NS * zr)) * (_NS * zr)
    rpt = np_ // _NS
    mesh = plsc.VectorSubcoreMesh(core_axis_name="c", subcore_axis_name="s")

    @functools.partial(
        pl.kernel,
        out_type=jax.ShapeDtypeStruct((_NC, np_, h), F32),
        mesh=mesh,
        scratch_types=[
            pltpu.VMEM_SHARED((np_, h), F32),
            pltpu.VMEM((ch,), jnp.int32),
            pltpu.VMEM((ch,), jnp.int32),
            pltpu.VMEM((ch, h), F32),
            pltpu.VMEM((ch, h), F32),
            pltpu.VMEM((ch, h), F32),
            pltpu.VMEM((ch, h), F32),
            pltpu.VMEM((32, h), F32),
            pltpu.SemaphoreType.DMA,
            pltpu.SemaphoreType.DMA,
            pltpu.SemaphoreType.DMA,
        ],
    )
    def edge_kernel(a_hbm, b_hbm, ec_hbm, src_hbm, dst_hbm, out_hbm,
                    acc_sh, idxd_v, idxs_v, a_v, b_v, e_v, m_v, z_v,
                    sem_a, sem_b, sem_s):
        cid = lax.axis_index("c")
        sid = lax.axis_index("s")
        wid = cid * _NS + sid
        base_e = wid * epw
        zero16 = jnp.zeros((_LN,), F32)

        def zrow(r, c_):
            for cc in range(h // _LN):
                z_v[r, pl.ds(cc * _LN, _LN)] = zero16
            return c_

        lax.fori_loop(0, zr, zrow, 0)
        for k in range(rpt // zr):
            pltpu.sync_copy(z_v, acc_sh.at[pl.ds(sid * rpt + k * zr, zr)])
        plsc.subcore_barrier()

        def chunk(i, c_):
            off = base_e + i * ch
            pltpu.sync_copy(dst_hbm.at[pl.ds(off, ch)], idxd_v)
            cp_a = pltpu.async_copy(a_hbm.at[idxd_v], a_v, sem_a)
            pltpu.sync_copy(src_hbm.at[pl.ds(off, ch)], idxs_v)
            cp_b = pltpu.async_copy(b_hbm.at[idxs_v], b_v, sem_b)
            pltpu.sync_copy(ec_hbm.at[pl.ds(off, ch)], e_v)
            cp_a.wait()
            cp_b.wait()

            def row(r, c2_):
                for cc in range(h // _LN):
                    s = pl.ds(cc * _LN, _LN)
                    m_v[r, s] = jnp.maximum(a_v[r, s] + b_v[r, s] + e_v[r, s],
                                            0.0)
                return c2_

            lax.fori_loop(0, ch, row, 0)
            pltpu.async_copy(m_v, acc_sh.at[idxd_v], sem_s, add=True).wait()
            return c_

        lax.fori_loop(0, nchunk, chunk, 0)
        plsc.subcore_barrier()
        rows = pl.ds(sid * rpt, rpt)
        pltpu.sync_copy(acc_sh.at[rows], out_hbm.at[cid, rows])

    return edge_kernel


@functools.lru_cache(maxsize=None)
def _make_deg_kernel(n, e):
    epw = e // _NW
    ch = 80
    nchunk = epw // ch
    zr = 32
    np_ = -(-n // (_NS * zr)) * (_NS * zr)
    rpt = np_ // _NS
    w = 128
    mesh = plsc.VectorSubcoreMesh(core_axis_name="c", subcore_axis_name="s")

    @functools.partial(
        pl.kernel,
        out_type=jax.ShapeDtypeStruct((_NC, np_, w), F32),
        mesh=mesh,
        scratch_types=[
            pltpu.VMEM_SHARED((np_, w), F32),
            pltpu.VMEM((ch,), jnp.int32),
            pltpu.VMEM((ch, w), F32),
            pltpu.VMEM((zr, w), F32),
            pltpu.SemaphoreType.DMA,
        ],
    )
    def deg_kernel(dst_hbm, out_hbm, acc_sh, idxd_v, one_v, z_v, sem_s):
        cid = lax.axis_index("c")
        sid = lax.axis_index("s")
        wid = cid * _NS + sid
        base_e = wid * epw
        zero16 = jnp.zeros((_LN,), F32)
        one16 = jnp.ones((_LN,), F32)

        def zrow(r, c_):
            for cc in range(w // _LN):
                z_v[r, pl.ds(cc * _LN, _LN)] = zero16
            return c_

        lax.fori_loop(0, zr, zrow, 0)
        for k in range(rpt // zr):
            pltpu.sync_copy(z_v, acc_sh.at[pl.ds(sid * rpt + k * zr, zr)])

        def orow(r, c_):
            for cc in range(w // _LN):
                one_v[r, pl.ds(cc * _LN, _LN)] = one16
            return c_

        lax.fori_loop(0, ch, orow, 0)
        plsc.subcore_barrier()

        def chunk(i, c_):
            pltpu.sync_copy(dst_hbm.at[pl.ds(base_e + i * ch, ch)], idxd_v)
            pltpu.async_copy(one_v, acc_sh.at[idxd_v], sem_s, add=True).wait()
            return c_

        lax.fori_loop(0, nchunk, chunk, 0)
        plsc.subcore_barrier()
        rows = pl.ds(sid * rpt, rpt)
        pltpu.sync_copy(acc_sh.at[rows], out_hbm.at[cid, rows])

    return deg_kernel




def kernel(x, edge_attr, node_W, node_b, edge_W, edge_b,
           msg_W1, msg_b1, msg_W2, msg_b2,
           upd_W1, upd_b1, upd_W2, upd_b2,
           ln_g, ln_b, edge_index):
    n, d = x.shape
    e = edge_index.shape[1]
    h = node_W.shape[1]
    nl = msg_W1.shape[0]
    nb = 400
    eb = 2000

    src = edge_index[0]
    dst = edge_index[1]

    w1i = msg_W1[:, :h, :]
    w1j = msg_W1[:, h:2 * h, :]
    w1e = msg_W1[:, 2 * h:, :]
    we = jnp.einsum('dh,lhk->ldk', edge_W, w1e)
    ce = jnp.einsum('h,lhk->lk', edge_b, w1e) + msg_b1

    h0 = _tc_matmul_bias(x, node_W, node_b, nb)
    ecs = _tc_ec(edge_attr, we, ce, eb)

    degp = _make_deg_kernel(n, e)(dst)
    deg2 = degp[0, :n, :1] + degp[1, :n, :1]

    edge_k = _make_edge_kernel(n, e, h)
    hcur = h0
    for l in range(nl):
        a, b = _tc_ab(hcur, w1i[l], w1j[l], nb)
        rp = edge_k(a, b, ecs[l], src, dst)
        hcur = _tc_update(
            rp, hcur, deg2, msg_W2[l], msg_b2[l],
            upd_W1[l, :h, :], upd_W1[l, h:, :], upd_b1[l],
            upd_W2[l], upd_b2[l], ln_g[l], ln_b[l], nb)
    return hcur

# --- scband reference (transcript-rebuilt; emitter-appended) ---
"""Pipeline reference for scband-gnnencoder-29265907155225 (READ-ONLY COPY).

The authoritative reference and input builder live on the scoring server;
editing this copy changes nothing except your own understanding.
"""

import jax, jax.numpy as jnp
import numpy as np

N = 10000
E = 320000
D = 128
ED = 16
H = 128
L = 3


def _ln(v, eps=1e-5):
    mu = jnp.mean(v, axis=-1, keepdims=True)
    var = jnp.mean((v - mu) ** 2, axis=-1, keepdims=True)
    return (v - mu) / jnp.sqrt(var + eps)


def setup_inputs(seed: int = 0) -> dict:
    key = jax.random.key(seed)
    ks = jax.random.split(key, 20)
    x = jax.random.normal(ks[0], (N, D), dtype=jnp.float32)
    edge_index = jax.random.randint(ks[1], (2, E), 0, N, dtype=jnp.int32)
    edge_attr = jax.random.normal(ks[2], (E, ED), dtype=jnp.float32)
    node_W = jax.random.normal(ks[3], (D, H), dtype=jnp.float32) / np.sqrt(D)
    node_b = jnp.zeros((H,), dtype=jnp.float32)
    edge_W = jax.random.normal(ks[4], (ED, H), dtype=jnp.float32) / np.sqrt(ED)
    edge_b = jnp.zeros((H,), dtype=jnp.float32)
    msg_W1 = jax.random.normal(ks[5], (L, 3 * H, H), dtype=jnp.float32) / np.sqrt(3 * H)
    msg_b1 = jnp.zeros((L, H), dtype=jnp.float32)
    msg_W2 = jax.random.normal(ks[6], (L, H, H), dtype=jnp.float32) / np.sqrt(H)
    msg_b2 = jnp.zeros((L, H), dtype=jnp.float32)
    upd_W1 = jax.random.normal(ks[7], (L, 2 * H, H), dtype=jnp.float32) / np.sqrt(2 * H)
    upd_b1 = jnp.zeros((L, H), dtype=jnp.float32)
    upd_W2 = jax.random.normal(ks[8], (L, H, H), dtype=jnp.float32) / np.sqrt(H)
    upd_b2 = jnp.zeros((L, H), dtype=jnp.float32)
    ln_g = jnp.ones((L, H), dtype=jnp.float32)
    ln_b = jnp.zeros((L, H), dtype=jnp.float32)
    return {
        "x": x,
        "edge_attr": edge_attr,
        "node_W": node_W, "node_b": node_b,
        "edge_W": edge_W, "edge_b": edge_b,
        "msg_W1": msg_W1, "msg_b1": msg_b1,
        "msg_W2": msg_W2, "msg_b2": msg_b2,
        "upd_W1": upd_W1, "upd_b1": upd_b1,
        "upd_W2": upd_W2, "upd_b2": upd_b2,
        "ln_g": ln_g, "ln_b": ln_b,
        "edge_index": edge_index,
    }


def reference(x, edge_attr, node_W, node_b, edge_W, edge_b,
              msg_W1, msg_b1, msg_W2, msg_b2,
              upd_W1, upd_b1, upd_W2, upd_b2,
              ln_g, ln_b, edge_index):
    # node_embed / edge_embed
    h = x @ node_W + node_b
    e = edge_attr @ edge_W + edge_b
    src = edge_index[0]
    dst = edge_index[1]
    for l in range(L):
        # message: cat([x_i (dst), x_j (src), edge_attr])
        x_i = jnp.take(h, dst, axis=0)
        x_j = jnp.take(h, src, axis=0)
        m_in = jnp.concatenate([x_i, x_j, e], axis=-1)
        m = jax.nn.relu(m_in @ msg_W1[l] + msg_b1[l]) @ msg_W2[l] + msg_b2[l]
        # aggregate (sum) at destination nodes
        aggr = jax.ops.segment_sum(m, dst, num_segments=N)
        # update: cat([x, aggr_out])
        u_in = jnp.concatenate([h, aggr], axis=-1)
        x_new = jax.nn.relu(u_in @ upd_W1[l] + upd_b1[l]) @ upd_W2[l] + upd_b2[l]
        # residual + layernorm (dropout is identity in eval)
        h = _ln(h + x_new) * ln_g[l] + ln_b[l]
    return h

if __name__ == "__main__":
    import jax
    _d = setup_inputs()
    print(jax.jit(kernel)(*tuple(_d.values())))

</pallas_src>

<mosaic_0001>
#map = affine_map<(d0, d1) -> (0)>
#map1 = affine_map<(d0, d1) -> (0, 0, 0)>
module attributes {stable_mosaic.version = 14 : i64} {
  func.func @deg_kernel(%arg0: i32, %arg1: i32, %arg2: memref<320000xi32, #tpu.memory_space<hbm>>, %arg3: memref<2x10240x128xf32, #tpu.memory_space<hbm>>, %arg4: memref<10240x128xf32, #tpu.memory_space<vmem_shared>>, %arg5: memref<80xi32, #tpu.memory_space<vmem>>, %arg6: memref<80x128xf32, #tpu.memory_space<vmem>>, %arg7: memref<32x128xf32, #tpu.memory_space<vmem>>, %arg8: memref<!tpu.dma_semaphore, #tpu.memory_space<semaphore_mem>>) attributes {dimension_semantics = [#tpu.dimension_semantics<core_parallel>, #tpu.dimension_semantics<subcore_parallel>], iteration_bounds = array<i64: 2, 16>, scalar_prefetch = 0 : i64, scratch_operands = 5 : i64, tpu.core_type = #tpu.core_type<sc_vector_subcore>, window_params = [{transform_indices = #map}, {transform_indices = #map1}]} {
    %mul3A = arith.constant 16 : i32
    %mul3A_0 = arith.muli %arg0, %mul3A : i32
    %add3A = arith.addi %mul3A_0, %arg1 : i32
    %mul3A_1 = arith.constant 10000 : i32
    %mul3A_2 = arith.muli %add3A, %mul3A_1 : i32
    %broadcast_in_dim3A = arith.constant 0.000000e+00 : f32
    %broadcast_in_dim3A_3 = vector.broadcast %broadcast_in_dim3A : f32 to vector<16xf32>
    %broadcast_in_dim3A_4 = arith.constant 1.000000e+00 : f32
    %broadcast_in_dim3A_5 = vector.broadcast %broadcast_in_dim3A_4 : f32 to vector<16xf32>
    %scan3A = arith.constant 0 : i32
    %scan3A_6 = arith.constant 0 : i32
    %scan3A_7 = arith.constant 32 : i32
    %scan3A_8 = arith.addi %scan3A_6, %scan3A_7 : i32
    %scan3A_9 = arith.constant 1 : i32
    scf.for %scan3A_106 = %scan3A_6 to %scan3A_8 step %scan3A_9  : i32 {
      %swap3A = arith.index_cast %scan3A_106 : i32 to index
      %swap3A_107 = arith.constant 0 : index
      %swap3A_108 = tpu.vector_load %arg7[%swap3A, %swap3A_107] {strides = array<i32>} : memref<32x128xf32, #tpu.memory_space<vmem>>, vector<1x16xf32>,
      %swap3A_109 = vector.shape_cast %swap3A_108 : vector<1x16xf32> to vector<16xf32>
      %swap3A_110 = vector.shape_cast %broadcast_in_dim3A_3 : vector<16xf32> to vector<1x16xf32>
      tpu.vector_store %arg7[%swap3A, %swap3A_107], %swap3A_110 {strides = array<i32>} : memref<32x128xf32, #tpu.memory_space<vmem>>, vector<1x16xf32>,
      %swap3A_111 = arith.index_cast %scan3A_106 : i32 to index
      %swap3A_112 = arith.constant 16 : index
      %swap3A_113 = tpu.vector_load %arg7[%swap3A_111, %swap3A_112] {strides = array<i32>} : memref<32x128xf32, #tpu.memory_space<vmem>>, vector<1x16xf32>,
      %swap3A_114 = vector.shape_cast %swap3A_113 : vector<1x16xf32> to vector<16xf32>
      %swap3A_115 = vector.shape_cast %broadcast_in_dim3A_3 : vector<16xf32> to vector<1x16xf32>
      tpu.vector_store %arg7[%swap3A_111, %swap3A_112], %swap3A_115 {strides = array<i32>} : memref<32x128xf32, #tpu.memory_space<vmem>>, vector<1x16xf32>,
      %swap3A_116 = arith.index_cast %scan3A_106 : i32 to index
      %swap3A_117 = arith.constant 32 : index
      %swap3A_118 = tpu.vector_load %arg7[%swap3A_116, %swap3A_117] {strides = array<i32>} : memref<32x128xf32, #tpu.memory_space<vmem>>, vector<1x16xf32>,
      %swap3A_119 = vector.shape_cast %swap3A_118 : vector<1x16xf32> to vector<16xf32>
      %swap3A_120 = vector.shape_cast %broadcast_in_dim3A_3 : vector<16xf32> to vector<1x16xf32>
      tpu.vector_store %arg7[%swap3A_116, %swap3A_117], %swap3A_120 {strides = array<i32>} : memref<32x128xf32, #tpu.memory_space<vmem>>, vector<1x16xf32>,
      %swap3A_121 = arith.index_cast %scan3A_106 : i32 to index
      %swap3A_122 = arith.constant 48 : index
      %swap3A_123 = tpu.vector_load %arg7[%swap3A_121, %swap3A_122] {strides = array<i32>} : memref<32x128xf32, #tpu.memory_space<vmem>>, vector<1x16xf32>,
      %swap3A_124 = vector.shape_cast %swap3A_123 : vector<1x16xf32> to vector<16xf32>
      %swap3A_125 = vector.shape_cast %broadcast_in_dim3A_3 : vector<16xf32> to vector<1x16xf32>
      tpu.vector_store %arg7[%swap3A_121, %swap3A_122], %swap3A_125 {strides = array<i32>} : memref<32x128xf32, #tpu.memory_space<vmem>>, vector<1x16xf32>,
      %swap3A_126 = arith.index_cast %scan3A_106 : i32 to index
      %swap3A_127 = arith.constant 64 : index
      %swap3A_128 = tpu.vector_load %arg7[%swap3A_126, %swap3A_127] {strides = array<i32>} : memref<32x128xf32, #tpu.memory_space<vmem>>, vector<1x16xf32>,
      %swap3A_129 = vector.shape_cast %swap3A_128 : vector<1x16xf32> to vector<16xf32>
      %swap3A_130 = vector.shape_cast %broadcast_in_dim3A_3 : vector<16xf32> to vector<1x16xf32>
      tpu.vector_store %arg7[%swap3A_126, %swap3A_127], %swap3A_130 {strides = array<i32>} : memref<32x128xf32, #tpu.memory_space<vmem>>, vector<1x16xf32>,
      %swap3A_131 = arith.index_cast %scan3A_106 : i32 to index
      %swap3A_132 = arith.constant 80 : index
      %swap3A_133 = tpu.vector_load %arg7[%swap3A_131, %swap3A_132] {strides = array<i32>} : memref<32x128xf32, #tpu.memory_space<vmem>>, vector<1x16xf32>,
      %swap3A_134 = vector.shape_cast %swap3A_133 : vector<1x16xf32> to vector<16xf32>
      %swap3A_135 = vector.shape_cast %broadcast_in_dim3A_3 : vector<16xf32> to vector<1x16xf32>
      tpu.vector_store %arg7[%swap3A_131, %swap3A_132], %swap3A_135 {strides = array<i32>} : memref<32x128xf32, #tpu.memory_space<vmem>>, vector<1x16xf32>,
      %swap3A_136 = arith.index_cast %scan3A_106 : i32 to index
      %swap3A_137 = arith.constant 96 : index
      %swap3A_138 = tpu.vector_load %arg7[%swap3A_136, %swap3A_137] {strides = array<i32>} : memref<32x128xf32, #tpu.memory_space<vmem>>, vector<1x16xf32>,
      %swap3A_139 = vector.shape_cast %swap3A_138 : vector<1x16xf32> to vector<16xf32>
      %swap3A_140 = vector.shape_cast %broadcast_in_dim3A_3 : vector<16xf32> to vector<1x16xf32>
      tpu.vector_store %arg7[%swap3A_136, %swap3A_137], %swap3A_140 {strides = array<i32>} : memref<32x128xf32, #tpu.memory_space<vmem>>, vector<1x16xf32>,
      %swap3A_141 = arith.index_cast %scan3A_106 : i32 to index
      %swap3A_142 = arith.constant 112 : index
      %swap3A_143 = tpu.vector_load %arg7[%swap3A_141, %swap3A_142] {strides = array<i32>} : memref<32x128xf32, #tpu.memory_space<vmem>>, vector<1x16xf32>,
      %swap3A_144 = vector.shape_cast %swap3A_143 : vector<1x16xf32> to vector<16xf32>
      %swap3A_145 = vector.shape_cast %broadcast_in_dim3A_3 : vector<16xf32> to vector<1x16xf32>
      tpu.vector_store %arg7[%swap3A_141, %swap3A_142], %swap3A_145 {strides = array<i32>} : memref<32x128xf32, #tpu.memory_space<vmem>>, vector<1x16xf32>,
    }
    %scan3A_10 = arith.constant 32 : i32
    %mul3A_11 = arith.constant 640 : i32
    %mul3A_12 = arith.muli %arg1, %mul3A_11 : i32
    %add3A_13 = arith.constant 0 : i32
    %add3A_14 = arith.addi %mul3A_12, %add3A_13 : i32
    "tpu.region"() ({
      %run_scoped3A = tpu.sem_alloc : memref<!tpu.dma_semaphore, #tpu.memory_space<semaphore_mem>>
      %dma_start3A = arith.constant 0 : i32
      %dma_start3A_106 = tpu.memref_slice %arg4[%add3A_14, %dma_start3A] : memref<10240x128xf32, #tpu.memory_space<vmem_shared>> -> memref<32x128xf32, #tpu.memory_space<vmem_shared>>
      %dma_start3A_107 = arith.constant 0 : i32
      %dma_start3A_108 = tpu.memref_slice %arg4[%add3A_14, %dma_start3A_107] : memref<10240x128xf32, #tpu.memory_space<vmem_shared>> -> memref<32x128xf32, #tpu.memory_space<vmem_shared>>
      tpu.enqueue_dma source(%arg7 : memref<32x128xf32, #tpu.memory_space<vmem>>) target(%dma_start3A_108 : memref<32x128xf32, #tpu.memory_space<vmem_shared>>) target_semaphore(%run_scoped3A : memref<!tpu.dma_semaphore, #tpu.memory_space<semaphore_mem>>)
      %dma_wait3A = arith.constant 0 : i32
      %dma_wait3A_109 = tpu.memref_slice %arg4[%add3A_14, %dma_wait3A] : memref<10240x128xf32, #tpu.memory_space<vmem_shared>> -> memref<32x128xf32, #tpu.memory_space<vmem_shared>>
      %dma_wait3A_110 = arith.constant 0 : i32
      %dma_wait3A_111 = tpu.memref_slice %arg4[%add3A_14, %dma_wait3A_110] : memref<10240x128xf32, #tpu.memory_space<vmem_shared>> -> memref<32x128xf32, #tpu.memory_space<vmem_shared>>
      tpu.wait_dma2 semaphore(%run_scoped3A : memref<!tpu.dma_semaphore, #tpu.memory_space<semaphore_mem>>) src(%arg7 : memref<32x128xf32, #tpu.memory_space<vmem>>) dst(%dma_wait3A_111 : memref<32x128xf32, #tpu.memory_space<vmem_shared>>)
      tpu.yield
    }) : () -> ()
    %mul3A_15 = arith.constant 640 : i32
    %mul3A_16 = arith.muli %arg1, %mul3A_15 : i32
    %add3A_17 = arith.constant 32 : i32
    %add3A_18 = arith.addi %mul3A_16, %add3A_17 : i32
    "tpu.region"() ({
      %run_scoped3A = tpu.sem_alloc : memref<!tpu.dma_semaphore, #tpu.memory_space<semaphore_mem>>
      %dma_start3A = arith.constant 0 : i32
      %dma_start3A_106 = tpu.memref_slice %arg4[%add3A_18, %dma_start3A] : memref<10240x128xf32, #tpu.memory_space<vmem_shared>> -> memref<32x128xf32, #tpu.memory_space<vmem_shared>>
      %dma_start3A_107 = arith.constant 0 : i32
      %dma_start3A_108 = tpu.memref_slice %arg4[%add3A_18, %dma_start3A_107] : memref<10240x128xf32, #tpu.memory_space<vmem_shared>> -> memref<32x128xf32, #tpu.memory_space<vmem_shared>>
      tpu.enqueue_dma source(%arg7 : memref<32x128xf32, #tpu.memory_space<vmem>>) target(%dma_start3A_108 : memref<32x128xf32, #tpu.memory_space<vmem_shared>>) target_semaphore(%run_scoped3A : memref<!tpu.dma_semaphore, #tpu.memory_space<semaphore_mem>>)
      %dma_wait3A = arith.constant 0 : i32
      %dma_wait3A_109 = tpu.memref_slice %arg4[%add3A_18, %dma_wait3A] : memref<10240x128xf32, #tpu.memory_space<vmem_shared>> -> memref<32x128xf32, #tpu.memory_space<vmem_shared>>
      %dma_wait3A_110 = arith.constant 0 : i32
      %dma_wait3A_111 = tpu.memref_slice %arg4[%add3A_18, %dma_wait3A_110] : memref<10240x128xf32, #tpu.memory_space<vmem_shared>> -> memref<32x128xf32, #tpu.memory_space<vmem_shared>>
      tpu.wait_dma2 semaphore(%run_scoped3A : memref<!tpu.dma_semaphore, #tpu.memory_space<semaphore_mem>>) src(%arg7 : memref<32x128xf32, #tpu.memory_space<vmem>>) dst(%dma_wait3A_111 : memref<32x128xf32, #tpu.memory_space<vmem_shared>>)
      tpu.yield
    }) : () -> ()
    %mul3A_19 = arith.constant 640 : i32
    %mul3A_20 = arith.muli %arg1, %mul3A_19 : i32
    %add3A_21 = arith.constant 64 : i32
    %add3A_22 = arith.addi %mul3A_20, %add3A_21 : i32
    "tpu.region"() ({
      %run_scoped3A = tpu.sem_alloc : memref<!tpu.dma_semaphore, #tpu.memory_space<semaphore_mem>>
      %dma_start3A = arith.constant 0 : i32
      %dma_start3A_106 = tpu.memref_slice %arg4[%add3A_22, %dma_start3A] : memref<10240x128xf32, #tpu.memory_space<vmem_shared>> -> memref<32x128xf32, #tpu.memory_space<vmem_shared>>
      %dma_start3A_107 = arith.constant 0 : i32
      %dma_start3A_108 = tpu.memref_slice %arg4[%add3A_22, %dma_start3A_107] : memref<10240x128xf32, #tpu.memory_space<vmem_shared>> -> memref<32x128xf32, #tpu.memory_space<vmem_shared>>
      tpu.enqueue_dma source(%arg7 : memref<32x128xf32, #tpu.memory_space<vmem>>) target(%dma_start3A_108 : memref<32x128xf32, #tpu.memory_space<vmem_shared>>) target_semaphore(%run_scoped3A : memref<!tpu.dma_semaphore, #tpu.memory_space<semaphore_mem>>)
      %dma_wait3A = arith.constant 0 : i32
      %dma_wait3A_109 = tpu.memref_slice %arg4[%add3A_22, %dma_wait3A] : memref<10240x128xf32, #tpu.memory_space<vmem_shared>> -> memref<32x128xf32, #tpu.memory_space<vmem_shared>>
      %dma_wait3A_110 = arith.constant 0 : i32
      %dma_wait3A_111 = tpu.memref_slice %arg4[%add3A_22, %dma_wait3A_110] : memref<10240x128xf32, #tpu.memory_space<vmem_shared>> -> memref<32x128xf32, #tpu.memory_space<vmem_shared>>
      tpu.wait_dma2 semaphore(%run_scoped3A : memref<!tpu.dma_semaphore, #tpu.memory_space<semaphore_mem>>) src(%arg7 : memref<32x128xf32, #tpu.memory_space<vmem>>) dst(%dma_wait3A_111 : memref<32x128xf32, #tpu.memory_space<vmem_shared>>)
      tpu.yield
    }) : () -> ()
    %mul3A_23 = arith.constant 640 : i32
    %mul3A_24 = arith.muli %arg1, %mul3A_23 : i32
    %add3A_25 = arith.constant 96 : i32
    %add3A_26 = arith.addi %mul3A_24, %add3A_25 : i32
    "tpu.region"() ({
      %run_scoped3A = tpu.sem_alloc : memref<!tpu.dma_semaphore, #tpu.memory_space<semaphore_mem>>
      %dma_start3A = arith.constant 0 : i32
      %dma_start3A_106 = tpu.memref_slice %arg4[%add3A_26, %dma_start3A] : memref<10240x128xf32, #tpu.memory_space<vmem_shared>> -> memref<32x128xf32, #tpu.memory_space<vmem_shared>>
      %dma_start3A_107 = arith.constant 0 : i32
      %dma_start3A_108 = tpu.memref_slice %arg4[%add3A_26, %dma_start3A_107] : memref<10240x128xf32, #tpu.memory_space<vmem_shared>> -> memref<32x128xf32, #tpu.memory_space<vmem_shared>>
      tpu.enqueue_dma source(%arg7 : memref<32x128xf32, #tpu.memory_space<vmem>>) target(%dma_start3A_108 : memref<32x128xf32, #tpu.memory_space<vmem_shared>>) target_semaphore(%run_scoped3A : memref<!tpu.dma_semaphore, #tpu.memory_space<semaphore_mem>>)
      %dma_wait3A = arith.constant 0 : i32
      %dma_wait3A_109 = tpu.memref_slice %arg4[%add3A_26, %dma_wait3A] : memref<10240x128xf32, #tpu.memory_space<vmem_shared>> -> memref<32x128xf32, #tpu.memory_space<vmem_shared>>
      %dma_wait3A_110 = arith.constant 0 : i32
      %dma_wait3A_111 = tpu.memref_slice %arg4[%add3A_26, %dma_wait3A_110] : memref<10240x128xf32, #tpu.memory_space<vmem_shared>> -> memref<32x128xf32, #tpu.memory_space<vmem_shared>>
      tpu.wait_dma2 semaphore(%run_scoped3A : memref<!tpu.dma_semaphore, #tpu.memory_space<semaphore_mem>>) src(%arg7 : memref<32x128xf32, #tpu.memory_space<vmem>>) dst(%dma_wait3A_111 : memref<32x128xf32, #tpu.memory_space<vmem_shared>>)
      tpu.yield
    }) : () -> ()
    %mul3A_27 = arith.constant 640 : i32
    %mul3A_28 = arith.muli %arg1, %mul3A_27 : i32
    %add3A_29 = arith.constant 128 : i32
    %add3A_30 = arith.addi %mul3A_28, %add3A_29 : i32
    "tpu.region"() ({
      %run_scoped3A = tpu.sem_alloc : memref<!tpu.dma_semaphore, #tpu.memory_space<semaphore_mem>>
      %dma_start3A = arith.constant 0 : i32
      %dma_start3A_106 = tpu.memref_slice %arg4[%add3A_30, %dma_start3A] : memref<10240x128xf32, #tpu.memory_space<vmem_shared>> -> memref<32x128xf32, #tpu.memory_space<vmem_shared>>
      %dma_start3A_107 = arith.constant 0 : i32
      %dma_start3A_108 = tpu.memref_slice %arg4[%add3A_30, %dma_start3A_107] : memref<10240x128xf32, #tpu.memory_space<vmem_shared>> -> memref<32x128xf32, #tpu.memory_space<vmem_shared>>
      tpu.enqueue_dma source(%arg7 : memref<32x128xf32, #tpu.memory_space<vmem>>) target(%dma_start3A_108 : memref<32x128xf32, #tpu.memory_space<vmem_shared>>) target_semaphore(%run_scoped3A : memref<!tpu.dma_semaphore, #tpu.memory_space<semaphore_mem>>)
      %dma_wait3A = arith.constant 0 : i32
      %dma_wait3A_109 = tpu.memref_slice %arg4[%add3A_30, %dma_wait3A] : memref<10240x128xf32, #tpu.memory_space<vmem_shared>> -> memref<32x128xf32, #tpu.memory_space<vmem_shared>>
      %dma_wait3A_110 = arith.constant 0 : i32
      %dma_wait3A_111 = tpu.memref_slice %arg4[%add3A_30, %dma_wait3A_110] : memref<10240x128xf32, #tpu.memory_space<vmem_shared>> -> memref<32x128xf32, #tpu.memory_space<vmem_shared>>
      tpu.wait_dma2 semaphore(%run_scoped3A : memref<!tpu.dma_semaphore, #tpu.memory_space<semaphore_mem>>) src(%arg7 : memref<32x128xf32, #tpu.memory_space<vmem>>) dst(%dma_wait3A_111 : memref<32x128xf32, #tpu.memory_space<vmem_shared>>)
      tpu.yield
    }) : () -> ()
    %mul3A_31 = arith.constant 640 : i32
    %mul3A_32 = arith.muli %arg1, %mul3A_31 : i32
    %add3A_33 = arith.constant 160 : i32
    %add3A_34 = arith.addi %mul3A_32, %add3A_33 : i32
    "tpu.region"() ({
      %run_scoped3A = tpu.sem_alloc : memref<!tpu.dma_semaphore, #tpu.memory_space<semaphore_mem>>
      %dma_start3A = arith.constant 0 : i32
      %dma_start3A_106 = tpu.memref_slice %arg4[%add3A_34, %dma_start3A] : memref<10240x128xf32, #tpu.memory_space<vmem_shared>> -> memref<32x128xf32, #tpu.memory_space<vmem_shared>>
      %dma_start3A_107 = arith.constant 0 : i32
      %dma_start3A_108 = tpu.memref_slice %arg4[%add3A_34, %dma_start3A_107] : memref<10240x128xf32, #tpu.memory_space<vmem_shared>> -> memref<32x128xf32, #tpu.memory_space<vmem_shared>>
      tpu.enqueue_dma source(%arg7 : memref<32x128xf32, #tpu.memory_space<vmem>>) target(%dma_start3A_108 : memref<32x128xf32, #tpu.memory_space<vmem_shared>>) target_semaphore(%run_scoped3A : memref<!tpu.dma_semaphore, #tpu.memory_space<semaphore_mem>>)
      %dma_wait3A = arith.constant 0 : i32
      %dma_wait3A_109 = tpu.memref_slice %arg4[%add3A_34, %dma_wait3A] : memref<10240x128xf32, #tpu.memory_space<vmem_shared>> -> memref<32x128xf32, #tpu.memory_space<vmem_shared>>
      %dma_wait3A_110 = arith.constant 0 : i32
      %dma_wait3A_111 = tpu.memref_slice %arg4[%add3A_34, %dma_wait3A_110] : memref<10240x128xf32, #tpu.memory_space<vmem_shared>> -> memref<32x128xf32, #tpu.memory_space<vmem_shared>>
      tpu.wait_dma2 semaphore(%run_scoped3A : memref<!tpu.dma_semaphore, #tpu.memory_space<semaphore_mem>>) src(%arg7 : memref<32x128xf32, #tpu.memory_space<vmem>>) dst(%dma_wait3A_111 : memref<32x128xf32, #tpu.memory_space<vmem_shared>>)
      tpu.yield
    }) : () -> ()
    %mul3A_35 = arith.constant 640 : i32
    %mul3A_36 = arith.muli %arg1, %mul3A_35 : i32
    %add3A_37 = arith.constant 192 : i32
    %add3A_38 = arith.addi %mul3A_36, %add3A_37 : i32
    "tpu.region"() ({
      %run_scoped3A = tpu.sem_alloc : memref<!tpu.dma_semaphore, #tpu.memory_space<semaphore_mem>>
      %dma_start3A = arith.constant 0 : i32
      %dma_start3A_106 = tpu.memref_slice %arg4[%add3A_38, %dma_start3A] : memref<10240x128xf32, #tpu.memory_space<vmem_shared>> -> memref<32x128xf32, #tpu.memory_space<vmem_shared>>
      %dma_start3A_107 = arith.constant 0 : i32
      %dma_start3A_108 = tpu.memref_slice %arg4[%add3A_38, %dma_start3A_107] : memref<10240x128xf32, #tpu.memory_space<vmem_shared>> -> memref<32x128xf32, #tpu.memory_space<vmem_shared>>
      tpu.enqueue_dma source(%arg7 : memref<32x128xf32, #tpu.memory_space<vmem>>) target(%dma_start3A_108 : memref<32x128xf32, #tpu.memory_space<vmem_shared>>) target_semaphore(%run_scoped3A : memref<!tpu.dma_semaphore, #tpu.memory_space<semaphore_mem>>)
      %dma_wait3A = arith.constant 0 : i32
      %dma_wait3A_109 = tpu.memref_slice %arg4[%add3A_38, %dma_wait3A] : memref<10240x128xf32, #tpu.memory_space<vmem_shared>> -> memref<32x128xf32, #tpu.memory_space<vmem_shared>>
      %dma_wait3A_110 = arith.constant 0 : i32
      %dma_wait3A_111 = tpu.memref_slice %arg4[%add3A_38, %dma_wait3A_110] : memref<10240x128xf32, #tpu.memory_space<vmem_shared>> -> memref<32x128xf32, #tpu.memory_space<vmem_shared>>
      tpu.wait_dma2 semaphore(%run_scoped3A : memref<!tpu.dma_semaphore, #tpu.memory_space<semaphore_mem>>) src(%arg7 : memref<32x128xf32, #tpu.memory_space<vmem>>) dst(%dma_wait3A_111 : memref<32x128xf32, #tpu.memory_space<vmem_shared>>)
      tpu.yield
    }) : () -> ()
    %mul3A_39 = arith.constant 640 : i32
    %mul3A_40 = arith.muli %arg1, %mul3A_39 : i32
    %add3A_41 = arith.constant 224 : i32
    %add3A_42 = arith.addi %mul3A_40, %add3A_41 : i32
    "tpu.region"() ({
      %run_scoped3A = tpu.sem_alloc : memref<!tpu.dma_semaphore, #tpu.memory_space<semaphore_mem>>
      %dma_start3A = arith.constant 0 : i32
      %dma_start3A_106 = tpu.memref_slice %arg4[%add3A_42, %dma_start3A] : memref<10240x128xf32, #tpu.memory_space<vmem_shared>> -> memref<32x128xf32, #tpu.memory_space<vmem_shared>>
      %dma_start3A_107 = arith.constant 0 : i32
      %dma_start3A_108 = tpu.memref_slice %arg4[%add3A_42, %dma_start3A_107] : memref<10240x128xf32, #tpu.memory_space<vmem_shared>> -> memref<32x128xf32, #tpu.memory_space<vmem_shared>>
      tpu.enqueue_dma source(%arg7 : memref<32x128xf32, #tpu.memory_space<vmem>>) target(%dma_start3A_108 : memref<32x128xf32, #tpu.memory_space<vmem_shared>>) target_semaphore(%run_scoped3A : memref<!tpu.dma_semaphore, #tpu.memory_space<semaphore_mem>>)
      %dma_wait3A = arith.constant 0 : i32
      %dma_wait3A_109 = tpu.memref_slice %arg4[%add3A_42, %dma_wait3A] : memref<10240x128xf32, #tpu.memory_space<vmem_shared>> -> memref<32x128xf32, #tpu.memory_space<vmem_shared>>
      %dma_wait3A_110 = arith.constant 0 : i32
      %dma_wait3A_111 = tpu.memref_slice %arg4[%add3A_42, %dma_wait3A_110] : memref<10240x128xf32, #tpu.memory_space<vmem_shared>> -> memref<32x128xf32, #tpu.memory_space<vmem_shared>>
      tpu.wait_dma2 semaphore(%run_scoped3A : memref<!tpu.dma_semaphore, #tpu.memory_space<semaphore_mem>>) src(%arg7 : memref<32x128xf32, #tpu.memory_space<vmem>>) dst(%dma_wait3A_111 : memref<32x128xf32, #tpu.memory_space<vmem_shared>>)
      tpu.yield
    }) : () -> ()
    %mul3A_43 = arith.constant 640 : i32
    %mul3A_44 = arith.muli %arg1, %mul3A_43 : i32
    %add3A_45 = arith.constant 256 : i32
    %add3A_46 = arith.addi %mul3A_44, %add3A_45 : i32
    "tpu.region"() ({
      %run_scoped3A = tpu.sem_alloc : memref<!tpu.dma_semaphore, #tpu.memory_space<semaphore_mem>>
      %dma_start3A = arith.constant 0 : i32
      %dma_start3A_106 = tpu.memref_slice %arg4[%add3A_46, %dma_start3A] : memref<10240x128xf32, #tpu.memory_space<vmem_shared>> -> memref<32x128xf32, #tpu.memory_space<vmem_shared>>
      %dma_start3A_107 = arith.constant 0 : i32
      %dma_start3A_108 = tpu.memref_slice %arg4[%add3A_46, %dma_start3A_107] : memref<10240x128xf32, #tpu.memory_space<vmem_shared>> -> memref<32x128xf32, #tpu.memory_space<vmem_shared>>
      tpu.enqueue_dma source(%arg7 : memref<32x128xf32, #tpu.memory_space<vmem>>) target(%dma_start3A_108 : memref<32x128xf32, #tpu.memory_space<vmem_shared>>) target_semaphore(%run_scoped3A : memref<!tpu.dma_semaphore, #tpu.memory_space<semaphore_mem>>)
      %dma_wait3A = arith.constant 0 : i32
      %dma_wait3A_109 = tpu.memref_slice %arg4[%add3A_46, %dma_wait3A] : memref<10240x128xf32, #tpu.memory_space<vmem_shared>> -> memref<32x128xf32, #tpu.memory_space<vmem_shared>>
      %dma_wait3A_110 = arith.constant 0 : i32
      %dma_wait3A_111 = tpu.memref_slice %arg4[%add3A_46, %dma_wait3A_110] : memref<10240x128xf32, #tpu.memory_space<vmem_shared>> -> memref<32x128xf32, #tpu.memory_space<vmem_shared>>
      tpu.wait_dma2 semaphore(%run_scoped3A : memref<!tpu.dma_semaphore, #tpu.memory_space<semaphore_mem>>) src(%arg7 : memref<32x128xf32, #tpu.memory_space<vmem>>) dst(%dma_wait3A_111 : memref<32x128xf32, #tpu.memory_space<vmem_shared>>)
      tpu.yield
    }) : () -> ()
    %mul3A_47 = arith.constant 640 : i32
    %mul3A_48 = arith.muli %arg1, %mul3A_47 : i32
    %add3A_49 = arith.constant 288 : i32
    %add3A_50 = arith.addi %mul3A_48, %add3A_49 : i32
    "tpu.region"() ({
      %run_scoped3A = tpu.sem_alloc : memref<!tpu.dma_semaphore, #tpu.memory_space<semaphore_mem>>
      %dma_start3A = arith.constant 0 : i32
      %dma_start3A_106 = tpu.memref_slice %arg4[%add3A_50, %dma_start3A] : memref<10240x128xf32, #tpu.memory_space<vmem_shared>> -> memref<32x128xf32, #tpu.memory_space<vmem_shared>>
      %dma_start3A_107 = arith.constant 0 : i32
      %dma_start3A_108 = tpu.memref_slice %arg4[%add3A_50, %dma_start3A_107] : memref<10240x128xf32, #tpu.memory_space<vmem_shared>> -> memref<32x128xf32, #tpu.memory_space<vmem_shared>>
      tpu.enqueue_dma source(%arg7 : memref<32x128xf32, #tpu.memory_space<vmem>>) target(%dma_start3A_108 : memref<32x128xf32, #tpu.memory_space<vmem_shared>>) target_semaphore(%run_scoped3A : memref<!tpu.dma_semaphore, #tpu.memory_space<semaphore_mem>>)
      %dma_wait3A = arith.constant 0 : i32
      %dma_wait3A_109 = tpu.memref_slice %arg4[%add3A_50, %dma_wait3A] : memref<10240x128xf32, #tpu.memory_space<vmem_shared>> -> memref<32x128xf32, #tpu.memory_space<vmem_shared>>
      %dma_wait3A_110 = arith.constant 0 : i32
      %dma_wait3A_111 = tpu.memref_slice %arg4[%add3A_50, %dma_wait3A_110] : memref<10240x128xf32, #tpu.memory_space<vmem_shared>> -> memref<32x128xf32, #tpu.memory_space<vmem_shared>>
      tpu.wait_dma2 semaphore(%run_scoped3A : memref<!tpu.dma_semaphore, #tpu.memory_space<semaphore_mem>>) src(%arg7 : memref<32x128xf32, #tpu.memory_space<vmem>>) dst(%dma_wait3A_111 : memref<32x128xf32, #tpu.memory_space<vmem_shared>>)
      tpu.yield
    }) : () -> ()
    %mul3A_51 = arith.constant 640 : i32
    %mul3A_52 = arith.muli %arg1, %mul3A_51 : i32
    %add3A_53 = arith.constant 320 : i32
    %add3A_54 = arith.addi %mul3A_52, %add3A_53 : i32
    "tpu.region"() ({
      %run_scoped3A = tpu.sem_alloc : memref<!tpu.dma_semaphore, #tpu.memory_space<semaphore_mem>>
      %dma_start3A = arith.constant 0 : i32
      %dma_start3A_106 = tpu.memref_slice %arg4[%add3A_54, %dma_start3A] : memref<10240x128xf32, #tpu.memory_space<vmem_shared>> -> memref<32x128xf32, #tpu.memory_space<vmem_shared>>
      %dma_start3A_107 = arith.constant 0 : i32
      %dma_start3A_108 = tpu.memref_slice %arg4[%add3A_54, %dma_start3A_107] : memref<10240x128xf32, #tpu.memory_space<vmem_shared>> -> memref<32x128xf32, #tpu.memory_space<vmem_shared>>
      tpu.enqueue_dma source(%arg7 : memref<32x128xf32, #tpu.memory_space<vmem>>) target(%dma_start3A_108 : memref<32x128xf32, #tpu.memory_space<vmem_shared>>) target_semaphore(%run_scoped3A : memref<!tpu.dma_semaphore, #tpu.memory_space<semaphore_mem>>)
      %dma_wait3A = arith.constant 0 : i32
      %dma_wait3A_109 = tpu.memref_slice %arg4[%add3A_54, %dma_wait3A] : memref<10240x128xf32, #tpu.memory_space<vmem_shared>> -> memref<32x128xf32, #tpu.memory_space<vmem_shared>>
      %dma_wait3A_110 = arith.constant 0 : i32
      %dma_wait3A_111 = tpu.memref_slice %arg4[%add3A_54, %dma_wait3A_110] : memref<10240x128xf32, #tpu.memory_space<vmem_shared>> -> memref<32x128xf32, #tpu.memory_space<vmem_shared>>
      tpu.wait_dma2 semaphore(%run_scoped3A : memref<!tpu.dma_semaphore, #tpu.memory_space<semaphore_mem>>) src(%arg7 : memref<32x128xf32, #tpu.memory_space<vmem>>) dst(%dma_wait3A_111 : memref<32x128xf32, #tpu.memory_space<vmem_shared>>)
      tpu.yield
    }) : () -> ()
    %mul3A_55 = arith.constant 640 : i32
    %mul3A_56 = arith.muli %arg1, %mul3A_55 : i32
    %add3A_57 = arith.constant 352 : i32
    %add3A_58 = arith.addi %mul3A_56, %add3A_57 : i32
    "tpu.region"() ({
      %run_scoped3A = tpu.sem_alloc : memref<!tpu.dma_semaphore, #tpu.memory_space<semaphore_mem>>
      %dma_start3A = arith.constant 0 : i32
      %dma_start3A_106 = tpu.memref_slice %arg4[%add3A_58, %dma_start3A] : memref<10240x128xf32, #tpu.memory_space<vmem_shared>> -> memref<32x128xf32, #tpu.memory_space<vmem_shared>>
      %dma_start3A_107 = arith.constant 0 : i32
      %dma_start3A_108 = tpu.memref_slice %arg4[%add3A_58, %dma_start3A_107] : memref<10240x128xf32, #tpu.memory_space<vmem_shared>> -> memref<32x128xf32, #tpu.memory_space<vmem_shared>>
      tpu.enqueue_dma source(%arg7 : memref<32x128xf32, #tpu.memory_space<vmem>>) target(%dma_start3A_108 : memref<32x128xf32, #tpu.memory_space<vmem_shared>>) target_semaphore(%run_scoped3A : memref<!tpu.dma_semaphore, #tpu.memory_space<semaphore_mem>>)
      %dma_wait3A = arith.constant 0 : i32
      %dma_wait3A_109 = tpu.memref_slice %arg4[%add3A_58, %dma_wait3A] : memref<10240x128xf32, #tpu.memory_space<vmem_shared>> -> memref<32x128xf32, #tpu.memory_space<vmem_shared>>
      %dma_wait3A_110 = arith.constant 0 : i32
      %dma_wait3A_111 = tpu.memref_slice %arg4[%add3A_58, %dma_wait3A_110] : memref<10240x128xf32, #tpu.memory_space<vmem_shared>> -> memref<32x128xf32, #tpu.memory_space<vmem_shared>>
      tpu.wait_dma2 semaphore(%run_scoped3A : memref<!tpu.dma_semaphore, #tpu.memory_space<semaphore_mem>>) src(%arg7 : memref<32x128xf32, #tpu.memory_space<vmem>>) dst(%dma_wait3A_111 : memref<32x128xf32, #tpu.memory_space<vmem_shared>>)
      tpu.yield
    }) : () -> ()
    %mul3A_59 = arith.constant 640 : i32
    %mul3A_60 = arith.muli %arg1, %mul3A_59 : i32
    %add3A_61 = arith.constant 384 : i32
    %add3A_62 = arith.addi %mul3A_60, %add3A_61 : i32
    "tpu.region"() ({
      %run_scoped3A = tpu.sem_alloc : memref<!tpu.dma_semaphore, #tpu.memory_space<semaphore_mem>>
      %dma_start3A = arith.constant 0 : i32
      %dma_start3A_106 = tpu.memref_slice %arg4[%add3A_62, %dma_start3A] : memref<10240x128xf32, #tpu.memory_space<vmem_shared>> -> memref<32x128xf32, #tpu.memory_space<vmem_shared>>
      %dma_start3A_107 = arith.constant 0 : i32
      %dma_start3A_108 = tpu.memref_slice %arg4[%add3A_62, %dma_start3A_107] : memref<10240x128xf32, #tpu.memory_space<vmem_shared>> -> memref<32x128xf32, #tpu.memory_space<vmem_shared>>
      tpu.enqueue_dma source(%arg7 : memref<32x128xf32, #tpu.memory_space<vmem>>) target(%dma_start3A_108 : memref<32x128xf32, #tpu.memory_space<vmem_shared>>) target_semaphore(%run_scoped3A : memref<!tpu.dma_semaphore, #tpu.memory_space<semaphore_mem>>)
      %dma_wait3A = arith.constant 0 : i32
      %dma_wait3A_109 = tpu.memref_slice %arg4[%add3A_62, %dma_wait3A] : memref<10240x128xf32, #tpu.memory_space<vmem_shared>> -> memref<32x128xf32, #tpu.memory_space<vmem_shared>>
      %dma_wait3A_110 = arith.constant 0 : i32
      %dma_wait3A_111 = tpu.memref_slice %arg4[%add3A_62, %dma_wait3A_110] : memref<10240x128xf32, #tpu.memory_space<vmem_shared>> -> memref<32x128xf32, #tpu.memory_space<vmem_shared>>
      tpu.wait_dma2 semaphore(%run_scoped3A : memref<!tpu.dma_semaphore, #tpu.memory_space<semaphore_mem>>) src(%arg7 : memref<32x128xf32, #tpu.memory_space<vmem>>) dst(%dma_wait3A_111 : memref<32x128xf32, #tpu.memory_space<vmem_shared>>)
      tpu.yield
    }) : () -> ()
    %mul3A_63 = arith.constant 640 : i32
    %mul3A_64 = arith.muli %arg1, %mul3A_63 : i32
    %add3A_65 = arith.constant 416 : i32
    %add3A_66 = arith.addi %mul3A_64, %add3A_65 : i32
    "tpu.region"() ({
      %run_scoped3A = tpu.sem_alloc : memref<!tpu.dma_semaphore, #tpu.memory_space<semaphore_mem>>
      %dma_start3A = arith.constant 0 : i32
      %dma_start3A_106 = tpu.memref_slice %arg4[%add3A_66, %dma_start3A] : memref<10240x128xf32, #tpu.memory_space<vmem_shared>> -> memref<32x128xf32, #tpu.memory_space<vmem_shared>>
      %dma_start3A_107 = arith.constant 0 : i32
      %dma_start3A_108 = tpu.memref_slice %arg4[%add3A_66, %dma_start3A_107] : memref<10240x128xf32, #tpu.memory_space<vmem_shared>> -> memref<32x128xf32, #tpu.memory_space<vmem_shared>>
      tpu.enqueue_dma source(%arg7 : memref<32x128xf32, #tpu.memory_space<vmem>>) target(%dma_start3A_108 : memref<32x128xf32, #tpu.memory_space<vmem_shared>>) target_semaphore(%run_scoped3A : memref<!tpu.dma_semaphore, #tpu.memory_space<semaphore_mem>>)
      %dma_wait3A = arith.constant 0 : i32
      %dma_wait3A_109 = tpu.memref_slice %arg4[%add3A_66, %dma_wait3A] : memref<10240x128xf32, #tpu.memory_space<vmem_shared>> -> memref<32x128xf32, #tpu.memory_space<vmem_shared>>
      %dma_wait3A_110 = arith.constant 0 : i32
      %dma_wait3A_111 = tpu.memref_slice %arg4[%add3A_66, %dma_wait3A_110] : memref<10240x128xf32, #tpu.memory_space<vmem_shared>> -> memref<32x128xf32, #tpu.memory_space<vmem_shared>>
      tpu.wait_dma2 semaphore(%run_scoped3A : memref<!tpu.dma_semaphore, #tpu.memory_space<semaphore_mem>>) src(%arg7 : memref<32x128xf32, #tpu.memory_space<vmem>>) dst(%dma_wait3A_111 : memref<32x128xf32, #tpu.memory_space<vmem_shared>>)
      tpu.yield
    }) : () -> ()
    %mul3A_67 = arith.constant 640 : i32
    %mul3A_68 = arith.muli %arg1, %mul3A_67 : i32
    %add3A_69 = arith.constant 448 : i32
    %add3A_70 = arith.addi %mul3A_68, %add3A_69 : i32
    "tpu.region"() ({
      %run_scoped3A = tpu.sem_alloc : memref<!tpu.dma_semaphore, #tpu.memory_space<semaphore_mem>>
      %dma_start3A = arith.constant 0 : i32
      %dma_start3A_106 = tpu.memref_slice %arg4[%add3A_70, %dma_start3A] : memref<10240x128xf32, #tpu.memory_space<vmem_shared>> -> memref<32x128xf32, #tpu.memory_space<vmem_shared>>
      %dma_start3A_107 = arith.constant 0 : i32
      %dma_start3A_108 = tpu.memref_slice %arg4[%add3A_70, %dma_start3A_107] : memref<10240x128xf32, #tpu.memory_space<vmem_shared>> -> memref<32x128xf32, #tpu.memory_space<vmem_shared>>
      tpu.enqueue_dma source(%arg7 : memref<32x128xf32, #tpu.memory_space<vmem>>) target(%dma_start3A_108 : memref<32x128xf32, #tpu.memory_space<vmem_shared>>) target_semaphore(%run_scoped3A : memref<!tpu.dma_semaphore, #tpu.memory_space<semaphore_mem>>)
      %dma_wait3A = arith.constant 0 : i32
      %dma_wait3A_109 = tpu.memref_slice %arg4[%add3A_70, %dma_wait3A] : memref<10240x128xf32, #tpu.memory_space<vmem_shared>> -> memref<32x128xf32, #tpu.memory_space<vmem_shared>>
      %dma_wait3A_110 = arith.constant 0 : i32
      %dma_wait3A_111 = tpu.memref_slice %arg4[%add3A_70, %dma_wait3A_110] : memref<10240x128xf32, #tpu.memory_space<vmem_shared>> -> memref<32x128xf32, #tpu.memory_space<vmem_shared>>
      tpu.wait_dma2 semaphore(%run_scoped3A : memref<!tpu.dma_semaphore, #tpu.memory_space<semaphore_mem>>) src(%arg7 : memref<32x128xf32, #tpu.memory_space<vmem>>) dst(%dma_wait3A_111 : memref<32x128xf32, #tpu.memory_space<vmem_shared>>)
      tpu.yield
    }) : () -> ()
    %mul3A_71 = arith.constant 640 : i32
    %mul3A_72 = arith.muli %arg1, %mul3A_71 : i32
    %add3A_73 = arith.constant 480 : i32
    %add3A_74 = arith.addi %mul3A_72, %add3A_73 : i32
    "tpu.region"() ({
      %run_scoped3A = tpu.sem_alloc : memref<!tpu.dma_semaphore, #tpu.memory_space<semaphore_mem>>
      %dma_start3A = arith.constant 0 : i32
      %dma_start3A_106 = tpu.memref_slice %arg4[%add3A_74, %dma_start3A] : memref<10240x128xf32, #tpu.memory_space<vmem_shared>> -> memref<32x128xf32, #tpu.memory_space<vmem_shared>>
      %dma_start3A_107 = arith.constant 0 : i32
      %dma_start3A_108 = tpu.memref_slice %arg4[%add3A_74, %dma_start3A_107] : memref<10240x128xf32, #tpu.memory_space<vmem_shared>> -> memref<32x128xf32, #tpu.memory_space<vmem_shared>>
      tpu.enqueue_dma source(%arg7 : memref<32x128xf32, #tpu.memory_space<vmem>>) target(%dma_start3A_108 : memref<32x128xf32, #tpu.memory_space<vmem_shared>>) target_semaphore(%run_scoped3A : memref<!tpu.dma_semaphore, #tpu.memory_space<semaphore_mem>>)
      %dma_wait3A = arith.constant 0 : i32
      %dma_wait3A_109 = tpu.memref_slice %arg4[%add3A_74, %dma_wait3A] : memref<10240x128xf32, #tpu.memory_space<vmem_shared>> -> memref<32x128xf32, #tpu.memory_space<vmem_shared>>
      %dma_wait3A_110 = arith.constant 0 : i32
      %dma_wait3A_111 = tpu.memref_slice %arg4[%add3A_74, %dma_wait3A_110] : memref<10240x128xf32, #tpu.memory_space<vmem_shared>> -> memref<32x128xf32, #tpu.memory_space<vmem_shared>>
      tpu.wait_dma2 semaphore(%run_scoped3A : memref<!tpu.dma_semaphore, #tpu.memory_space<semaphore_mem>>) src(%arg7 : memref<32x128xf32, #tpu.memory_space<vmem>>) dst(%dma_wait3A_111 : memref<32x128xf32, #tpu.memory_space<vmem_shared>>)
      tpu.yield
    }) : () -> ()
    %mul3A_75 = arith.constant 640 : i32
    %mul3A_76 = arith.muli %arg1, %mul3A_75 : i32
    %add3A_77 = arith.constant 512 : i32
    %add3A_78 = arith.addi %mul3A_76, %add3A_77 : i32
    "tpu.region"() ({
      %run_scoped3A = tpu.sem_alloc : memref<!tpu.dma_semaphore, #tpu.memory_space<semaphore_mem>>
      %dma_start3A = arith.constant 0 : i32
      %dma_start3A_106 = tpu.memref_slice %arg4[%add3A_78, %dma_start3A] : memref<10240x128xf32, #tpu.memory_space<vmem_shared>> -> memref<32x128xf32, #tpu.memory_space<vmem_shared>>
      %dma_start3A_107 = arith.constant 0 : i32
      %dma_start3A_108 = tpu.memref_slice %arg4[%add3A_78, %dma_start3A_107] : memref<10240x128xf32, #tpu.memory_space<vmem_shared>> -> memref<32x128xf32, #tpu.memory_space<vmem_shared>>
      tpu.enqueue_dma source(%arg7 : memref<32x128xf32, #tpu.memory_space<vmem>>) target(%dma_start3A_108 : memref<32x128xf32, #tpu.memory_space<vmem_shared>>) target_semaphore(%run_scoped3A : memref<!tpu.dma_semaphore, #tpu.memory_space<semaphore_mem>>)
      %dma_wait3A = arith.constant 0 : i32
      %dma_wait3A_109 = tpu.memref_slice %arg4[%add3A_78, %dma_wait3A] : memref<10240x128xf32, #tpu.memory_space<vmem_shared>> -> memref<32x128xf32, #tpu.memory_space<vmem_shared>>
      %dma_wait3A_110 = arith.constant 0 : i32
      %dma_wait3A_111 = tpu.memref_slice %arg4[%add3A_78, %dma_wait3A_110] : memref<10240x128xf32, #tpu.memory_space<vmem_shared>> -> memref<32x128xf32, #tpu.memory_space<vmem_shared>>
      tpu.wait_dma2 semaphore(%run_scoped3A : memref<!tpu.dma_semaphore, #tpu.memory_space<semaphore_mem>>) src(%arg7 : memref<32x128xf32, #tpu.memory_space<vmem>>) dst(%dma_wait3A_111 : memref<32x128xf32, #tpu.memory_space<vmem_shared>>)
      tpu.yield
    }) : () -> ()
    %mul3A_79 = arith.constant 640 : i32
    %mul3A_80 = arith.muli %arg1, %mul3A_79 : i32
    %add3A_81 = arith.constant 544 : i32
    %add3A_82 = arith.addi %mul3A_80, %add3A_81 : i32
    "tpu.region"() ({
      %run_scoped3A = tpu.sem_alloc : memref<!tpu.dma_semaphore, #tpu.memory_space<semaphore_mem>>
      %dma_start3A = arith.constant 0 : i32
      %dma_start3A_106 = tpu.memref_slice %arg4[%add3A_82, %dma_start3A] : memref<10240x128xf32, #tpu.memory_space<vmem_shared>> -> memref<32x128xf32, #tpu.memory_space<vmem_shared>>
      %dma_start3A_107 = arith.constant 0 : i32
      %dma_start3A_108 = tpu.memref_slice %arg4[%add3A_82, %dma_start3A_107] : memref<10240x128xf32, #tpu.memory_space<vmem_shared>> -> memref<32x128xf32, #tpu.memory_space<vmem_shared>>
      tpu.enqueue_dma source(%arg7 : memref<32x128xf32, #tpu.memory_space<vmem>>) target(%dma_start3A_108 : memref<32x128xf32, #tpu.memory_space<vmem_shared>>) target_semaphore(%run_scoped3A : memref<!tpu.dma_semaphore, #tpu.memory_space<semaphore_mem>>)
      %dma_wait3A = arith.constant 0 : i32
      %dma_wait3A_109 = tpu.memref_slice %arg4[%add3A_82, %dma_wait3A] : memref<10240x128xf32, #tpu.memory_space<vmem_shared>> -> memref<32x128xf32, #tpu.memory_space<vmem_shared>>
      %dma_wait3A_110 = arith.constant 0 : i32
      %dma_wait3A_111 = tpu.memref_slice %arg4[%add3A_82, %dma_wait3A_110] : memref<10240x128xf32, #tpu.memory_space<vmem_shared>> -> memref<32x128xf32, #tpu.memory_space<vmem_shared>>
      tpu.wait_dma2 semaphore(%run_scoped3A : memref<!tpu.dma_semaphore, #tpu.memory_space<semaphore_mem>>) src(%arg7 : memref<32x128xf32, #tpu.memory_space<vmem>>) dst(%dma_wait3A_111 : memref<32x128xf32, #tpu.memory_space<vmem_shared>>)
      tpu.yield
    }) : () -> ()
    %mul3A_83 = arith.constant 640 : i32
    %mul3A_84 = arith.muli %arg1, %mul3A_83 : i32
    %add3A_85 = arith.constant 576 : i32
    %add3A_86 = arith.addi %mul3A_84, %add3A_85 : i32
    "tpu.region"() ({
      %run_scoped3A = tpu.sem_alloc : memref<!tpu.dma_semaphore, #tpu.memory_space<semaphore_mem>>
      %dma_start3A = arith.constant 0 : i32
      %dma_start3A_106 = tpu.memref_slice %arg4[%add3A_86, %dma_start3A] : memref<10240x128xf32, #tpu.memory_space<vmem_shared>> -> memref<32x128xf32, #tpu.memory_space<vmem_shared>>
      %dma_start3A_107 = arith.constant 0 : i32
      %dma_start3A_108 = tpu.memref_slice %arg4[%add3A_86, %dma_start3A_107] : memref<10240x128xf32, #tpu.memory_space<vmem_shared>> -> memref<32x128xf32, #tpu.memory_space<vmem_shared>>
      tpu.enqueue_dma source(%arg7 : memref<32x128xf32, #tpu.memory_space<vmem>>) target(%dma_start3A_108 : memref<32x128xf32, #tpu.memory_space<vmem_shared>>) target_semaphore(%run_scoped3A : memref<!tpu.dma_semaphore, #tpu.memory_space<semaphore_mem>>)
      %dma_wait3A = arith.constant 0 : i32
      %dma_wait3A_109 = tpu.memref_slice %arg4[%add3A_86, %dma_wait3A] : memref<10240x128xf32, #tpu.memory_space<vmem_shared>> -> memref<32x128xf32, #tpu.memory_space<vmem_shared>>
      %dma_wait3A_110 = arith.constant 0 : i32
      %dma_wait3A_111 = tpu.memref_slice %arg4[%add3A_86, %dma_wait3A_110] : memref<10240x128xf32, #tpu.memory_space<vmem_shared>> -> memref<32x128xf32, #tpu.memory_space<vmem_shared>>
      tpu.wait_dma2 semaphore(%run_scoped3A : memref<!tpu.dma_semaphore, #tpu.memory_space<semaphore_mem>>) src(%arg7 : memref<32x128xf32, #tpu.memory_space<vmem>>) dst(%dma_wait3A_111 : memref<32x128xf32, #tpu.memory_space<vmem_shared>>)
      tpu.yield
    }) : () -> ()
    %mul3A_87 = arith.constant 640 : i32
    %mul3A_88 = arith.muli %arg1, %mul3A_87 : i32
    %add3A_89 = arith.constant 608 : i32
    %add3A_90 = arith.addi %mul3A_88, %add3A_89 : i32
    "tpu.region"() ({
      %run_scoped3A = tpu.sem_alloc : memref<!tpu.dma_semaphore, #tpu.memory_space<semaphore_mem>>
      %dma_start3A = arith.constant 0 : i32
      %dma_start3A_106 = tpu.memref_slice %arg4[%add3A_90, %dma_start3A] : memref<10240x128xf32, #tpu.memory_space<vmem_shared>> -> memref<32x128xf32, #tpu.memory_space<vmem_shared>>
      %dma_start3A_107 = arith.constant 0 : i32
      %dma_start3A_108 = tpu.memref_slice %arg4[%add3A_90, %dma_start3A_107] : memref<10240x128xf32, #tpu.memory_space<vmem_shared>> -> memref<32x128xf32, #tpu.memory_space<vmem_shared>>
      tpu.enqueue_dma source(%arg7 : memref<32x128xf32, #tpu.memory_space<vmem>>) target(%dma_start3A_108 : memref<32x128xf32, #tpu.memory_space<vmem_shared>>) target_semaphore(%run_scoped3A : memref<!tpu.dma_semaphore, #tpu.memory_space<semaphore_mem>>)
      %dma_wait3A = arith.constant 0 : i32
      %dma_wait3A_109 = tpu.memref_slice %arg4[%add3A_90, %dma_wait3A] : memref<10240x128xf32, #tpu.memory_space<vmem_shared>> -> memref<32x128xf32, #tpu.memory_space<vmem_shared>>
      %dma_wait3A_110 = arith.constant 0 : i32
      %dma_wait3A_111 = tpu.memref_slice %arg4[%add3A_90, %dma_wait3A_110] : memref<10240x128xf32, #tpu.memory_space<vmem_shared>> -> memref<32x128xf32, #tpu.memory_space<vmem_shared>>
      tpu.wait_dma2 semaphore(%run_scoped3A : memref<!tpu.dma_semaphore, #tpu.memory_space<semaphore_mem>>) src(%arg7 : memref<32x128xf32, #tpu.memory_space<vmem>>) dst(%dma_wait3A_111 : memref<32x128xf32, #tpu.memory_space<vmem_shared>>)
      tpu.yield
    }) : () -> ()
    %scan3A_91 = arith.constant 0 : i32
    %scan3A_92 = arith.constant 0 : i32
    %scan3A_93 = arith.constant 80 : i32
    %scan3A_94 = arith.addi %scan3A_92, %scan3A_93 : i32
    %scan3A_95 = arith.constant 1 : i32
    scf.for %scan3A_106 = %scan3A_92 to %scan3A_94 step %scan3A_95  : i32 {
      %swap3A = arith.index_cast %scan3A_106 : i32 to index
      %swap3A_107 = arith.constant 0 : index
      %swap3A_108 = tpu.vector_load %arg6[%swap3A, %swap3A_107] {strides = array<i32>} : memref<80x128xf32, #tpu.memory_space<vmem>>, vector<1x16xf32>,
      %swap3A_109 = vector.shape_cast %swap3A_108 : vector<1x16xf32> to vector<16xf32>
      %swap3A_110 = vector.shape_cast %broadcast_in_dim3A_5 : vector<16xf32> to vector<1x16xf32>
      tpu.vector_store %arg6[%swap3A, %swap3A_107], %swap3A_110 {strides = array<i32>} : memref<80x128xf32, #tpu.memory_space<vmem>>, vector<1x16xf32>,
      %swap3A_111 = arith.index_cast %scan3A_106 : i32 to index
      %swap3A_112 = arith.constant 16 : index
      %swap3A_113 = tpu.vector_load %arg6[%swap3A_111, %swap3A_112] {strides = array<i32>} : memref<80x128xf32, #tpu.memory_space<vmem>>, vector<1x16xf32>,
      %swap3A_114 = vector.shape_cast %swap3A_113 : vector<1x16xf32> to vector<16xf32>
      %swap3A_115 = vector.shape_cast %broadcast_in_dim3A_5 : vector<16xf32> to vector<1x16xf32>
      tpu.vector_store %arg6[%swap3A_111, %swap3A_112], %swap3A_115 {strides = array<i32>} : memref<80x128xf32, #tpu.memory_space<vmem>>, vector<1x16xf32>,
      %swap3A_116 = arith.index_cast %scan3A_106 : i32 to index
      %swap3A_117 = arith.constant 32 : index
      %swap3A_118 = tpu.vector_load %arg6[%swap3A_116, %swap3A_117] {strides = array<i32>} : memref<80x128xf32, #tpu.memory_space<vmem>>, vector<1x16xf32>,
      %swap3A_119 = vector.shape_cast %swap3A_118 : vector<1x16xf32> to vector<16xf32>
      %swap3A_120 = vector.shape_cast %broadcast_in_dim3A_5 : vector<16xf32> to vector<1x16xf32>
      tpu.vector_store %arg6[%swap3A_116, %swap3A_117], %swap3A_120 {strides = array<i32>} : memref<80x128xf32, #tpu.memory_space<vmem>>, vector<1x16xf32>,
      %swap3A_121 = arith.index_cast %scan3A_106 : i32 to index
      %swap3A_122 = arith.constant 48 : index
      %swap3A_123 = tpu.vector_load %arg6[%swap3A_121, %swap3A_122] {strides = array<i32>} : memref<80x128xf32, #tpu.memory_space<vmem>>, vector<1x16xf32>,
      %swap3A_124 = vector.shape_cast %swap3A_123 : vector<1x16xf32> to vector<16xf32>
      %swap3A_125 = vector.shape_cast %broadcast_in_dim3A_5 : vector<16xf32> to vector<1x16xf32>
      tpu.vector_store %arg6[%swap3A_121, %swap3A_122], %swap3A_125 {strides = array<i32>} : memref<80x128xf32, #tpu.memory_space<vmem>>, vector<1x16xf32>,
      %swap3A_126 = arith.index_cast %scan3A_106 : i32 to index
      %swap3A_127 = arith.constant 64 : index
      %swap3A_128 = tpu.vector_load %arg6[%swap3A_126, %swap3A_127] {strides = array<i32>} : memref<80x128xf32, #tpu.memory_space<vmem>>, vector<1x16xf32>,
      %swap3A_129 = vector.shape_cast %swap3A_128 : vector<1x16xf32> to vector<16xf32>
      %swap3A_130 = vector.shape_cast %broadcast_in_dim3A_5 : vector<16xf32> to vector<1x16xf32>
      tpu.vector_store %arg6[%swap3A_126, %swap3A_127], %swap3A_130 {strides = array<i32>} : memref<80x128xf32, #tpu.memory_space<vmem>>, vector<1x16xf32>,
      %swap3A_131 = arith.index_cast %scan3A_106 : i32 to index
      %swap3A_132 = arith.constant 80 : index
      %swap3A_133 = tpu.vector_load %arg6[%swap3A_131, %swap3A_132] {strides = array<i32>} : memref<80x128xf32, #tpu.memory_space<vmem>>, vector<1x16xf32>,
      %swap3A_134 = vector.shape_cast %swap3A_133 : vector<1x16xf32> to vector<16xf32>
      %swap3A_135 = vector.shape_cast %broadcast_in_dim3A_5 : vector<16xf32> to vector<1x16xf32>
      tpu.vector_store %arg6[%swap3A_131, %swap3A_132], %swap3A_135 {strides = array<i32>} : memref<80x128xf32, #tpu.memory_space<vmem>>, vector<1x16xf32>,
      %swap3A_136 = arith.index_cast %scan3A_106 : i32 to index
      %swap3A_137 = arith.constant 96 : index
      %swap3A_138 = tpu.vector_load %arg6[%swap3A_136, %swap3A_137] {strides = array<i32>} : memref<80x128xf32, #tpu.memory_space<vmem>>, vector<1x16xf32>,
      %swap3A_139 = vector.shape_cast %swap3A_138 : vector<1x16xf32> to vector<16xf32>
      %swap3A_140 = vector.shape_cast %broadcast_in_dim3A_5 : vector<16xf32> to vector<1x16xf32>
      tpu.vector_store %arg6[%swap3A_136, %swap3A_137], %swap3A_140 {strides = array<i32>} : memref<80x128xf32, #tpu.memory_space<vmem>>, vector<1x16xf32>,
      %swap3A_141 = arith.index_cast %scan3A_106 : i32 to index
      %swap3A_142 = arith.constant 112 : index
      %swap3A_143 = tpu.vector_load %arg6[%swap3A_141, %swap3A_142] {strides = array<i32>} : memref<80x128xf32, #tpu.memory_space<vmem>>, vector<1x16xf32>,
      %swap3A_144 = vector.shape_cast %swap3A_143 : vector<1x16xf32> to vector<16xf32>
      %swap3A_145 = vector.shape_cast %broadcast_in_dim3A_5 : vector<16xf32> to vector<1x16xf32>
      tpu.vector_store %arg6[%swap3A_141, %swap3A_142], %swap3A_145 {strides = array<i32>} : memref<80x128xf32, #tpu.memory_space<vmem>>, vector<1x16xf32>,
    }
    %scan3A_96 = arith.constant 80 : i32
    %barrier3A = arith.constant 0 : index
    tpu.barrier barrier_id(%barrier3A)
    %scan3A_97 = arith.constant 0 : i32
    %scan3A_98 = arith.constant 0 : i32
    %scan3A_99 = arith.constant 125 : i32
    %scan3A_100 = arith.addi %scan3A_98, %scan3A_99 : i32
    %scan3A_101 = arith.constant 1 : i32
    scf.for %scan3A_106 = %scan3A_98 to %scan3A_100 step %scan3A_101  : i32 {
      %mul3A_107 = arith.constant 80 : i32
      %mul3A_108 = arith.muli %scan3A_106, %mul3A_107 : i32
      %add3A_109 = arith.addi %mul3A_2, %mul3A_108 : i32
      "tpu.region"() ({
        %run_scoped3A = tpu.sem_alloc : memref<!tpu.dma_semaphore, #tpu.memory_space<semaphore_mem>>
        %dma_start3A_114 = tpu.memref_slice %arg2[%add3A_109] : memref<320000xi32, #tpu.memory_space<hbm>> -> memref<80xi32, #tpu.memory_space<hbm>>
        %dma_start3A_115 = tpu.memref_slice %arg2[%add3A_109] : memref<320000xi32, #tpu.memory_space<hbm>> -> memref<80xi32, #tpu.memory_space<hbm>>
        tpu.enqueue_dma source(%dma_start3A_115 : memref<80xi32, #tpu.memory_space<hbm>>) target(%arg5 : memref<80xi32, #tpu.memory_space<vmem>>) target_semaphore(%run_scoped3A : memref<!tpu.dma_semaphore, #tpu.memory_space<semaphore_mem>>)
        %dma_wait3A_116 = tpu.memref_slice %arg2[%add3A_109] : memref<320000xi32, #tpu.memory_space<hbm>> -> memref<80xi32, #tpu.memory_space<hbm>>
        %dma_wait3A_117 = tpu.memref_slice %arg2[%add3A_109] : memref<320000xi32, #tpu.memory_space<hbm>> -> memref<80xi32, #tpu.memory_space<hbm>>
        tpu.wait_dma2 semaphore(%run_scoped3A : memref<!tpu.dma_semaphore, #tpu.memory_space<semaphore_mem>>) src(%dma_wait3A_117 : memref<80xi32, #tpu.memory_space<hbm>>) dst(%arg5 : memref<80xi32, #tpu.memory_space<vmem>>)
        tpu.yield
      }) : () -> ()
      %dma_start3A = arith.constant 0 : i32
      %dma_start3A_110 = arith.constant 0 : i32
      %dma_start3A_111 = tpu.memref_slice %arg4[%dma_start3A, %dma_start3A_110] : memref<10240x128xf32, #tpu.memory_space<vmem_shared>> -> memref<10240x128xf32, #tpu.memory_space<vmem_shared>>
      tpu.enqueue_indirect_dma source(%arg6 : memref<80x128xf32, #tpu.memory_space<vmem>>) target(%dma_start3A_111 : memref<10240x128xf32, #tpu.memory_space<vmem_shared>>) offsets(%arg5 : memref<80xi32, #tpu.memory_space<vmem>>) semaphore(%arg8 : memref<!tpu.dma_semaphore, #tpu.memory_space<semaphore_mem>>) {add = true}
      %dma_wait3A = arith.constant 0 : i32
      %dma_wait3A_112 = arith.constant 0 : i32
      %dma_wait3A_113 = tpu.memref_slice %arg4[%dma_wait3A, %dma_wait3A_112] : memref<10240x128xf32, #tpu.memory_space<vmem_shared>> -> memref<10240x128xf32, #tpu.memory_space<vmem_shared>>
      tpu.wait_indirect_dma semaphore(%arg8 : memref<!tpu.dma_semaphore, #tpu.memory_space<semaphore_mem>>) src(%arg6 : memref<80x128xf32, #tpu.memory_space<vmem>>) dst(%dma_wait3A_113 : memref<10240x128xf32, #tpu.memory_space<vmem_shared>>)
    }
    %scan3A_102 = arith.constant 125 : i32
    %barrier3A_103 = arith.constant 0 : index
    tpu.barrier barrier_id(%barrier3A_103)
    %mul3A_104 = arith.constant 640 : i32
    %mul3A_105 = arith.muli %arg1, %mul3A_104 : i32
    "tpu.region"() ({
      %run_scoped3A = tpu.sem_alloc : memref<!tpu.dma_semaphore, #tpu.memory_space<semaphore_mem>>
      %dma_start3A = arith.constant 0 : i32
      %dma_start3A_106 = tpu.memref_slice %arg3[%arg0, %mul3A_105, %dma_start3A] : memref<2x10240x128xf32, #tpu.memory_space<hbm>> -> memref<1x640x128xf32, #tpu.memory_space<hbm>>
      %dma_start3A_107 = tpu.memref_squeeze %dma_start3A_106 : memref<1x640x128xf32, #tpu.memory_space<hbm>> -> memref<640x128xf32, #tpu.memory_space<hbm>>
      %dma_start3A_108 = arith.constant 0 : i32
      %dma_start3A_109 = tpu.memref_slice %arg4[%mul3A_105, %dma_start3A_108] : memref<10240x128xf32, #tpu.memory_space<vmem_shared>> -> memref<640x128xf32, #tpu.memory_space<vmem_shared>>
      tpu.enqueue_dma source(%dma_start3A_109 : memref<640x128xf32, #tpu.memory_space<vmem_shared>>) target(%dma_start3A_107 : memref<640x128xf32, #tpu.memory_space<hbm>>) target_semaphore(%run_scoped3A : memref<!tpu.dma_semaphore, #tpu.memory_space<semaphore_mem>>)
      %dma_wait3A = arith.constant 0 : i32
      %dma_wait3A_110 = tpu.memref_slice %arg3[%arg0, %mul3A_105, %dma_wait3A] : memref<2x10240x128xf32, #tpu.memory_space<hbm>> -> memref<1x640x128xf32, #tpu.memory_space<hbm>>
      %dma_wait3A_111 = tpu.memref_squeeze %dma_wait3A_110 : memref<1x640x128xf32, #tpu.memory_space<hbm>> -> memref<640x128xf32, #tpu.memory_space<hbm>>
      %dma_wait3A_112 = arith.constant 0 : i32
      %dma_wait3A_113 = tpu.memref_slice %arg4[%mul3A_105, %dma_wait3A_112] : memref<10240x128xf32, #tpu.memory_space<vmem_shared>> -> memref<640x128xf32, #tpu.memory_space<vmem_shared>>
      tpu.wait_dma2 semaphore(%run_scoped3A : memref<!tpu.dma_semaphore, #tpu.memory_space<semaphore_mem>>) src(%dma_wait3A_113 : memref<640x128xf32, #tpu.memory_space<vmem_shared>>) dst(%dma_wait3A_111 : memref<640x128xf32, #tpu.memory_space<hbm>>)
      tpu.yield
    }) : () -> ()
    return
  }
}

#map = affine_map<(d0, d1) -> (0, 0)>
#map1 = affine_map<(d0, d1) -> (0)>
#map2 = affine_map<(d0, d1) -> (0, 0, 0)>
module attributes {stable_mosaic.version = 14 : i64} {
  func.func @edge_kernel(%arg0: i32, %arg1: i32, %arg2: memref<10000x128xf32, #tpu.memory_space<hbm>>, %arg3: memref<10000x128xf32, #tpu.memory_space<hbm>>, %arg4: memref<320000x128xf32, #tpu.memory_space<hbm>>, %arg5: memref<320000xi32, #tpu.memory_space<hbm>>, %arg6: memref<320000xi32, #tpu.memory_space<hbm>>, %arg7: memref<2x10240x128xf32, #tpu.memory_space<hbm>>, %arg8: memref<10240x128xf32, #tpu.memory_space<vmem_shared>>, %arg9: memref<80xi32, #tpu.memory_space<vmem>>, %arg10: memref<80xi32, #tpu.memory_space<vmem>>, %arg11: memref<80x128xf32, #tpu.memory_space<vmem>>, %arg12: memref<80x128xf32, #tpu.memory_space<vmem>>, %arg13: memref<80x128xf32, #tpu.memory_space<vmem>>, %arg14: memref<80x128xf32, #tpu.memory_space<vmem>>, %arg15: memref<32x128xf32, #tpu.memory_space<vmem>>, %arg16: memref<!tpu.dma_semaphore, #tpu.memory_space<semaphore_mem>>, %arg17: memref<!tpu.dma_semaphore, #tpu.memory_space<semaphore_mem>>, %arg18: memref<!tpu.dma_semaphore, #tpu.memory_space<semaphore_mem>>) attributes {dimension_semantics = [#tpu.dimension_semantics<core_parallel>, #tpu.dimension_semantics<subcore_parallel>], iteration_bounds = array<i64: 2, 16>, scalar_prefetch = 0 : i64, scratch_operands = 11 : i64, tpu.core_type = #tpu.core_type<sc_vector_subcore>, window_params = [{transform_indices = #map}, {transform_indices = #map}, {transform_indices = #map}, {transform_indices = #map1}, {transform_indices = #map1}, {transform_indices = #map2}]} {
    %mul3A = arith.constant 16 : i32
    %mul3A_0 = arith.muli %arg0, %mul3A : i32
    %add3A = arith.addi %mul3A_0, %arg1 : i32
    %mul3A_1 = arith.constant 10000 : i32
    %mul3A_2 = arith.muli %add3A, %mul3A_1 : i32
    %broadcast_in_dim3A = arith.constant 0.000000e+00 : f32
    %broadcast_in_dim3A_3 = vector.broadcast %broadcast_in_dim3A : f32 to vector<16xf32>
    %scan3A = arith.constant 0 : i32
    %scan3A_4 = arith.constant 0 : i32
    %scan3A_5 = arith.constant 32 : i32
    %scan3A_6 = arith.addi %scan3A_4, %scan3A_5 : i32
    %scan3A_7 = arith.constant 1 : i32
    scf.for %scan3A_98 = %scan3A_4 to %scan3A_6 step %scan3A_7  : i32 {
      %swap3A = arith.index_cast %scan3A_98 : i32 to index
      %swap3A_99 = arith.constant 0 : index
      %swap3A_100 = tpu.vector_load %arg15[%swap3A, %swap3A_99] {strides = array<i32>} : memref<32x128xf32, #tpu.memory_space<vmem>>, vector<1x16xf32>,
      %swap3A_101 = vector.shape_cast %swap3A_100 : vector<1x16xf32> to vector<16xf32>
      %swap3A_102 = vector.shape_cast %broadcast_in_dim3A_3 : vector<16xf32> to vector<1x16xf32>
      tpu.vector_store %arg15[%swap3A, %swap3A_99], %swap3A_102 {strides = array<i32>} : memref<32x128xf32, #tpu.memory_space<vmem>>, vector<1x16xf32>,
      %swap3A_103 = arith.index_cast %scan3A_98 : i32 to index
      %swap3A_104 = arith.constant 16 : index
      %swap3A_105 = tpu.vector_load %arg15[%swap3A_103, %swap3A_104] {strides = array<i32>} : memref<32x128xf32, #tpu.memory_space<vmem>>, vector<1x16xf32>,
      %swap3A_106 = vector.shape_cast %swap3A_105 : vector<1x16xf32> to vector<16xf32>
      %swap3A_107 = vector.shape_cast %broadcast_in_dim3A_3 : vector<16xf32> to vector<1x16xf32>
      tpu.vector_store %arg15[%swap3A_103, %swap3A_104], %swap3A_107 {strides = array<i32>} : memref<32x128xf32, #tpu.memory_space<vmem>>, vector<1x16xf32>,
      %swap3A_108 = arith.index_cast %scan3A_98 : i32 to index
      %swap3A_109 = arith.constant 32 : index
      %swap3A_110 = tpu.vector_load %arg15[%swap3A_108, %swap3A_109] {strides = array<i32>} : memref<32x128xf32, #tpu.memory_space<vmem>>, vector<1x16xf32>,
      %swap3A_111 = vector.shape_cast %swap3A_110 : vector<1x16xf32> to vector<16xf32>
      %swap3A_112 = vector.shape_cast %broadcast_in_dim3A_3 : vector<16xf32> to vector<1x16xf32>
      tpu.vector_store %arg15[%swap3A_108, %swap3A_109], %swap3A_112 {strides = array<i32>} : memref<32x128xf32, #tpu.memory_space<vmem>>, vector<1x16xf32>,
      %swap3A_113 = arith.index_cast %scan3A_98 : i32 to index
      %swap3A_114 = arith.constant 48 : index
      %swap3A_115 = tpu.vector_load %arg15[%swap3A_113, %swap3A_114] {strides = array<i32>} : memref<32x128xf32, #tpu.memory_space<vmem>>, vector<1x16xf32>,
      %swap3A_116 = vector.shape_cast %swap3A_115 : vector<1x16xf32> to vector<16xf32>
      %swap3A_117 = vector.shape_cast %broadcast_in_dim3A_3 : vector<16xf32> to vector<1x16xf32>
      tpu.vector_store %arg15[%swap3A_113, %swap3A_114], %swap3A_117 {strides = array<i32>} : memref<32x128xf32, #tpu.memory_space<vmem>>, vector<1x16xf32>,
      %swap3A_118 = arith.index_cast %scan3A_98 : i32 to index
      %swap3A_119 = arith.constant 64 : index
      %swap3A_120 = tpu.vector_load %arg15[%swap3A_118, %swap3A_119] {strides = array<i32>} : memref<32x128xf32, #tpu.memory_space<vmem>>, vector<1x16xf32>,
      %swap3A_121 = vector.shape_cast %swap3A_120 : vector<1x16xf32> to vector<16xf32>
      %swap3A_122 = vector.shape_cast %broadcast_in_dim3A_3 : vector<16xf32> to vector<1x16xf32>
      tpu.vector_store %arg15[%swap3A_118, %swap3A_119], %swap3A_122 {strides = array<i32>} : memref<32x128xf32, #tpu.memory_space<vmem>>, vector<1x16xf32>,
      %swap3A_123 = arith.index_cast %scan3A_98 : i32 to index
      %swap3A_124 = arith.constant 80 : index
      %swap3A_125 = tpu.vector_load %arg15[%swap3A_123, %swap3A_124] {strides = array<i32>} : memref<32x128xf32, #tpu.memory_space<vmem>>, vector<1x16xf32>,
      %swap3A_126 = vector.shape_cast %swap3A_125 : vector<1x16xf32> to vector<16xf32>
      %swap3A_127 = vector.shape_cast %broadcast_in_dim3A_3 : vector<16xf32> to vector<1x16xf32>
      tpu.vector_store %arg15[%swap3A_123, %swap3A_124], %swap3A_127 {strides = array<i32>} : memref<32x128xf32, #tpu.memory_space<vmem>>, vector<1x16xf32>,
      %swap3A_128 = arith.index_cast %scan3A_98 : i32 to index
      %swap3A_129 = arith.constant 96 : index
      %swap3A_130 = tpu.vector_load %arg15[%swap3A_128, %swap3A_129] {strides = array<i32>} : memref<32x128xf32, #tpu.memory_space<vmem>>, vector<1x16xf32>,
      %swap3A_131 = vector.shape_cast %swap3A_130 : vector<1x16xf32> to vector<16xf32>
      %swap3A_132 = vector.shape_cast %broadcast_in_dim3A_3 : vector<16xf32> to vector<1x16xf32>
      tpu.vector_store %arg15[%swap3A_128, %swap3A_129], %swap3A_132 {strides = array<i32>} : memref<32x128xf32, #tpu.memory_space<vmem>>, vector<1x16xf32>,
      %swap3A_133 = arith.index_cast %scan3A_98 : i32 to index
      %swap3A_134 = arith.constant 112 : index
      %swap3A_135 = tpu.vector_load %arg15[%swap3A_133, %swap3A_134] {strides = array<i32>} : memref<32x128xf32, #tpu.memory_space<vmem>>, vector<1x16xf32>,
      %swap3A_136 = vector.shape_cast %swap3A_135 : vector<1x16xf32> to vector<16xf32>
      %swap3A_137 = vector.shape_cast %broadcast_in_dim3A_3 : vector<16xf32> to vector<1x16xf32>
      tpu.vector_store %arg15[%swap3A_133, %swap3A_134], %swap3A_137 {strides = array<i32>} : memref<32x128xf32, #tpu.memory_space<vmem>>, vector<1x16xf32>,
    }
    %scan3A_8 = arith.constant 32 : i32
    %mul3A_9 = arith.constant 640 : i32
    %mul3A_10 = arith.muli %arg1, %mul3A_9 : i32
    %add3A_11 = arith.constant 0 : i32
    %add3A_12 = arith.addi %mul3A_10, %add3A_11 : i32
    "tpu.region"() ({
      %run_scoped3A = tpu.sem_alloc : memref<!tpu.dma_semaphore, #tpu.memory_space<semaphore_mem>>
      %dma_start3A = arith.constant 0 : i32
      %dma_start3A_98 = tpu.memref_slice %arg8[%add3A_12, %dma_start3A] : memref<10240x128xf32, #tpu.memory_space<vmem_shared>> -> memref<32x128xf32, #tpu.memory_space<vmem_shared>>
      %dma_start3A_99 = arith.constant 0 : i32
      %dma_start3A_100 = tpu.memref_slice %arg8[%add3A_12, %dma_start3A_99] : memref<10240x128xf32, #tpu.memory_space<vmem_shared>> -> memref<32x128xf32, #tpu.memory_space<vmem_shared>>
      tpu.enqueue_dma source(%arg15 : memref<32x128xf32, #tpu.memory_space<vmem>>) target(%dma_start3A_100 : memref<32x128xf32, #tpu.memory_space<vmem_shared>>) target_semaphore(%run_scoped3A : memref<!tpu.dma_semaphore, #tpu.memory_space<semaphore_mem>>)
      %dma_wait3A = arith.constant 0 : i32
      %dma_wait3A_101 = tpu.memref_slice %arg8[%add3A_12, %dma_wait3A] : memref<10240x128xf32, #tpu.memory_space<vmem_shared>> -> memref<32x128xf32, #tpu.memory_space<vmem_shared>>
      %dma_wait3A_102 = arith.constant 0 : i32
      %dma_wait3A_103 = tpu.memref_slice %arg8[%add3A_12, %dma_wait3A_102] : memref<10240x128xf32, #tpu.memory_space<vmem_shared>> -> memref<32x128xf32, #tpu.memory_space<vmem_shared>>
      tpu.wait_dma2 semaphore(%run_scoped3A : memref<!tpu.dma_semaphore, #tpu.memory_space<semaphore_mem>>) src(%arg15 : memref<32x128xf32, #tpu.memory_space<vmem>>) dst(%dma_wait3A_103 : memref<32x128xf32, #tpu.memory_space<vmem_shared>>)
      tpu.yield
    }) : () -> ()
    %mul3A_13 = arith.constant 640 : i32
    %mul3A_14 = arith.muli %arg1, %mul3A_13 : i32
    %add3A_15 = arith.constant 32 : i32
    %add3A_16 = arith.addi %mul3A_14, %add3A_15 : i32
    "tpu.region"() ({
      %run_scoped3A = tpu.sem_alloc : memref<!tpu.dma_semaphore, #tpu.memory_space<semaphore_mem>>
      %dma_start3A = arith.constant 0 : i32
      %dma_start3A_98 = tpu.memref_slice %arg8[%add3A_16, %dma_start3A] : memref<10240x128xf32, #tpu.memory_space<vmem_shared>> -> memref<32x128xf32, #tpu.memory_space<vmem_shared>>
      %dma_start3A_99 = arith.constant 0 : i32
      %dma_start3A_100 = tpu.memref_slice %arg8[%add3A_16, %dma_start3A_99] : memref<10240x128xf32, #tpu.memory_space<vmem_shared>> -> memref<32x128xf32, #tpu.memory_space<vmem_shared>>
      tpu.enqueue_dma source(%arg15 : memref<32x128xf32, #tpu.memory_space<vmem>>) target(%dma_start3A_100 : memref<32x128xf32, #tpu.memory_space<vmem_shared>>) target_semaphore(%run_scoped3A : memref<!tpu.dma_semaphore, #tpu.memory_space<semaphore_mem>>)
      %dma_wait3A = arith.constant 0 : i32
      %dma_wait3A_101 = tpu.memref_slice %arg8[%add3A_16, %dma_wait3A] : memref<10240x128xf32, #tpu.memory_space<vmem_shared>> -> memref<32x128xf32, #tpu.memory_space<vmem_shared>>
      %dma_wait3A_102 = arith.constant 0 : i32
      %dma_wait3A_103 = tpu.memref_slice %arg8[%add3A_16, %dma_wait3A_102] : memref<10240x128xf32, #tpu.memory_space<vmem_shared>> -> memref<32x128xf32, #tpu.memory_space<vmem_shared>>
      tpu.wait_dma2 semaphore(%run_scoped3A : memref<!tpu.dma_semaphore, #tpu.memory_space<semaphore_mem>>) src(%arg15 : memref<32x128xf32, #tpu.memory_space<vmem>>) dst(%dma_wait3A_103 : memref<32x128xf32, #tpu.memory_space<vmem_shared>>)
      tpu.yield
    }) : () -> ()
    %mul3A_17 = arith.constant 640 : i32
    %mul3A_18 = arith.muli %arg1, %mul3A_17 : i32
    %add3A_19 = arith.constant 64 : i32
    %add3A_20 = arith.addi %mul3A_18, %add3A_19 : i32
    "tpu.region"() ({
      %run_scoped3A = tpu.sem_alloc : memref<!tpu.dma_semaphore, #tpu.memory_space<semaphore_mem>>
      %dma_start3A = arith.constant 0 : i32
      %dma_start3A_98 = tpu.memref_slice %arg8[%add3A_20, %dma_start3A] : memref<10240x128xf32, #tpu.memory_space<vmem_shared>> -> memref<32x128xf32, #tpu.memory_space<vmem_shared>>
      %dma_start3A_99 = arith.constant 0 : i32
      %dma_start3A_100 = tpu.memref_slice %arg8[%add3A_20, %dma_start3A_99] : memref<10240x128xf32, #tpu.memory_space<vmem_shared>> -> memref<32x128xf32, #tpu.memory_space<vmem_shared>>
      tpu.enqueue_dma source(%arg15 : memref<32x128xf32, #tpu.memory_space<vmem>>) target(%dma_start3A_100 : memref<32x128xf32, #tpu.memory_space<vmem_shared>>) target_semaphore(%run_scoped3A : memref<!tpu.dma_semaphore, #tpu.memory_space<semaphore_mem>>)
      %dma_wait3A = arith.constant 0 : i32
      %dma_wait3A_101 = tpu.memref_slice %arg8[%add3A_20, %dma_wait3A] : memref<10240x128xf32, #tpu.memory_space<vmem_shared>> -> memref<32x128xf32, #tpu.memory_space<vmem_shared>>
      %dma_wait3A_102 = arith.constant 0 : i32
      %dma_wait3A_103 = tpu.memref_slice %arg8[%add3A_20, %dma_wait3A_102] : memref<10240x128xf32, #tpu.memory_space<vmem_shared>> -> memref<32x128xf32, #tpu.memory_space<vmem_shared>>
      tpu.wait_dma2 semaphore(%run_scoped3A : memref<!tpu.dma_semaphore, #tpu.memory_space<semaphore_mem>>) src(%arg15 : memref<32x128xf32, #tpu.memory_space<vmem>>) dst(%dma_wait3A_103 : memref<32x128xf32, #tpu.memory_space<vmem_shared>>)
      tpu.yield
    }) : () -> ()
    %mul3A_21 = arith.constant 640 : i32
    %mul3A_22 = arith.muli %arg1, %mul3A_21 : i32
    %add3A_23 = arith.constant 96 : i32
    %add3A_24 = arith.addi %mul3A_22, %add3A_23 : i32
    "tpu.region"() ({
      %run_scoped3A = tpu.sem_alloc : memref<!tpu.dma_semaphore, #tpu.memory_space<semaphore_mem>>
      %dma_start3A = arith.constant 0 : i32
      %dma_start3A_98 = tpu.memref_slice %arg8[%add3A_24, %dma_start3A] : memref<10240x128xf32, #tpu.memory_space<vmem_shared>> -> memref<32x128xf32, #tpu.memory_space<vmem_shared>>
      %dma_start3A_99 = arith.constant 0 : i32
      %dma_start3A_100 = tpu.memref_slice %arg8[%add3A_24, %dma_start3A_99] : memref<10240x128xf32, #tpu.memory_space<vmem_shared>> -> memref<32x128xf32, #tpu.memory_space<vmem_shared>>
      tpu.enqueue_dma source(%arg15 : memref<32x128xf32, #tpu.memory_space<vmem>>) target(%dma_start3A_100 : memref<32x128xf32, #tpu.memory_space<vmem_shared>>) target_semaphore(%run_scoped3A : memref<!tpu.dma_semaphore, #tpu.memory_space<semaphore_mem>>)
      %dma_wait3A = arith.constant 0 : i32
      %dma_wait3A_101 = tpu.memref_slice %arg8[%add3A_24, %dma_wait3A] : memref<10240x128xf32, #tpu.memory_space<vmem_shared>> -> memref<32x128xf32, #tpu.memory_space<vmem_shared>>
      %dma_wait3A_102 = arith.constant 0 : i32
      %dma_wait3A_103 = tpu.memref_slice %arg8[%add3A_24, %dma_wait3A_102] : memref<10240x128xf32, #tpu.memory_space<vmem_shared>> -> memref<32x128xf32, #tpu.memory_space<vmem_shared>>
      tpu.wait_dma2 semaphore(%run_scoped3A : memref<!tpu.dma_semaphore, #tpu.memory_space<semaphore_mem>>) src(%arg15 : memref<32x128xf32, #tpu.memory_space<vmem>>) dst(%dma_wait3A_103 : memref<32x128xf32, #tpu.memory_space<vmem_shared>>)
      tpu.yield
    }) : () -> ()
    %mul3A_25 = arith.constant 640 : i32
    %mul3A_26 = arith.muli %arg1, %mul3A_25 : i32
    %add3A_27 = arith.constant 128 : i32
    %add3A_28 = arith.addi %mul3A_26, %add3A_27 : i32
    "tpu.region"() ({
      %run_scoped3A = tpu.sem_alloc : memref<!tpu.dma_semaphore, #tpu.memory_space<semaphore_mem>>
      %dma_start3A = arith.constant 0 : i32
      %dma_start3A_98 = tpu.memref_slice %arg8[%add3A_28, %dma_start3A] : memref<10240x128xf32, #tpu.memory_space<vmem_shared>> -> memref<32x128xf32, #tpu.memory_space<vmem_shared>>
      %dma_start3A_99 = arith.constant 0 : i32
      %dma_start3A_100 = tpu.memref_slice %arg8[%add3A_28, %dma_start3A_99] : memref<10240x128xf32, #tpu.memory_space<vmem_shared>> -> memref<32x128xf32, #tpu.memory_space<vmem_shared>>
      tpu.enqueue_dma source(%arg15 : memref<32x128xf32, #tpu.memory_space<vmem>>) target(%dma_start3A_100 : memref<32x128xf32, #tpu.memory_space<vmem_shared>>) target_semaphore(%run_scoped3A : memref<!tpu.dma_semaphore, #tpu.memory_space<semaphore_mem>>)
      %dma_wait3A = arith.constant 0 : i32
      %dma_wait3A_101 = tpu.memref_slice %arg8[%add3A_28, %dma_wait3A] : memref<10240x128xf32, #tpu.memory_space<vmem_shared>> -> memref<32x128xf32, #tpu.memory_space<vmem_shared>>
      %dma_wait3A_102 = arith.constant 0 : i32
      %dma_wait3A_103 = tpu.memref_slice %arg8[%add3A_28, %dma_wait3A_102] : memref<10240x128xf32, #tpu.memory_space<vmem_shared>> -> memref<32x128xf32, #tpu.memory_space<vmem_shared>>
      tpu.wait_dma2 semaphore(%run_scoped3A : memref<!tpu.dma_semaphore, #tpu.memory_space<semaphore_mem>>) src(%arg15 : memref<32x128xf32, #tpu.memory_space<vmem>>) dst(%dma_wait3A_103 : memref<32x128xf32, #tpu.memory_space<vmem_shared>>)
      tpu.yield
    }) : () -> ()
    %mul3A_29 = arith.constant 640 : i32
    %mul3A_30 = arith.muli %arg1, %mul3A_29 : i32
    %add3A_31 = arith.constant 160 : i32
    %add3A_32 = arith.addi %mul3A_30, %add3A_31 : i32
    "tpu.region"() ({
      %run_scoped3A = tpu.sem_alloc : memref<!tpu.dma_semaphore, #tpu.memory_space<semaphore_mem>>
      %dma_start3A = arith.constant 0 : i32
      %dma_start3A_98 = tpu.memref_slice %arg8[%add3A_32, %dma_start3A] : memref<10240x128xf32, #tpu.memory_space<vmem_shared>> -> memref<32x128xf32, #tpu.memory_space<vmem_shared>>
      %dma_start3A_99 = arith.constant 0 : i32
      %dma_start3A_100 = tpu.memref_slice %arg8[%add3A_32, %dma_start3A_99] : memref<10240x128xf32, #tpu.memory_space<vmem_shared>> -> memref<32x128xf32, #tpu.memory_space<vmem_shared>>
      tpu.enqueue_dma source(%arg15 : memref<32x128xf32, #tpu.memory_space<vmem>>) target(%dma_start3A_100 : memref<32x128xf32, #tpu.memory_space<vmem_shared>>) target_semaphore(%run_scoped3A : memref<!tpu.dma_semaphore, #tpu.memory_space<semaphore_mem>>)
      %dma_wait3A = arith.constant 0 : i32
      %dma_wait3A_101 = tpu.memref_slice %arg8[%add3A_32, %dma_wait3A] : memref<10240x128xf32, #tpu.memory_space<vmem_shared>> -> memref<32x128xf32, #tpu.memory_space<vmem_shared>>
      %dma_wait3A_102 = arith.constant 0 : i32
      %dma_wait3A_103 = tpu.memref_slice %arg8[%add3A_32, %dma_wait3A_102] : memref<10240x128xf32, #tpu.memory_space<vmem_shared>> -> memref<32x128xf32, #tpu.memory_space<vmem_shared>>
      tpu.wait_dma2 semaphore(%run_scoped3A : memref<!tpu.dma_semaphore, #tpu.memory_space<semaphore_mem>>) src(%arg15 : memref<32x128xf32, #tpu.memory_space<vmem>>) dst(%dma_wait3A_103 : memref<32x128xf32, #tpu.memory_space<vmem_shared>>)
      tpu.yield
    }) : () -> ()
    %mul3A_33 = arith.constant 640 : i32
    %mul3A_34 = arith.muli %arg1, %mul3A_33 : i32
    %add3A_35 = arith.constant 192 : i32
    %add3A_36 = arith.addi %mul3A_34, %add3A_35 : i32
    "tpu.region"() ({
      %run_scoped3A = tpu.sem_alloc : memref<!tpu.dma_semaphore, #tpu.memory_space<semaphore_mem>>
      %dma_start3A = arith.constant 0 : i32
      %dma_start3A_98 = tpu.memref_slice %arg8[%add3A_36, %dma_start3A] : memref<10240x128xf32, #tpu.memory_space<vmem_shared>> -> memref<32x128xf32, #tpu.memory_space<vmem_shared>>
      %dma_start3A_99 = arith.constant 0 : i32
      %dma_start3A_100 = tpu.memref_slice %arg8[%add3A_36, %dma_start3A_99] : memref<10240x128xf32, #tpu.memory_space<vmem_shared>> -> memref<32x128xf32, #tpu.memory_space<vmem_shared>>
      tpu.enqueue_dma source(%arg15 : memref<32x128xf32, #tpu.memory_space<vmem>>) target(%dma_start3A_100 : memref<32x128xf32, #tpu.memory_space<vmem_shared>>) target_semaphore(%run_scoped3A : memref<!tpu.dma_semaphore, #tpu.memory_space<semaphore_mem>>)
      %dma_wait3A = arith.constant 0 : i32
      %dma_wait3A_101 = tpu.memref_slice %arg8[%add3A_36, %dma_wait3A] : memref<10240x128xf32, #tpu.memory_space<vmem_shared>> -> memref<32x128xf32, #tpu.memory_space<vmem_shared>>
      %dma_wait3A_102 = arith.constant 0 : i32
      %dma_wait3A_103 = tpu.memref_slice %arg8[%add3A_36, %dma_wait3A_102] : memref<10240x128xf32, #tpu.memory_space<vmem_shared>> -> memref<32x128xf32, #tpu.memory_space<vmem_shared>>
      tpu.wait_dma2 semaphore(%run_scoped3A : memref<!tpu.dma_semaphore, #tpu.memory_space<semaphore_mem>>) src(%arg15 : memref<32x128xf32, #tpu.memory_space<vmem>>) dst(%dma_wait3A_103 : memref<32x128xf32, #tpu.memory_space<vmem_shared>>)
      tpu.yield
    }) : () -> ()
    %mul3A_37 = arith.constant 640 : i32
    %mul3A_38 = arith.muli %arg1, %mul3A_37 : i32
    %add3A_39 = arith.constant 224 : i32
    %add3A_40 = arith.addi %mul3A_38, %add3A_39 : i32
    "tpu.region"() ({
      %run_scoped3A = tpu.sem_alloc : memref<!tpu.dma_semaphore, #tpu.memory_space<semaphore_mem>>
      %dma_start3A = arith.constant 0 : i32
      %dma_start3A_98 = tpu.memref_slice %arg8[%add3A_40, %dma_start3A] : memref<10240x128xf32, #tpu.memory_space<vmem_shared>> -> memref<32x128xf32, #tpu.memory_space<vmem_shared>>
      %dma_start3A_99 = arith.constant 0 : i32
      %dma_start3A_100 = tpu.memref_slice %arg8[%add3A_40, %dma_start3A_99] : memref<10240x128xf32, #tpu.memory_space<vmem_shared>> -> memref<32x128xf32, #tpu.memory_space<vmem_shared>>
      tpu.enqueue_dma source(%arg15 : memref<32x128xf32, #tpu.memory_space<vmem>>) target(%dma_start3A_100 : memref<32x128xf32, #tpu.memory_space<vmem_shared>>) target_semaphore(%run_scoped3A : memref<!tpu.dma_semaphore, #tpu.memory_space<semaphore_mem>>)
      %dma_wait3A = arith.constant 0 : i32
      %dma_wait3A_101 = tpu.memref_slice %arg8[%add3A_40, %dma_wait3A] : memref<10240x128xf32, #tpu.memory_space<vmem_shared>> -> memref<32x128xf32, #tpu.memory_space<vmem_shared>>
      %dma_wait3A_102 = arith.constant 0 : i32
      %dma_wait3A_103 = tpu.memref_slice %arg8[%add3A_40, %dma_wait3A_102] : memref<10240x128xf32, #tpu.memory_space<vmem_shared>> -> memref<32x128xf32, #tpu.memory_space<vmem_shared>>
      tpu.wait_dma2 semaphore(%run_scoped3A : memref<!tpu.dma_semaphore, #tpu.memory_space<semaphore_mem>>) src(%arg15 : memref<32x128xf32, #tpu.memory_space<vmem>>) dst(%dma_wait3A_103 : memref<32x128xf32, #tpu.memory_space<vmem_shared>>)
      tpu.yield
    }) : () -> ()
    %mul3A_41 = arith.constant 640 : i32
    %mul3A_42 = arith.muli %arg1, %mul3A_41 : i32
    %add3A_43 = arith.constant 256 : i32
    %add3A_44 = arith.addi %mul3A_42, %add3A_43 : i32
    "tpu.region"() ({
      %run_scoped3A = tpu.sem_alloc : memref<!tpu.dma_semaphore, #tpu.memory_space<semaphore_mem>>
      %dma_start3A = arith.constant 0 : i32
      %dma_start3A_98 = tpu.memref_slice %arg8[%add3A_44, %dma_start3A] : memref<10240x128xf32, #tpu.memory_space<vmem_shared>> -> memref<32x128xf32, #tpu.memory_space<vmem_shared>>
      %dma_start3A_99 = arith.constant 0 : i32
      %dma_start3A_100 = tpu.memref_slice %arg8[%add3A_44, %dma_start3A_99] : memref<10240x128xf32, #tpu.memory_space<vmem_shared>> -> memref<32x128xf32, #tpu.memory_space<vmem_shared>>
      tpu.enqueue_dma source(%arg15 : memref<32x128xf32, #tpu.memory_space<vmem>>) target(%dma_start3A_100 : memref<32x128xf32, #tpu.memory_space<vmem_shared>>) target_semaphore(%run_scoped3A : memref<!tpu.dma_semaphore, #tpu.memory_space<semaphore_mem>>)
      %dma_wait3A = arith.constant 0 : i32
      %dma_wait3A_101 = tpu.memref_slice %arg8[%add3A_44, %dma_wait3A] : memref<10240x128xf32, #tpu.memory_space<vmem_shared>> -> memref<32x128xf32, #tpu.memory_space<vmem_shared>>
      %dma_wait3A_102 = arith.constant 0 : i32
      %dma_wait3A_103 = tpu.memref_slice %arg8[%add3A_44, %dma_wait3A_102] : memref<10240x128xf32, #tpu.memory_space<vmem_shared>> -> memref<32x128xf32, #tpu.memory_space<vmem_shared>>
      tpu.wait_dma2 semaphore(%run_scoped3A : memref<!tpu.dma_semaphore, #tpu.memory_space<semaphore_mem>>) src(%arg15 : memref<32x128xf32, #tpu.memory_space<vmem>>) dst(%dma_wait3A_103 : memref<32x128xf32, #tpu.memory_space<vmem_shared>>)
      tpu.yield
    }) : () -> ()
    %mul3A_45 = arith.constant 640 : i32
    %mul3A_46 = arith.muli %arg1, %mul3A_45 : i32
    %add3A_47 = arith.constant 288 : i32
    %add3A_48 = arith.addi %mul3A_46, %add3A_47 : i32
    "tpu.region"() ({
      %run_scoped3A = tpu.sem_alloc : memref<!tpu.dma_semaphore, #tpu.memory_space<semaphore_mem>>
      %dma_start3A = arith.constant 0 : i32
      %dma_start3A_98 = tpu.memref_slice %arg8[%add3A_48, %dma_start3A] : memref<10240x128xf32, #tpu.memory_space<vmem_shared>> -> memref<32x128xf32, #tpu.memory_space<vmem_shared>>
      %dma_start3A_99 = arith.constant 0 : i32
      %dma_start3A_100 = tpu.memref_slice %arg8[%add3A_48, %dma_start3A_99] : memref<10240x128xf32, #tpu.memory_space<vmem_shared>> -> memref<32x128xf32, #tpu.memory_space<vmem_shared>>
      tpu.enqueue_dma source(%arg15 : memref<32x128xf32, #tpu.memory_space<vmem>>) target(%dma_start3A_100 : memref<32x128xf32, #tpu.memory_space<vmem_shared>>) target_semaphore(%run_scoped3A : memref<!tpu.dma_semaphore, #tpu.memory_space<semaphore_mem>>)
      %dma_wait3A = arith.constant 0 : i32
      %dma_wait3A_101 = tpu.memref_slice %arg8[%add3A_48, %dma_wait3A] : memref<10240x128xf32, #tpu.memory_space<vmem_shared>> -> memref<32x128xf32, #tpu.memory_space<vmem_shared>>
      %dma_wait3A_102 = arith.constant 0 : i32
      %dma_wait3A_103 = tpu.memref_slice %arg8[%add3A_48, %dma_wait3A_102] : memref<10240x128xf32, #tpu.memory_space<vmem_shared>> -> memref<32x128xf32, #tpu.memory_space<vmem_shared>>
      tpu.wait_dma2 semaphore(%run_scoped3A : memref<!tpu.dma_semaphore, #tpu.memory_space<semaphore_mem>>) src(%arg15 : memref<32x128xf32, #tpu.memory_space<vmem>>) dst(%dma_wait3A_103 : memref<32x128xf32, #tpu.memory_space<vmem_shared>>)
      tpu.yield
    }) : () -> ()
    %mul3A_49 = arith.constant 640 : i32
    %mul3A_50 = arith.muli %arg1, %mul3A_49 : i32
    %add3A_51 = arith.constant 320 : i32
    %add3A_52 = arith.addi %mul3A_50, %add3A_51 : i32
    "tpu.region"() ({
      %run_scoped3A = tpu.sem_alloc : memref<!tpu.dma_semaphore, #tpu.memory_space<semaphore_mem>>
      %dma_start3A = arith.constant 0 : i32
      %dma_start3A_98 = tpu.memref_slice %arg8[%add3A_52, %dma_start3A] : memref<10240x128xf32, #tpu.memory_space<vmem_shared>> -> memref<32x128xf32, #tpu.memory_space<vmem_shared>>
      %dma_start3A_99 = arith.constant 0 : i32
      %dma_start3A_100 = tpu.memref_slice %arg8[%add3A_52, %dma_start3A_99] : memref<10240x128xf32, #tpu.memory_space<vmem_shared>> -> memref<32x128xf32, #tpu.memory_space<vmem_shared>>
      tpu.enqueue_dma source(%arg15 : memref<32x128xf32, #tpu.memory_space<vmem>>) target(%dma_start3A_100 : memref<32x128xf32, #tpu.memory_space<vmem_shared>>) target_semaphore(%run_scoped3A : memref<!tpu.dma_semaphore, #tpu.memory_space<semaphore_mem>>)
      %dma_wait3A = arith.constant 0 : i32
      %dma_wait3A_101 = tpu.memref_slice %arg8[%add3A_52, %dma_wait3A] : memref<10240x128xf32, #tpu.memory_space<vmem_shared>> -> memref<32x128xf32, #tpu.memory_space<vmem_shared>>
      %dma_wait3A_102 = arith.constant 0 : i32
      %dma_wait3A_103 = tpu.memref_slice %arg8[%add3A_52, %dma_wait3A_102] : memref<10240x128xf32, #tpu.memory_space<vmem_shared>> -> memref<32x128xf32, #tpu.memory_space<vmem_shared>>
      tpu.wait_dma2 semaphore(%run_scoped3A : memref<!tpu.dma_semaphore, #tpu.memory_space<semaphore_mem>>) src(%arg15 : memref<32x128xf32, #tpu.memory_space<vmem>>) dst(%dma_wait3A_103 : memref<32x128xf32, #tpu.memory_space<vmem_shared>>)
      tpu.yield
    }) : () -> ()
    %mul3A_53 = arith.constant 640 : i32
    %mul3A_54 = arith.muli %arg1, %mul3A_53 : i32
    %add3A_55 = arith.constant 352 : i32
    %add3A_56 = arith.addi %mul3A_54, %add3A_55 : i32
    "tpu.region"() ({
      %run_scoped3A = tpu.sem_alloc : memref<!tpu.dma_semaphore, #tpu.memory_space<semaphore_mem>>
      %dma_start3A = arith.constant 0 : i32
      %dma_start3A_98 = tpu.memref_slice %arg8[%add3A_56, %dma_start3A] : memref<10240x128xf32, #tpu.memory_space<vmem_shared>> -> memref<32x128xf32, #tpu.memory_space<vmem_shared>>
      %dma_start3A_99 = arith.constant 0 : i32
      %dma_start3A_100 = tpu.memref_slice %arg8[%add3A_56, %dma_start3A_99] : memref<10240x128xf32, #tpu.memory_space<vmem_shared>> -> memref<32x128xf32, #tpu.memory_space<vmem_shared>>
      tpu.enqueue_dma source(%arg15 : memref<32x128xf32, #tpu.memory_space<vmem>>) target(%dma_start3A_100 : memref<32x128xf32, #tpu.memory_space<vmem_shared>>) target_semaphore(%run_scoped3A : memref<!tpu.dma_semaphore, #tpu.memory_space<semaphore_mem>>)
      %dma_wait3A = arith.constant 0 : i32
      %dma_wait3A_101 = tpu.memref_slice %arg8[%add3A_56, %dma_wait3A] : memref<10240x128xf32, #tpu.memory_space<vmem_shared>> -> memref<32x128xf32, #tpu.memory_space<vmem_shared>>
      %dma_wait3A_102 = arith.constant 0 : i32
      %dma_wait3A_103 = tpu.memref_slice %arg8[%add3A_56, %dma_wait3A_102] : memref<10240x128xf32, #tpu.memory_space<vmem_shared>> -> memref<32x128xf32, #tpu.memory_space<vmem_shared>>
      tpu.wait_dma2 semaphore(%run_scoped3A : memref<!tpu.dma_semaphore, #tpu.memory_space<semaphore_mem>>) src(%arg15 : memref<32x128xf32, #tpu.memory_space<vmem>>) dst(%dma_wait3A_103 : memref<32x128xf32, #tpu.memory_space<vmem_shared>>)
      tpu.yield
    }) : () -> ()
    %mul3A_57 = arith.constant 640 : i32
    %mul3A_58 = arith.muli %arg1, %mul3A_57 : i32
    %add3A_59 = arith.constant 384 : i32
    %add3A_60 = arith.addi %mul3A_58, %add3A_59 : i32
    "tpu.region"() ({
      %run_scoped3A = tpu.sem_alloc : memref<!tpu.dma_semaphore, #tpu.memory_space<semaphore_mem>>
      %dma_start3A = arith.constant 0 : i32
      %dma_start3A_98 = tpu.memref_slice %arg8[%add3A_60, %dma_start3A] : memref<10240x128xf32, #tpu.memory_space<vmem_shared>> -> memref<32x128xf32, #tpu.memory_space<vmem_shared>>
      %dma_start3A_99 = arith.constant 0 : i32
      %dma_start3A_100 = tpu.memref_slice %arg8[%add3A_60, %dma_start3A_99] : memref<10240x128xf32, #tpu.memory_space<vmem_shared>> -> memref<32x128xf32, #tpu.memory_space<vmem_shared>>
      tpu.enqueue_dma source(%arg15 : memref<32x128xf32, #tpu.memory_space<vmem>>) target(%dma_start3A_100 : memref<32x128xf32, #tpu.memory_space<vmem_shared>>) target_semaphore(%run_scoped3A : memref<!tpu.dma_semaphore, #tpu.memory_space<semaphore_mem>>)
      %dma_wait3A = arith.constant 0 : i32
      %dma_wait3A_101 = tpu.memref_slice %arg8[%add3A_60, %dma_wait3A] : memref<10240x128xf32, #tpu.memory_space<vmem_shared>> -> memref<32x128xf32, #tpu.memory_space<vmem_shared>>
      %dma_wait3A_102 = arith.constant 0 : i32
      %dma_wait3A_103 = tpu.memref_slice %arg8[%add3A_60, %dma_wait3A_102] : memref<10240x128xf32, #tpu.memory_space<vmem_shared>> -> memref<32x128xf32, #tpu.memory_space<vmem_shared>>
      tpu.wait_dma2 semaphore(%run_scoped3A : memref<!tpu.dma_semaphore, #tpu.memory_space<semaphore_mem>>) src(%arg15 : memref<32x128xf32, #tpu.memory_space<vmem>>) dst(%dma_wait3A_103 : memref<32x128xf32, #tpu.memory_space<vmem_shared>>)
      tpu.yield
    }) : () -> ()
    %mul3A_61 = arith.constant 640 : i32
    %mul3A_62 = arith.muli %arg1, %mul3A_61 : i32
    %add3A_63 = arith.constant 416 : i32
    %add3A_64 = arith.addi %mul3A_62, %add3A_63 : i32
    "tpu.region"() ({
      %run_scoped3A = tpu.sem_alloc : memref<!tpu.dma_semaphore, #tpu.memory_space<semaphore_mem>>
      %dma_start3A = arith.constant 0 : i32
      %dma_start3A_98 = tpu.memref_slice %arg8[%add3A_64, %dma_start3A] : memref<10240x128xf32, #tpu.memory_space<vmem_shared>> -> memref<32x128xf32, #tpu.memory_space<vmem_shared>>
      %dma_start3A_99 = arith.constant 0 : i32
      %dma_start3A_100 = tpu.memref_slice %arg8[%add3A_64, %dma_start3A_99] : memref<10240x128xf32, #tpu.memory_space<vmem_shared>> -> memref<32x128xf32, #tpu.memory_space<vmem_shared>>
      tpu.enqueue_dma source(%arg15 : memref<32x128xf32, #tpu.memory_space<vmem>>) target(%dma_start3A_100 : memref<32x128xf32, #tpu.memory_space<vmem_shared>>) target_semaphore(%run_scoped3A : memref<!tpu.dma_semaphore, #tpu.memory_space<semaphore_mem>>)
      %dma_wait3A = arith.constant 0 : i32
      %dma_wait3A_101 = tpu.memref_slice %arg8[%add3A_64, %dma_wait3A] : memref<10240x128xf32, #tpu.memory_space<vmem_shared>> -> memref<32x128xf32, #tpu.memory_space<vmem_shared>>
      %dma_wait3A_102 = arith.constant 0 : i32
      %dma_wait3A_103 = tpu.memref_slice %arg8[%add3A_64, %dma_wait3A_102] : memref<10240x128xf32, #tpu.memory_space<vmem_shared>> -> memref<32x128xf32, #tpu.memory_space<vmem_shared>>
      tpu.wait_dma2 semaphore(%run_scoped3A : memref<!tpu.dma_semaphore, #tpu.memory_space<semaphore_mem>>) src(%arg15 : memref<32x128xf32, #tpu.memory_space<vmem>>) dst(%dma_wait3A_103 : memref<32x128xf32, #tpu.memory_space<vmem_shared>>)
      tpu.yield
    }) : () -> ()
    %mul3A_65 = arith.constant 640 : i32
    %mul3A_66 = arith.muli %arg1, %mul3A_65 : i32
    %add3A_67 = arith.constant 448 : i32
    %add3A_68 = arith.addi %mul3A_66, %add3A_67 : i32
    "tpu.region"() ({
      %run_scoped3A = tpu.sem_alloc : memref<!tpu.dma_semaphore, #tpu.memory_space<semaphore_mem>>
      %dma_start3A = arith.constant 0 : i32
      %dma_start3A_98 = tpu.memref_slice %arg8[%add3A_68, %dma_start3A] : memref<10240x128xf32, #tpu.memory_space<vmem_shared>> -> memref<32x128xf32, #tpu.memory_space<vmem_shared>>
      %dma_start3A_99 = arith.constant 0 : i32
      %dma_start3A_100 = tpu.memref_slice %arg8[%add3A_68, %dma_start3A_99] : memref<10240x128xf32, #tpu.memory_space<vmem_shared>> -> memref<32x128xf32, #tpu.memory_space<vmem_shared>>
      tpu.enqueue_dma source(%arg15 : memref<32x128xf32, #tpu.memory_space<vmem>>) target(%dma_start3A_100 : memref<32x128xf32, #tpu.memory_space<vmem_shared>>) target_semaphore(%run_scoped3A : memref<!tpu.dma_semaphore, #tpu.memory_space<semaphore_mem>>)
      %dma_wait3A = arith.constant 0 : i32
      %dma_wait3A_101 = tpu.memref_slice %arg8[%add3A_68, %dma_wait3A] : memref<10240x128xf32, #tpu.memory_space<vmem_shared>> -> memref<32x128xf32, #tpu.memory_space<vmem_shared>>
      %dma_wait3A_102 = arith.constant 0 : i32
      %dma_wait3A_103 = tpu.memref_slice %arg8[%add3A_68, %dma_wait3A_102] : memref<10240x128xf32, #tpu.memory_space<vmem_shared>> -> memref<32x128xf32, #tpu.memory_space<vmem_shared>>
      tpu.wait_dma2 semaphore(%run_scoped3A : memref<!tpu.dma_semaphore, #tpu.memory_space<semaphore_mem>>) src(%arg15 : memref<32x128xf32, #tpu.memory_space<vmem>>) dst(%dma_wait3A_103 : memref<32x128xf32, #tpu.memory_space<vmem_shared>>)
      tpu.yield
    }) : () -> ()
    %mul3A_69 = arith.constant 640 : i32
    %mul3A_70 = arith.muli %arg1, %mul3A_69 : i32
    %add3A_71 = arith.constant 480 : i32
    %add3A_72 = arith.addi %mul3A_70, %add3A_71 : i32
    "tpu.region"() ({
      %run_scoped3A = tpu.sem_alloc : memref<!tpu.dma_semaphore, #tpu.memory_space<semaphore_mem>>
      %dma_start3A = arith.constant 0 : i32
      %dma_start3A_98 = tpu.memref_slice %arg8[%add3A_72, %dma_start3A] : memref<10240x128xf32, #tpu.memory_space<vmem_shared>> -> memref<32x128xf32, #tpu.memory_space<vmem_shared>>
      %dma_start3A_99 = arith.constant 0 : i32
      %dma_start3A_100 = tpu.memref_slice %arg8[%add3A_72, %dma_start3A_99] : memref<10240x128xf32, #tpu.memory_space<vmem_shared>> -> memref<32x128xf32, #tpu.memory_space<vmem_shared>>
      tpu.enqueue_dma source(%arg15 : memref<32x128xf32, #tpu.memory_space<vmem>>) target(%dma_start3A_100 : memref<32x128xf32, #tpu.memory_space<vmem_shared>>) target_semaphore(%run_scoped3A : memref<!tpu.dma_semaphore, #tpu.memory_space<semaphore_mem>>)
      %dma_wait3A = arith.constant 0 : i32
      %dma_wait3A_101 = tpu.memref_slice %arg8[%add3A_72, %dma_wait3A] : memref<10240x128xf32, #tpu.memory_space<vmem_shared>> -> memref<32x128xf32, #tpu.memory_space<vmem_shared>>
      %dma_wait3A_102 = arith.constant 0 : i32
      %dma_wait3A_103 = tpu.memref_slice %arg8[%add3A_72, %dma_wait3A_102] : memref<10240x128xf32, #tpu.memory_space<vmem_shared>> -> memref<32x128xf32, #tpu.memory_space<vmem_shared>>
      tpu.wait_dma2 semaphore(%run_scoped3A : memref<!tpu.dma_semaphore, #tpu.memory_space<semaphore_mem>>) src(%arg15 : memref<32x128xf32, #tpu.memory_space<vmem>>) dst(%dma_wait3A_103 : memref<32x128xf32, #tpu.memory_space<vmem_shared>>)
      tpu.yield
    }) : () -> ()
    %mul3A_73 = arith.constant 640 : i32
    %mul3A_74 = arith.muli %arg1, %mul3A_73 : i32
    %add3A_75 = arith.constant 512 : i32
    %add3A_76 = arith.addi %mul3A_74, %add3A_75 : i32
    "tpu.region"() ({
      %run_scoped3A = tpu.sem_alloc : memref<!tpu.dma_semaphore, #tpu.memory_space<semaphore_mem>>
      %dma_start3A = arith.constant 0 : i32
      %dma_start3A_98 = tpu.memref_slice %arg8[%add3A_76, %dma_start3A] : memref<10240x128xf32, #tpu.memory_space<vmem_shared>> -> memref<32x128xf32, #tpu.memory_space<vmem_shared>>
      %dma_start3A_99 = arith.constant 0 : i32
      %dma_start3A_100 = tpu.memref_slice %arg8[%add3A_76, %dma_start3A_99] : memref<10240x128xf32, #tpu.memory_space<vmem_shared>> -> memref<32x128xf32, #tpu.memory_space<vmem_shared>>
      tpu.enqueue_dma source(%arg15 : memref<32x128xf32, #tpu.memory_space<vmem>>) target(%dma_start3A_100 : memref<32x128xf32, #tpu.memory_space<vmem_shared>>) target_semaphore(%run_scoped3A : memref<!tpu.dma_semaphore, #tpu.memory_space<semaphore_mem>>)
      %dma_wait3A = arith.constant 0 : i32
      %dma_wait3A_101 = tpu.memref_slice %arg8[%add3A_76, %dma_wait3A] : memref<10240x128xf32, #tpu.memory_space<vmem_shared>> -> memref<32x128xf32, #tpu.memory_space<vmem_shared>>
      %dma_wait3A_102 = arith.constant 0 : i32
      %dma_wait3A_103 = tpu.memref_slice %arg8[%add3A_76, %dma_wait3A_102] : memref<10240x128xf32, #tpu.memory_space<vmem_shared>> -> memref<32x128xf32, #tpu.memory_space<vmem_shared>>
      tpu.wait_dma2 semaphore(%run_scoped3A : memref<!tpu.dma_semaphore, #tpu.memory_space<semaphore_mem>>) src(%arg15 : memref<32x128xf32, #tpu.memory_space<vmem>>) dst(%dma_wait3A_103 : memref<32x128xf32, #tpu.memory_space<vmem_shared>>)
      tpu.yield
    }) : () -> ()
    %mul3A_77 = arith.constant 640 : i32
    %mul3A_78 = arith.muli %arg1, %mul3A_77 : i32
    %add3A_79 = arith.constant 544 : i32
    %add3A_80 = arith.addi %mul3A_78, %add3A_79 : i32
    "tpu.region"() ({
      %run_scoped3A = tpu.sem_alloc : memref<!tpu.dma_semaphore, #tpu.memory_space<semaphore_mem>>
      %dma_start3A = arith.constant 0 : i32
      %dma_start3A_98 = tpu.memref_slice %arg8[%add3A_80, %dma_start3A] : memref<10240x128xf32, #tpu.memory_space<vmem_shared>> -> memref<32x128xf32, #tpu.memory_space<vmem_shared>>
      %dma_start3A_99 = arith.constant 0 : i32
      %dma_start3A_100 = tpu.memref_slice %arg8[%add3A_80, %dma_start3A_99] : memref<10240x128xf32, #tpu.memory_space<vmem_shared>> -> memref<32x128xf32, #tpu.memory_space<vmem_shared>>
      tpu.enqueue_dma source(%arg15 : memref<32x128xf32, #tpu.memory_space<vmem>>) target(%dma_start3A_100 : memref<32x128xf32, #tpu.memory_space<vmem_shared>>) target_semaphore(%run_scoped3A : memref<!tpu.dma_semaphore, #tpu.memory_space<semaphore_mem>>)
      %dma_wait3A = arith.constant 0 : i32
      %dma_wait3A_101 = tpu.memref_slice %arg8[%add3A_80, %dma_wait3A] : memref<10240x128xf32, #tpu.memory_space<vmem_shared>> -> memref<32x128xf32, #tpu.memory_space<vmem_shared>>
      %dma_wait3A_102 = arith.constant 0 : i32
      %dma_wait3A_103 = tpu.memref_slice %arg8[%add3A_80, %dma_wait3A_102] : memref<10240x128xf32, #tpu.memory_space<vmem_shared>> -> memref<32x128xf32, #tpu.memory_space<vmem_shared>>
      tpu.wait_dma2 semaphore(%run_scoped3A : memref<!tpu.dma_semaphore, #tpu.memory_space<semaphore_mem>>) src(%arg15 : memref<32x128xf32, #tpu.memory_space<vmem>>) dst(%dma_wait3A_103 : memref<32x128xf32, #tpu.memory_space<vmem_shared>>)
      tpu.yield
    }) : () -> ()
    %mul3A_81 = arith.constant 640 : i32
    %mul3A_82 = arith.muli %arg1, %mul3A_81 : i32
    %add3A_83 = arith.constant 576 : i32
    %add3A_84 = arith.addi %mul3A_82, %add3A_83 : i32
    "tpu.region"() ({
      %run_scoped3A = tpu.sem_alloc : memref<!tpu.dma_semaphore, #tpu.memory_space<semaphore_mem>>
      %dma_start3A = arith.constant 0 : i32
      %dma_start3A_98 = tpu.memref_slice %arg8[%add3A_84, %dma_start3A] : memref<10240x128xf32, #tpu.memory_space<vmem_shared>> -> memref<32x128xf32, #tpu.memory_space<vmem_shared>>
      %dma_start3A_99 = arith.constant 0 : i32
      %dma_start3A_100 = tpu.memref_slice %arg8[%add3A_84, %dma_start3A_99] : memref<10240x128xf32, #tpu.memory_space<vmem_shared>> -> memref<32x128xf32, #tpu.memory_space<vmem_shared>>
      tpu.enqueue_dma source(%arg15 : memref<32x128xf32, #tpu.memory_space<vmem>>) target(%dma_start3A_100 : memref<32x128xf32, #tpu.memory_space<vmem_shared>>) target_semaphore(%run_scoped3A : memref<!tpu.dma_semaphore, #tpu.memory_space<semaphore_mem>>)
      %dma_wait3A = arith.constant 0 : i32
      %dma_wait3A_101 = tpu.memref_slice %arg8[%add3A_84, %dma_wait3A] : memref<10240x128xf32, #tpu.memory_space<vmem_shared>> -> memref<32x128xf32, #tpu.memory_space<vmem_shared>>
      %dma_wait3A_102 = arith.constant 0 : i32
      %dma_wait3A_103 = tpu.memref_slice %arg8[%add3A_84, %dma_wait3A_102] : memref<10240x128xf32, #tpu.memory_space<vmem_shared>> -> memref<32x128xf32, #tpu.memory_space<vmem_shared>>
      tpu.wait_dma2 semaphore(%run_scoped3A : memref<!tpu.dma_semaphore, #tpu.memory_space<semaphore_mem>>) src(%arg15 : memref<32x128xf32, #tpu.memory_space<vmem>>) dst(%dma_wait3A_103 : memref<32x128xf32, #tpu.memory_space<vmem_shared>>)
      tpu.yield
    }) : () -> ()
    %mul3A_85 = arith.constant 640 : i32
    %mul3A_86 = arith.muli %arg1, %mul3A_85 : i32
    %add3A_87 = arith.constant 608 : i32
    %add3A_88 = arith.addi %mul3A_86, %add3A_87 : i32
    "tpu.region"() ({
      %run_scoped3A = tpu.sem_alloc : memref<!tpu.dma_semaphore, #tpu.memory_space<semaphore_mem>>
      %dma_start3A = arith.constant 0 : i32
      %dma_start3A_98 = tpu.memref_slice %arg8[%add3A_88, %dma_start3A] : memref<10240x128xf32, #tpu.memory_space<vmem_shared>> -> memref<32x128xf32, #tpu.memory_space<vmem_shared>>
      %dma_start3A_99 = arith.constant 0 : i32
      %dma_start3A_100 = tpu.memref_slice %arg8[%add3A_88, %dma_start3A_99] : memref<10240x128xf32, #tpu.memory_space<vmem_shared>> -> memref<32x128xf32, #tpu.memory_space<vmem_shared>>
      tpu.enqueue_dma source(%arg15 : memref<32x128xf32, #tpu.memory_space<vmem>>) target(%dma_start3A_100 : memref<32x128xf32, #tpu.memory_space<vmem_shared>>) target_semaphore(%run_scoped3A : memref<!tpu.dma_semaphore, #tpu.memory_space<semaphore_mem>>)
      %dma_wait3A = arith.constant 0 : i32
      %dma_wait3A_101 = tpu.memref_slice %arg8[%add3A_88, %dma_wait3A] : memref<10240x128xf32, #tpu.memory_space<vmem_shared>> -> memref<32x128xf32, #tpu.memory_space<vmem_shared>>
      %dma_wait3A_102 = arith.constant 0 : i32
      %dma_wait3A_103 = tpu.memref_slice %arg8[%add3A_88, %dma_wait3A_102] : memref<10240x128xf32, #tpu.memory_space<vmem_shared>> -> memref<32x128xf32, #tpu.memory_space<vmem_shared>>
      tpu.wait_dma2 semaphore(%run_scoped3A : memref<!tpu.dma_semaphore, #tpu.memory_space<semaphore_mem>>) src(%arg15 : memref<32x128xf32, #tpu.memory_space<vmem>>) dst(%dma_wait3A_103 : memref<32x128xf32, #tpu.memory_space<vmem_shared>>)
      tpu.yield
    }) : () -> ()
    %barrier3A = arith.constant 0 : index
    tpu.barrier barrier_id(%barrier3A)
    %scan3A_89 = arith.constant 0 : i32
    %scan3A_90 = arith.constant 0 : i32
    %scan3A_91 = arith.constant 125 : i32
    %scan3A_92 = arith.addi %scan3A_90, %scan3A_91 : i32
    %scan3A_93 = arith.constant 1 : i32
    scf.for %scan3A_98 = %scan3A_90 to %scan3A_92 step %scan3A_93  : i32 {
      %mul3A_99 = arith.constant 80 : i32
      %mul3A_100 = arith.muli %scan3A_98, %mul3A_99 : i32
      %add3A_101 = arith.addi %mul3A_2, %mul3A_100 : i32
      "tpu.region"() ({
        %run_scoped3A = tpu.sem_alloc : memref<!tpu.dma_semaphore, #tpu.memory_space<semaphore_mem>>
        %dma_start3A_124 = tpu.memref_slice %arg6[%add3A_101] : memref<320000xi32, #tpu.memory_space<hbm>> -> memref<80xi32, #tpu.memory_space<hbm>>
        %dma_start3A_125 = tpu.memref_slice %arg6[%add3A_101] : memref<320000xi32, #tpu.memory_space<hbm>> -> memref<80xi32, #tpu.memory_space<hbm>>
        tpu.enqueue_dma source(%dma_start3A_125 : memref<80xi32, #tpu.memory_space<hbm>>) target(%arg9 : memref<80xi32, #tpu.memory_space<vmem>>) target_semaphore(%run_scoped3A : memref<!tpu.dma_semaphore, #tpu.memory_space<semaphore_mem>>)
        %dma_wait3A_126 = tpu.memref_slice %arg6[%add3A_101] : memref<320000xi32, #tpu.memory_space<hbm>> -> memref<80xi32, #tpu.memory_space<hbm>>
        %dma_wait3A_127 = tpu.memref_slice %arg6[%add3A_101] : memref<320000xi32, #tpu.memory_space<hbm>> -> memref<80xi32, #tpu.memory_space<hbm>>
        tpu.wait_dma2 semaphore(%run_scoped3A : memref<!tpu.dma_semaphore, #tpu.memory_space<semaphore_mem>>) src(%dma_wait3A_127 : memref<80xi32, #tpu.memory_space<hbm>>) dst(%arg9 : memref<80xi32, #tpu.memory_space<vmem>>)
        tpu.yield
      }) : () -> ()
      %dma_start3A = arith.constant 0 : i32
      %dma_start3A_102 = arith.constant 0 : i32
      %dma_start3A_103 = tpu.memref_slice %arg2[%dma_start3A, %dma_start3A_102] : memref<10000x128xf32, #tpu.memory_space<hbm>> -> memref<10000x128xf32, #tpu.memory_space<hbm>>
      tpu.enqueue_indirect_dma source(%dma_start3A_103 : memref<10000x128xf32, #tpu.memory_space<hbm>>) target(%arg11 : memref<80x128xf32, #tpu.memory_space<vmem>>) offsets(%arg9 : memref<80xi32, #tpu.memory_space<vmem>>) semaphore(%arg16 : memref<!tpu.dma_semaphore, #tpu.memory_space<semaphore_mem>>)
      "tpu.region"() ({
        %run_scoped3A = tpu.sem_alloc : memref<!tpu.dma_semaphore, #tpu.memory_space<semaphore_mem>>
        %dma_start3A_124 = tpu.memref_slice %arg5[%add3A_101] : memref<320000xi32, #tpu.memory_space<hbm>> -> memref<80xi32, #tpu.memory_space<hbm>>
        %dma_start3A_125 = tpu.memref_slice %arg5[%add3A_101] : memref<320000xi32, #tpu.memory_space<hbm>> -> memref<80xi32, #tpu.memory_space<hbm>>
        tpu.enqueue_dma source(%dma_start3A_125 : memref<80xi32, #tpu.memory_space<hbm>>) target(%arg10 : memref<80xi32, #tpu.memory_space<vmem>>) target_semaphore(%run_scoped3A : memref<!tpu.dma_semaphore, #tpu.memory_space<semaphore_mem>>)
        %dma_wait3A_126 = tpu.memref_slice %arg5[%add3A_101] : memref<320000xi32, #tpu.memory_space<hbm>> -> memref<80xi32, #tpu.memory_space<hbm>>
        %dma_wait3A_127 = tpu.memref_slice %arg5[%add3A_101] : memref<320000xi32, #tpu.memory_space<hbm>> -> memref<80xi32, #tpu.memory_space<hbm>>
        tpu.wait_dma2 semaphore(%run_scoped3A : memref<!tpu.dma_semaphore, #tpu.memory_space<semaphore_mem>>) src(%dma_wait3A_127 : memref<80xi32, #tpu.memory_space<hbm>>) dst(%arg10 : memref<80xi32, #tpu.memory_space<vmem>>)
        tpu.yield
      }) : () -> ()
      %dma_start3A_104 = arith.constant 0 : i32
      %dma_start3A_105 = arith.constant 0 : i32
      %dma_start3A_106 = tpu.memref_slice %arg3[%dma_start3A_104, %dma_start3A_105] : memref<10000x128xf32, #tpu.memory_space<hbm>> -> memref<10000x128xf32, #tpu.memory_space<hbm>>
      tpu.enqueue_indirect_dma source(%dma_start3A_106 : memref<10000x128xf32, #tpu.memory_space<hbm>>) target(%arg12 : memref<80x128xf32, #tpu.memory_space<vmem>>) offsets(%arg10 : memref<80xi32, #tpu.memory_space<vmem>>) semaphore(%arg17 : memref<!tpu.dma_semaphore, #tpu.memory_space<semaphore_mem>>)
      "tpu.region"() ({
        %run_scoped3A = tpu.sem_alloc : memref<!tpu.dma_semaphore, #tpu.memory_space<semaphore_mem>>
        %dma_start3A_124 = arith.constant 0 : i32
        %dma_start3A_125 = tpu.memref_slice %arg4[%add3A_101, %dma_start3A_124] : memref<320000x128xf32, #tpu.memory_space<hbm>> -> memref<80x128xf32, #tpu.memory_space<hbm>>
        %dma_start3A_126 = arith.constant 0 : i32
        %dma_start3A_127 = tpu.memref_slice %arg4[%add3A_101, %dma_start3A_126] : memref<320000x128xf32, #tpu.memory_space<hbm>> -> memref<80x128xf32, #tpu.memory_space<hbm>>
        tpu.enqueue_dma source(%dma_start3A_127 : memref<80x128xf32, #tpu.memory_space<hbm>>) target(%arg13 : memref<80x128xf32, #tpu.memory_space<vmem>>) target_semaphore(%run_scoped3A : memref<!tpu.dma_semaphore, #tpu.memory_space<semaphore_mem>>)
        %dma_wait3A_128 = arith.constant 0 : i32
        %dma_wait3A_129 = tpu.memref_slice %arg4[%add3A_101, %dma_wait3A_128] : memref<320000x128xf32, #tpu.memory_space<hbm>> -> memref<80x128xf32, #tpu.memory_space<hbm>>
        %dma_wait3A_130 = arith.constant 0 : i32
        %dma_wait3A_131 = tpu.memref_slice %arg4[%add3A_101, %dma_wait3A_130] : memref<320000x128xf32, #tpu.memory_space<hbm>> -> memref<80x128xf32, #tpu.memory_space<hbm>>
        tpu.wait_dma2 semaphore(%run_scoped3A : memref<!tpu.dma_semaphore, #tpu.memory_space<semaphore_mem>>) src(%dma_wait3A_131 : memref<80x128xf32, #tpu.memory_space<hbm>>) dst(%arg13 : memref<80x128xf32, #tpu.memory_space<vmem>>)
        tpu.yield
      }) : () -> ()
      %dma_wait3A = arith.constant 0 : i32
      %dma_wait3A_107 = arith.constant 0 : i32
      %dma_wait3A_108 = tpu.memref_slice %arg2[%dma_wait3A, %dma_wait3A_107] : memref<10000x128xf32, #tpu.memory_space<hbm>> -> memref<10000x128xf32, #tpu.memory_space<hbm>>
      tpu.wait_indirect_dma semaphore(%arg16 : memref<!tpu.dma_semaphore, #tpu.memory_space<semaphore_mem>>) src(%dma_wait3A_108 : memref<10000x128xf32, #tpu.memory_space<hbm>>) dst(%arg11 : memref<80x128xf32, #tpu.memory_space<vmem>>)
      %dma_wait3A_109 = arith.constant 0 : i32
      %dma_wait3A_110 = arith.constant 0 : i32
      %dma_wait3A_111 = tpu.memref_slice %arg3[%dma_wait3A_109, %dma_wait3A_110] : memref<10000x128xf32, #tpu.memory_space<hbm>> -> memref<10000x128xf32, #tpu.memory_space<hbm>>
      tpu.wait_indirect_dma semaphore(%arg17 : memref<!tpu.dma_semaphore, #tpu.memory_space<semaphore_mem>>) src(%dma_wait3A_111 : memref<10000x128xf32, #tpu.memory_space<hbm>>) dst(%arg12 : memref<80x128xf32, #tpu.memory_space<vmem>>)
      %scan3A_112 = arith.constant 0 : i32
      %scan3A_113 = arith.constant 0 : i32
      %scan3A_114 = arith.constant 80 : i32
      %scan3A_115 = arith.addi %scan3A_113, %scan3A_114 : i32
      %scan3A_116 = arith.constant 1 : i32
      scf.for %scan3A_124 = %scan3A_113 to %scan3A_115 step %scan3A_116  : i32 {
        %get3A = arith.index_cast %scan3A_124 : i32 to index
        %get3A_125 = arith.constant 0 : index
        %get3A_126 = tpu.vector_load %arg11[%get3A, %get3A_125] {strides = array<i32>} : memref<80x128xf32, #tpu.memory_space<vmem>>, vector<1x16xf32>,
        %get3A_127 = vector.shape_cast %get3A_126 : vector<1x16xf32> to vector<16xf32>
        %get3A_128 = arith.index_cast %scan3A_124 : i32 to index
        %get3A_129 = arith.constant 0 : index
        %get3A_130 = tpu.vector_load %arg12[%get3A_128, %get3A_129] {strides = array<i32>} : memref<80x128xf32, #tpu.memory_space<vmem>>, vector<1x16xf32>,
        %get3A_131 = vector.shape_cast %get3A_130 : vector<1x16xf32> to vector<16xf32>
        %add3A_132 = arith.addf %get3A_127, %get3A_131 : vector<16xf32>
        %get3A_133 = arith.index_cast %scan3A_124 : i32 to index
        %get3A_134 = arith.constant 0 : index
        %get3A_135 = tpu.vector_load %arg13[%get3A_133, %get3A_134] {strides = array<i32>} : memref<80x128xf32, #tpu.memory_space<vmem>>, vector<1x16xf32>,
        %get3A_136 = vector.shape_cast %get3A_135 : vector<1x16xf32> to vector<16xf32>
        %add3A_137 = arith.addf %add3A_132, %get3A_136 : vector<16xf32>
        %max3A = arith.constant 0.000000e+00 : f32
        %max3A_138 = vector.broadcast %max3A : f32 to vector<16xf32>
        %max3A_139 = arith.maximumf %add3A_137, %max3A_138 : vector<16xf32>
        %swap3A = arith.index_cast %scan3A_124 : i32 to index
        %swap3A_140 = arith.constant 0 : index
        %swap3A_141 = tpu.vector_load %arg14[%swap3A, %swap3A_140] {strides = array<i32>} : memref<80x128xf32, #tpu.memory_space<vmem>>, vector<1x16xf32>,
        %swap3A_142 = vector.shape_cast %swap3A_141 : vector<1x16xf32> to vector<16xf32>
        %swap3A_143 = vector.shape_cast %max3A_139 : vector<16xf32> to vector<1x16xf32>
        tpu.vector_store %arg14[%swap3A, %swap3A_140], %swap3A_143 {strides = array<i32>} : memref<80x128xf32, #tpu.memory_space<vmem>>, vector<1x16xf32>,
        %get3A_144 = arith.index_cast %scan3A_124 : i32 to index
        %get3A_145 = arith.constant 16 : index
        %get3A_146 = tpu.vector_load %arg11[%get3A_144, %get3A_145] {strides = array<i32>} : memref<80x128xf32, #tpu.memory_space<vmem>>, vector<1x16xf32>,
        %get3A_147 = vector.shape_cast %get3A_146 : vector<1x16xf32> to vector<16xf32>
        %get3A_148 = arith.index_cast %scan3A_124 : i32 to index
        %get3A_149 = arith.constant 16 : index
        %get3A_150 = tpu.vector_load %arg12[%get3A_148, %get3A_149] {strides = array<i32>} : memref<80x128xf32, #tpu.memory_space<vmem>>, vector<1x16xf32>,
        %get3A_151 = vector.shape_cast %get3A_150 : vector<1x16xf32> to vector<16xf32>
        %add3A_152 = arith.addf %get3A_147, %get3A_151 : vector<16xf32>
        %get3A_153 = arith.index_cast %scan3A_124 : i32 to index
        %get3A_154 = arith.constant 16 : index
        %get3A_155 = tpu.vector_load %arg13[%get3A_153, %get3A_154] {strides = array<i32>} : memref<80x128xf32, #tpu.memory_space<vmem>>, vector<1x16xf32>,
        %get3A_156 = vector.shape_cast %get3A_155 : vector<1x16xf32> to vector<16xf32>
        %add3A_157 = arith.addf %add3A_152, %get3A_156 : vector<16xf32>
        %max3A_158 = arith.constant 0.000000e+00 : f32
        %max3A_159 = vector.broadcast %max3A_158 : f32 to vector<16xf32>
        %max3A_160 = arith.maximumf %add3A_157, %max3A_159 : vector<16xf32>
        %swap3A_161 = arith.index_cast %scan3A_124 : i32 to index
        %swap3A_162 = arith.constant 16 : index
        %swap3A_163 = tpu.vector_load %arg14[%swap3A_161, %swap3A_162] {strides = array<i32>} : memref<80x128xf32, #tpu.memory_space<vmem>>, vector<1x16xf32>,
        %swap3A_164 = vector.shape_cast %swap3A_163 : vector<1x16xf32> to vector<16xf32>
        %swap3A_165 = vector.shape_cast %max3A_160 : vector<16xf32> to vector<1x16xf32>
        tpu.vector_store %arg14[%swap3A_161, %swap3A_162], %swap3A_165 {strides = array<i32>} : memref<80x128xf32, #tpu.memory_space<vmem>>, vector<1x16xf32>,
        %get3A_166 = arith.index_cast %scan3A_124 : i32 to index
        %get3A_167 = arith.constant 32 : index
        %get3A_168 = tpu.vector_load %arg11[%get3A_166, %get3A_167] {strides = array<i32>} : memref<80x128xf32, #tpu.memory_space<vmem>>, vector<1x16xf32>,
        %get3A_169 = vector.shape_cast %get3A_168 : vector<1x16xf32> to vector<16xf32>
        %get3A_170 = arith.index_cast %scan3A_124 : i32 to index
        %get3A_171 = arith.constant 32 : index
        %get3A_172 = tpu.vector_load %arg12[%get3A_170, %get3A_171] {strides = array<i32>} : memref<80x128xf32, #tpu.memory_space<vmem>>, vector<1x16xf32>,
        %get3A_173 = vector.shape_cast %get3A_172 : vector<1x16xf32> to vector<16xf32>
        %add3A_174 = arith.addf %get3A_169, %get3A_173 : vector<16xf32>
        %get3A_175 = arith.index_cast %scan3A_124 : i32 to index
        %get3A_176 = arith.constant 32 : index
        %get3A_177 = tpu.vector_load %arg13[%get3A_175, %get3A_176] {strides = array<i32>} : memref<80x128xf32, #tpu.memory_space<vmem>>, vector<1x16xf32>,
        %get3A_178 = vector.shape_cast %get3A_177 : vector<1x16xf32> to vector<16xf32>
        %add3A_179 = arith.addf %add3A_174, %get3A_178 : vector<16xf32>
        %max3A_180 = arith.constant 0.000000e+00 : f32
        %max3A_181 = vector.broadcast %max3A_180 : f32 to vector<16xf32>
        %max3A_182 = arith.maximumf %add3A_179, %max3A_181 : vector<16xf32>
        %swap3A_183 = arith.index_cast %scan3A_124 : i32 to index
        %swap3A_184 = arith.constant 32 : index
        %swap3A_185 = tpu.vector_load %arg14[%swap3A_183, %swap3A_184] {strides = array<i32>} : memref<80x128xf32, #tpu.memory_space<vmem>>, vector<1x16xf32>,
        %swap3A_186 = vector.shape_cast %swap3A_185 : vector<1x16xf32> to vector<16xf32>
        %swap3A_187 = vector.shape_cast %max3A_182 : vector<16xf32> to vector<1x16xf32>
        tpu.vector_store %arg14[%swap3A_183, %swap3A_184], %swap3A_187 {strides = array<i32>} : memref<80x128xf32, #tpu.memory_space<vmem>>, vector<1x16xf32>,
        %get3A_188 = arith.index_cast %scan3A_124 : i32 to index
        %get3A_189 = arith.constant 48 : index
        %get3A_190 = tpu.vector_load %arg11[%get3A_188, %get3A_189] {strides = array<i32>} : memref<80x128xf32, #tpu.memory_space<vmem>>, vector<1x16xf32>,
        %get3A_191 = vector.shape_cast %get3A_190 : vector<1x16xf32> to vector<16xf32>
        %get3A_192 = arith.index_cast %scan3A_124 : i32 to index
        %get3A_193 = arith.constant 48 : index
        %get3A_194 = tpu.vector_load %arg12[%get3A_192, %get3A_193] {strides = array<i32>} : memref<80x128xf32, #tpu.memory_space<vmem>>, vector<1x16xf32>,
        %get3A_195 = vector.shape_cast %get3A_194 : vector<1x16xf32> to vector<16xf32>
        %add3A_196 = arith.addf %get3A_191, %get3A_195 : vector<16xf32>
        %get3A_197 = arith.index_cast %scan3A_124 : i32 to index
        %get3A_198 = arith.constant 48 : index
        %get3A_199 = tpu.vector_load %arg13[%get3A_197, %get3A_198] {strides = array<i32>} : memref<80x128xf32, #tpu.memory_space<vmem>>, vector<1x16xf32>,
        %get3A_200 = vector.shape_cast %get3A_199 : vector<1x16xf32> to vector<16xf32>
        %add3A_201 = arith.addf %add3A_196, %get3A_200 : vector<16xf32>
        %max3A_202 = arith.constant 0.000000e+00 : f32
        %max3A_203 = vector.broadcast %max3A_202 : f32 to vector<16xf32>
        %max3A_204 = arith.maximumf %add3A_201, %max3A_203 : vector<16xf32>
        %swap3A_205 = arith.index_cast %scan3A_124 : i32 to index
        %swap3A_206 = arith.constant 48 : index
        %swap3A_207 = tpu.vector_load %arg14[%swap3A_205, %swap3A_206] {strides = array<i32>} : memref<80x128xf32, #tpu.memory_space<vmem>>, vector<1x16xf32>,
        %swap3A_208 = vector.shape_cast %swap3A_207 : vector<1x16xf32> to vector<16xf32>
        %swap3A_209 = vector.shape_cast %max3A_204 : vector<16xf32> to vector<1x16xf32>
        tpu.vector_store %arg14[%swap3A_205, %swap3A_206], %swap3A_209 {strides = array<i32>} : memref<80x128xf32, #tpu.memory_space<vmem>>, vector<1x16xf32>,
        %get3A_210 = arith.index_cast %scan3A_124 : i32 to index
        %get3A_211 = arith.constant 64 : index
        %get3A_212 = tpu.vector_load %arg11[%get3A_210, %get3A_211] {strides = array<i32>} : memref<80x128xf32, #tpu.memory_space<vmem>>, vector<1x16xf32>,
        %get3A_213 = vector.shape_cast %get3A_212 : vector<1x16xf32> to vector<16xf32>
        %get3A_214 = arith.index_cast %scan3A_124 : i32 to index
        %get3A_215 = arith.constant 64 : index
        %get3A_216 = tpu.vector_load %arg12[%get3A_214, %get3A_215] {strides = array<i32>} : memref<80x128xf32, #tpu.memory_space<vmem>>, vector<1x16xf32>,
        %get3A_217 = vector.shape_cast %get3A_216 : vector<1x16xf32> to vector<16xf32>
        %add3A_218 = arith.addf %get3A_213, %get3A_217 : vector<16xf32>
        %get3A_219 = arith.index_cast %scan3A_124 : i32 to index
        %get3A_220 = arith.constant 64 : index
        %get3A_221 = tpu.vector_load %arg13[%get3A_219, %get3A_220] {strides = array<i32>} : memref<80x128xf32, #tpu.memory_space<vmem>>, vector<1x16xf32>,
        %get3A_222 = vector.shape_cast %get3A_221 : vector<1x16xf32> to vector<16xf32>
        %add3A_223 = arith.addf %add3A_218, %get3A_222 : vector<16xf32>
        %max3A_224 = arith.constant 0.000000e+00 : f32
        %max3A_225 = vector.broadcast %max3A_224 : f32 to vector<16xf32>
        %max3A_226 = arith.maximumf %add3A_223, %max3A_225 : vector<16xf32>
        %swap3A_227 = arith.index_cast %scan3A_124 : i32 to index
        %swap3A_228 = arith.constant 64 : index
        %swap3A_229 = tpu.vector_load %arg14[%swap3A_227, %swap3A_228] {strides = array<i32>} : memref<80x128xf32, #tpu.memory_space<vmem>>, vector<1x16xf32>,
        %swap3A_230 = vector.shape_cast %swap3A_229 : vector<1x16xf32> to vector<16xf32>
        %swap3A_231 = vector.shape_cast %max3A_226 : vector<16xf32> to vector<1x16xf32>
        tpu.vector_store %arg14[%swap3A_227, %swap3A_228], %swap3A_231 {strides = array<i32>} : memref<80x128xf32, #tpu.memory_space<vmem>>, vector<1x16xf32>,
        %get3A_232 = arith.index_cast %scan3A_124 : i32 to index
        %get3A_233 = arith.constant 80 : index
        %get3A_234 = tpu.vector_load %arg11[%get3A_232, %get3A_233] {strides = array<i32>} : memref<80x128xf32, #tpu.memory_space<vmem>>, vector<1x16xf32>,
        %get3A_235 = vector.shape_cast %get3A_234 : vector<1x16xf32> to vector<16xf32>
        %get3A_236 = arith.index_cast %scan3A_124 : i32 to index
        %get3A_237 = arith.constant 80 : index
        %get3A_238 = tpu.vector_load %arg12[%get3A_236, %get3A_237] {strides = array<i32>} : memref<80x128xf32, #tpu.memory_space<vmem>>, vector<1x16xf32>,
        %get3A_239 = vector.shape_cast %get3A_238 : vector<1x16xf32> to vector<16xf32>
        %add3A_240 = arith.addf %get3A_235, %get3A_239 : vector<16xf32>
        %get3A_241 = arith.index_cast %scan3A_124 : i32 to index
        %get3A_242 = arith.constant 80 : index
        %get3A_243 = tpu.vector_load %arg13[%get3A_241, %get3A_242] {strides = array<i32>} : memref<80x128xf32, #tpu.memory_space<vmem>>, vector<1x16xf32>,
        %get3A_244 = vector.shape_cast %get3A_243 : vector<1x16xf32> to vector<16xf32>
        %add3A_245 = arith.addf %add3A_240, %get3A_244 : vector<16xf32>
        %max3A_246 = arith.constant 0.000000e+00 : f32
        %max3A_247 = vector.broadcast %max3A_246 : f32 to vector<16xf32>
        %max3A_248 = arith.maximumf %add3A_245, %max3A_247 : vector<16xf32>
        %swap3A_249 = arith.index_cast %scan3A_124 : i32 to index
        %swap3A_250 = arith.constant 80 : index
        %swap3A_251 = tpu.vector_load %arg14[%swap3A_249, %swap3A_250] {strides = array<i32>} : memref<80x128xf32, #tpu.memory_space<vmem>>, vector<1x16xf32>,
        %swap3A_252 = vector.shape_cast %swap3A_251 : vector<1x16xf32> to vector<16xf32>
        %swap3A_253 = vector.shape_cast %max3A_248 : vector<16xf32> to vector<1x16xf32>
        tpu.vector_store %arg14[%swap3A_249, %swap3A_250], %swap3A_253 {strides = array<i32>} : memref<80x128xf32, #tpu.memory_space<vmem>>, vector<1x16xf32>,
        %get3A_254 = arith.index_cast %scan3A_124 : i32 to index
        %get3A_255 = arith.constant 96 : index
        %get3A_256 = tpu.vector_load %arg11[%get3A_254, %get3A_255] {strides = array<i32>} : memref<80x128xf32, #tpu.memory_space<vmem>>, vector<1x16xf32>,
        %get3A_257 = vector.shape_cast %get3A_256 : vector<1x16xf32> to vector<16xf32>
        %get3A_258 = arith.index_cast %scan3A_124 : i32 to index
        %get3A_259 = arith.constant 96 : index
        %get3A_260 = tpu.vector_load %arg12[%get3A_258, %get3A_259] {strides = array<i32>} : memref<80x128xf32, #tpu.memory_space<vmem>>, vector<1x16xf32>,
        %get3A_261 = vector.shape_cast %get3A_260 : vector<1x16xf32> to vector<16xf32>
        %add3A_262 = arith.addf %get3A_257, %get3A_261 : vector<16xf32>
        %get3A_263 = arith.index_cast %scan3A_124 : i32 to index
        %get3A_264 = arith.constant 96 : index
        %get3A_265 = tpu.vector_load %arg13[%get3A_263, %get3A_264] {strides = array<i32>} : memref<80x128xf32, #tpu.memory_space<vmem>>, vector<1x16xf32>,
        %get3A_266 = vector.shape_cast %get3A_265 : vector<1x16xf32> to vector<16xf32>
        %add3A_267 = arith.addf %add3A_262, %get3A_266 : vector<16xf32>
        %max3A_268 = arith.constant 0.000000e+00 : f32
        %max3A_269 = vector.broadcast %max3A_268 : f32 to vector<16xf32>
        %max3A_270 = arith.maximumf %add3A_267, %max3A_269 : vector<16xf32>
        %swap3A_271 = arith.index_cast %scan3A_124 : i32 to index
        %swap3A_272 = arith.constant 96 : index
        %swap3A_273 = tpu.vector_load %arg14[%swap3A_271, %swap3A_272] {strides = array<i32>} : memref<80x128xf32, #tpu.memory_space<vmem>>, vector<1x16xf32>,
        %swap3A_274 = vector.shape_cast %swap3A_273 : vector<1x16xf32> to vector<16xf32>
        %swap3A_275 = vector.shape_cast %max3A_270 : vector<16xf32> to vector<1x16xf32>
        tpu.vector_store %arg14[%swap3A_271, %swap3A_272], %swap3A_275 {strides = array<i32>} : memref<80x128xf32, #tpu.memory_space<vmem>>, vector<1x16xf32>,
        %get3A_276 = arith.index_cast %scan3A_124 : i32 to index
        %get3A_277 = arith.constant 112 : index
        %get3A_278 = tpu.vector_load %arg11[%get3A_276, %get3A_277] {strides = array<i32>} : memref<80x128xf32, #tpu.memory_space<vmem>>, vector<1x16xf32>,
        %get3A_279 = vector.shape_cast %get3A_278 : vector<1x16xf32> to vector<16xf32>
        %get3A_280 = arith.index_cast %scan3A_124 : i32 to index
        %get3A_281 = arith.constant 112 : index
        %get3A_282 = tpu.vector_load %arg12[%get3A_280, %get3A_281] {strides = array<i32>} : memref<80x128xf32, #tpu.memory_space<vmem>>, vector<1x16xf32>,
        %get3A_283 = vector.shape_cast %get3A_282 : vector<1x16xf32> to vector<16xf32>
        %add3A_284 = arith.addf %get3A_279, %get3A_283 : vector<16xf32>
        %get3A_285 = arith.index_cast %scan3A_124 : i32 to index
        %get3A_286 = arith.constant 112 : index
        %get3A_287 = tpu.vector_load %arg13[%get3A_285, %get3A_286] {strides = array<i32>} : memref<80x128xf32, #tpu.memory_space<vmem>>, vector<1x16xf32>,
        %get3A_288 = vector.shape_cast %get3A_287 : vector<1x16xf32> to vector<16xf32>
        %add3A_289 = arith.addf %add3A_284, %get3A_288 : vector<16xf32>
        %max3A_290 = arith.constant 0.000000e+00 : f32
        %max3A_291 = vector.broadcast %max3A_290 : f32 to vector<16xf32>
        %max3A_292 = arith.maximumf %add3A_289, %max3A_291 : vector<16xf32>
        %swap3A_293 = arith.index_cast %scan3A_124 : i32 to index
        %swap3A_294 = arith.constant 112 : index
        %swap3A_295 = tpu.vector_load %arg14[%swap3A_293, %swap3A_294] {strides = array<i32>} : memref<80x128xf32, #tpu.memory_space<vmem>>, vector<1x16xf32>,
        %swap3A_296 = vector.shape_cast %swap3A_295 : vector<1x16xf32> to vector<16xf32>
        %swap3A_297 = vector.shape_cast %max3A_292 : vector<16xf32> to vector<1x16xf32>
        tpu.vector_store %arg14[%swap3A_293, %swap3A_294], %swap3A_297 {strides = array<i32>} : memref<80x128xf32, #tpu.memory_space<vmem>>, vector<1x16xf32>,
      }
      %scan3A_117 = arith.constant 80 : i32
      %dma_start3A_118 = arith.constant 0 : i32
      %dma_start3A_119 = arith.constant 0 : i32
      %dma_start3A_120 = tpu.memref_slice %arg8[%dma_start3A_118, %dma_start3A_119] : memref<10240x128xf32, #tpu.memory_space<vmem_shared>> -> memref<10240x128xf32, #tpu.memory_space<vmem_shared>>
      tpu.enqueue_indirect_dma source(%arg14 : memref<80x128xf32, #tpu.memory_space<vmem>>) target(%dma_start3A_120 : memref<10240x128xf32, #tpu.memory_space<vmem_shared>>) offsets(%arg9 : memref<80xi32, #tpu.memory_space<vmem>>) semaphore(%arg18 : memref<!tpu.dma_semaphore, #tpu.memory_space<semaphore_mem>>) {add = true}
      %dma_wait3A_121 = arith.constant 0 : i32
      %dma_wait3A_122 = arith.constant 0 : i32
      %dma_wait3A_123 = tpu.memref_slice %arg8[%dma_wait3A_121, %dma_wait3A_122] : memref<10240x128xf32, #tpu.memory_space<vmem_shared>> -> memref<10240x128xf32, #tpu.memory_space<vmem_shared>>
      tpu.wait_indirect_dma semaphore(%arg18 : memref<!tpu.dma_semaphore, #tpu.memory_space<semaphore_mem>>) src(%arg14 : memref<80x128xf32, #tpu.memory_space<vmem>>) dst(%dma_wait3A_123 : memref<10240x128xf32, #tpu.memory_space<vmem_shared>>)
    }
    %scan3A_94 = arith.constant 125 : i32
    %barrier3A_95 = arith.constant 0 : index
    tpu.barrier barrier_id(%barrier3A_95)
    %mul3A_96 = arith.constant 640 : i32
    %mul3A_97 = arith.muli %arg1, %mul3A_96 : i32
    "tpu.region"() ({
      %run_scoped3A = tpu.sem_alloc : memref<!tpu.dma_semaphore, #tpu.memory_space<semaphore_mem>>
      %dma_start3A = arith.constant 0 : i32
      %dma_start3A_98 = tpu.memref_slice %arg7[%arg0, %mul3A_97, %dma_start3A] : memref<2x10240x128xf32, #tpu.memory_space<hbm>> -> memref<1x640x128xf32, #tpu.memory_space<hbm>>
      %dma_start3A_99 = tpu.memref_squeeze %dma_start3A_98 : memref<1x640x128xf32, #tpu.memory_space<hbm>> -> memref<640x128xf32, #tpu.memory_space<hbm>>
      %dma_start3A_100 = arith.constant 0 : i32
      %dma_start3A_101 = tpu.memref_slice %arg8[%mul3A_97, %dma_start3A_100] : memref<10240x128xf32, #tpu.memory_space<vmem_shared>> -> memref<640x128xf32, #tpu.memory_space<vmem_shared>>
      tpu.enqueue_dma source(%dma_start3A_101 : memref<640x128xf32, #tpu.memory_space<vmem_shared>>) target(%dma_start3A_99 : memref<640x128xf32, #tpu.memory_space<hbm>>) target_semaphore(%run_scoped3A : memref<!tpu.dma_semaphore, #tpu.memory_space<semaphore_mem>>)
      %dma_wait3A = arith.constant 0 : i32
      %dma_wait3A_102 = tpu.memref_slice %arg7[%arg0, %mul3A_97, %dma_wait3A] : memref<2x10240x128xf32, #tpu.memory_space<hbm>> -> memref<1x640x128xf32, #tpu.memory_space<hbm>>
      %dma_wait3A_103 = tpu.memref_squeeze %dma_wait3A_102 : memref<1x640x128xf32, #tpu.memory_space<hbm>> -> memref<640x128xf32, #tpu.memory_space<hbm>>
      %dma_wait3A_104 = arith.constant 0 : i32
      %dma_wait3A_105 = tpu.memref_slice %arg8[%mul3A_97, %dma_wait3A_104] : memref<10240x128xf32, #tpu.memory_space<vmem_shared>> -> memref<640x128xf32, #tpu.memory_space<vmem_shared>>
      tpu.wait_dma2 semaphore(%run_scoped3A : memref<!tpu.dma_semaphore, #tpu.memory_space<semaphore_mem>>) src(%dma_wait3A_105 : memref<640x128xf32, #tpu.memory_space<vmem_shared>>) dst(%dma_wait3A_103 : memref<640x128xf32, #tpu.memory_space<hbm>>)
      tpu.yield
    }) : () -> ()
    return
  }
}

#map = affine_map<(d0, d1) -> (0, 0)>
#map1 = affine_map<(d0, d1) -> (0)>
#map2 = affine_map<(d0, d1) -> (0, 0, 0)>
module attributes {stable_mosaic.version = 14 : i64} {
  func.func @edge_kernel(%arg0: i32, %arg1: i32, %arg2: memref<10000x128xf32, #tpu.memory_space<hbm>>, %arg3: memref<10000x128xf32, #tpu.memory_space<hbm>>, %arg4: memref<320000x128xf32, #tpu.memory_space<hbm>>, %arg5: memref<320000xi32, #tpu.memory_space<hbm>>, %arg6: memref<320000xi32, #tpu.memory_space<hbm>>, %arg7: memref<2x10240x128xf32, #tpu.memory_space<hbm>>, %arg8: memref<10240x128xf32, #tpu.memory_space<vmem_shared>>, %arg9: memref<80xi32, #tpu.memory_space<vmem>>, %arg10: memref<80xi32, #tpu.memory_space<vmem>>, %arg11: memref<80x128xf32, #tpu.memory_space<vmem>>, %arg12: memref<80x128xf32, #tpu.memory_space<vmem>>, %arg13: memref<80x128xf32, #tpu.memory_space<vmem>>, %arg14: memref<80x128xf32, #tpu.memory_space<vmem>>, %arg15: memref<32x128xf32, #tpu.memory_space<vmem>>, %arg16: memref<!tpu.dma_semaphore, #tpu.memory_space<semaphore_mem>>, %arg17: memref<!tpu.dma_semaphore, #tpu.memory_space<semaphore_mem>>, %arg18: memref<!tpu.dma_semaphore, #tpu.memory_space<semaphore_mem>>) attributes {dimension_semantics = [#tpu.dimension_semantics<core_parallel>, #tpu.dimension_semantics<subcore_parallel>], iteration_bounds = array<i64: 2, 16>, scalar_prefetch = 0 : i64, scratch_operands = 11 : i64, tpu.core_type = #tpu.core_type<sc_vector_subcore>, window_params = [{transform_indices = #map}, {transform_indices = #map}, {transform_indices = #map}, {transform_indices = #map1}, {transform_indices = #map1}, {transform_indices = #map2}]} {
    %mul3A = arith.constant 16 : i32
    %mul3A_0 = arith.muli %arg0, %mul3A : i32
    %add3A = arith.addi %mul3A_0, %arg1 : i32
    %mul3A_1 = arith.constant 10000 : i32
    %mul3A_2 = arith.muli %add3A, %mul3A_1 : i32
    %broadcast_in_dim3A = arith.constant 0.000000e+00 : f32
    %broadcast_in_dim3A_3 = vector.broadcast %broadcast_in_dim3A : f32 to vector<16xf32>
    %scan3A = arith.constant 0 : i32
    %scan3A_4 = arith.constant 0 : i32
    %scan3A_5 = arith.constant 32 : i32
    %scan3A_6 = arith.addi %scan3A_4, %scan3A_5 : i32
    %scan3A_7 = arith.constant 1 : i32
    scf.for %scan3A_98 = %scan3A_4 to %scan3A_6 step %scan3A_7  : i32 {
      %swap3A = arith.index_cast %scan3A_98 : i32 to index
      %swap3A_99 = arith.constant 0 : index
      %swap3A_100 = tpu.vector_load %arg15[%swap3A, %swap3A_99] {strides = array<i32>} : memref<32x128xf32, #tpu.memory_space<vmem>>, vector<1x16xf32>,
      %swap3A_101 = vector.shape_cast %swap3A_100 : vector<1x16xf32> to vector<16xf32>
      %swap3A_102 = vector.shape_cast %broadcast_in_dim3A_3 : vector<16xf32> to vector<1x16xf32>
      tpu.vector_store %arg15[%swap3A, %swap3A_99], %swap3A_102 {strides = array<i32>} : memref<32x128xf32, #tpu.memory_space<vmem>>, vector<1x16xf32>,
      %swap3A_103 = arith.index_cast %scan3A_98 : i32 to index
      %swap3A_104 = arith.constant 16 : index
      %swap3A_105 = tpu.vector_load %arg15[%swap3A_103, %swap3A_104] {strides = array<i32>} : memref<32x128xf32, #tpu.memory_space<vmem>>, vector<1x16xf32>,
      %swap3A_106 = vector.shape_cast %swap3A_105 : vector<1x16xf32> to vector<16xf32>
      %swap3A_107 = vector.shape_cast %broadcast_in_dim3A_3 : vector<16xf32> to vector<1x16xf32>
      tpu.vector_store %arg15[%swap3A_103, %swap3A_104], %swap3A_107 {strides = array<i32>} : memref<32x128xf32, #tpu.memory_space<vmem>>, vector<1x16xf32>,
      %swap3A_108 = arith.index_cast %scan3A_98 : i32 to index
      %swap3A_109 = arith.constant 32 : index
      %swap3A_110 = tpu.vector_load %arg15[%swap3A_108, %swap3A_109] {strides = array<i32>} : memref<32x128xf32, #tpu.memory_space<vmem>>, vector<1x16xf32>,
      %swap3A_111 = vector.shape_cast %swap3A_110 : vector<1x16xf32> to vector<16xf32>
      %swap3A_112 = vector.shape_cast %broadcast_in_dim3A_3 : vector<16xf32> to vector<1x16xf32>
      tpu.vector_store %arg15[%swap3A_108, %swap3A_109], %swap3A_112 {strides = array<i32>} : memref<32x128xf32, #tpu.memory_space<vmem>>, vector<1x16xf32>,
      %swap3A_113 = arith.index_cast %scan3A_98 : i32 to index
      %swap3A_114 = arith.constant 48 : index
      %swap3A_115 = tpu.vector_load %arg15[%swap3A_113, %swap3A_114] {strides = array<i32>} : memref<32x128xf32, #tpu.memory_space<vmem>>, vector<1x16xf32>,
      %swap3A_116 = vector.shape_cast %swap3A_115 : vector<1x16xf32> to vector<16xf32>
      %swap3A_117 = vector.shape_cast %broadcast_in_dim3A_3 : vector<16xf32> to vector<1x16xf32>
      tpu.vector_store %arg15[%swap3A_113, %swap3A_114], %swap3A_117 {strides = array<i32>} : memref<32x128xf32, #tpu.memory_space<vmem>>, vector<1x16xf32>,
      %swap3A_118 = arith.index_cast %scan3A_98 : i32 to index
      %swap3A_119 = arith.constant 64 : index
      %swap3A_120 = tpu.vector_load %arg15[%swap3A_118, %swap3A_119] {strides = array<i32>} : memref<32x128xf32, #tpu.memory_space<vmem>>, vector<1x16xf32>,
      %swap3A_121 = vector.shape_cast %swap3A_120 : vector<1x16xf32> to vector<16xf32>
      %swap3A_122 = vector.shape_cast %broadcast_in_dim3A_3 : vector<16xf32> to vector<1x16xf32>
      tpu.vector_store %arg15[%swap3A_118, %swap3A_119], %swap3A_122 {strides = array<i32>} : memref<32x128xf32, #tpu.memory_space<vmem>>, vector<1x16xf32>,
      %swap3A_123 = arith.index_cast %scan3A_98 : i32 to index
      %swap3A_124 = arith.constant 80 : index
      %swap3A_125 = tpu.vector_load %arg15[%swap3A_123, %swap3A_124] {strides = array<i32>} : memref<32x128xf32, #tpu.memory_space<vmem>>, vector<1x16xf32>,
      %swap3A_126 = vector.shape_cast %swap3A_125 : vector<1x16xf32> to vector<16xf32>
      %swap3A_127 = vector.shape_cast %broadcast_in_dim3A_3 : vector<16xf32> to vector<1x16xf32>
      tpu.vector_store %arg15[%swap3A_123, %swap3A_124], %swap3A_127 {strides = array<i32>} : memref<32x128xf32, #tpu.memory_space<vmem>>, vector<1x16xf32>,
      %swap3A_128 = arith.index_cast %scan3A_98 : i32 to index
      %swap3A_129 = arith.constant 96 : index
      %swap3A_130 = tpu.vector_load %arg15[%swap3A_128, %swap3A_129] {strides = array<i32>} : memref<32x128xf32, #tpu.memory_space<vmem>>, vector<1x16xf32>,
      %swap3A_131 = vector.shape_cast %swap3A_130 : vector<1x16xf32> to vector<16xf32>
      %swap3A_132 = vector.shape_cast %broadcast_in_dim3A_3 : vector<16xf32> to vector<1x16xf32>
      tpu.vector_store %arg15[%swap3A_128, %swap3A_129], %swap3A_132 {strides = array<i32>} : memref<32x128xf32, #tpu.memory_space<vmem>>, vector<1x16xf32>,
      %swap3A_133 = arith.index_cast %scan3A_98 : i32 to index
      %swap3A_134 = arith.constant 112 : index
      %swap3A_135 = tpu.vector_load %arg15[%swap3A_133, %swap3A_134] {strides = array<i32>} : memref<32x128xf32, #tpu.memory_space<vmem>>, vector<1x16xf32>,
      %swap3A_136 = vector.shape_cast %swap3A_135 : vector<1x16xf32> to vector<16xf32>
      %swap3A_137 = vector.shape_cast %broadcast_in_dim3A_3 : vector<16xf32> to vector<1x16xf32>
      tpu.vector_store %arg15[%swap3A_133, %swap3A_134], %swap3A_137 {strides = array<i32>} : memref<32x128xf32, #tpu.memory_space<vmem>>, vector<1x16xf32>,
    }
    %scan3A_8 = arith.constant 32 : i32
    %mul3A_9 = arith.constant 640 : i32
    %mul3A_10 = arith.muli %arg1, %mul3A_9 : i32
    %add3A_11 = arith.constant 0 : i32
    %add3A_12 = arith.addi %mul3A_10, %add3A_11 : i32
    "tpu.region"() ({
      %run_scoped3A = tpu.sem_alloc : memref<!tpu.dma_semaphore, #tpu.memory_space<semaphore_mem>>
      %dma_start3A = arith.constant 0 : i32
      %dma_start3A_98 = tpu.memref_slice %arg8[%add3A_12, %dma_start3A] : memref<10240x128xf32, #tpu.memory_space<vmem_shared>> -> memref<32x128xf32, #tpu.memory_space<vmem_shared>>
      %dma_start3A_99 = arith.constant 0 : i32
      %dma_start3A_100 = tpu.memref_slice %arg8[%add3A_12, %dma_start3A_99] : memref<10240x128xf32, #tpu.memory_space<vmem_shared>> -> memref<32x128xf32, #tpu.memory_space<vmem_shared>>
      tpu.enqueue_dma source(%arg15 : memref<32x128xf32, #tpu.memory_space<vmem>>) target(%dma_start3A_100 : memref<32x128xf32, #tpu.memory_space<vmem_shared>>) target_semaphore(%run_scoped3A : memref<!tpu.dma_semaphore, #tpu.memory_space<semaphore_mem>>)
      %dma_wait3A = arith.constant 0 : i32
      %dma_wait3A_101 = tpu.memref_slice %arg8[%add3A_12, %dma_wait3A] : memref<10240x128xf32, #tpu.memory_space<vmem_shared>> -> memref<32x128xf32, #tpu.memory_space<vmem_shared>>
      %dma_wait3A_102 = arith.constant 0 : i32
      %dma_wait3A_103 = tpu.memref_slice %arg8[%add3A_12, %dma_wait3A_102] : memref<10240x128xf32, #tpu.memory_space<vmem_shared>> -> memref<32x128xf32, #tpu.memory_space<vmem_shared>>
      tpu.wait_dma2 semaphore(%run_scoped3A : memref<!tpu.dma_semaphore, #tpu.memory_space<semaphore_mem>>) src(%arg15 : memref<32x128xf32, #tpu.memory_space<vmem>>) dst(%dma_wait3A_103 : memref<32x128xf32, #tpu.memory_space<vmem_shared>>)
      tpu.yield
    }) : () -> ()
    %mul3A_13 = arith.constant 640 : i32
    %mul3A_14 = arith.muli %arg1, %mul3A_13 : i32
    %add3A_15 = arith.constant 32 : i32
    %add3A_16 = arith.addi %mul3A_14, %add3A_15 : i32
    "tpu.region"() ({
      %run_scoped3A = tpu.sem_alloc : memref<!tpu.dma_semaphore, #tpu.memory_space<semaphore_mem>>
      %dma_start3A = arith.constant 0 : i32
      %dma_start3A_98 = tpu.memref_slice %arg8[%add3A_16, %dma_start3A] : memref<10240x128xf32, #tpu.memory_space<vmem_shared>> -> memref<32x128xf32, #tpu.memory_space<vmem_shared>>
      %dma_start3A_99 = arith.constant 0 : i32
      %dma_start3A_100 = tpu.memref_slice %arg8[%add3A_16, %dma_start3A_99] : memref<10240x128xf32, #tpu.memory_space<vmem_shared>> -> memref<32x128xf32, #tpu.memory_space<vmem_shared>>
      tpu.enqueue_dma source(%arg15 : memref<32x128xf32, #tpu.memory_space<vmem>>) target(%dma_start3A_100 : memref<32x128xf32, #tpu.memory_space<vmem_shared>>) target_semaphore(%run_scoped3A : memref<!tpu.dma_semaphore, #tpu.memory_space<semaphore_mem>>)
      %dma_wait3A = arith.constant 0 : i32
      %dma_wait3A_101 = tpu.memref_slice %arg8[%add3A_16, %dma_wait3A] : memref<10240x128xf32, #tpu.memory_space<vmem_shared>> -> memref<32x128xf32, #tpu.memory_space<vmem_shared>>
      %dma_wait3A_102 = arith.constant 0 : i32
      %dma_wait3A_103 = tpu.memref_slice %arg8[%add3A_16, %dma_wait3A_102] : memref<10240x128xf32, #tpu.memory_space<vmem_shared>> -> memref<32x128xf32, #tpu.memory_space<vmem_shared>>
      tpu.wait_dma2 semaphore(%run_scoped3A : memref<!tpu.dma_semaphore, #tpu.memory_space<semaphore_mem>>) src(%arg15 : memref<32x128xf32, #tpu.memory_space<vmem>>) dst(%dma_wait3A_103 : memref<32x128xf32, #tpu.memory_space<vmem_shared>>)
      tpu.yield
    }) : () -> ()
    %mul3A_17 = arith.constant 640 : i32
    %mul3A_18 = arith.muli %arg1, %mul3A_17 : i32
    %add3A_19 = arith.constant 64 : i32
    %add3A_20 = arith.addi %mul3A_18, %add3A_19 : i32
    "tpu.region"() ({
      %run_scoped3A = tpu.sem_alloc : memref<!tpu.dma_semaphore, #tpu.memory_space<semaphore_mem>>
      %dma_start3A = arith.constant 0 : i32
      %dma_start3A_98 = tpu.memref_slice %arg8[%add3A_20, %dma_start3A] : memref<10240x128xf32, #tpu.memory_space<vmem_shared>> -> memref<32x128xf32, #tpu.memory_space<vmem_shared>>
      %dma_start3A_99 = arith.constant 0 : i32
      %dma_start3A_100 = tpu.memref_slice %arg8[%add3A_20, %dma_start3A_99] : memref<10240x128xf32, #tpu.memory_space<vmem_shared>> -> memref<32x128xf32, #tpu.memory_space<vmem_shared>>
      tpu.enqueue_dma source(%arg15 : memref<32x128xf32, #tpu.memory_space<vmem>>) target(%dma_start3A_100 : memref<32x128xf32, #tpu.memory_space<vmem_shared>>) target_semaphore(%run_scoped3A : memref<!tpu.dma_semaphore, #tpu.memory_space<semaphore_mem>>)
      %dma_wait3A = arith.constant 0 : i32
      %dma_wait3A_101 = tpu.memref_slice %arg8[%add3A_20, %dma_wait3A] : memref<10240x128xf32, #tpu.memory_space<vmem_shared>> -> memref<32x128xf32, #tpu.memory_space<vmem_shared>>
      %dma_wait3A_102 = arith.constant 0 : i32
      %dma_wait3A_103 = tpu.memref_slice %arg8[%add3A_20, %dma_wait3A_102] : memref<10240x128xf32, #tpu.memory_space<vmem_shared>> -> memref<32x128xf32, #tpu.memory_space<vmem_shared>>
      tpu.wait_dma2 semaphore(%run_scoped3A : memref<!tpu.dma_semaphore, #tpu.memory_space<semaphore_mem>>) src(%arg15 : memref<32x128xf32, #tpu.memory_space<vmem>>) dst(%dma_wait3A_103 : memref<32x128xf32, #tpu.memory_space<vmem_shared>>)
      tpu.yield
    }) : () -> ()
    %mul3A_21 = arith.constant 640 : i32
    %mul3A_22 = arith.muli %arg1, %mul3A_21 : i32
    %add3A_23 = arith.constant 96 : i32
    %add3A_24 = arith.addi %mul3A_22, %add3A_23 : i32
    "tpu.region"() ({
      %run_scoped3A = tpu.sem_alloc : memref<!tpu.dma_semaphore, #tpu.memory_space<semaphore_mem>>
      %dma_start3A = arith.constant 0 : i32
      %dma_start3A_98 = tpu.memref_slice %arg8[%add3A_24, %dma_start3A] : memref<10240x128xf32, #tpu.memory_space<vmem_shared>> -> memref<32x128xf32, #tpu.memory_space<vmem_shared>>
      %dma_start3A_99 = arith.constant 0 : i32
      %dma_start3A_100 = tpu.memref_slice %arg8[%add3A_24, %dma_start3A_99] : memref<10240x128xf32, #tpu.memory_space<vmem_shared>> -> memref<32x128xf32, #tpu.memory_space<vmem_shared>>
      tpu.enqueue_dma source(%arg15 : memref<32x128xf32, #tpu.memory_space<vmem>>) target(%dma_start3A_100 : memref<32x128xf32, #tpu.memory_space<vmem_shared>>) target_semaphore(%run_scoped3A : memref<!tpu.dma_semaphore, #tpu.memory_space<semaphore_mem>>)
      %dma_wait3A = arith.constant 0 : i32
      %dma_wait3A_101 = tpu.memref_slice %arg8[%add3A_24, %dma_wait3A] : memref<10240x128xf32, #tpu.memory_space<vmem_shared>> -> memref<32x128xf32, #tpu.memory_space<vmem_shared>>
      %dma_wait3A_102 = arith.constant 0 : i32
      %dma_wait3A_103 = tpu.memref_slice %arg8[%add3A_24, %dma_wait3A_102] : memref<10240x128xf32, #tpu.memory_space<vmem_shared>> -> memref<32x128xf32, #tpu.memory_space<vmem_shared>>
      tpu.wait_dma2 semaphore(%run_scoped3A : memref<!tpu.dma_semaphore, #tpu.memory_space<semaphore_mem>>) src(%arg15 : memref<32x128xf32, #tpu.memory_space<vmem>>) dst(%dma_wait3A_103 : memref<32x128xf32, #tpu.memory_space<vmem_shared>>)
      tpu.yield
    }) : () -> ()
    %mul3A_25 = arith.constant 640 : i32
    %mul3A_26 = arith.muli %arg1, %mul3A_25 : i32
    %add3A_27 = arith.constant 128 : i32
    %add3A_28 = arith.addi %mul3A_26, %add3A_27 : i32
    "tpu.region"() ({
      %run_scoped3A = tpu.sem_alloc : memref<!tpu.dma_semaphore, #tpu.memory_space<semaphore_mem>>
      %dma_start3A = arith.constant 0 : i32
      %dma_start3A_98 = tpu.memref_slice %arg8[%add3A_28, %dma_start3A] : memref<10240x128xf32, #tpu.memory_space<vmem_shared>> -> memref<32x128xf32, #tpu.memory_space<vmem_shared>>
      %dma_start3A_99 = arith.constant 0 : i32
      %dma_start3A_100 = tpu.memref_slice %arg8[%add3A_28, %dma_start3A_99] : memref<10240x128xf32, #tpu.memory_space<vmem_shared>> -> memref<32x128xf32, #tpu.memory_space<vmem_shared>>
      tpu.enqueue_dma source(%arg15 : memref<32x128xf32, #tpu.memory_space<vmem>>) target(%dma_start3A_100 : memref<32x128xf32, #tpu.memory_space<vmem_shared>>) target_semaphore(%run_scoped3A : memref<!tpu.dma_semaphore, #tpu.memory_space<semaphore_mem>>)
      %dma_wait3A = arith.constant 0 : i32
      %dma_wait3A_101 = tpu.memref_slice %arg8[%add3A_28, %dma_wait3A] : memref<10240x128xf32, #tpu.memory_space<vmem_shared>> -> memref<32x128xf32, #tpu.memory_space<vmem_shared>>
      %dma_wait3A_102 = arith.constant 0 : i32
      %dma_wait3A_103 = tpu.memref_slice %arg8[%add3A_28, %dma_wait3A_102] : memref<10240x128xf32, #tpu.memory_space<vmem_shared>> -> memref<32x128xf32, #tpu.memory_space<vmem_shared>>
      tpu.wait_dma2 semaphore(%run_scoped3A : memref<!tpu.dma_semaphore, #tpu.memory_space<semaphore_mem>>) src(%arg15 : memref<32x128xf32, #tpu.memory_space<vmem>>) dst(%dma_wait3A_103 : memref<32x128xf32, #tpu.memory_space<vmem_shared>>)
      tpu.yield
    }) : () -> ()
    %mul3A_29 = arith.constant 640 : i32
    %mul3A_30 = arith.muli %arg1, %mul3A_29 : i32
    %add3A_31 = arith.constant 160 : i32
    %add3A_32 = arith.addi %mul3A_30, %add3A_31 : i32
    "tpu.region"() ({
      %run_scoped3A = tpu.sem_alloc : memref<!tpu.dma_semaphore, #tpu.memory_space<semaphore_mem>>
      %dma_start3A = arith.constant 0 : i32
      %dma_start3A_98 = tpu.memref_slice %arg8[%add3A_32, %dma_start3A] : memref<10240x128xf32, #tpu.memory_space<vmem_shared>> -> memref<32x128xf32, #tpu.memory_space<vmem_shared>>
      %dma_start3A_99 = arith.constant 0 : i32
      %dma_start3A_100 = tpu.memref_slice %arg8[%add3A_32, %dma_start3A_99] : memref<10240x128xf32, #tpu.memory_space<vmem_shared>> -> memref<32x128xf32, #tpu.memory_space<vmem_shared>>
      tpu.enqueue_dma source(%arg15 : memref<32x128xf32, #tpu.memory_space<vmem>>) target(%dma_start3A_100 : memref<32x128xf32, #tpu.memory_space<vmem_shared>>) target_semaphore(%run_scoped3A : memref<!tpu.dma_semaphore, #tpu.memory_space<semaphore_mem>>)
      %dma_wait3A = arith.constant 0 : i32
      %dma_wait3A_101 = tpu.memref_slice %arg8[%add3A_32, %dma_wait3A] : memref<10240x128xf32, #tpu.memory_space<vmem_shared>> -> memref<32x128xf32, #tpu.memory_space<vmem_shared>>
      %dma_wait3A_102 = arith.constant 0 : i32
      %dma_wait3A_103 = tpu.memref_slice %arg8[%add3A_32, %dma_wait3A_102] : memref<10240x128xf32, #tpu.memory_space<vmem_shared>> -> memref<32x128xf32, #tpu.memory_space<vmem_shared>>
      tpu.wait_dma2 semaphore(%run_scoped3A : memref<!tpu.dma_semaphore, #tpu.memory_space<semaphore_mem>>) src(%arg15 : memref<32x128xf32, #tpu.memory_space<vmem>>) dst(%dma_wait3A_103 : memref<32x128xf32, #tpu.memory_space<vmem_shared>>)
      tpu.yield
    }) : () -> ()
    %mul3A_33 = arith.constant 640 : i32
    %mul3A_34 = arith.muli %arg1, %mul3A_33 : i32
    %add3A_35 = arith.constant 192 : i32
    %add3A_36 = arith.addi %mul3A_34, %add3A_35 : i32
    "tpu.region"() ({
      %run_scoped3A = tpu.sem_alloc : memref<!tpu.dma_semaphore, #tpu.memory_space<semaphore_mem>>
      %dma_start3A = arith.constant 0 : i32
      %dma_start3A_98 = tpu.memref_slice %arg8[%add3A_36, %dma_start3A] : memref<10240x128xf32, #tpu.memory_space<vmem_shared>> -> memref<32x128xf32, #tpu.memory_space<vmem_shared>>
      %dma_start3A_99 = arith.constant 0 : i32
      %dma_start3A_100 = tpu.memref_slice %arg8[%add3A_36, %dma_start3A_99] : memref<10240x128xf32, #tpu.memory_space<vmem_shared>> -> memref<32x128xf32, #tpu.memory_space<vmem_shared>>
      tpu.enqueue_dma source(%arg15 : memref<32x128xf32, #tpu.memory_space<vmem>>) target(%dma_start3A_100 : memref<32x128xf32, #tpu.memory_space<vmem_shared>>) target_semaphore(%run_scoped3A : memref<!tpu.dma_semaphore, #tpu.memory_space<semaphore_mem>>)
      %dma_wait3A = arith.constant 0 : i32
      %dma_wait3A_101 = tpu.memref_slice %arg8[%add3A_36, %dma_wait3A] : memref<10240x128xf32, #tpu.memory_space<vmem_shared>> -> memref<32x128xf32, #tpu.memory_space<vmem_shared>>
      %dma_wait3A_102 = arith.constant 0 : i32
      %dma_wait3A_103 = tpu.memref_slice %arg8[%add3A_36, %dma_wait3A_102] : memref<10240x128xf32, #tpu.memory_space<vmem_shared>> -> memref<32x128xf32, #tpu.memory_space<vmem_shared>>
      tpu.wait_dma2 semaphore(%run_scoped3A : memref<!tpu.dma_semaphore, #tpu.memory_space<semaphore_mem>>) src(%arg15 : memref<32x128xf32, #tpu.memory_space<vmem>>) dst(%dma_wait3A_103 : memref<32x128xf32, #tpu.memory_space<vmem_shared>>)
      tpu.yield
    }) : () -> ()
    %mul3A_37 = arith.constant 640 : i32
    %mul3A_38 = arith.muli %arg1, %mul3A_37 : i32
    %add3A_39 = arith.constant 224 : i32
    %add3A_40 = arith.addi %mul3A_38, %add3A_39 : i32
    "tpu.region"() ({
      %run_scoped3A = tpu.sem_alloc : memref<!tpu.dma_semaphore, #tpu.memory_space<semaphore_mem>>
      %dma_start3A = arith.constant 0 : i32
      %dma_start3A_98 = tpu.memref_slice %arg8[%add3A_40, %dma_start3A] : memref<10240x128xf32, #tpu.memory_space<vmem_shared>> -> memref<32x128xf32, #tpu.memory_space<vmem_shared>>
      %dma_start3A_99 = arith.constant 0 : i32
      %dma_start3A_100 = tpu.memref_slice %arg8[%add3A_40, %dma_start3A_99] : memref<10240x128xf32, #tpu.memory_space<vmem_shared>> -> memref<32x128xf32, #tpu.memory_space<vmem_shared>>
      tpu.enqueue_dma source(%arg15 : memref<32x128xf32, #tpu.memory_space<vmem>>) target(%dma_start3A_100 : memref<32x128xf32, #tpu.memory_space<vmem_shared>>) target_semaphore(%run_scoped3A : memref<!tpu.dma_semaphore, #tpu.memory_space<semaphore_mem>>)
      %dma_wait3A = arith.constant 0 : i32
      %dma_wait3A_101 = tpu.memref_slice %arg8[%add3A_40, %dma_wait3A] : memref<10240x128xf32, #tpu.memory_space<vmem_shared>> -> memref<32x128xf32, #tpu.memory_space<vmem_shared>>
      %dma_wait3A_102 = arith.constant 0 : i32
      %dma_wait3A_103 = tpu.memref_slice %arg8[%add3A_40, %dma_wait3A_102] : memref<10240x128xf32, #tpu.memory_space<vmem_shared>> -> memref<32x128xf32, #tpu.memory_space<vmem_shared>>
      tpu.wait_dma2 semaphore(%run_scoped3A : memref<!tpu.dma_semaphore, #tpu.memory_space<semaphore_mem>>) src(%arg15 : memref<32x128xf32, #tpu.memory_space<vmem>>) dst(%dma_wait3A_103 : memref<32x128xf32, #tpu.memory_space<vmem_shared>>)
      tpu.yield
    }) : () -> ()
    %mul3A_41 = arith.constant 640 : i32
    %mul3A_42 = arith.muli %arg1, %mul3A_41 : i32
    %add3A_43 = arith.constant 256 : i32
    %add3A_44 = arith.addi %mul3A_42, %add3A_43 : i32
    "tpu.region"() ({
      %run_scoped3A = tpu.sem_alloc : memref<!tpu.dma_semaphore, #tpu.memory_space<semaphore_mem>>
      %dma_start3A = arith.constant 0 : i32
      %dma_start3A_98 = tpu.memref_slice %arg8[%add3A_44, %dma_start3A] : memref<10240x128xf32, #tpu.memory_space<vmem_shared>> -> memref<32x128xf32, #tpu.memory_space<vmem_shared>>
      %dma_start3A_99 = arith.constant 0 : i32
      %dma_start3A_100 = tpu.memref_slice %arg8[%add3A_44, %dma_start3A_99] : memref<10240x128xf32, #tpu.memory_space<vmem_shared>> -> memref<32x128xf32, #tpu.memory_space<vmem_shared>>
      tpu.enqueue_dma source(%arg15 : memref<32x128xf32, #tpu.memory_space<vmem>>) target(%dma_start3A_100 : memref<32x128xf32, #tpu.memory_space<vmem_shared>>) target_semaphore(%run_scoped3A : memref<!tpu.dma_semaphore, #tpu.memory_space<semaphore_mem>>)
      %dma_wait3A = arith.constant 0 : i32
      %dma_wait3A_101 = tpu.memref_slice %arg8[%add3A_44, %dma_wait3A] : memref<10240x128xf32, #tpu.memory_space<vmem_shared>> -> memref<32x128xf32, #tpu.memory_space<vmem_shared>>
      %dma_wait3A_102 = arith.constant 0 : i32
      %dma_wait3A_103 = tpu.memref_slice %arg8[%add3A_44, %dma_wait3A_102] : memref<10240x128xf32, #tpu.memory_space<vmem_shared>> -> memref<32x128xf32, #tpu.memory_space<vmem_shared>>
      tpu.wait_dma2 semaphore(%run_scoped3A : memref<!tpu.dma_semaphore, #tpu.memory_space<semaphore_mem>>) src(%arg15 : memref<32x128xf32, #tpu.memory_space<vmem>>) dst(%dma_wait3A_103 : memref<32x128xf32, #tpu.memory_space<vmem_shared>>)
      tpu.yield
    }) : () -> ()
    %mul3A_45 = arith.constant 640 : i32
    %mul3A_46 = arith.muli %arg1, %mul3A_45 : i32
    %add3A_47 = arith.constant 288 : i32
    %add3A_48 = arith.addi %mul3A_46, %add3A_47 : i32
    "tpu.region"() ({
      %run_scoped3A = tpu.sem_alloc : memref<!tpu.dma_semaphore, #tpu.memory_space<semaphore_mem>>
      %dma_start3A = arith.constant 0 : i32
      %dma_start3A_98 = tpu.memref_slice %arg8[%add3A_48, %dma_start3A] : memref<10240x128xf32, #tpu.memory_space<vmem_shared>> -> memref<32x128xf32, #tpu.memory_space<vmem_shared>>
      %dma_start3A_99 = arith.constant 0 : i32
      %dma_start3A_100 = tpu.memref_slice %arg8[%add3A_48, %dma_start3A_99] : memref<10240x128xf32, #tpu.memory_space<vmem_shared>> -> memref<32x128xf32, #tpu.memory_space<vmem_shared>>
      tpu.enqueue_dma source(%arg15 : memref<32x128xf32, #tpu.memory_space<vmem>>) target(%dma_start3A_100 : memref<32x128xf32, #tpu.memory_space<vmem_shared>>) target_semaphore(%run_scoped3A : memref<!tpu.dma_semaphore, #tpu.memory_space<semaphore_mem>>)
      %dma_wait3A = arith.constant 0 : i32
      %dma_wait3A_101 = tpu.memref_slice %arg8[%add3A_48, %dma_wait3A] : memref<10240x128xf32, #tpu.memory_space<vmem_shared>> -> memref<32x128xf32, #tpu.memory_space<vmem_shared>>
      %dma_wait3A_102 = arith.constant 0 : i32
      %dma_wait3A_103 = tpu.memref_slice %arg8[%add3A_48, %dma_wait3A_102] : memref<10240x128xf32, #tpu.memory_space<vmem_shared>> -> memref<32x128xf32, #tpu.memory_space<vmem_shared>>
      tpu.wait_dma2 semaphore(%run_scoped3A : memref<!tpu.dma_semaphore, #tpu.memory_space<semaphore_mem>>) src(%arg15 : memref<32x128xf32, #tpu.memory_space<vmem>>) dst(%dma_wait3A_103 : memref<32x128xf32, #tpu.memory_space<vmem_shared>>)
      tpu.yield
    }) : () -> ()
    %mul3A_49 = arith.constant 640 : i32
    %mul3A_50 = arith.muli %arg1, %mul3A_49 : i32
    %add3A_51 = arith.constant 320 : i32
    %add3A_52 = arith.addi %mul3A_50, %add3A_51 : i32
    "tpu.region"() ({
      %run_scoped3A = tpu.sem_alloc : memref<!tpu.dma_semaphore, #tpu.memory_space<semaphore_mem>>
      %dma_start3A = arith.constant 0 : i32
      %dma_start3A_98 = tpu.memref_slice %arg8[%add3A_52, %dma_start3A] : memref<10240x128xf32, #tpu.memory_space<vmem_shared>> -> memref<32x128xf32, #tpu.memory_space<vmem_shared>>
      %dma_start3A_99 = arith.constant 0 : i32
      %dma_start3A_100 = tpu.memref_slice %arg8[%add3A_52, %dma_start3A_99] : memref<10240x128xf32, #tpu.memory_space<vmem_shared>> -> memref<32x128xf32, #tpu.memory_space<vmem_shared>>
      tpu.enqueue_dma source(%arg15 : memref<32x128xf32, #tpu.memory_space<vmem>>) target(%dma_start3A_100 : memref<32x128xf32, #tpu.memory_space<vmem_shared>>) target_semaphore(%run_scoped3A : memref<!tpu.dma_semaphore, #tpu.memory_space<semaphore_mem>>)
      %dma_wait3A = arith.constant 0 : i32
      %dma_wait3A_101 = tpu.memref_slice %arg8[%add3A_52, %dma_wait3A] : memref<10240x128xf32, #tpu.memory_space<vmem_shared>> -> memref<32x128xf32, #tpu.memory_space<vmem_shared>>
      %dma_wait3A_102 = arith.constant 0 : i32
      %dma_wait3A_103 = tpu.memref_slice %arg8[%add3A_52, %dma_wait3A_102] : memref<10240x128xf32, #tpu.memory_space<vmem_shared>> -> memref<32x128xf32, #tpu.memory_space<vmem_shared>>
      tpu.wait_dma2 semaphore(%run_scoped3A : memref<!tpu.dma_semaphore, #tpu.memory_space<semaphore_mem>>) src(%arg15 : memref<32x128xf32, #tpu.memory_space<vmem>>) dst(%dma_wait3A_103 : memref<32x128xf32, #tpu.memory_space<vmem_shared>>)
      tpu.yield
    }) : () -> ()
    %mul3A_53 = arith.constant 640 : i32
    %mul3A_54 = arith.muli %arg1, %mul3A_53 : i32
    %add3A_55 = arith.constant 352 : i32
    %add3A_56 = arith.addi %mul3A_54, %add3A_55 : i32
    "tpu.region"() ({
      %run_scoped3A = tpu.sem_alloc : memref<!tpu.dma_semaphore, #tpu.memory_space<semaphore_mem>>
      %dma_start3A = arith.constant 0 : i32
      %dma_start3A_98 = tpu.memref_slice %arg8[%add3A_56, %dma_start3A] : memref<10240x128xf32, #tpu.memory_space<vmem_shared>> -> memref<32x128xf32, #tpu.memory_space<vmem_shared>>
      %dma_start3A_99 = arith.constant 0 : i32
      %dma_start3A_100 = tpu.memref_slice %arg8[%add3A_56, %dma_start3A_99] : memref<10240x128xf32, #tpu.memory_space<vmem_shared>> -> memref<32x128xf32, #tpu.memory_space<vmem_shared>>
      tpu.enqueue_dma source(%arg15 : memref<32x128xf32, #tpu.memory_space<vmem>>) target(%dma_start3A_100 : memref<32x128xf32, #tpu.memory_space<vmem_shared>>) target_semaphore(%run_scoped3A : memref<!tpu.dma_semaphore, #tpu.memory_space<semaphore_mem>>)
      %dma_wait3A = arith.constant 0 : i32
      %dma_wait3A_101 = tpu.memref_slice %arg8[%add3A_56, %dma_wait3A] : memref<10240x128xf32, #tpu.memory_space<vmem_shared>> -> memref<32x128xf32, #tpu.memory_space<vmem_shared>>
      %dma_wait3A_102 = arith.constant 0 : i32
      %dma_wait3A_103 = tpu.memref_slice %arg8[%add3A_56, %dma_wait3A_102] : memref<10240x128xf32, #tpu.memory_space<vmem_shared>> -> memref<32x128xf32, #tpu.memory_space<vmem_shared>>
      tpu.wait_dma2 semaphore(%run_scoped3A : memref<!tpu.dma_semaphore, #tpu.memory_space<semaphore_mem>>) src(%arg15 : memref<32x128xf32, #tpu.memory_space<vmem>>) dst(%dma_wait3A_103 : memref<32x128xf32, #tpu.memory_space<vmem_shared>>)
      tpu.yield
    }) : () -> ()
    %mul3A_57 = arith.constant 640 : i32
    %mul3A_58 = arith.muli %arg1, %mul3A_57 : i32
    %add3A_59 = arith.constant 384 : i32
    %add3A_60 = arith.addi %mul3A_58, %add3A_59 : i32
    "tpu.region"() ({
      %run_scoped3A = tpu.sem_alloc : memref<!tpu.dma_semaphore, #tpu.memory_space<semaphore_mem>>
      %dma_start3A = arith.constant 0 : i32
      %dma_start3A_98 = tpu.memref_slice %arg8[%add3A_60, %dma_start3A] : memref<10240x128xf32, #tpu.memory_space<vmem_shared>> -> memref<32x128xf32, #tpu.memory_space<vmem_shared>>
      %dma_start3A_99 = arith.constant 0 : i32
      %dma_start3A_100 = tpu.memref_slice %arg8[%add3A_60, %dma_start3A_99] : memref<10240x128xf32, #tpu.memory_space<vmem_shared>> -> memref<32x128xf32, #tpu.memory_space<vmem_shared>>
      tpu.enqueue_dma source(%arg15 : memref<32x128xf32, #tpu.memory_space<vmem>>) target(%dma_start3A_100 : memref<32x128xf32, #tpu.memory_space<vmem_shared>>) target_semaphore(%run_scoped3A : memref<!tpu.dma_semaphore, #tpu.memory_space<semaphore_mem>>)
      %dma_wait3A = arith.constant 0 : i32
      %dma_wait3A_101 = tpu.memref_slice %arg8[%add3A_60, %dma_wait3A] : memref<10240x128xf32, #tpu.memory_space<vmem_shared>> -> memref<32x128xf32, #tpu.memory_space<vmem_shared>>
      %dma_wait3A_102 = arith.constant 0 : i32
      %dma_wait3A_103 = tpu.memref_slice %arg8[%add3A_60, %dma_wait3A_102] : memref<10240x128xf32, #tpu.memory_space<vmem_shared>> -> memref<32x128xf32, #tpu.memory_space<vmem_shared>>
      tpu.wait_dma2 semaphore(%run_scoped3A : memref<!tpu.dma_semaphore, #tpu.memory_space<semaphore_mem>>) src(%arg15 : memref<32x128xf32, #tpu.memory_space<vmem>>) dst(%dma_wait3A_103 : memref<32x128xf32, #tpu.memory_space<vmem_shared>>)
      tpu.yield
    }) : () -> ()
    %mul3A_61 = arith.constant 640 : i32
    %mul3A_62 = arith.muli %arg1, %mul3A_61 : i32
    %add3A_63 = arith.constant 416 : i32
    %add3A_64 = arith.addi %mul3A_62, %add3A_63 : i32
    "tpu.region"() ({
      %run_scoped3A = tpu.sem_alloc : memref<!tpu.dma_semaphore, #tpu.memory_space<semaphore_mem>>
      %dma_start3A = arith.constant 0 : i32
      %dma_start3A_98 = tpu.memref_slice %arg8[%add3A_64, %dma_start3A] : memref<10240x128xf32, #tpu.memory_space<vmem_shared>> -> memref<32x128xf32, #tpu.memory_space<vmem_shared>>
      %dma_start3A_99 = arith.constant 0 : i32
      %dma_start3A_100 = tpu.memref_slice %arg8[%add3A_64, %dma_start3A_99] : memref<10240x128xf32, #tpu.memory_space<vmem_shared>> -> memref<32x128xf32, #tpu.memory_space<vmem_shared>>
      tpu.enqueue_dma source(%arg15 : memref<32x128xf32, #tpu.memory_space<vmem>>) target(%dma_start3A_100 : memref<32x128xf32, #tpu.memory_space<vmem_shared>>) target_semaphore(%run_scoped3A : memref<!tpu.dma_semaphore, #tpu.memory_space<semaphore_mem>>)
      %dma_wait3A = arith.constant 0 : i32
      %dma_wait3A_101 = tpu.memref_slice %arg8[%add3A_64, %dma_wait3A] : memref<10240x128xf32, #tpu.memory_space<vmem_shared>> -> memref<32x128xf32, #tpu.memory_space<vmem_shared>>
      %dma_wait3A_102 = arith.constant 0 : i32
      %dma_wait3A_103 = tpu.memref_slice %arg8[%add3A_64, %dma_wait3A_102] : memref<10240x128xf32, #tpu.memory_space<vmem_shared>> -> memref<32x128xf32, #tpu.memory_space<vmem_shared>>
      tpu.wait_dma2 semaphore(%run_scoped3A : memref<!tpu.dma_semaphore, #tpu.memory_space<semaphore_mem>>) src(%arg15 : memref<32x128xf32, #tpu.memory_space<vmem>>) dst(%dma_wait3A_103 : memref<32x128xf32, #tpu.memory_space<vmem_shared>>)
      tpu.yield
    }) : () -> ()
    %mul3A_65 = arith.constant 640 : i32
    %mul3A_66 = arith.muli %arg1, %mul3A_65 : i32
    %add3A_67 = arith.constant 448 : i32
    %add3A_68 = arith.addi %mul3A_66, %add3A_67 : i32
    "tpu.region"() ({
      %run_scoped3A = tpu.sem_alloc : memref<!tpu.dma_semaphore, #tpu.memory_space<semaphore_mem>>
      %dma_start3A = arith.constant 0 : i32
      %dma_start3A_98 = tpu.memref_slice %arg8[%add3A_68, %dma_start3A] : memref<10240x128xf32, #tpu.memory_space<vmem_shared>> -> memref<32x128xf32, #tpu.memory_space<vmem_shared>>
      %dma_start3A_99 = arith.constant 0 : i32
      %dma_start3A_100 = tpu.memref_slice %arg8[%add3A_68, %dma_start3A_99] : memref<10240x128xf32, #tpu.memory_space<vmem_shared>> -> memref<32x128xf32, #tpu.memory_space<vmem_shared>>
      tpu.enqueue_dma source(%arg15 : memref<32x128xf32, #tpu.memory_space<vmem>>) target(%dma_start3A_100 : memref<32x128xf32, #tpu.memory_space<vmem_shared>>) target_semaphore(%run_scoped3A : memref<!tpu.dma_semaphore, #tpu.memory_space<semaphore_mem>>)
      %dma_wait3A = arith.constant 0 : i32
      %dma_wait3A_101 = tpu.memref_slice %arg8[%add3A_68, %dma_wait3A] : memref<10240x128xf32, #tpu.memory_space<vmem_shared>> -> memref<32x128xf32, #tpu.memory_space<vmem_shared>>
      %dma_wait3A_102 = arith.constant 0 : i32
      %dma_wait3A_103 = tpu.memref_slice %arg8[%add3A_68, %dma_wait3A_102] : memref<10240x128xf32, #tpu.memory_space<vmem_shared>> -> memref<32x128xf32, #tpu.memory_space<vmem_shared>>
      tpu.wait_dma2 semaphore(%run_scoped3A : memref<!tpu.dma_semaphore, #tpu.memory_space<semaphore_mem>>) src(%arg15 : memref<32x128xf32, #tpu.memory_space<vmem>>) dst(%dma_wait3A_103 : memref<32x128xf32, #tpu.memory_space<vmem_shared>>)
      tpu.yield
    }) : () -> ()
    %mul3A_69 = arith.constant 640 : i32
    %mul3A_70 = arith.muli %arg1, %mul3A_69 : i32
    %add3A_71 = arith.constant 480 : i32
    %add3A_72 = arith.addi %mul3A_70, %add3A_71 : i32
    "tpu.region"() ({
      %run_scoped3A = tpu.sem_alloc : memref<!tpu.dma_semaphore, #tpu.memory_space<semaphore_mem>>
      %dma_start3A = arith.constant 0 : i32
      %dma_start3A_98 = tpu.memref_slice %arg8[%add3A_72, %dma_start3A] : memref<10240x128xf32, #tpu.memory_space<vmem_shared>> -> memref<32x128xf32, #tpu.memory_space<vmem_shared>>
      %dma_start3A_99 = arith.constant 0 : i32
      %dma_start3A_100 = tpu.memref_slice %arg8[%add3A_72, %dma_start3A_99] : memref<10240x128xf32, #tpu.memory_space<vmem_shared>> -> memref<32x128xf32, #tpu.memory_space<vmem_shared>>
      tpu.enqueue_dma source(%arg15 : memref<32x128xf32, #tpu.memory_space<vmem>>) target(%dma_start3A_100 : memref<32x128xf32, #tpu.memory_space<vmem_shared>>) target_semaphore(%run_scoped3A : memref<!tpu.dma_semaphore, #tpu.memory_space<semaphore_mem>>)
      %dma_wait3A = arith.constant 0 : i32
      %dma_wait3A_101 = tpu.memref_slice %arg8[%add3A_72, %dma_wait3A] : memref<10240x128xf32, #tpu.memory_space<vmem_shared>> -> memref<32x128xf32, #tpu.memory_space<vmem_shared>>
      %dma_wait3A_102 = arith.constant 0 : i32
      %dma_wait3A_103 = tpu.memref_slice %arg8[%add3A_72, %dma_wait3A_102] : memref<10240x128xf32, #tpu.memory_space<vmem_shared>> -> memref<32x128xf32, #tpu.memory_space<vmem_shared>>
      tpu.wait_dma2 semaphore(%run_scoped3A : memref<!tpu.dma_semaphore, #tpu.memory_space<semaphore_mem>>) src(%arg15 : memref<32x128xf32, #tpu.memory_space<vmem>>) dst(%dma_wait3A_103 : memref<32x128xf32, #tpu.memory_space<vmem_shared>>)
      tpu.yield
    }) : () -> ()
    %mul3A_73 = arith.constant 640 : i32
    %mul3A_74 = arith.muli %arg1, %mul3A_73 : i32
    %add3A_75 = arith.constant 512 : i32
    %add3A_76 = arith.addi %mul3A_74, %add3A_75 : i32
    "tpu.region"() ({
      %run_scoped3A = tpu.sem_alloc : memref<!tpu.dma_semaphore, #tpu.memory_space<semaphore_mem>>
      %dma_start3A = arith.constant 0 : i32
      %dma_start3A_98 = tpu.memref_slice %arg8[%add3A_76, %dma_start3A] : memref<10240x128xf32, #tpu.memory_space<vmem_shared>> -> memref<32x128xf32, #tpu.memory_space<vmem_shared>>
      %dma_start3A_99 = arith.constant 0 : i32
      %dma_start3A_100 = tpu.memref_slice %arg8[%add3A_76, %dma_start3A_99] : memref<10240x128xf32, #tpu.memory_space<vmem_shared>> -> memref<32x128xf32, #tpu.memory_space<vmem_shared>>
      tpu.enqueue_dma source(%arg15 : memref<32x128xf32, #tpu.memory_space<vmem>>) target(%dma_start3A_100 : memref<32x128xf32, #tpu.memory_space<vmem_shared>>) target_semaphore(%run_scoped3A : memref<!tpu.dma_semaphore, #tpu.memory_space<semaphore_mem>>)
      %dma_wait3A = arith.constant 0 : i32
      %dma_wait3A_101 = tpu.memref_slice %arg8[%add3A_76, %dma_wait3A] : memref<10240x128xf32, #tpu.memory_space<vmem_shared>> -> memref<32x128xf32, #tpu.memory_space<vmem_shared>>
      %dma_wait3A_102 = arith.constant 0 : i32
      %dma_wait3A_103 = tpu.memref_slice %arg8[%add3A_76, %dma_wait3A_102] : memref<10240x128xf32, #tpu.memory_space<vmem_shared>> -> memref<32x128xf32, #tpu.memory_space<vmem_shared>>
      tpu.wait_dma2 semaphore(%run_scoped3A : memref<!tpu.dma_semaphore, #tpu.memory_space<semaphore_mem>>) src(%arg15 : memref<32x128xf32, #tpu.memory_space<vmem>>) dst(%dma_wait3A_103 : memref<32x128xf32, #tpu.memory_space<vmem_shared>>)
      tpu.yield
    }) : () -> ()
    %mul3A_77 = arith.constant 640 : i32
    %mul3A_78 = arith.muli %arg1, %mul3A_77 : i32
    %add3A_79 = arith.constant 544 : i32
    %add3A_80 = arith.addi %mul3A_78, %add3A_79 : i32
    "tpu.region"() ({
      %run_scoped3A = tpu.sem_alloc : memref<!tpu.dma_semaphore, #tpu.memory_space<semaphore_mem>>
      %dma_start3A = arith.constant 0 : i32
      %dma_start3A_98 = tpu.memref_slice %arg8[%add3A_80, %dma_start3A] : memref<10240x128xf32, #tpu.memory_space<vmem_shared>> -> memref<32x128xf32, #tpu.memory_space<vmem_shared>>
      %dma_start3A_99 = arith.constant 0 : i32
      %dma_start3A_100 = tpu.memref_slice %arg8[%add3A_80, %dma_start3A_99] : memref<10240x128xf32, #tpu.memory_space<vmem_shared>> -> memref<32x128xf32, #tpu.memory_space<vmem_shared>>
      tpu.enqueue_dma source(%arg15 : memref<32x128xf32, #tpu.memory_space<vmem>>) target(%dma_start3A_100 : memref<32x128xf32, #tpu.memory_space<vmem_shared>>) target_semaphore(%run_scoped3A : memref<!tpu.dma_semaphore, #tpu.memory_space<semaphore_mem>>)
      %dma_wait3A = arith.constant 0 : i32
      %dma_wait3A_101 = tpu.memref_slice %arg8[%add3A_80, %dma_wait3A] : memref<10240x128xf32, #tpu.memory_space<vmem_shared>> -> memref<32x128xf32, #tpu.memory_space<vmem_shared>>
      %dma_wait3A_102 = arith.constant 0 : i32
      %dma_wait3A_103 = tpu.memref_slice %arg8[%add3A_80, %dma_wait3A_102] : memref<10240x128xf32, #tpu.memory_space<vmem_shared>> -> memref<32x128xf32, #tpu.memory_space<vmem_shared>>
      tpu.wait_dma2 semaphore(%run_scoped3A : memref<!tpu.dma_semaphore, #tpu.memory_space<semaphore_mem>>) src(%arg15 : memref<32x128xf32, #tpu.memory_space<vmem>>) dst(%dma_wait3A_103 : memref<32x128xf32, #tpu.memory_space<vmem_shared>>)
      tpu.yield
    }) : () -> ()
    %mul3A_81 = arith.constant 640 : i32
    %mul3A_82 = arith.muli %arg1, %mul3A_81 : i32
    %add3A_83 = arith.constant 576 : i32
    %add3A_84 = arith.addi %mul3A_82, %add3A_83 : i32
    "tpu.region"() ({
      %run_scoped3A = tpu.sem_alloc : memref<!tpu.dma_semaphore, #tpu.memory_space<semaphore_mem>>
      %dma_start3A = arith.constant 0 : i32
      %dma_start3A_98 = tpu.memref_slice %arg8[%add3A_84, %dma_start3A] : memref<10240x128xf32, #tpu.memory_space<vmem_shared>> -> memref<32x128xf32, #tpu.memory_space<vmem_shared>>
      %dma_start3A_99 = arith.constant 0 : i32
      %dma_start3A_100 = tpu.memref_slice %arg8[%add3A_84, %dma_start3A_99] : memref<10240x128xf32, #tpu.memory_space<vmem_shared>> -> memref<32x128xf32, #tpu.memory_space<vmem_shared>>
      tpu.enqueue_dma source(%arg15 : memref<32x128xf32, #tpu.memory_space<vmem>>) target(%dma_start3A_100 : memref<32x128xf32, #tpu.memory_space<vmem_shared>>) target_semaphore(%run_scoped3A : memref<!tpu.dma_semaphore, #tpu.memory_space<semaphore_mem>>)
      %dma_wait3A = arith.constant 0 : i32
      %dma_wait3A_101 = tpu.memref_slice %arg8[%add3A_84, %dma_wait3A] : memref<10240x128xf32, #tpu.memory_space<vmem_shared>> -> memref<32x128xf32, #tpu.memory_space<vmem_shared>>
      %dma_wait3A_102 = arith.constant 0 : i32
      %dma_wait3A_103 = tpu.memref_slice %arg8[%add3A_84, %dma_wait3A_102] : memref<10240x128xf32, #tpu.memory_space<vmem_shared>> -> memref<32x128xf32, #tpu.memory_space<vmem_shared>>
      tpu.wait_dma2 semaphore(%run_scoped3A : memref<!tpu.dma_semaphore, #tpu.memory_space<semaphore_mem>>) src(%arg15 : memref<32x128xf32, #tpu.memory_space<vmem>>) dst(%dma_wait3A_103 : memref<32x128xf32, #tpu.memory_space<vmem_shared>>)
      tpu.yield
    }) : () -> ()
    %mul3A_85 = arith.constant 640 : i32
    %mul3A_86 = arith.muli %arg1, %mul3A_85 : i32
    %add3A_87 = arith.constant 608 : i32
    %add3A_88 = arith.addi %mul3A_86, %add3A_87 : i32
    "tpu.region"() ({
      %run_scoped3A = tpu.sem_alloc : memref<!tpu.dma_semaphore, #tpu.memory_space<semaphore_mem>>
      %dma_start3A = arith.constant 0 : i32
      %dma_start3A_98 = tpu.memref_slice %arg8[%add3A_88, %dma_start3A] : memref<10240x128xf32, #tpu.memory_space<vmem_shared>> -> memref<32x128xf32, #tpu.memory_space<vmem_shared>>
      %dma_start3A_99 = arith.constant 0 : i32
      %dma_start3A_100 = tpu.memref_slice %arg8[%add3A_88, %dma_start3A_99] : memref<10240x128xf32, #tpu.memory_space<vmem_shared>> -> memref<32x128xf32, #tpu.memory_space<vmem_shared>>
      tpu.enqueue_dma source(%arg15 : memref<32x128xf32, #tpu.memory_space<vmem>>) target(%dma_start3A_100 : memref<32x128xf32, #tpu.memory_space<vmem_shared>>) target_semaphore(%run_scoped3A : memref<!tpu.dma_semaphore, #tpu.memory_space<semaphore_mem>>)
      %dma_wait3A = arith.constant 0 : i32
      %dma_wait3A_101 = tpu.memref_slice %arg8[%add3A_88, %dma_wait3A] : memref<10240x128xf32, #tpu.memory_space<vmem_shared>> -> memref<32x128xf32, #tpu.memory_space<vmem_shared>>
      %dma_wait3A_102 = arith.constant 0 : i32
      %dma_wait3A_103 = tpu.memref_slice %arg8[%add3A_88, %dma_wait3A_102] : memref<10240x128xf32, #tpu.memory_space<vmem_shared>> -> memref<32x128xf32, #tpu.memory_space<vmem_shared>>
      tpu.wait_dma2 semaphore(%run_scoped3A : memref<!tpu.dma_semaphore, #tpu.memory_space<semaphore_mem>>) src(%arg15 : memref<32x128xf32, #tpu.memory_space<vmem>>) dst(%dma_wait3A_103 : memref<32x128xf32, #tpu.memory_space<vmem_shared>>)
      tpu.yield
    }) : () -> ()
    %barrier3A = arith.constant 0 : index
    tpu.barrier barrier_id(%barrier3A)
    %scan3A_89 = arith.constant 0 : i32
    %scan3A_90 = arith.constant 0 : i32
    %scan3A_91 = arith.constant 125 : i32
    %scan3A_92 = arith.addi %scan3A_90, %scan3A_91 : i32
    %scan3A_93 = arith.constant 1 : i32
    scf.for %scan3A_98 = %scan3A_90 to %scan3A_92 step %scan3A_93  : i32 {
      %mul3A_99 = arith.constant 80 : i32
      %mul3A_100 = arith.muli %scan3A_98, %mul3A_99 : i32
      %add3A_101 = arith.addi %mul3A_2, %mul3A_100 : i32
      "tpu.region"() ({
        %run_scoped3A = tpu.sem_alloc : memref<!tpu.dma_semaphore, #tpu.memory_space<semaphore_mem>>
        %dma_start3A_124 = tpu.memref_slice %arg6[%add3A_101] : memref<320000xi32, #tpu.memory_space<hbm>> -> memref<80xi32, #tpu.memory_space<hbm>>
        %dma_start3A_125 = tpu.memref_slice %arg6[%add3A_101] : memref<320000xi32, #tpu.memory_space<hbm>> -> memref<80xi32, #tpu.memory_space<hbm>>
        tpu.enqueue_dma source(%dma_start3A_125 : memref<80xi32, #tpu.memory_space<hbm>>) target(%arg9 : memref<80xi32, #tpu.memory_space<vmem>>) target_semaphore(%run_scoped3A : memref<!tpu.dma_semaphore, #tpu.memory_space<semaphore_mem>>)
        %dma_wait3A_126 = tpu.memref_slice %arg6[%add3A_101] : memref<320000xi32, #tpu.memory_space<hbm>> -> memref<80xi32, #tpu.memory_space<hbm>>
        %dma_wait3A_127 = tpu.memref_slice %arg6[%add3A_101] : memref<320000xi32, #tpu.memory_space<hbm>> -> memref<80xi32, #tpu.memory_space<hbm>>
        tpu.wait_dma2 semaphore(%run_scoped3A : memref<!tpu.dma_semaphore, #tpu.memory_space<semaphore_mem>>) src(%dma_wait3A_127 : memref<80xi32, #tpu.memory_space<hbm>>) dst(%arg9 : memref<80xi32, #tpu.memory_space<vmem>>)
        tpu.yield
      }) : () -> ()
      %dma_start3A = arith.constant 0 : i32
      %dma_start3A_102 = arith.constant 0 : i32
      %dma_start3A_103 = tpu.memref_slice %arg2[%dma_start3A, %dma_start3A_102] : memref<10000x128xf32, #tpu.memory_space<hbm>> -> memref<10000x128xf32, #tpu.memory_space<hbm>>
      tpu.enqueue_indirect_dma source(%dma_start3A_103 : memref<10000x128xf32, #tpu.memory_space<hbm>>) target(%arg11 : memref<80x128xf32, #tpu.memory_space<vmem>>) offsets(%arg9 : memref<80xi32, #tpu.memory_space<vmem>>) semaphore(%arg16 : memref<!tpu.dma_semaphore, #tpu.memory_space<semaphore_mem>>)
      "tpu.region"() ({
        %run_scoped3A = tpu.sem_alloc : memref<!tpu.dma_semaphore, #tpu.memory_space<semaphore_mem>>
        %dma_start3A_124 = tpu.memref_slice %arg5[%add3A_101] : memref<320000xi32, #tpu.memory_space<hbm>> -> memref<80xi32, #tpu.memory_space<hbm>>
        %dma_start3A_125 = tpu.memref_slice %arg5[%add3A_101] : memref<320000xi32, #tpu.memory_space<hbm>> -> memref<80xi32, #tpu.memory_space<hbm>>
        tpu.enqueue_dma source(%dma_start3A_125 : memref<80xi32, #tpu.memory_space<hbm>>) target(%arg10 : memref<80xi32, #tpu.memory_space<vmem>>) target_semaphore(%run_scoped3A : memref<!tpu.dma_semaphore, #tpu.memory_space<semaphore_mem>>)
        %dma_wait3A_126 = tpu.memref_slice %arg5[%add3A_101] : memref<320000xi32, #tpu.memory_space<hbm>> -> memref<80xi32, #tpu.memory_space<hbm>>
        %dma_wait3A_127 = tpu.memref_slice %arg5[%add3A_101] : memref<320000xi32, #tpu.memory_space<hbm>> -> memref<80xi32, #tpu.memory_space<hbm>>
        tpu.wait_dma2 semaphore(%run_scoped3A : memref<!tpu.dma_semaphore, #tpu.memory_space<semaphore_mem>>) src(%dma_wait3A_127 : memref<80xi32, #tpu.memory_space<hbm>>) dst(%arg10 : memref<80xi32, #tpu.memory_space<vmem>>)
        tpu.yield
      }) : () -> ()
      %dma_start3A_104 = arith.constant 0 : i32
      %dma_start3A_105 = arith.constant 0 : i32
      %dma_start3A_106 = tpu.memref_slice %arg3[%dma_start3A_104, %dma_start3A_105] : memref<10000x128xf32, #tpu.memory_space<hbm>> -> memref<10000x128xf32, #tpu.memory_space<hbm>>
      tpu.enqueue_indirect_dma source(%dma_start3A_106 : memref<10000x128xf32, #tpu.memory_space<hbm>>) target(%arg12 : memref<80x128xf32, #tpu.memory_space<vmem>>) offsets(%arg10 : memref<80xi32, #tpu.memory_space<vmem>>) semaphore(%arg17 : memref<!tpu.dma_semaphore, #tpu.memory_space<semaphore_mem>>)
      "tpu.region"() ({
        %run_scoped3A = tpu.sem_alloc : memref<!tpu.dma_semaphore, #tpu.memory_space<semaphore_mem>>
        %dma_start3A_124 = arith.constant 0 : i32
        %dma_start3A_125 = tpu.memref_slice %arg4[%add3A_101, %dma_start3A_124] : memref<320000x128xf32, #tpu.memory_space<hbm>> -> memref<80x128xf32, #tpu.memory_space<hbm>>
        %dma_start3A_126 = arith.constant 0 : i32
        %dma_start3A_127 = tpu.memref_slice %arg4[%add3A_101, %dma_start3A_126] : memref<320000x128xf32, #tpu.memory_space<hbm>> -> memref<80x128xf32, #tpu.memory_space<hbm>>
        tpu.enqueue_dma source(%dma_start3A_127 : memref<80x128xf32, #tpu.memory_space<hbm>>) target(%arg13 : memref<80x128xf32, #tpu.memory_space<vmem>>) target_semaphore(%run_scoped3A : memref<!tpu.dma_semaphore, #tpu.memory_space<semaphore_mem>>)
        %dma_wait3A_128 = arith.constant 0 : i32
        %dma_wait3A_129 = tpu.memref_slice %arg4[%add3A_101, %dma_wait3A_128] : memref<320000x128xf32, #tpu.memory_space<hbm>> -> memref<80x128xf32, #tpu.memory_space<hbm>>
        %dma_wait3A_130 = arith.constant 0 : i32
        %dma_wait3A_131 = tpu.memref_slice %arg4[%add3A_101, %dma_wait3A_130] : memref<320000x128xf32, #tpu.memory_space<hbm>> -> memref<80x128xf32, #tpu.memory_space<hbm>>
        tpu.wait_dma2 semaphore(%run_scoped3A : memref<!tpu.dma_semaphore, #tpu.memory_space<semaphore_mem>>) src(%dma_wait3A_131 : memref<80x128xf32, #tpu.memory_space<hbm>>) dst(%arg13 : memref<80x128xf32, #tpu.memory_space<vmem>>)
        tpu.yield
      }) : () -> ()
      %dma_wait3A = arith.constant 0 : i32
      %dma_wait3A_107 = arith.constant 0 : i32
      %dma_wait3A_108 = tpu.memref_slice %arg2[%dma_wait3A, %dma_wait3A_107] : memref<10000x128xf32, #tpu.memory_space<hbm>> -> memref<10000x128xf32, #tpu.memory_space<hbm>>
      tpu.wait_indirect_dma semaphore(%arg16 : memref<!tpu.dma_semaphore, #tpu.memory_space<semaphore_mem>>) src(%dma_wait3A_108 : memref<10000x128xf32, #tpu.memory_space<hbm>>) dst(%arg11 : memref<80x128xf32, #tpu.memory_space<vmem>>)
      %dma_wait3A_109 = arith.constant 0 : i32
      %dma_wait3A_110 = arith.constant 0 : i32
      %dma_wait3A_111 = tpu.memref_slice %arg3[%dma_wait3A_109, %dma_wait3A_110] : memref<10000x128xf32, #tpu.memory_space<hbm>> -> memref<10000x128xf32, #tpu.memory_space<hbm>>
      tpu.wait_indirect_dma semaphore(%arg17 : memref<!tpu.dma_semaphore, #tpu.memory_space<semaphore_mem>>) src(%dma_wait3A_111 : memref<10000x128xf32, #tpu.memory_space<hbm>>) dst(%arg12 : memref<80x128xf32, #tpu.memory_space<vmem>>)
      %scan3A_112 = arith.constant 0 : i32
      %scan3A_113 = arith.constant 0 : i32
      %scan3A_114 = arith.constant 80 : i32
      %scan3A_115 = arith.addi %scan3A_113, %scan3A_114 : i32
      %scan3A_116 = arith.constant 1 : i32
      scf.for %scan3A_124 = %scan3A_113 to %scan3A_115 step %scan3A_116  : i32 {
        %get3A = arith.index_cast %scan3A_124 : i32 to index
        %get3A_125 = arith.constant 0 : index
        %get3A_126 = tpu.vector_load %arg11[%get3A, %get3A_125] {strides = array<i32>} : memref<80x128xf32, #tpu.memory_space<vmem>>, vector<1x16xf32>,
        %get3A_127 = vector.shape_cast %get3A_126 : vector<1x16xf32> to vector<16xf32>
        %get3A_128 = arith.index_cast %scan3A_124 : i32 to index
        %get3A_129 = arith.constant 0 : index
        %get3A_130 = tpu.vector_load %arg12[%get3A_128, %get3A_129] {strides = array<i32>} : memref<80x128xf32, #tpu.memory_space<vmem>>, vector<1x16xf32>,
        %get3A_131 = vector.shape_cast %get3A_130 : vector<1x16xf32> to vector<16xf32>
        %add3A_132 = arith.addf %get3A_127, %get3A_131 : vector<16xf32>
        %get3A_133 = arith.index_cast %scan3A_124 : i32 to index
        %get3A_134 = arith.constant 0 : index
        %get3A_135 = tpu.vector_load %arg13[%get3A_133, %get3A_134] {strides = array<i32>} : memref<80x128xf32, #tpu.memory_space<vmem>>, vector<1x16xf32>,
        %get3A_136 = vector.shape_cast %get3A_135 : vector<1x16xf32> to vector<16xf32>
        %add3A_137 = arith.addf %add3A_132, %get3A_136 : vector<16xf32>
        %max3A = arith.constant 0.000000e+00 : f32
        %max3A_138 = vector.broadcast %max3A : f32 to vector<16xf32>
        %max3A_139 = arith.maximumf %add3A_137, %max3A_138 : vector<16xf32>
        %swap3A = arith.index_cast %scan3A_124 : i32 to index
        %swap3A_140 = arith.constant 0 : index
        %swap3A_141 = tpu.vector_load %arg14[%swap3A, %swap3A_140] {strides = array<i32>} : memref<80x128xf32, #tpu.memory_space<vmem>>, vector<1x16xf32>,
        %swap3A_142 = vector.shape_cast %swap3A_141 : vector<1x16xf32> to vector<16xf32>
        %swap3A_143 = vector.shape_cast %max3A_139 : vector<16xf32> to vector<1x16xf32>
        tpu.vector_store %arg14[%swap3A, %swap3A_140], %swap3A_143 {strides = array<i32>} : memref<80x128xf32, #tpu.memory_space<vmem>>, vector<1x16xf32>,
        %get3A_144 = arith.index_cast %scan3A_124 : i32 to index
        %get3A_145 = arith.constant 16 : index
        %get3A_146 = tpu.vector_load %arg11[%get3A_144, %get3A_145] {strides = array<i32>} : memref<80x128xf32, #tpu.memory_space<vmem>>, vector<1x16xf32>,
        %get3A_147 = vector.shape_cast %get3A_146 : vector<1x16xf32> to vector<16xf32>
        %get3A_148 = arith.index_cast %scan3A_124 : i32 to index
        %get3A_149 = arith.constant 16 : index
        %get3A_150 = tpu.vector_load %arg12[%get3A_148, %get3A_149] {strides = array<i32>} : memref<80x128xf32, #tpu.memory_space<vmem>>, vector<1x16xf32>,
        %get3A_151 = vector.shape_cast %get3A_150 : vector<1x16xf32> to vector<16xf32>
        %add3A_152 = arith.addf %get3A_147, %get3A_151 : vector<16xf32>
        %get3A_153 = arith.index_cast %scan3A_124 : i32 to index
        %get3A_154 = arith.constant 16 : index
        %get3A_155 = tpu.vector_load %arg13[%get3A_153, %get3A_154] {strides = array<i32>} : memref<80x128xf32, #tpu.memory_space<vmem>>, vector<1x16xf32>,
        %get3A_156 = vector.shape_cast %get3A_155 : vector<1x16xf32> to vector<16xf32>
        %add3A_157 = arith.addf %add3A_152, %get3A_156 : vector<16xf32>
        %max3A_158 = arith.constant 0.000000e+00 : f32
        %max3A_159 = vector.broadcast %max3A_158 : f32 to vector<16xf32>
        %max3A_160 = arith.maximumf %add3A_157, %max3A_159 : vector<16xf32>
        %swap3A_161 = arith.index_cast %scan3A_124 : i32 to index
        %swap3A_162 = arith.constant 16 : index
        %swap3A_163 = tpu.vector_load %arg14[%swap3A_161, %swap3A_162] {strides = array<i32>} : memref<80x128xf32, #tpu.memory_space<vmem>>, vector<1x16xf32>,
        %swap3A_164 = vector.shape_cast %swap3A_163 : vector<1x16xf32> to vector<16xf32>
        %swap3A_165 = vector.shape_cast %max3A_160 : vector<16xf32> to vector<1x16xf32>
        tpu.vector_store %arg14[%swap3A_161, %swap3A_162], %swap3A_165 {strides = array<i32>} : memref<80x128xf32, #tpu.memory_space<vmem>>, vector<1x16xf32>,
        %get3A_166 = arith.index_cast %scan3A_124 : i32 to index
        %get3A_167 = arith.constant 32 : index
        %get3A_168 = tpu.vector_load %arg11[%get3A_166, %get3A_167] {strides = array<i32>} : memref<80x128xf32, #tpu.memory_space<vmem>>, vector<1x16xf32>,
        %get3A_169 = vector.shape_cast %get3A_168 : vector<1x16xf32> to vector<16xf32>
        %get3A_170 = arith.index_cast %scan3A_124 : i32 to index
        %get3A_171 = arith.constant 32 : index
        %get3A_172 = tpu.vector_load %arg12[%get3A_170, %get3A_171] {strides = array<i32>} : memref<80x128xf32, #tpu.memory_space<vmem>>, vector<1x16xf32>,
        %get3A_173 = vector.shape_cast %get3A_172 : vector<1x16xf32> to vector<16xf32>
        %add3A_174 = arith.addf %get3A_169, %get3A_173 : vector<16xf32>
        %get3A_175 = arith.index_cast %scan3A_124 : i32 to index
        %get3A_176 = arith.constant 32 : index
        %get3A_177 = tpu.vector_load %arg13[%get3A_175, %get3A_176] {strides = array<i32>} : memref<80x128xf32, #tpu.memory_space<vmem>>, vector<1x16xf32>,
        %get3A_178 = vector.shape_cast %get3A_177 : vector<1x16xf32> to vector<16xf32>
        %add3A_179 = arith.addf %add3A_174, %get3A_178 : vector<16xf32>
        %max3A_180 = arith.constant 0.000000e+00 : f32
        %max3A_181 = vector.broadcast %max3A_180 : f32 to vector<16xf32>
        %max3A_182 = arith.maximumf %add3A_179, %max3A_181 : vector<16xf32>
        %swap3A_183 = arith.index_cast %scan3A_124 : i32 to index
        %swap3A_184 = arith.constant 32 : index
        %swap3A_185 = tpu.vector_load %arg14[%swap3A_183, %swap3A_184] {strides = array<i32>} : memref<80x128xf32, #tpu.memory_space<vmem>>, vector<1x16xf32>,
        %swap3A_186 = vector.shape_cast %swap3A_185 : vector<1x16xf32> to vector<16xf32>
        %swap3A_187 = vector.shape_cast %max3A_182 : vector<16xf32> to vector<1x16xf32>
        tpu.vector_store %arg14[%swap3A_183, %swap3A_184], %swap3A_187 {strides = array<i32>} : memref<80x128xf32, #tpu.memory_space<vmem>>, vector<1x16xf32>,
        %get3A_188 = arith.index_cast %scan3A_124 : i32 to index
        %get3A_189 = arith.constant 48 : index
        %get3A_190 = tpu.vector_load %arg11[%get3A_188, %get3A_189] {strides = array<i32>} : memref<80x128xf32, #tpu.memory_space<vmem>>, vector<1x16xf32>,
        %get3A_191 = vector.shape_cast %get3A_190 : vector<1x16xf32> to vector<16xf32>
        %get3A_192 = arith.index_cast %scan3A_124 : i32 to index
        %get3A_193 = arith.constant 48 : index
        %get3A_194 = tpu.vector_load %arg12[%get3A_192, %get3A_193] {strides = array<i32>} : memref<80x128xf32, #tpu.memory_space<vmem>>, vector<1x16xf32>,
        %get3A_195 = vector.shape_cast %get3A_194 : vector<1x16xf32> to vector<16xf32>
        %add3A_196 = arith.addf %get3A_191, %get3A_195 : vector<16xf32>
        %get3A_197 = arith.index_cast %scan3A_124 : i32 to index
        %get3A_198 = arith.constant 48 : index
        %get3A_199 = tpu.vector_load %arg13[%get3A_197, %get3A_198] {strides = array<i32>} : memref<80x128xf32, #tpu.memory_space<vmem>>, vector<1x16xf32>,
        %get3A_200 = vector.shape_cast %get3A_199 : vector<1x16xf32> to vector<16xf32>
        %add3A_201 = arith.addf %add3A_196, %get3A_200 : vector<16xf32>
        %max3A_202 = arith.constant 0.000000e+00 : f32
        %max3A_203 = vector.broadcast %max3A_202 : f32 to vector<16xf32>
        %max3A_204 = arith.maximumf %add3A_201, %max3A_203 : vector<16xf32>
        %swap3A_205 = arith.index_cast %scan3A_124 : i32 to index
        %swap3A_206 = arith.constant 48 : index
        %swap3A_207 = tpu.vector_load %arg14[%swap3A_205, %swap3A_206] {strides = array<i32>} : memref<80x128xf32, #tpu.memory_space<vmem>>, vector<1x16xf32>,
        %swap3A_208 = vector.shape_cast %swap3A_207 : vector<1x16xf32> to vector<16xf32>
        %swap3A_209 = vector.shape_cast %max3A_204 : vector<16xf32> to vector<1x16xf32>
        tpu.vector_store %arg14[%swap3A_205, %swap3A_206], %swap3A_209 {strides = array<i32>} : memref<80x128xf32, #tpu.memory_space<vmem>>, vector<1x16xf32>,
        %get3A_210 = arith.index_cast %scan3A_124 : i32 to index
        %get3A_211 = arith.constant 64 : index
        %get3A_212 = tpu.vector_load %arg11[%get3A_210, %get3A_211] {strides = array<i32>} : memref<80x128xf32, #tpu.memory_space<vmem>>, vector<1x16xf32>,
        %get3A_213 = vector.shape_cast %get3A_212 : vector<1x16xf32> to vector<16xf32>
        %get3A_214 = arith.index_cast %scan3A_124 : i32 to index
        %get3A_215 = arith.constant 64 : index
        %get3A_216 = tpu.vector_load %arg12[%get3A_214, %get3A_215] {strides = array<i32>} : memref<80x128xf32, #tpu.memory_space<vmem>>, vector<1x16xf32>,
        %get3A_217 = vector.shape_cast %get3A_216 : vector<1x16xf32> to vector<16xf32>
        %add3A_218 = arith.addf %get3A_213, %get3A_217 : vector<16xf32>
        %get3A_219 = arith.index_cast %scan3A_124 : i32 to index
        %get3A_220 = arith.constant 64 : index
        %get3A_221 = tpu.vector_load %arg13[%get3A_219, %get3A_220] {strides = array<i32>} : memref<80x128xf32, #tpu.memory_space<vmem>>, vector<1x16xf32>,
        %get3A_222 = vector.shape_cast %get3A_221 : vector<1x16xf32> to vector<16xf32>
        %add3A_223 = arith.addf %add3A_218, %get3A_222 : vector<16xf32>
        %max3A_224 = arith.constant 0.000000e+00 : f32
        %max3A_225 = vector.broadcast %max3A_224 : f32 to vector<16xf32>
        %max3A_226 = arith.maximumf %add3A_223, %max3A_225 : vector<16xf32>
        %swap3A_227 = arith.index_cast %scan3A_124 : i32 to index
        %swap3A_228 = arith.constant 64 : index
        %swap3A_229 = tpu.vector_load %arg14[%swap3A_227, %swap3A_228] {strides = array<i32>} : memref<80x128xf32, #tpu.memory_space<vmem>>, vector<1x16xf32>,
        %swap3A_230 = vector.shape_cast %swap3A_229 : vector<1x16xf32> to vector<16xf32>
        %swap3A_231 = vector.shape_cast %max3A_226 : vector<16xf32> to vector<1x16xf32>
        tpu.vector_store %arg14[%swap3A_227, %swap3A_228], %swap3A_231 {strides = array<i32>} : memref<80x128xf32, #tpu.memory_space<vmem>>, vector<1x16xf32>,
        %get3A_232 = arith.index_cast %scan3A_124 : i32 to index
        %get3A_233 = arith.constant 80 : index
        %get3A_234 = tpu.vector_load %arg11[%get3A_232, %get3A_233] {strides = array<i32>} : memref<80x128xf32, #tpu.memory_space<vmem>>, vector<1x16xf32>,
        %get3A_235 = vector.shape_cast %get3A_234 : vector<1x16xf32> to vector<16xf32>
        %get3A_236 = arith.index_cast %scan3A_124 : i32 to index
        %get3A_237 = arith.constant 80 : index
        %get3A_238 = tpu.vector_load %arg12[%get3A_236, %get3A_237] {strides = array<i32>} : memref<80x128xf32, #tpu.memory_space<vmem>>, vector<1x16xf32>,
        %get3A_239 = vector.shape_cast %get3A_238 : vector<1x16xf32> to vector<16xf32>
        %add3A_240 = arith.addf %get3A_235, %get3A_239 : vector<16xf32>
        %get3A_241 = arith.index_cast %scan3A_124 : i32 to index
        %get3A_242 = arith.constant 80 : index
        %get3A_243 = tpu.vector_load %arg13[%get3A_241, %get3A_242] {strides = array<i32>} : memref<80x128xf32, #tpu.memory_space<vmem>>, vector<1x16xf32>,
        %get3A_244 = vector.shape_cast %get3A_243 : vector<1x16xf32> to vector<16xf32>
        %add3A_245 = arith.addf %add3A_240, %get3A_244 : vector<16xf32>
        %max3A_246 = arith.constant 0.000000e+00 : f32
        %max3A_247 = vector.broadcast %max3A_246 : f32 to vector<16xf32>
        %max3A_248 = arith.maximumf %add3A_245, %max3A_247 : vector<16xf32>
        %swap3A_249 = arith.index_cast %scan3A_124 : i32 to index
        %swap3A_250 = arith.constant 80 : index
        %swap3A_251 = tpu.vector_load %arg14[%swap3A_249, %swap3A_250] {strides = array<i32>} : memref<80x128xf32, #tpu.memory_space<vmem>>, vector<1x16xf32>,
        %swap3A_252 = vector.shape_cast %swap3A_251 : vector<1x16xf32> to vector<16xf32>
        %swap3A_253 = vector.shape_cast %max3A_248 : vector<16xf32> to vector<1x16xf32>
        tpu.vector_store %arg14[%swap3A_249, %swap3A_250], %swap3A_253 {strides = array<i32>} : memref<80x128xf32, #tpu.memory_space<vmem>>, vector<1x16xf32>,
        %get3A_254 = arith.index_cast %scan3A_124 : i32 to index
        %get3A_255 = arith.constant 96 : index
        %get3A_256 = tpu.vector_load %arg11[%get3A_254, %get3A_255] {strides = array<i32>} : memref<80x128xf32, #tpu.memory_space<vmem>>, vector<1x16xf32>,
        %get3A_257 = vector.shape_cast %get3A_256 : vector<1x16xf32> to vector<16xf32>
        %get3A_258 = arith.index_cast %scan3A_124 : i32 to index
        %get3A_259 = arith.constant 96 : index
        %get3A_260 = tpu.vector_load %arg12[%get3A_258, %get3A_259] {strides = array<i32>} : memref<80x128xf32, #tpu.memory_space<vmem>>, vector<1x16xf32>,
        %get3A_261 = vector.shape_cast %get3A_260 : vector<1x16xf32> to vector<16xf32>
        %add3A_262 = arith.addf %get3A_257, %get3A_261 : vector<16xf32>
        %get3A_263 = arith.index_cast %scan3A_124 : i32 to index
        %get3A_264 = arith.constant 96 : index
        %get3A_265 = tpu.vector_load %arg13[%get3A_263, %get3A_264] {strides = array<i32>} : memref<80x128xf32, #tpu.memory_space<vmem>>, vector<1x16xf32>,
        %get3A_266 = vector.shape_cast %get3A_265 : vector<1x16xf32> to vector<16xf32>
        %add3A_267 = arith.addf %add3A_262, %get3A_266 : vector<16xf32>
        %max3A_268 = arith.constant 0.000000e+00 : f32
        %max3A_269 = vector.broadcast %max3A_268 : f32 to vector<16xf32>
        %max3A_270 = arith.maximumf %add3A_267, %max3A_269 : vector<16xf32>
        %swap3A_271 = arith.index_cast %scan3A_124 : i32 to index
        %swap3A_272 = arith.constant 96 : index
        %swap3A_273 = tpu.vector_load %arg14[%swap3A_271, %swap3A_272] {strides = array<i32>} : memref<80x128xf32, #tpu.memory_space<vmem>>, vector<1x16xf32>,
        %swap3A_274 = vector.shape_cast %swap3A_273 : vector<1x16xf32> to vector<16xf32>
        %swap3A_275 = vector.shape_cast %max3A_270 : vector<16xf32> to vector<1x16xf32>
        tpu.vector_store %arg14[%swap3A_271, %swap3A_272], %swap3A_275 {strides = array<i32>} : memref<80x128xf32, #tpu.memory_space<vmem>>, vector<1x16xf32>,
        %get3A_276 = arith.index_cast %scan3A_124 : i32 to index
        %get3A_277 = arith.constant 112 : index
        %get3A_278 = tpu.vector_load %arg11[%get3A_276, %get3A_277] {strides = array<i32>} : memref<80x128xf32, #tpu.memory_space<vmem>>, vector<1x16xf32>,
        %get3A_279 = vector.shape_cast %get3A_278 : vector<1x16xf32> to vector<16xf32>
        %get3A_280 = arith.index_cast %scan3A_124 : i32 to index
        %get3A_281 = arith.constant 112 : index
        %get3A_282 = tpu.vector_load %arg12[%get3A_280, %get3A_281] {strides = array<i32>} : memref<80x128xf32, #tpu.memory_space<vmem>>, vector<1x16xf32>,
        %get3A_283 = vector.shape_cast %get3A_282 : vector<1x16xf32> to vector<16xf32>
        %add3A_284 = arith.addf %get3A_279, %get3A_283 : vector<16xf32>
        %get3A_285 = arith.index_cast %scan3A_124 : i32 to index
        %get3A_286 = arith.constant 112 : index
        %get3A_287 = tpu.vector_load %arg13[%get3A_285, %get3A_286] {strides = array<i32>} : memref<80x128xf32, #tpu.memory_space<vmem>>, vector<1x16xf32>,
        %get3A_288 = vector.shape_cast %get3A_287 : vector<1x16xf32> to vector<16xf32>
        %add3A_289 = arith.addf %add3A_284, %get3A_288 : vector<16xf32>
        %max3A_290 = arith.constant 0.000000e+00 : f32
        %max3A_291 = vector.broadcast %max3A_290 : f32 to vector<16xf32>
        %max3A_292 = arith.maximumf %add3A_289, %max3A_291 : vector<16xf32>
        %swap3A_293 = arith.index_cast %scan3A_124 : i32 to index
        %swap3A_294 = arith.constant 112 : index
        %swap3A_295 = tpu.vector_load %arg14[%swap3A_293, %swap3A_294] {strides = array<i32>} : memref<80x128xf32, #tpu.memory_space<vmem>>, vector<1x16xf32>,
        %swap3A_296 = vector.shape_cast %swap3A_295 : vector<1x16xf32> to vector<16xf32>
        %swap3A_297 = vector.shape_cast %max3A_292 : vector<16xf32> to vector<1x16xf32>
        tpu.vector_store %arg14[%swap3A_293, %swap3A_294], %swap3A_297 {strides = array<i32>} : memref<80x128xf32, #tpu.memory_space<vmem>>, vector<1x16xf32>,
      }
      %scan3A_117 = arith.constant 80 : i32
      %dma_start3A_118 = arith.constant 0 : i32
      %dma_start3A_119 = arith.constant 0 : i32
      %dma_start3A_120 = tpu.memref_slice %arg8[%dma_start3A_118, %dma_start3A_119] : memref<10240x128xf32, #tpu.memory_space<vmem_shared>> -> memref<10240x128xf32, #tpu.memory_space<vmem_shared>>
      tpu.enqueue_indirect_dma source(%arg14 : memref<80x128xf32, #tpu.memory_space<vmem>>) target(%dma_start3A_120 : memref<10240x128xf32, #tpu.memory_space<vmem_shared>>) offsets(%arg9 : memref<80xi32, #tpu.memory_space<vmem>>) semaphore(%arg18 : memref<!tpu.dma_semaphore, #tpu.memory_space<semaphore_mem>>) {add = true}
      %dma_wait3A_121 = arith.constant 0 : i32
      %dma_wait3A_122 = arith.constant 0 : i32
      %dma_wait3A_123 = tpu.memref_slice %arg8[%dma_wait3A_121, %dma_wait3A_122] : memref<10240x128xf32, #tpu.memory_space<vmem_shared>> -> memref<10240x128xf32, #tpu.memory_space<vmem_shared>>
      tpu.wait_indirect_dma semaphore(%arg18 : memref<!tpu.dma_semaphore, #tpu.memory_space<semaphore_mem>>) src(%arg14 : memref<80x128xf32, #tpu.memory_space<vmem>>) dst(%dma_wait3A_123 : memref<10240x128xf32, #tpu.memory_space<vmem_shared>>)
    }
    %scan3A_94 = arith.constant 125 : i32
    %barrier3A_95 = arith.constant 0 : index
    tpu.barrier barrier_id(%barrier3A_95)
    %mul3A_96 = arith.constant 640 : i32
    %mul3A_97 = arith.muli %arg1, %mul3A_96 : i32
    "tpu.region"() ({
      %run_scoped3A = tpu.sem_alloc : memref<!tpu.dma_semaphore, #tpu.memory_space<semaphore_mem>>
      %dma_start3A = arith.constant 0 : i32
      %dma_start3A_98 = tpu.memref_slice %arg7[%arg0, %mul3A_97, %dma_start3A] : memref<2x10240x128xf32, #tpu.memory_space<hbm>> -> memref<1x640x128xf32, #tpu.memory_space<hbm>>
      %dma_start3A_99 = tpu.memref_squeeze %dma_start3A_98 : memref<1x640x128xf32, #tpu.memory_space<hbm>> -> memref<640x128xf32, #tpu.memory_space<hbm>>
      %dma_start3A_100 = arith.constant 0 : i32
      %dma_start3A_101 = tpu.memref_slice %arg8[%mul3A_97, %dma_start3A_100] : memref<10240x128xf32, #tpu.memory_space<vmem_shared>> -> memref<640x128xf32, #tpu.memory_space<vmem_shared>>
      tpu.enqueue_dma source(%dma_start3A_101 : memref<640x128xf32, #tpu.memory_space<vmem_shared>>) target(%dma_start3A_99 : memref<640x128xf32, #tpu.memory_space<hbm>>) target_semaphore(%run_scoped3A : memref<!tpu.dma_semaphore, #tpu.memory_space<semaphore_mem>>)
      %dma_wait3A = arith.constant 0 : i32
      %dma_wait3A_102 = tpu.memref_slice %arg7[%arg0, %mul3A_97, %dma_wait3A] : memref<2x10240x128xf32, #tpu.memory_space<hbm>> -> memref<1x640x128xf32, #tpu.memory_space<hbm>>
      %dma_wait3A_103 = tpu.memref_squeeze %dma_wait3A_102 : memref<1x640x128xf32, #tpu.memory_space<hbm>> -> memref<640x128xf32, #tpu.memory_space<hbm>>
      %dma_wait3A_104 = arith.constant 0 : i32
      %dma_wait3A_105 = tpu.memref_slice %arg8[%mul3A_97, %dma_wait3A_104] : memref<10240x128xf32, #tpu.memory_space<vmem_shared>> -> memref<640x128xf32, #tpu.memory_space<vmem_shared>>
      tpu.wait_dma2 semaphore(%run_scoped3A : memref<!tpu.dma_semaphore, #tpu.memory_space<semaphore_mem>>) src(%dma_wait3A_105 : memref<640x128xf32, #tpu.memory_space<vmem_shared>>) dst(%dma_wait3A_103 : memref<640x128xf32, #tpu.memory_space<hbm>>)
      tpu.yield
    }) : () -> ()
    return
  }
}

#map = affine_map<(d0, d1) -> (0, 0)>
#map1 = affine_map<(d0, d1) -> (0)>
#map2 = affine_map<(d0, d1) -> (0, 0, 0)>
module attributes {stable_mosaic.version = 14 : i64} {
  func.func @edge_kernel(%arg0: i32, %arg1: i32, %arg2: memref<10000x128xf32, #tpu.memory_space<hbm>>, %arg3: memref<10000x128xf32, #tpu.memory_space<hbm>>, %arg4: memref<320000x128xf32, #tpu.memory_space<hbm>>, %arg5: memref<320000xi32, #tpu.memory_space<hbm>>, %arg6: memref<320000xi32, #tpu.memory_space<hbm>>, %arg7: memref<2x10240x128xf32, #tpu.memory_space<hbm>>, %arg8: memref<10240x128xf32, #tpu.memory_space<vmem_shared>>, %arg9: memref<80xi32, #tpu.memory_space<vmem>>, %arg10: memref<80xi32, #tpu.memory_space<vmem>>, %arg11: memref<80x128xf32, #tpu.memory_space<vmem>>, %arg12: memref<80x128xf32, #tpu.memory_space<vmem>>, %arg13: memref<80x128xf32, #tpu.memory_space<vmem>>, %arg14: memref<80x128xf32, #tpu.memory_space<vmem>>, %arg15: memref<32x128xf32, #tpu.memory_space<vmem>>, %arg16: memref<!tpu.dma_semaphore, #tpu.memory_space<semaphore_mem>>, %arg17: memref<!tpu.dma_semaphore, #tpu.memory_space<semaphore_mem>>, %arg18: memref<!tpu.dma_semaphore, #tpu.memory_space<semaphore_mem>>) attributes {dimension_semantics = [#tpu.dimension_semantics<core_parallel>, #tpu.dimension_semantics<subcore_parallel>], iteration_bounds = array<i64: 2, 16>, scalar_prefetch = 0 : i64, scratch_operands = 11 : i64, tpu.core_type = #tpu.core_type<sc_vector_subcore>, window_params = [{transform_indices = #map}, {transform_indices = #map}, {transform_indices = #map}, {transform_indices = #map1}, {transform_indices = #map1}, {transform_indices = #map2}]} {
    %mul3A = arith.constant 16 : i32
    %mul3A_0 = arith.muli %arg0, %mul3A : i32
    %add3A = arith.addi %mul3A_0, %arg1 : i32
    %mul3A_1 = arith.constant 10000 : i32
    %mul3A_2 = arith.muli %add3A, %mul3A_1 : i32
    %broadcast_in_dim3A = arith.constant 0.000000e+00 : f32
    %broadcast_in_dim3A_3 = vector.broadcast %broadcast_in_dim3A : f32 to vector<16xf32>
    %scan3A = arith.constant 0 : i32
    %scan3A_4 = arith.constant 0 : i32
    %scan3A_5 = arith.constant 32 : i32
    %scan3A_6 = arith.addi %scan3A_4, %scan3A_5 : i32
    %scan3A_7 = arith.constant 1 : i32
    scf.for %scan3A_98 = %scan3A_4 to %scan3A_6 step %scan3A_7  : i32 {
      %swap3A = arith.index_cast %scan3A_98 : i32 to index
      %swap3A_99 = arith.constant 0 : index
      %swap3A_100 = tpu.vector_load %arg15[%swap3A, %swap3A_99] {strides = array<i32>} : memref<32x128xf32, #tpu.memory_space<vmem>>, vector<1x16xf32>,
      %swap3A_101 = vector.shape_cast %swap3A_100 : vector<1x16xf32> to vector<16xf32>
      %swap3A_102 = vector.shape_cast %broadcast_in_dim3A_3 : vector<16xf32> to vector<1x16xf32>
      tpu.vector_store %arg15[%swap3A, %swap3A_99], %swap3A_102 {strides = array<i32>} : memref<32x128xf32, #tpu.memory_space<vmem>>, vector<1x16xf32>,
      %swap3A_103 = arith.index_cast %scan3A_98 : i32 to index
      %swap3A_104 = arith.constant 16 : index
      %swap3A_105 = tpu.vector_load %arg15[%swap3A_103, %swap3A_104] {strides = array<i32>} : memref<32x128xf32, #tpu.memory_space<vmem>>, vector<1x16xf32>,
      %swap3A_106 = vector.shape_cast %swap3A_105 : vector<1x16xf32> to vector<16xf32>
      %swap3A_107 = vector.shape_cast %broadcast_in_dim3A_3 : vector<16xf32> to vector<1x16xf32>
      tpu.vector_store %arg15[%swap3A_103, %swap3A_104], %swap3A_107 {strides = array<i32>} : memref<32x128xf32, #tpu.memory_space<vmem>>, vector<1x16xf32>,
      %swap3A_108 = arith.index_cast %scan3A_98 : i32 to index
      %swap3A_109 = arith.constant 32 : index
      %swap3A_110 = tpu.vector_load %arg15[%swap3A_108, %swap3A_109] {strides = array<i32>} : memref<32x128xf32, #tpu.memory_space<vmem>>, vector<1x16xf32>,
      %swap3A_111 = vector.shape_cast %swap3A_110 : vector<1x16xf32> to vector<16xf32>
      %swap3A_112 = vector.shape_cast %broadcast_in_dim3A_3 : vector<16xf32> to vector<1x16xf32>
      tpu.vector_store %arg15[%swap3A_108, %swap3A_109], %swap3A_112 {strides = array<i32>} : memref<32x128xf32, #tpu.memory_space<vmem>>, vector<1x16xf32>,
      %swap3A_113 = arith.index_cast %scan3A_98 : i32 to index
      %swap3A_114 = arith.constant 48 : index
      %swap3A_115 = tpu.vector_load %arg15[%swap3A_113, %swap3A_114] {strides = array<i32>} : memref<32x128xf32, #tpu.memory_space<vmem>>, vector<1x16xf32>,
      %swap3A_116 = vector.shape_cast %swap3A_115 : vector<1x16xf32> to vector<16xf32>
      %swap3A_117 = vector.shape_cast %broadcast_in_dim3A_3 : vector<16xf32> to vector<1x16xf32>
      tpu.vector_store %arg15[%swap3A_113, %swap3A_114], %swap3A_117 {strides = array<i32>} : memref<32x128xf32, #tpu.memory_space<vmem>>, vector<1x16xf32>,
      %swap3A_118 = arith.index_cast %scan3A_98 : i32 to index
      %swap3A_119 = arith.constant 64 : index
      %swap3A_120 = tpu.vector_load %arg15[%swap3A_118, %swap3A_119] {strides = array<i32>} : memref<32x128xf32, #tpu.memory_space<vmem>>, vector<1x16xf32>,
      %swap3A_121 = vector.shape_cast %swap3A_120 : vector<1x16xf32> to vector<16xf32>
      %swap3A_122 = vector.shape_cast %broadcast_in_dim3A_3 : vector<16xf32> to vector<1x16xf32>
      tpu.vector_store %arg15[%swap3A_118, %swap3A_119], %swap3A_122 {strides = array<i32>} : memref<32x128xf32, #tpu.memory_space<vmem>>, vector<1x16xf32>,
      %swap3A_123 = arith.index_cast %scan3A_98 : i32 to index
      %swap3A_124 = arith.constant 80 : index
      %swap3A_125 = tpu.vector_load %arg15[%swap3A_123, %swap3A_124] {strides = array<i32>} : memref<32x128xf32, #tpu.memory_space<vmem>>, vector<1x16xf32>,
      %swap3A_126 = vector.shape_cast %swap3A_125 : vector<1x16xf32> to vector<16xf32>
      %swap3A_127 = vector.shape_cast %broadcast_in_dim3A_3 : vector<16xf32> to vector<1x16xf32>
      tpu.vector_store %arg15[%swap3A_123, %swap3A_124], %swap3A_127 {strides = array<i32>} : memref<32x128xf32, #tpu.memory_space<vmem>>, vector<1x16xf32>,
      %swap3A_128 = arith.index_cast %scan3A_98 : i32 to index
      %swap3A_129 = arith.constant 96 : index
      %swap3A_130 = tpu.vector_load %arg15[%swap3A_128, %swap3A_129] {strides = array<i32>} : memref<32x128xf32, #tpu.memory_space<vmem>>, vector<1x16xf32>,
      %swap3A_131 = vector.shape_cast %swap3A_130 : vector<1x16xf32> to vector<16xf32>
      %swap3A_132 = vector.shape_cast %broadcast_in_dim3A_3 : vector<16xf32> to vector<1x16xf32>
      tpu.vector_store %arg15[%swap3A_128, %swap3A_129], %swap3A_132 {strides = array<i32>} : memref<32x128xf32, #tpu.memory_space<vmem>>, vector<1x16xf32>,
      %swap3A_133 = arith.index_cast %scan3A_98 : i32 to index
      %swap3A_134 = arith.constant 112 : index
      %swap3A_135 = tpu.vector_load %arg15[%swap3A_133, %swap3A_134] {strides = array<i32>} : memref<32x128xf32, #tpu.memory_space<vmem>>, vector<1x16xf32>,
      %swap3A_136 = vector.shape_cast %swap3A_135 : vector<1x16xf32> to vector<16xf32>
      %swap3A_137 = vector.shape_cast %broadcast_in_dim3A_3 : vector<16xf32> to vector<1x16xf32>
      tpu.vector_store %arg15[%swap3A_133, %swap3A_134], %swap3A_137 {strides = array<i32>} : memref<32x128xf32, #tpu.memory_space<vmem>>, vector<1x16xf32>,
    }
    %scan3A_8 = arith.constant 32 : i32
    %mul3A_9 = arith.constant 640 : i32
    %mul3A_10 = arith.muli %arg1, %mul3A_9 : i32
    %add3A_11 = arith.constant 0 : i32
    %add3A_12 = arith.addi %mul3A_10, %add3A_11 : i32
    "tpu.region"() ({
      %run_scoped3A = tpu.sem_alloc : memref<!tpu.dma_semaphore, #tpu.memory_space<semaphore_mem>>
      %dma_start3A = arith.constant 0 : i32
      %dma_start3A_98 = tpu.memref_slice %arg8[%add3A_12, %dma_start3A] : memref<10240x128xf32, #tpu.memory_space<vmem_shared>> -> memref<32x128xf32, #tpu.memory_space<vmem_shared>>
      %dma_start3A_99 = arith.constant 0 : i32
      %dma_start3A_100 = tpu.memref_slice %arg8[%add3A_12, %dma_start3A_99] : memref<10240x128xf32, #tpu.memory_space<vmem_shared>> -> memref<32x128xf32, #tpu.memory_space<vmem_shared>>
      tpu.enqueue_dma source(%arg15 : memref<32x128xf32, #tpu.memory_space<vmem>>) target(%dma_start3A_100 : memref<32x128xf32, #tpu.memory_space<vmem_shared>>) target_semaphore(%run_scoped3A : memref<!tpu.dma_semaphore, #tpu.memory_space<semaphore_mem>>)
      %dma_wait3A = arith.constant 0 : i32
      %dma_wait3A_101 = tpu.memref_slice %arg8[%add3A_12, %dma_wait3A] : memref<10240x128xf32, #tpu.memory_space<vmem_shared>> -> memref<32x128xf32, #tpu.memory_space<vmem_shared>>
      %dma_wait3A_102 = arith.constant 0 : i32
      %dma_wait3A_103 = tpu.memref_slice %arg8[%add3A_12, %dma_wait3A_102] : memref<10240x128xf32, #tpu.memory_space<vmem_shared>> -> memref<32x128xf32, #tpu.memory_space<vmem_shared>>
      tpu.wait_dma2 semaphore(%run_scoped3A : memref<!tpu.dma_semaphore, #tpu.memory_space<semaphore_mem>>) src(%arg15 : memref<32x128xf32, #tpu.memory_space<vmem>>) dst(%dma_wait3A_103 : memref<32x128xf32, #tpu.memory_space<vmem_shared>>)
      tpu.yield
    }) : () -> ()
    %mul3A_13 = arith.constant 640 : i32
    %mul3A_14 = arith.muli %arg1, %mul3A_13 : i32
    %add3A_15 = arith.constant 32 : i32
    %add3A_16 = arith.addi %mul3A_14, %add3A_15 : i32
    "tpu.region"() ({
      %run_scoped3A = tpu.sem_alloc : memref<!tpu.dma_semaphore, #tpu.memory_space<semaphore_mem>>
      %dma_start3A = arith.constant 0 : i32
      %dma_start3A_98 = tpu.memref_slice %arg8[%add3A_16, %dma_start3A] : memref<10240x128xf32, #tpu.memory_space<vmem_shared>> -> memref<32x128xf32, #tpu.memory_space<vmem_shared>>
      %dma_start3A_99 = arith.constant 0 : i32
      %dma_start3A_100 = tpu.memref_slice %arg8[%add3A_16, %dma_start3A_99] : memref<10240x128xf32, #tpu.memory_space<vmem_shared>> -> memref<32x128xf32, #tpu.memory_space<vmem_shared>>
      tpu.enqueue_dma source(%arg15 : memref<32x128xf32, #tpu.memory_space<vmem>>) target(%dma_start3A_100 : memref<32x128xf32, #tpu.memory_space<vmem_shared>>) target_semaphore(%run_scoped3A : memref<!tpu.dma_semaphore, #tpu.memory_space<semaphore_mem>>)
      %dma_wait3A = arith.constant 0 : i32
      %dma_wait3A_101 = tpu.memref_slice %arg8[%add3A_16, %dma_wait3A] : memref<10240x128xf32, #tpu.memory_space<vmem_shared>> -> memref<32x128xf32, #tpu.memory_space<vmem_shared>>
      %dma_wait3A_102 = arith.constant 0 : i32
      %dma_wait3A_103 = tpu.memref_slice %arg8[%add3A_16, %dma_wait3A_102] : memref<10240x128xf32, #tpu.memory_space<vmem_shared>> -> memref<32x128xf32, #tpu.memory_space<vmem_shared>>
      tpu.wait_dma2 semaphore(%run_scoped3A : memref<!tpu.dma_semaphore, #tpu.memory_space<semaphore_mem>>) src(%arg15 : memref<32x128xf32, #tpu.memory_space<vmem>>) dst(%dma_wait3A_103 : memref<32x128xf32, #tpu.memory_space<vmem_shared>>)
      tpu.yield
    }) : () -> ()
    %mul3A_17 = arith.constant 640 : i32
    %mul3A_18 = arith.muli %arg1, %mul3A_17 : i32
    %add3A_19 = arith.constant 64 : i32
    %add3A_20 = arith.addi %mul3A_18, %add3A_19 : i32
    "tpu.region"() ({
      %run_scoped3A = tpu.sem_alloc : memref<!tpu.dma_semaphore, #tpu.memory_space<semaphore_mem>>
      %dma_start3A = arith.constant 0 : i32
      %dma_start3A_98 = tpu.memref_slice %arg8[%add3A_20, %dma_start3A] : memref<10240x128xf32, #tpu.memory_space<vmem_shared>> -> memref<32x128xf32, #tpu.memory_space<vmem_shared>>
      %dma_start3A_99 = arith.constant 0 : i32
      %dma_start3A_100 = tpu.memref_slice %arg8[%add3A_20, %dma_start3A_99] : memref<10240x128xf32, #tpu.memory_space<vmem_shared>> -> memref<32x128xf32, #tpu.memory_space<vmem_shared>>
      tpu.enqueue_dma source(%arg15 : memref<32x128xf32, #tpu.memory_space<vmem>>) target(%dma_start3A_100 : memref<32x128xf32, #tpu.memory_space<vmem_shared>>) target_semaphore(%run_scoped3A : memref<!tpu.dma_semaphore, #tpu.memory_space<semaphore_mem>>)
      %dma_wait3A = arith.constant 0 : i32
      %dma_wait3A_101 = tpu.memref_slice %arg8[%add3A_20, %dma_wait3A] : memref<10240x128xf32, #tpu.memory_space<vmem_shared>> -> memref<32x128xf32, #tpu.memory_space<vmem_shared>>
      %dma_wait3A_102 = arith.constant 0 : i32
      %dma_wait3A_103 = tpu.memref_slice %arg8[%add3A_20, %dma_wait3A_102] : memref<10240x128xf32, #tpu.memory_space<vmem_shared>> -> memref<32x128xf32, #tpu.memory_space<vmem_shared>>
      tpu.wait_dma2 semaphore(%run_scoped3A : memref<!tpu.dma_semaphore, #tpu.memory_space<semaphore_mem>>) src(%arg15 : memref<32x128xf32, #tpu.memory_space<vmem>>) dst(%dma_wait3A_103 : memref<32x128xf32, #tpu.memory_space<vmem_shared>>)
      tpu.yield
    }) : () -> ()
    %mul3A_21 = arith.constant 640 : i32
    %mul3A_22 = arith.muli %arg1, %mul3A_21 : i32
    %add3A_23 = arith.constant 96 : i32
    %add3A_24 = arith.addi %mul3A_22, %add3A_23 : i32
    "tpu.region"() ({
      %run_scoped3A = tpu.sem_alloc : memref<!tpu.dma_semaphore, #tpu.memory_space<semaphore_mem>>
      %dma_start3A = arith.constant 0 : i32
      %dma_start3A_98 = tpu.memref_slice %arg8[%add3A_24, %dma_start3A] : memref<10240x128xf32, #tpu.memory_space<vmem_shared>> -> memref<32x128xf32, #tpu.memory_space<vmem_shared>>
      %dma_start3A_99 = arith.constant 0 : i32
      %dma_start3A_100 = tpu.memref_slice %arg8[%add3A_24, %dma_start3A_99] : memref<10240x128xf32, #tpu.memory_space<vmem_shared>> -> memref<32x128xf32, #tpu.memory_space<vmem_shared>>
      tpu.enqueue_dma source(%arg15 : memref<32x128xf32, #tpu.memory_space<vmem>>) target(%dma_start3A_100 : memref<32x128xf32, #tpu.memory_space<vmem_shared>>) target_semaphore(%run_scoped3A : memref<!tpu.dma_semaphore, #tpu.memory_space<semaphore_mem>>)
      %dma_wait3A = arith.constant 0 : i32
      %dma_wait3A_101 = tpu.memref_slice %arg8[%add3A_24, %dma_wait3A] : memref<10240x128xf32, #tpu.memory_space<vmem_shared>> -> memref<32x128xf32, #tpu.memory_space<vmem_shared>>
      %dma_wait3A_102 = arith.constant 0 : i32
      %dma_wait3A_103 = tpu.memref_slice %arg8[%add3A_24, %dma_wait3A_102] : memref<10240x128xf32, #tpu.memory_space<vmem_shared>> -> memref<32x128xf32, #tpu.memory_space<vmem_shared>>
      tpu.wait_dma2 semaphore(%run_scoped3A : memref<!tpu.dma_semaphore, #tpu.memory_space<semaphore_mem>>) src(%arg15 : memref<32x128xf32, #tpu.memory_space<vmem>>) dst(%dma_wait3A_103 : memref<32x128xf32, #tpu.memory_space<vmem_shared>>)
      tpu.yield
    }) : () -> ()
    %mul3A_25 = arith.constant 640 : i32
    %mul3A_26 = arith.muli %arg1, %mul3A_25 : i32
    %add3A_27 = arith.constant 128 : i32
    %add3A_28 = arith.addi %mul3A_26, %add3A_27 : i32
    "tpu.region"() ({
      %run_scoped3A = tpu.sem_alloc : memref<!tpu.dma_semaphore, #tpu.memory_space<semaphore_mem>>
      %dma_start3A = arith.constant 0 : i32
      %dma_start3A_98 = tpu.memref_slice %arg8[%add3A_28, %dma_start3A] : memref<10240x128xf32, #tpu.memory_space<vmem_shared>> -> memref<32x128xf32, #tpu.memory_space<vmem_shared>>
      %dma_start3A_99 = arith.constant 0 : i32
      %dma_start3A_100 = tpu.memref_slice %arg8[%add3A_28, %dma_start3A_99] : memref<10240x128xf32, #tpu.memory_space<vmem_shared>> -> memref<32x128xf32, #tpu.memory_space<vmem_shared>>
      tpu.enqueue_dma source(%arg15 : memref<32x128xf32, #tpu.memory_space<vmem>>) target(%dma_start3A_100 : memref<32x128xf32, #tpu.memory_space<vmem_shared>>) target_semaphore(%run_scoped3A : memref<!tpu.dma_semaphore, #tpu.memory_space<semaphore_mem>>)
      %dma_wait3A = arith.constant 0 : i32
      %dma_wait3A_101 = tpu.memref_slice %arg8[%add3A_28, %dma_wait3A] : memref<10240x128xf32, #tpu.memory_space<vmem_shared>> -> memref<32x128xf32, #tpu.memory_space<vmem_shared>>
      %dma_wait3A_102 = arith.constant 0 : i32
      %dma_wait3A_103 = tpu.memref_slice %arg8[%add3A_28, %dma_wait3A_102] : memref<10240x128xf32, #tpu.memory_space<vmem_shared>> -> memref<32x128xf32, #tpu.memory_space<vmem_shared>>
      tpu.wait_dma2 semaphore(%run_scoped3A : memref<!tpu.dma_semaphore, #tpu.memory_space<semaphore_mem>>) src(%arg15 : memref<32x128xf32, #tpu.memory_space<vmem>>) dst(%dma_wait3A_103 : memref<32x128xf32, #tpu.memory_space<vmem_shared>>)
      tpu.yield
    }) : () -> ()
    %mul3A_29 = arith.constant 640 : i32
    %mul3A_30 = arith.muli %arg1, %mul3A_29 : i32
    %add3A_31 = arith.constant 160 : i32
    %add3A_32 = arith.addi %mul3A_30, %add3A_31 : i32
    "tpu.region"() ({
      %run_scoped3A = tpu.sem_alloc : memref<!tpu.dma_semaphore, #tpu.memory_space<semaphore_mem>>
      %dma_start3A = arith.constant 0 : i32
      %dma_start3A_98 = tpu.memref_slice %arg8[%add3A_32, %dma_start3A] : memref<10240x128xf32, #tpu.memory_space<vmem_shared>> -> memref<32x128xf32, #tpu.memory_space<vmem_shared>>
      %dma_start3A_99 = arith.constant 0 : i32
      %dma_start3A_100 = tpu.memref_slice %arg8[%add3A_32, %dma_start3A_99] : memref<10240x128xf32, #tpu.memory_space<vmem_shared>> -> memref<32x128xf32, #tpu.memory_space<vmem_shared>>
      tpu.enqueue_dma source(%arg15 : memref<32x128xf32, #tpu.memory_space<vmem>>) target(%dma_start3A_100 : memref<32x128xf32, #tpu.memory_space<vmem_shared>>) target_semaphore(%run_scoped3A : memref<!tpu.dma_semaphore, #tpu.memory_space<semaphore_mem>>)
      %dma_wait3A = arith.constant 0 : i32
      %dma_wait3A_101 = tpu.memref_slice %arg8[%add3A_32, %dma_wait3A] : memref<10240x128xf32, #tpu.memory_space<vmem_shared>> -> memref<32x128xf32, #tpu.memory_space<vmem_shared>>
      %dma_wait3A_102 = arith.constant 0 : i32
      %dma_wait3A_103 = tpu.memref_slice %arg8[%add3A_32, %dma_wait3A_102] : memref<10240x128xf32, #tpu.memory_space<vmem_shared>> -> memref<32x128xf32, #tpu.memory_space<vmem_shared>>
      tpu.wait_dma2 semaphore(%run_scoped3A : memref<!tpu.dma_semaphore, #tpu.memory_space<semaphore_mem>>) src(%arg15 : memref<32x128xf32, #tpu.memory_space<vmem>>) dst(%dma_wait3A_103 : memref<32x128xf32, #tpu.memory_space<vmem_shared>>)
      tpu.yield
    }) : () -> ()
    %mul3A_33 = arith.constant 640 : i32
    %mul3A_34 = arith.muli %arg1, %mul3A_33 : i32
    %add3A_35 = arith.constant 192 : i32
    %add3A_36 = arith.addi %mul3A_34, %add3A_35 : i32
    "tpu.region"() ({
      %run_scoped3A = tpu.sem_alloc : memref<!tpu.dma_semaphore, #tpu.memory_space<semaphore_mem>>
      %dma_start3A = arith.constant 0 : i32
      %dma_start3A_98 = tpu.memref_slice %arg8[%add3A_36, %dma_start3A] : memref<10240x128xf32, #tpu.memory_space<vmem_shared>> -> memref<32x128xf32, #tpu.memory_space<vmem_shared>>
      %dma_start3A_99 = arith.constant 0 : i32
      %dma_start3A_100 = tpu.memref_slice %arg8[%add3A_36, %dma_start3A_99] : memref<10240x128xf32, #tpu.memory_space<vmem_shared>> -> memref<32x128xf32, #tpu.memory_space<vmem_shared>>
      tpu.enqueue_dma source(%arg15 : memref<32x128xf32, #tpu.memory_space<vmem>>) target(%dma_start3A_100 : memref<32x128xf32, #tpu.memory_space<vmem_shared>>) target_semaphore(%run_scoped3A : memref<!tpu.dma_semaphore, #tpu.memory_space<semaphore_mem>>)
      %dma_wait3A = arith.constant 0 : i32
      %dma_wait3A_101 = tpu.memref_slice %arg8[%add3A_36, %dma_wait3A] : memref<10240x128xf32, #tpu.memory_space<vmem_shared>> -> memref<32x128xf32, #tpu.memory_space<vmem_shared>>
      %dma_wait3A_102 = arith.constant 0 : i32
      %dma_wait3A_103 = tpu.memref_slice %arg8[%add3A_36, %dma_wait3A_102] : memref<10240x128xf32, #tpu.memory_space<vmem_shared>> -> memref<32x128xf32, #tpu.memory_space<vmem_shared>>
      tpu.wait_dma2 semaphore(%run_scoped3A : memref<!tpu.dma_semaphore, #tpu.memory_space<semaphore_mem>>) src(%arg15 : memref<32x128xf32, #tpu.memory_space<vmem>>) dst(%dma_wait3A_103 : memref<32x128xf32, #tpu.memory_space<vmem_shared>>)
      tpu.yield
    }) : () -> ()
    %mul3A_37 = arith.constant 640 : i32
    %mul3A_38 = arith.muli %arg1, %mul3A_37 : i32
    %add3A_39 = arith.constant 224 : i32
    %add3A_40 = arith.addi %mul3A_38, %add3A_39 : i32
    "tpu.region"() ({
      %run_scoped3A = tpu.sem_alloc : memref<!tpu.dma_semaphore, #tpu.memory_space<semaphore_mem>>
      %dma_start3A = arith.constant 0 : i32
      %dma_start3A_98 = tpu.memref_slice %arg8[%add3A_40, %dma_start3A] : memref<10240x128xf32, #tpu.memory_space<vmem_shared>> -> memref<32x128xf32, #tpu.memory_space<vmem_shared>>
      %dma_start3A_99 = arith.constant 0 : i32
      %dma_start3A_100 = tpu.memref_slice %arg8[%add3A_40, %dma_start3A_99] : memref<10240x128xf32, #tpu.memory_space<vmem_shared>> -> memref<32x128xf32, #tpu.memory_space<vmem_shared>>
      tpu.enqueue_dma source(%arg15 : memref<32x128xf32, #tpu.memory_space<vmem>>) target(%dma_start3A_100 : memref<32x128xf32, #tpu.memory_space<vmem_shared>>) target_semaphore(%run_scoped3A : memref<!tpu.dma_semaphore, #tpu.memory_space<semaphore_mem>>)
      %dma_wait3A = arith.constant 0 : i32
      %dma_wait3A_101 = tpu.memref_slice %arg8[%add3A_40, %dma_wait3A] : memref<10240x128xf32, #tpu.memory_space<vmem_shared>> -> memref<32x128xf32, #tpu.memory_space<vmem_shared>>
      %dma_wait3A_102 = arith.constant 0 : i32
      %dma_wait3A_103 = tpu.memref_slice %arg8[%add3A_40, %dma_wait3A_102] : memref<10240x128xf32, #tpu.memory_space<vmem_shared>> -> memref<32x128xf32, #tpu.memory_space<vmem_shared>>
      tpu.wait_dma2 semaphore(%run_scoped3A : memref<!tpu.dma_semaphore, #tpu.memory_space<semaphore_mem>>) src(%arg15 : memref<32x128xf32, #tpu.memory_space<vmem>>) dst(%dma_wait3A_103 : memref<32x128xf32, #tpu.memory_space<vmem_shared>>)
      tpu.yield
    }) : () -> ()
    %mul3A_41 = arith.constant 640 : i32
    %mul3A_42 = arith.muli %arg1, %mul3A_41 : i32
    %add3A_43 = arith.constant 256 : i32
    %add3A_44 = arith.addi %mul3A_42, %add3A_43 : i32
    "tpu.region"() ({
      %run_scoped3A = tpu.sem_alloc : memref<!tpu.dma_semaphore, #tpu.memory_space<semaphore_mem>>
      %dma_start3A = arith.constant 0 : i32
      %dma_start3A_98 = tpu.memref_slice %arg8[%add3A_44, %dma_start3A] : memref<10240x128xf32, #tpu.memory_space<vmem_shared>> -> memref<32x128xf32, #tpu.memory_space<vmem_shared>>
      %dma_start3A_99 = arith.constant 0 : i32
      %dma_start3A_100 = tpu.memref_slice %arg8[%add3A_44, %dma_start3A_99] : memref<10240x128xf32, #tpu.memory_space<vmem_shared>> -> memref<32x128xf32, #tpu.memory_space<vmem_shared>>
      tpu.enqueue_dma source(%arg15 : memref<32x128xf32, #tpu.memory_space<vmem>>) target(%dma_start3A_100 : memref<32x128xf32, #tpu.memory_space<vmem_shared>>) target_semaphore(%run_scoped3A : memref<!tpu.dma_semaphore, #tpu.memory_space<semaphore_mem>>)
      %dma_wait3A = arith.constant 0 : i32
      %dma_wait3A_101 = tpu.memref_slice %arg8[%add3A_44, %dma_wait3A] : memref<10240x128xf32, #tpu.memory_space<vmem_shared>> -> memref<32x128xf32, #tpu.memory_space<vmem_shared>>
      %dma_wait3A_102 = arith.constant 0 : i32
      %dma_wait3A_103 = tpu.memref_slice %arg8[%add3A_44, %dma_wait3A_102] : memref<10240x128xf32, #tpu.memory_space<vmem_shared>> -> memref<32x128xf32, #tpu.memory_space<vmem_shared>>
      tpu.wait_dma2 semaphore(%run_scoped3A : memref<!tpu.dma_semaphore, #tpu.memory_space<semaphore_mem>>) src(%arg15 : memref<32x128xf32, #tpu.memory_space<vmem>>) dst(%dma_wait3A_103 : memref<32x128xf32, #tpu.memory_space<vmem_shared>>)
      tpu.yield
    }) : () -> ()
    %mul3A_45 = arith.constant 640 : i32
    %mul3A_46 = arith.muli %arg1, %mul3A_45 : i32
    %add3A_47 = arith.constant 288 : i32
    %add3A_48 = arith.addi %mul3A_46, %add3A_47 : i32
    "tpu.region"() ({
      %run_scoped3A = tpu.sem_alloc : memref<!tpu.dma_semaphore, #tpu.memory_space<semaphore_mem>>
      %dma_start3A = arith.constant 0 : i32
      %dma_start3A_98 = tpu.memref_slice %arg8[%add3A_48, %dma_start3A] : memref<10240x128xf32, #tpu.memory_space<vmem_shared>> -> memref<32x128xf32, #tpu.memory_space<vmem_shared>>
      %dma_start3A_99 = arith.constant 0 : i32
      %dma_start3A_100 = tpu.memref_slice %arg8[%add3A_48, %dma_start3A_99] : memref<10240x128xf32, #tpu.memory_space<vmem_shared>> -> memref<32x128xf32, #tpu.memory_space<vmem_shared>>
      tpu.enqueue_dma source(%arg15 : memref<32x128xf32, #tpu.memory_space<vmem>>) target(%dma_start3A_100 : memref<32x128xf32, #tpu.memory_space<vmem_shared>>) target_semaphore(%run_scoped3A : memref<!tpu.dma_semaphore, #tpu.memory_space<semaphore_mem>>)
      %dma_wait3A = arith.constant 0 : i32
      %dma_wait3A_101 = tpu.memref_slice %arg8[%add3A_48, %dma_wait3A] : memref<10240x128xf32, #tpu.memory_space<vmem_shared>> -> memref<32x128xf32, #tpu.memory_space<vmem_shared>>
      %dma_wait3A_102 = arith.constant 0 : i32
      %dma_wait3A_103 = tpu.memref_slice %arg8[%add3A_48, %dma_wait3A_102] : memref<10240x128xf32, #tpu.memory_space<vmem_shared>> -> memref<32x128xf32, #tpu.memory_space<vmem_shared>>
      tpu.wait_dma2 semaphore(%run_scoped3A : memref<!tpu.dma_semaphore, #tpu.memory_space<semaphore_mem>>) src(%arg15 : memref<32x128xf32, #tpu.memory_space<vmem>>) dst(%dma_wait3A_103 : memref<32x128xf32, #tpu.memory_space<vmem_shared>>)
      tpu.yield
    }) : () -> ()
    %mul3A_49 = arith.constant 640 : i32
    %mul3A_50 = arith.muli %arg1, %mul3A_49 : i32
    %add3A_51 = arith.constant 320 : i32
    %add3A_52 = arith.addi %mul3A_50, %add3A_51 : i32
    "tpu.region"() ({
      %run_scoped3A = tpu.sem_alloc : memref<!tpu.dma_semaphore, #tpu.memory_space<semaphore_mem>>
      %dma_start3A = arith.constant 0 : i32
      %dma_start3A_98 = tpu.memref_slice %arg8[%add3A_52, %dma_start3A] : memref<10240x128xf32, #tpu.memory_space<vmem_shared>> -> memref<32x128xf32, #tpu.memory_space<vmem_shared>>
      %dma_start3A_99 = arith.constant 0 : i32
      %dma_start3A_100 = tpu.memref_slice %arg8[%add3A_52, %dma_start3A_99] : memref<10240x128xf32, #tpu.memory_space<vmem_shared>> -> memref<32x128xf32, #tpu.memory_space<vmem_shared>>
      tpu.enqueue_dma source(%arg15 : memref<32x128xf32, #tpu.memory_space<vmem>>) target(%dma_start3A_100 : memref<32x128xf32, #tpu.memory_space<vmem_shared>>) target_semaphore(%run_scoped3A : memref<!tpu.dma_semaphore, #tpu.memory_space<semaphore_mem>>)
      %dma_wait3A = arith.constant 0 : i32
      %dma_wait3A_101 = tpu.memref_slice %arg8[%add3A_52, %dma_wait3A] : memref<10240x128xf32, #tpu.memory_space<vmem_shared>> -> memref<32x128xf32, #tpu.memory_space<vmem_shared>>
      %dma_wait3A_102 = arith.constant 0 : i32
      %dma_wait3A_103 = tpu.memref_slice %arg8[%add3A_52, %dma_wait3A_102] : memref<10240x128xf32, #tpu.memory_space<vmem_shared>> -> memref<32x128xf32, #tpu.memory_space<vmem_shared>>
      tpu.wait_dma2 semaphore(%run_scoped3A : memref<!tpu.dma_semaphore, #tpu.memory_space<semaphore_mem>>) src(%arg15 : memref<32x128xf32, #tpu.memory_space<vmem>>) dst(%dma_wait3A_103 : memref<32x128xf32, #tpu.memory_space<vmem_shared>>)
      tpu.yield
    }) : () -> ()
    %mul3A_53 = arith.constant 640 : i32
    %mul3A_54 = arith.muli %arg1, %mul3A_53 : i32
    %add3A_55 = arith.constant 352 : i32
    %add3A_56 = arith.addi %mul3A_54, %add3A_55 : i32
    "tpu.region"() ({
      %run_scoped3A = tpu.sem_alloc : memref<!tpu.dma_semaphore, #tpu.memory_space<semaphore_mem>>
      %dma_start3A = arith.constant 0 : i32
      %dma_start3A_98 = tpu.memref_slice %arg8[%add3A_56, %dma_start3A] : memref<10240x128xf32, #tpu.memory_space<vmem_shared>> -> memref<32x128xf32, #tpu.memory_space<vmem_shared>>
      %dma_start3A_99 = arith.constant 0 : i32
      %dma_start3A_100 = tpu.memref_slice %arg8[%add3A_56, %dma_start3A_99] : memref<10240x128xf32, #tpu.memory_space<vmem_shared>> -> memref<32x128xf32, #tpu.memory_space<vmem_shared>>
      tpu.enqueue_dma source(%arg15 : memref<32x128xf32, #tpu.memory_space<vmem>>) target(%dma_start3A_100 : memref<32x128xf32, #tpu.memory_space<vmem_shared>>) target_semaphore(%run_scoped3A : memref<!tpu.dma_semaphore, #tpu.memory_space<semaphore_mem>>)
      %dma_wait3A = arith.constant 0 : i32
      %dma_wait3A_101 = tpu.memref_slice %arg8[%add3A_56, %dma_wait3A] : memref<10240x128xf32, #tpu.memory_space<vmem_shared>> -> memref<32x128xf32, #tpu.memory_space<vmem_shared>>
      %dma_wait3A_102 = arith.constant 0 : i32
      %dma_wait3A_103 = tpu.memref_slice %arg8[%add3A_56, %dma_wait3A_102] : memref<10240x128xf32, #tpu.memory_space<vmem_shared>> -> memref<32x128xf32, #tpu.memory_space<vmem_shared>>
      tpu.wait_dma2 semaphore(%run_scoped3A : memref<!tpu.dma_semaphore, #tpu.memory_space<semaphore_mem>>) src(%arg15 : memref<32x128xf32, #tpu.memory_space<vmem>>) dst(%dma_wait3A_103 : memref<32x128xf32, #tpu.memory_space<vmem_shared>>)
      tpu.yield
    }) : () -> ()
    %mul3A_57 = arith.constant 640 : i32
    %mul3A_58 = arith.muli %arg1, %mul3A_57 : i32
    %add3A_59 = arith.constant 384 : i32
    %add3A_60 = arith.addi %mul3A_58, %add3A_59 : i32
    "tpu.region"() ({
      %run_scoped3A = tpu.sem_alloc : memref<!tpu.dma_semaphore, #tpu.memory_space<semaphore_mem>>
      %dma_start3A = arith.constant 0 : i32
      %dma_start3A_98 = tpu.memref_slice %arg8[%add3A_60, %dma_start3A] : memref<10240x128xf32, #tpu.memory_space<vmem_shared>> -> memref<32x128xf32, #tpu.memory_space<vmem_shared>>
      %dma_start3A_99 = arith.constant 0 : i32
      %dma_start3A_100 = tpu.memref_slice %arg8[%add3A_60, %dma_start3A_99] : memref<10240x128xf32, #tpu.memory_space<vmem_shared>> -> memref<32x128xf32, #tpu.memory_space<vmem_shared>>
      tpu.enqueue_dma source(%arg15 : memref<32x128xf32, #tpu.memory_space<vmem>>) target(%dma_start3A_100 : memref<32x128xf32, #tpu.memory_space<vmem_shared>>) target_semaphore(%run_scoped3A : memref<!tpu.dma_semaphore, #tpu.memory_space<semaphore_mem>>)
      %dma_wait3A = arith.constant 0 : i32
      %dma_wait3A_101 = tpu.memref_slice %arg8[%add3A_60, %dma_wait3A] : memref<10240x128xf32, #tpu.memory_space<vmem_shared>> -> memref<32x128xf32, #tpu.memory_space<vmem_shared>>
      %dma_wait3A_102 = arith.constant 0 : i32
      %dma_wait3A_103 = tpu.memref_slice %arg8[%add3A_60, %dma_wait3A_102] : memref<10240x128xf32, #tpu.memory_space<vmem_shared>> -> memref<32x128xf32, #tpu.memory_space<vmem_shared>>
      tpu.wait_dma2 semaphore(%run_scoped3A : memref<!tpu.dma_semaphore, #tpu.memory_space<semaphore_mem>>) src(%arg15 : memref<32x128xf32, #tpu.memory_space<vmem>>) dst(%dma_wait3A_103 : memref<32x128xf32, #tpu.memory_space<vmem_shared>>)
      tpu.yield
    }) : () -> ()
    %mul3A_61 = arith.constant 640 : i32
    %mul3A_62 = arith.muli %arg1, %mul3A_61 : i32
    %add3A_63 = arith.constant 416 : i32
    %add3A_64 = arith.addi %mul3A_62, %add3A_63 : i32
    "tpu.region"() ({
      %run_scoped3A = tpu.sem_alloc : memref<!tpu.dma_semaphore, #tpu.memory_space<semaphore_mem>>
      %dma_start3A = arith.constant 0 : i32
      %dma_start3A_98 = tpu.memref_slice %arg8[%add3A_64, %dma_start3A] : memref<10240x128xf32, #tpu.memory_space<vmem_shared>> -> memref<32x128xf32, #tpu.memory_space<vmem_shared>>
      %dma_start3A_99 = arith.constant 0 : i32
      %dma_start3A_100 = tpu.memref_slice %arg8[%add3A_64, %dma_start3A_99] : memref<10240x128xf32, #tpu.memory_space<vmem_shared>> -> memref<32x128xf32, #tpu.memory_space<vmem_shared>>
      tpu.enqueue_dma source(%arg15 : memref<32x128xf32, #tpu.memory_space<vmem>>) target(%dma_start3A_100 : memref<32x128xf32, #tpu.memory_space<vmem_shared>>) target_semaphore(%run_scoped3A : memref<!tpu.dma_semaphore, #tpu.memory_space<semaphore_mem>>)
      %dma_wait3A = arith.constant 0 : i32
      %dma_wait3A_101 = tpu.memref_slice %arg8[%add3A_64, %dma_wait3A] : memref<10240x128xf32, #tpu.memory_space<vmem_shared>> -> memref<32x128xf32, #tpu.memory_space<vmem_shared>>
      %dma_wait3A_102 = arith.constant 0 : i32
      %dma_wait3A_103 = tpu.memref_slice %arg8[%add3A_64, %dma_wait3A_102] : memref<10240x128xf32, #tpu.memory_space<vmem_shared>> -> memref<32x128xf32, #tpu.memory_space<vmem_shared>>
      tpu.wait_dma2 semaphore(%run_scoped3A : memref<!tpu.dma_semaphore, #tpu.memory_space<semaphore_mem>>) src(%arg15 : memref<32x128xf32, #tpu.memory_space<vmem>>) dst(%dma_wait3A_103 : memref<32x128xf32, #tpu.memory_space<vmem_shared>>)
      tpu.yield
    }) : () -> ()
    %mul3A_65 = arith.constant 640 : i32
    %mul3A_66 = arith.muli %arg1, %mul3A_65 : i32
    %add3A_67 = arith.constant 448 : i32
    %add3A_68 = arith.addi %mul3A_66, %add3A_67 : i32
    "tpu.region"() ({
      %run_scoped3A = tpu.sem_alloc : memref<!tpu.dma_semaphore, #tpu.memory_space<semaphore_mem>>
      %dma_start3A = arith.constant 0 : i32
      %dma_start3A_98 = tpu.memref_slice %arg8[%add3A_68, %dma_start3A] : memref<10240x128xf32, #tpu.memory_space<vmem_shared>> -> memref<32x128xf32, #tpu.memory_space<vmem_shared>>
      %dma_start3A_99 = arith.constant 0 : i32
      %dma_start3A_100 = tpu.memref_slice %arg8[%add3A_68, %dma_start3A_99] : memref<10240x128xf32, #tpu.memory_space<vmem_shared>> -> memref<32x128xf32, #tpu.memory_space<vmem_shared>>
      tpu.enqueue_dma source(%arg15 : memref<32x128xf32, #tpu.memory_space<vmem>>) target(%dma_start3A_100 : memref<32x128xf32, #tpu.memory_space<vmem_shared>>) target_semaphore(%run_scoped3A : memref<!tpu.dma_semaphore, #tpu.memory_space<semaphore_mem>>)
      %dma_wait3A = arith.constant 0 : i32
      %dma_wait3A_101 = tpu.memref_slice %arg8[%add3A_68, %dma_wait3A] : memref<10240x128xf32, #tpu.memory_space<vmem_shared>> -> memref<32x128xf32, #tpu.memory_space<vmem_shared>>
      %dma_wait3A_102 = arith.constant 0 : i32
      %dma_wait3A_103 = tpu.memref_slice %arg8[%add3A_68, %dma_wait3A_102] : memref<10240x128xf32, #tpu.memory_space<vmem_shared>> -> memref<32x128xf32, #tpu.memory_space<vmem_shared>>
      tpu.wait_dma2 semaphore(%run_scoped3A : memref<!tpu.dma_semaphore, #tpu.memory_space<semaphore_mem>>) src(%arg15 : memref<32x128xf32, #tpu.memory_space<vmem>>) dst(%dma_wait3A_103 : memref<32x128xf32, #tpu.memory_space<vmem_shared>>)
      tpu.yield
    }) : () -> ()
    %mul3A_69 = arith.constant 640 : i32
    %mul3A_70 = arith.muli %arg1, %mul3A_69 : i32
    %add3A_71 = arith.constant 480 : i32
    %add3A_72 = arith.addi %mul3A_70, %add3A_71 : i32
    "tpu.region"() ({
      %run_scoped3A = tpu.sem_alloc : memref<!tpu.dma_semaphore, #tpu.memory_space<semaphore_mem>>
      %dma_start3A = arith.constant 0 : i32
      %dma_start3A_98 = tpu.memref_slice %arg8[%add3A_72, %dma_start3A] : memref<10240x128xf32, #tpu.memory_space<vmem_shared>> -> memref<32x128xf32, #tpu.memory_space<vmem_shared>>
      %dma_start3A_99 = arith.constant 0 : i32
      %dma_start3A_100 = tpu.memref_slice %arg8[%add3A_72, %dma_start3A_99] : memref<10240x128xf32, #tpu.memory_space<vmem_shared>> -> memref<32x128xf32, #tpu.memory_space<vmem_shared>>
      tpu.enqueue_dma source(%arg15 : memref<32x128xf32, #tpu.memory_space<vmem>>) target(%dma_start3A_100 : memref<32x128xf32, #tpu.memory_space<vmem_shared>>) target_semaphore(%run_scoped3A : memref<!tpu.dma_semaphore, #tpu.memory_space<semaphore_mem>>)
      %dma_wait3A = arith.constant 0 : i32
      %dma_wait3A_101 = tpu.memref_slice %arg8[%add3A_72, %dma_wait3A] : memref<10240x128xf32, #tpu.memory_space<vmem_shared>> -> memref<32x128xf32, #tpu.memory_space<vmem_shared>>
      %dma_wait3A_102 = arith.constant 0 : i32
      %dma_wait3A_103 = tpu.memref_slice %arg8[%add3A_72, %dma_wait3A_102] : memref<10240x128xf32, #tpu.memory_space<vmem_shared>> -> memref<32x128xf32, #tpu.memory_space<vmem_shared>>
      tpu.wait_dma2 semaphore(%run_scoped3A : memref<!tpu.dma_semaphore, #tpu.memory_space<semaphore_mem>>) src(%arg15 : memref<32x128xf32, #tpu.memory_space<vmem>>) dst(%dma_wait3A_103 : memref<32x128xf32, #tpu.memory_space<vmem_shared>>)
      tpu.yield
    }) : () -> ()
    %mul3A_73 = arith.constant 640 : i32
    %mul3A_74 = arith.muli %arg1, %mul3A_73 : i32
    %add3A_75 = arith.constant 512 : i32
    %add3A_76 = arith.addi %mul3A_74, %add3A_75 : i32
    "tpu.region"() ({
      %run_scoped3A = tpu.sem_alloc : memref<!tpu.dma_semaphore, #tpu.memory_space<semaphore_mem>>
      %dma_start3A = arith.constant 0 : i32
      %dma_start3A_98 = tpu.memref_slice %arg8[%add3A_76, %dma_start3A] : memref<10240x128xf32, #tpu.memory_space<vmem_shared>> -> memref<32x128xf32, #tpu.memory_space<vmem_shared>>
      %dma_start3A_99 = arith.constant 0 : i32
      %dma_start3A_100 = tpu.memref_slice %arg8[%add3A_76, %dma_start3A_99] : memref<10240x128xf32, #tpu.memory_space<vmem_shared>> -> memref<32x128xf32, #tpu.memory_space<vmem_shared>>
      tpu.enqueue_dma source(%arg15 : memref<32x128xf32, #tpu.memory_space<vmem>>) target(%dma_start3A_100 : memref<32x128xf32, #tpu.memory_space<vmem_shared>>) target_semaphore(%run_scoped3A : memref<!tpu.dma_semaphore, #tpu.memory_space<semaphore_mem>>)
      %dma_wait3A = arith.constant 0 : i32
      %dma_wait3A_101 = tpu.memref_slice %arg8[%add3A_76, %dma_wait3A] : memref<10240x128xf32, #tpu.memory_space<vmem_shared>> -> memref<32x128xf32, #tpu.memory_space<vmem_shared>>
      %dma_wait3A_102 = arith.constant 0 : i32
      %dma_wait3A_103 = tpu.memref_slice %arg8[%add3A_76, %dma_wait3A_102] : memref<10240x128xf32, #tpu.memory_space<vmem_shared>> -> memref<32x128xf32, #tpu.memory_space<vmem_shared>>
      tpu.wait_dma2 semaphore(%run_scoped3A : memref<!tpu.dma_semaphore, #tpu.memory_space<semaphore_mem>>) src(%arg15 : memref<32x128xf32, #tpu.memory_space<vmem>>) dst(%dma_wait3A_103 : memref<32x128xf32, #tpu.memory_space<vmem_shared>>)
      tpu.yield
    }) : () -> ()
    %mul3A_77 = arith.constant 640 : i32
    %mul3A_78 = arith.muli %arg1, %mul3A_77 : i32
    %add3A_79 = arith.constant 544 : i32
    %add3A_80 = arith.addi %mul3A_78, %add3A_79 : i32
    "tpu.region"() ({
      %run_scoped3A = tpu.sem_alloc : memref<!tpu.dma_semaphore, #tpu.memory_space<semaphore_mem>>
      %dma_start3A = arith.constant 0 : i32
      %dma_start3A_98 = tpu.memref_slice %arg8[%add3A_80, %dma_start3A] : memref<10240x128xf32, #tpu.memory_space<vmem_shared>> -> memref<32x128xf32, #tpu.memory_space<vmem_shared>>
      %dma_start3A_99 = arith.constant 0 : i32
      %dma_start3A_100 = tpu.memref_slice %arg8[%add3A_80, %dma_start3A_99] : memref<10240x128xf32, #tpu.memory_space<vmem_shared>> -> memref<32x128xf32, #tpu.memory_space<vmem_shared>>
      tpu.enqueue_dma source(%arg15 : memref<32x128xf32, #tpu.memory_space<vmem>>) target(%dma_start3A_100 : memref<32x128xf32, #tpu.memory_space<vmem_shared>>) target_semaphore(%run_scoped3A : memref<!tpu.dma_semaphore, #tpu.memory_space<semaphore_mem>>)
      %dma_wait3A = arith.constant 0 : i32
      %dma_wait3A_101 = tpu.memref_slice %arg8[%add3A_80, %dma_wait3A] : memref<10240x128xf32, #tpu.memory_space<vmem_shared>> -> memref<32x128xf32, #tpu.memory_space<vmem_shared>>
      %dma_wait3A_102 = arith.constant 0 : i32
      %dma_wait3A_103 = tpu.memref_slice %arg8[%add3A_80, %dma_wait3A_102] : memref<10240x128xf32, #tpu.memory_space<vmem_shared>> -> memref<32x128xf32, #tpu.memory_space<vmem_shared>>
      tpu.wait_dma2 semaphore(%run_scoped3A : memref<!tpu.dma_semaphore, #tpu.memory_space<semaphore_mem>>) src(%arg15 : memref<32x128xf32, #tpu.memory_space<vmem>>) dst(%dma_wait3A_103 : memref<32x128xf32, #tpu.memory_space<vmem_shared>>)
      tpu.yield
    }) : () -> ()
    %mul3A_81 = arith.constant 640 : i32
    %mul3A_82 = arith.muli %arg1, %mul3A_81 : i32
    %add3A_83 = arith.constant 576 : i32
    %add3A_84 = arith.addi %mul3A_82, %add3A_83 : i32
    "tpu.region"() ({
      %run_scoped3A = tpu.sem_alloc : memref<!tpu.dma_semaphore, #tpu.memory_space<semaphore_mem>>
      %dma_start3A = arith.constant 0 : i32
      %dma_start3A_98 = tpu.memref_slice %arg8[%add3A_84, %dma_start3A] : memref<10240x128xf32, #tpu.memory_space<vmem_shared>> -> memref<32x128xf32, #tpu.memory_space<vmem_shared>>
      %dma_start3A_99 = arith.constant 0 : i32
      %dma_start3A_100 = tpu.memref_slice %arg8[%add3A_84, %dma_start3A_99] : memref<10240x128xf32, #tpu.memory_space<vmem_shared>> -> memref<32x128xf32, #tpu.memory_space<vmem_shared>>
      tpu.enqueue_dma source(%arg15 : memref<32x128xf32, #tpu.memory_space<vmem>>) target(%dma_start3A_100 : memref<32x128xf32, #tpu.memory_space<vmem_shared>>) target_semaphore(%run_scoped3A : memref<!tpu.dma_semaphore, #tpu.memory_space<semaphore_mem>>)
      %dma_wait3A = arith.constant 0 : i32
      %dma_wait3A_101 = tpu.memref_slice %arg8[%add3A_84, %dma_wait3A] : memref<10240x128xf32, #tpu.memory_space<vmem_shared>> -> memref<32x128xf32, #tpu.memory_space<vmem_shared>>
      %dma_wait3A_102 = arith.constant 0 : i32
      %dma_wait3A_103 = tpu.memref_slice %arg8[%add3A_84, %dma_wait3A_102] : memref<10240x128xf32, #tpu.memory_space<vmem_shared>> -> memref<32x128xf32, #tpu.memory_space<vmem_shared>>
      tpu.wait_dma2 semaphore(%run_scoped3A : memref<!tpu.dma_semaphore, #tpu.memory_space<semaphore_mem>>) src(%arg15 : memref<32x128xf32, #tpu.memory_space<vmem>>) dst(%dma_wait3A_103 : memref<32x128xf32, #tpu.memory_space<vmem_shared>>)
      tpu.yield
    }) : () -> ()
    %mul3A_85 = arith.constant 640 : i32
    %mul3A_86 = arith.muli %arg1, %mul3A_85 : i32
    %add3A_87 = arith.constant 608 : i32
    %add3A_88 = arith.addi %mul3A_86, %add3A_87 : i32
    "tpu.region"() ({
      %run_scoped3A = tpu.sem_alloc : memref<!tpu.dma_semaphore, #tpu.memory_space<semaphore_mem>>
      %dma_start3A = arith.constant 0 : i32
      %dma_start3A_98 = tpu.memref_slice %arg8[%add3A_88, %dma_start3A] : memref<10240x128xf32, #tpu.memory_space<vmem_shared>> -> memref<32x128xf32, #tpu.memory_space<vmem_shared>>
      %dma_start3A_99 = arith.constant 0 : i32
      %dma_start3A_100 = tpu.memref_slice %arg8[%add3A_88, %dma_start3A_99] : memref<10240x128xf32, #tpu.memory_space<vmem_shared>> -> memref<32x128xf32, #tpu.memory_space<vmem_shared>>
      tpu.enqueue_dma source(%arg15 : memref<32x128xf32, #tpu.memory_space<vmem>>) target(%dma_start3A_100 : memref<32x128xf32, #tpu.memory_space<vmem_shared>>) target_semaphore(%run_scoped3A : memref<!tpu.dma_semaphore, #tpu.memory_space<semaphore_mem>>)
      %dma_wait3A = arith.constant 0 : i32
      %dma_wait3A_101 = tpu.memref_slice %arg8[%add3A_88, %dma_wait3A] : memref<10240x128xf32, #tpu.memory_space<vmem_shared>> -> memref<32x128xf32, #tpu.memory_space<vmem_shared>>
      %dma_wait3A_102 = arith.constant 0 : i32
      %dma_wait3A_103 = tpu.memref_slice %arg8[%add3A_88, %dma_wait3A_102] : memref<10240x128xf32, #tpu.memory_space<vmem_shared>> -> memref<32x128xf32, #tpu.memory_space<vmem_shared>>
      tpu.wait_dma2 semaphore(%run_scoped3A : memref<!tpu.dma_semaphore, #tpu.memory_space<semaphore_mem>>) src(%arg15 : memref<32x128xf32, #tpu.memory_space<vmem>>) dst(%dma_wait3A_103 : memref<32x128xf32, #tpu.memory_space<vmem_shared>>)
      tpu.yield
    }) : () -> ()
    %barrier3A = arith.constant 0 : index
    tpu.barrier barrier_id(%barrier3A)
    %scan3A_89 = arith.constant 0 : i32
    %scan3A_90 = arith.constant 0 : i32
    %scan3A_91 = arith.constant 125 : i32
    %scan3A_92 = arith.addi %scan3A_90, %scan3A_91 : i32
    %scan3A_93 = arith.constant 1 : i32
    scf.for %scan3A_98 = %scan3A_90 to %scan3A_92 step %scan3A_93  : i32 {
      %mul3A_99 = arith.constant 80 : i32
      %mul3A_100 = arith.muli %scan3A_98, %mul3A_99 : i32
      %add3A_101 = arith.addi %mul3A_2, %mul3A_100 : i32
      "tpu.region"() ({
        %run_scoped3A = tpu.sem_alloc : memref<!tpu.dma_semaphore, #tpu.memory_space<semaphore_mem>>
        %dma_start3A_124 = tpu.memref_slice %arg6[%add3A_101] : memref<320000xi32, #tpu.memory_space<hbm>> -> memref<80xi32, #tpu.memory_space<hbm>>
        %dma_start3A_125 = tpu.memref_slice %arg6[%add3A_101] : memref<320000xi32, #tpu.memory_space<hbm>> -> memref<80xi32, #tpu.memory_space<hbm>>
        tpu.enqueue_dma source(%dma_start3A_125 : memref<80xi32, #tpu.memory_space<hbm>>) target(%arg9 : memref<80xi32, #tpu.memory_space<vmem>>) target_semaphore(%run_scoped3A : memref<!tpu.dma_semaphore, #tpu.memory_space<semaphore_mem>>)
        %dma_wait3A_126 = tpu.memref_slice %arg6[%add3A_101] : memref<320000xi32, #tpu.memory_space<hbm>> -> memref<80xi32, #tpu.memory_space<hbm>>
        %dma_wait3A_127 = tpu.memref_slice %arg6[%add3A_101] : memref<320000xi32, #tpu.memory_space<hbm>> -> memref<80xi32, #tpu.memory_space<hbm>>
        tpu.wait_dma2 semaphore(%run_scoped3A : memref<!tpu.dma_semaphore, #tpu.memory_space<semaphore_mem>>) src(%dma_wait3A_127 : memref<80xi32, #tpu.memory_space<hbm>>) dst(%arg9 : memref<80xi32, #tpu.memory_space<vmem>>)
        tpu.yield
      }) : () -> ()
      %dma_start3A = arith.constant 0 : i32
      %dma_start3A_102 = arith.constant 0 : i32
      %dma_start3A_103 = tpu.memref_slice %arg2[%dma_start3A, %dma_start3A_102] : memref<10000x128xf32, #tpu.memory_space<hbm>> -> memref<10000x128xf32, #tpu.memory_space<hbm>>
      tpu.enqueue_indirect_dma source(%dma_start3A_103 : memref<10000x128xf32, #tpu.memory_space<hbm>>) target(%arg11 : memref<80x128xf32, #tpu.memory_space<vmem>>) offsets(%arg9 : memref<80xi32, #tpu.memory_space<vmem>>) semaphore(%arg16 : memref<!tpu.dma_semaphore, #tpu.memory_space<semaphore_mem>>)
      "tpu.region"() ({
        %run_scoped3A = tpu.sem_alloc : memref<!tpu.dma_semaphore, #tpu.memory_space<semaphore_mem>>
        %dma_start3A_124 = tpu.memref_slice %arg5[%add3A_101] : memref<320000xi32, #tpu.memory_space<hbm>> -> memref<80xi32, #tpu.memory_space<hbm>>
        %dma_start3A_125 = tpu.memref_slice %arg5[%add3A_101] : memref<320000xi32, #tpu.memory_space<hbm>> -> memref<80xi32, #tpu.memory_space<hbm>>
        tpu.enqueue_dma source(%dma_start3A_125 : memref<80xi32, #tpu.memory_space<hbm>>) target(%arg10 : memref<80xi32, #tpu.memory_space<vmem>>) target_semaphore(%run_scoped3A : memref<!tpu.dma_semaphore, #tpu.memory_space<semaphore_mem>>)
        %dma_wait3A_126 = tpu.memref_slice %arg5[%add3A_101] : memref<320000xi32, #tpu.memory_space<hbm>> -> memref<80xi32, #tpu.memory_space<hbm>>
        %dma_wait3A_127 = tpu.memref_slice %arg5[%add3A_101] : memref<320000xi32, #tpu.memory_space<hbm>> -> memref<80xi32, #tpu.memory_space<hbm>>
        tpu.wait_dma2 semaphore(%run_scoped3A : memref<!tpu.dma_semaphore, #tpu.memory_space<semaphore_mem>>) src(%dma_wait3A_127 : memref<80xi32, #tpu.memory_space<hbm>>) dst(%arg10 : memref<80xi32, #tpu.memory_space<vmem>>)
        tpu.yield
      }) : () -> ()
      %dma_start3A_104 = arith.constant 0 : i32
      %dma_start3A_105 = arith.constant 0 : i32
      %dma_start3A_106 = tpu.memref_slice %arg3[%dma_start3A_104, %dma_start3A_105] : memref<10000x128xf32, #tpu.memory_space<hbm>> -> memref<10000x128xf32, #tpu.memory_space<hbm>>
      tpu.enqueue_indirect_dma source(%dma_start3A_106 : memref<10000x128xf32, #tpu.memory_space<hbm>>) target(%arg12 : memref<80x128xf32, #tpu.memory_space<vmem>>) offsets(%arg10 : memref<80xi32, #tpu.memory_space<vmem>>) semaphore(%arg17 : memref<!tpu.dma_semaphore, #tpu.memory_space<semaphore_mem>>)
      "tpu.region"() ({
        %run_scoped3A = tpu.sem_alloc : memref<!tpu.dma_semaphore, #tpu.memory_space<semaphore_mem>>
        %dma_start3A_124 = arith.constant 0 : i32
        %dma_start3A_125 = tpu.memref_slice %arg4[%add3A_101, %dma_start3A_124] : memref<320000x128xf32, #tpu.memory_space<hbm>> -> memref<80x128xf32, #tpu.memory_space<hbm>>
        %dma_start3A_126 = arith.constant 0 : i32
        %dma_start3A_127 = tpu.memref_slice %arg4[%add3A_101, %dma_start3A_126] : memref<320000x128xf32, #tpu.memory_space<hbm>> -> memref<80x128xf32, #tpu.memory_space<hbm>>
        tpu.enqueue_dma source(%dma_start3A_127 : memref<80x128xf32, #tpu.memory_space<hbm>>) target(%arg13 : memref<80x128xf32, #tpu.memory_space<vmem>>) target_semaphore(%run_scoped3A : memref<!tpu.dma_semaphore, #tpu.memory_space<semaphore_mem>>)
        %dma_wait3A_128 = arith.constant 0 : i32
        %dma_wait3A_129 = tpu.memref_slice %arg4[%add3A_101, %dma_wait3A_128] : memref<320000x128xf32, #tpu.memory_space<hbm>> -> memref<80x128xf32, #tpu.memory_space<hbm>>
        %dma_wait3A_130 = arith.constant 0 : i32
        %dma_wait3A_131 = tpu.memref_slice %arg4[%add3A_101, %dma_wait3A_130] : memref<320000x128xf32, #tpu.memory_space<hbm>> -> memref<80x128xf32, #tpu.memory_space<hbm>>
        tpu.wait_dma2 semaphore(%run_scoped3A : memref<!tpu.dma_semaphore, #tpu.memory_space<semaphore_mem>>) src(%dma_wait3A_131 : memref<80x128xf32, #tpu.memory_space<hbm>>) dst(%arg13 : memref<80x128xf32, #tpu.memory_space<vmem>>)
        tpu.yield
      }) : () -> ()
      %dma_wait3A = arith.constant 0 : i32
      %dma_wait3A_107 = arith.constant 0 : i32
      %dma_wait3A_108 = tpu.memref_slice %arg2[%dma_wait3A, %dma_wait3A_107] : memref<10000x128xf32, #tpu.memory_space<hbm>> -> memref<10000x128xf32, #tpu.memory_space<hbm>>
      tpu.wait_indirect_dma semaphore(%arg16 : memref<!tpu.dma_semaphore, #tpu.memory_space<semaphore_mem>>) src(%dma_wait3A_108 : memref<10000x128xf32, #tpu.memory_space<hbm>>) dst(%arg11 : memref<80x128xf32, #tpu.memory_space<vmem>>)
      %dma_wait3A_109 = arith.constant 0 : i32
      %dma_wait3A_110 = arith.constant 0 : i32
      %dma_wait3A_111 = tpu.memref_slice %arg3[%dma_wait3A_109, %dma_wait3A_110] : memref<10000x128xf32, #tpu.memory_space<hbm>> -> memref<10000x128xf32, #tpu.memory_space<hbm>>
      tpu.wait_indirect_dma semaphore(%arg17 : memref<!tpu.dma_semaphore, #tpu.memory_space<semaphore_mem>>) src(%dma_wait3A_111 : memref<10000x128xf32, #tpu.memory_space<hbm>>) dst(%arg12 : memref<80x128xf32, #tpu.memory_space<vmem>>)
      %scan3A_112 = arith.constant 0 : i32
      %scan3A_113 = arith.constant 0 : i32
      %scan3A_114 = arith.constant 80 : i32
      %scan3A_115 = arith.addi %scan3A_113, %scan3A_114 : i32
      %scan3A_116 = arith.constant 1 : i32
      scf.for %scan3A_124 = %scan3A_113 to %scan3A_115 step %scan3A_116  : i32 {
        %get3A = arith.index_cast %scan3A_124 : i32 to index
        %get3A_125 = arith.constant 0 : index
        %get3A_126 = tpu.vector_load %arg11[%get3A, %get3A_125] {strides = array<i32>} : memref<80x128xf32, #tpu.memory_space<vmem>>, vector<1x16xf32>,
        %get3A_127 = vector.shape_cast %get3A_126 : vector<1x16xf32> to vector<16xf32>
        %get3A_128 = arith.index_cast %scan3A_124 : i32 to index
        %get3A_129 = arith.constant 0 : index
        %get3A_130 = tpu.vector_load %arg12[%get3A_128, %get3A_129] {strides = array<i32>} : memref<80x128xf32, #tpu.memory_space<vmem>>, vector<1x16xf32>,
        %get3A_131 = vector.shape_cast %get3A_130 : vector<1x16xf32> to vector<16xf32>
        %add3A_132 = arith.addf %get3A_127, %get3A_131 : vector<16xf32>
        %get3A_133 = arith.index_cast %scan3A_124 : i32 to index
        %get3A_134 = arith.constant 0 : index
        %get3A_135 = tpu.vector_load %arg13[%get3A_133, %get3A_134] {strides = array<i32>} : memref<80x128xf32, #tpu.memory_space<vmem>>, vector<1x16xf32>,
        %get3A_136 = vector.shape_cast %get3A_135 : vector<1x16xf32> to vector<16xf32>
        %add3A_137 = arith.addf %add3A_132, %get3A_136 : vector<16xf32>
        %max3A = arith.constant 0.000000e+00 : f32
        %max3A_138 = vector.broadcast %max3A : f32 to vector<16xf32>
        %max3A_139 = arith.maximumf %add3A_137, %max3A_138 : vector<16xf32>
        %swap3A = arith.index_cast %scan3A_124 : i32 to index
        %swap3A_140 = arith.constant 0 : index
        %swap3A_141 = tpu.vector_load %arg14[%swap3A, %swap3A_140] {strides = array<i32>} : memref<80x128xf32, #tpu.memory_space<vmem>>, vector<1x16xf32>,
        %swap3A_142 = vector.shape_cast %swap3A_141 : vector<1x16xf32> to vector<16xf32>
        %swap3A_143 = vector.shape_cast %max3A_139 : vector<16xf32> to vector<1x16xf32>
        tpu.vector_store %arg14[%swap3A, %swap3A_140], %swap3A_143 {strides = array<i32>} : memref<80x128xf32, #tpu.memory_space<vmem>>, vector<1x16xf32>,
        %get3A_144 = arith.index_cast %scan3A_124 : i32 to index
        %get3A_145 = arith.constant 16 : index
        %get3A_146 = tpu.vector_load %arg11[%get3A_144, %get3A_145] {strides = array<i32>} : memref<80x128xf32, #tpu.memory_space<vmem>>, vector<1x16xf32>,
        %get3A_147 = vector.shape_cast %get3A_146 : vector<1x16xf32> to vector<16xf32>
        %get3A_148 = arith.index_cast %scan3A_124 : i32 to index
        %get3A_149 = arith.constant 16 : index
        %get3A_150 = tpu.vector_load %arg12[%get3A_148, %get3A_149] {strides = array<i32>} : memref<80x128xf32, #tpu.memory_space<vmem>>, vector<1x16xf32>,
        %get3A_151 = vector.shape_cast %get3A_150 : vector<1x16xf32> to vector<16xf32>
        %add3A_152 = arith.addf %get3A_147, %get3A_151 : vector<16xf32>
        %get3A_153 = arith.index_cast %scan3A_124 : i32 to index
        %get3A_154 = arith.constant 16 : index
        %get3A_155 = tpu.vector_load %arg13[%get3A_153, %get3A_154] {strides = array<i32>} : memref<80x128xf32, #tpu.memory_space<vmem>>, vector<1x16xf32>,
        %get3A_156 = vector.shape_cast %get3A_155 : vector<1x16xf32> to vector<16xf32>
        %add3A_157 = arith.addf %add3A_152, %get3A_156 : vector<16xf32>
        %max3A_158 = arith.constant 0.000000e+00 : f32
        %max3A_159 = vector.broadcast %max3A_158 : f32 to vector<16xf32>
        %max3A_160 = arith.maximumf %add3A_157, %max3A_159 : vector<16xf32>
        %swap3A_161 = arith.index_cast %scan3A_124 : i32 to index
        %swap3A_162 = arith.constant 16 : index
        %swap3A_163 = tpu.vector_load %arg14[%swap3A_161, %swap3A_162] {strides = array<i32>} : memref<80x128xf32, #tpu.memory_space<vmem>>, vector<1x16xf32>,
        %swap3A_164 = vector.shape_cast %swap3A_163 : vector<1x16xf32> to vector<16xf32>
        %swap3A_165 = vector.shape_cast %max3A_160 : vector<16xf32> to vector<1x16xf32>
        tpu.vector_store %arg14[%swap3A_161, %swap3A_162], %swap3A_165 {strides = array<i32>} : memref<80x128xf32, #tpu.memory_space<vmem>>, vector<1x16xf32>,
        %get3A_166 = arith.index_cast %scan3A_124 : i32 to index
        %get3A_167 = arith.constant 32 : index
        %get3A_168 = tpu.vector_load %arg11[%get3A_166, %get3A_167] {strides = array<i32>} : memref<80x128xf32, #tpu.memory_space<vmem>>, vector<1x16xf32>,
        %get3A_169 = vector.shape_cast %get3A_168 : vector<1x16xf32> to vector<16xf32>
        %get3A_170 = arith.index_cast %scan3A_124 : i32 to index
        %get3A_171 = arith.constant 32 : index
        %get3A_172 = tpu.vector_load %arg12[%get3A_170, %get3A_171] {strides = array<i32>} : memref<80x128xf32, #tpu.memory_space<vmem>>, vector<1x16xf32>,
        %get3A_173 = vector.shape_cast %get3A_172 : vector<1x16xf32> to vector<16xf32>
        %add3A_174 = arith.addf %get3A_169, %get3A_173 : vector<16xf32>
        %get3A_175 = arith.index_cast %scan3A_124 : i32 to index
        %get3A_176 = arith.constant 32 : index
        %get3A_177 = tpu.vector_load %arg13[%get3A_175, %get3A_176] {strides = array<i32>} : memref<80x128xf32, #tpu.memory_space<vmem>>, vector<1x16xf32>,
        %get3A_178 = vector.shape_cast %get3A_177 : vector<1x16xf32> to vector<16xf32>
        %add3A_179 = arith.addf %add3A_174, %get3A_178 : vector<16xf32>
        %max3A_180 = arith.constant 0.000000e+00 : f32
        %max3A_181 = vector.broadcast %max3A_180 : f32 to vector<16xf32>
        %max3A_182 = arith.maximumf %add3A_179, %max3A_181 : vector<16xf32>
        %swap3A_183 = arith.index_cast %scan3A_124 : i32 to index
        %swap3A_184 = arith.constant 32 : index
        %swap3A_185 = tpu.vector_load %arg14[%swap3A_183, %swap3A_184] {strides = array<i32>} : memref<80x128xf32, #tpu.memory_space<vmem>>, vector<1x16xf32>,
        %swap3A_186 = vector.shape_cast %swap3A_185 : vector<1x16xf32> to vector<16xf32>
        %swap3A_187 = vector.shape_cast %max3A_182 : vector<16xf32> to vector<1x16xf32>
        tpu.vector_store %arg14[%swap3A_183, %swap3A_184], %swap3A_187 {strides = array<i32>} : memref<80x128xf32, #tpu.memory_space<vmem>>, vector<1x16xf32>,
        %get3A_188 = arith.index_cast %scan3A_124 : i32 to index
        %get3A_189 = arith.constant 48 : index
        %get3A_190 = tpu.vector_load %arg11[%get3A_188, %get3A_189] {strides = array<i32>} : memref<80x128xf32, #tpu.memory_space<vmem>>, vector<1x16xf32>,
        %get3A_191 = vector.shape_cast %get3A_190 : vector<1x16xf32> to vector<16xf32>
        %get3A_192 = arith.index_cast %scan3A_124 : i32 to index
        %get3A_193 = arith.constant 48 : index
        %get3A_194 = tpu.vector_load %arg12[%get3A_192, %get3A_193] {strides = array<i32>} : memref<80x128xf32, #tpu.memory_space<vmem>>, vector<1x16xf32>,
        %get3A_195 = vector.shape_cast %get3A_194 : vector<1x16xf32> to vector<16xf32>
        %add3A_196 = arith.addf %get3A_191, %get3A_195 : vector<16xf32>
        %get3A_197 = arith.index_cast %scan3A_124 : i32 to index
        %get3A_198 = arith.constant 48 : index
        %get3A_199 = tpu.vector_load %arg13[%get3A_197, %get3A_198] {strides = array<i32>} : memref<80x128xf32, #tpu.memory_space<vmem>>, vector<1x16xf32>,
        %get3A_200 = vector.shape_cast %get3A_199 : vector<1x16xf32> to vector<16xf32>
        %add3A_201 = arith.addf %add3A_196, %get3A_200 : vector<16xf32>
        %max3A_202 = arith.constant 0.000000e+00 : f32
        %max3A_203 = vector.broadcast %max3A_202 : f32 to vector<16xf32>
        %max3A_204 = arith.maximumf %add3A_201, %max3A_203 : vector<16xf32>
        %swap3A_205 = arith.index_cast %scan3A_124 : i32 to index
        %swap3A_206 = arith.constant 48 : index
        %swap3A_207 = tpu.vector_load %arg14[%swap3A_205, %swap3A_206] {strides = array<i32>} : memref<80x128xf32, #tpu.memory_space<vmem>>, vector<1x16xf32>,
        %swap3A_208 = vector.shape_cast %swap3A_207 : vector<1x16xf32> to vector<16xf32>
        %swap3A_209 = vector.shape_cast %max3A_204 : vector<16xf32> to vector<1x16xf32>
        tpu.vector_store %arg14[%swap3A_205, %swap3A_206], %swap3A_209 {strides = array<i32>} : memref<80x128xf32, #tpu.memory_space<vmem>>, vector<1x16xf32>,
        %get3A_210 = arith.index_cast %scan3A_124 : i32 to index
        %get3A_211 = arith.constant 64 : index
        %get3A_212 = tpu.vector_load %arg11[%get3A_210, %get3A_211] {strides = array<i32>} : memref<80x128xf32, #tpu.memory_space<vmem>>, vector<1x16xf32>,
        %get3A_213 = vector.shape_cast %get3A_212 : vector<1x16xf32> to vector<16xf32>
        %get3A_214 = arith.index_cast %scan3A_124 : i32 to index
        %get3A_215 = arith.constant 64 : index
        %get3A_216 = tpu.vector_load %arg12[%get3A_214, %get3A_215] {strides = array<i32>} : memref<80x128xf32, #tpu.memory_space<vmem>>, vector<1x16xf32>,
        %get3A_217 = vector.shape_cast %get3A_216 : vector<1x16xf32> to vector<16xf32>
        %add3A_218 = arith.addf %get3A_213, %get3A_217 : vector<16xf32>
        %get3A_219 = arith.index_cast %scan3A_124 : i32 to index
        %get3A_220 = arith.constant 64 : index
        %get3A_221 = tpu.vector_load %arg13[%get3A_219, %get3A_220] {strides = array<i32>} : memref<80x128xf32, #tpu.memory_space<vmem>>, vector<1x16xf32>,
        %get3A_222 = vector.shape_cast %get3A_221 : vector<1x16xf32> to vector<16xf32>
        %add3A_223 = arith.addf %add3A_218, %get3A_222 : vector<16xf32>
        %max3A_224 = arith.constant 0.000000e+00 : f32
        %max3A_225 = vector.broadcast %max3A_224 : f32 to vector<16xf32>
        %max3A_226 = arith.maximumf %add3A_223, %max3A_225 : vector<16xf32>
        %swap3A_227 = arith.index_cast %scan3A_124 : i32 to index
        %swap3A_228 = arith.constant 64 : index
        %swap3A_229 = tpu.vector_load %arg14[%swap3A_227, %swap3A_228] {strides = array<i32>} : memref<80x128xf32, #tpu.memory_space<vmem>>, vector<1x16xf32>,
        %swap3A_230 = vector.shape_cast %swap3A_229 : vector<1x16xf32> to vector<16xf32>
        %swap3A_231 = vector.shape_cast %max3A_226 : vector<16xf32> to vector<1x16xf32>
        tpu.vector_store %arg14[%swap3A_227, %swap3A_228], %swap3A_231 {strides = array<i32>} : memref<80x128xf32, #tpu.memory_space<vmem>>, vector<1x16xf32>,
        %get3A_232 = arith.index_cast %scan3A_124 : i32 to index
        %get3A_233 = arith.constant 80 : index
        %get3A_234 = tpu.vector_load %arg11[%get3A_232, %get3A_233] {strides = array<i32>} : memref<80x128xf32, #tpu.memory_space<vmem>>, vector<1x16xf32>,
        %get3A_235 = vector.shape_cast %get3A_234 : vector<1x16xf32> to vector<16xf32>
        %get3A_236 = arith.index_cast %scan3A_124 : i32 to index
        %get3A_237 = arith.constant 80 : index
        %get3A_238 = tpu.vector_load %arg12[%get3A_236, %get3A_237] {strides = array<i32>} : memref<80x128xf32, #tpu.memory_space<vmem>>, vector<1x16xf32>,
        %get3A_239 = vector.shape_cast %get3A_238 : vector<1x16xf32> to vector<16xf32>
        %add3A_240 = arith.addf %get3A_235, %get3A_239 : vector<16xf32>
        %get3A_241 = arith.index_cast %scan3A_124 : i32 to index
        %get3A_242 = arith.constant 80 : index
        %get3A_243 = tpu.vector_load %arg13[%get3A_241, %get3A_242] {strides = array<i32>} : memref<80x128xf32, #tpu.memory_space<vmem>>, vector<1x16xf32>,
        %get3A_244 = vector.shape_cast %get3A_243 : vector<1x16xf32> to vector<16xf32>
        %add3A_245 = arith.addf %add3A_240, %get3A_244 : vector<16xf32>
        %max3A_246 = arith.constant 0.000000e+00 : f32
        %max3A_247 = vector.broadcast %max3A_246 : f32 to vector<16xf32>
        %max3A_248 = arith.maximumf %add3A_245, %max3A_247 : vector<16xf32>
        %swap3A_249 = arith.index_cast %scan3A_124 : i32 to index
        %swap3A_250 = arith.constant 80 : index
        %swap3A_251 = tpu.vector_load %arg14[%swap3A_249, %swap3A_250] {strides = array<i32>} : memref<80x128xf32, #tpu.memory_space<vmem>>, vector<1x16xf32>,
        %swap3A_252 = vector.shape_cast %swap3A_251 : vector<1x16xf32> to vector<16xf32>
        %swap3A_253 = vector.shape_cast %max3A_248 : vector<16xf32> to vector<1x16xf32>
        tpu.vector_store %arg14[%swap3A_249, %swap3A_250], %swap3A_253 {strides = array<i32>} : memref<80x128xf32, #tpu.memory_space<vmem>>, vector<1x16xf32>,
        %get3A_254 = arith.index_cast %scan3A_124 : i32 to index
        %get3A_255 = arith.constant 96 : index
        %get3A_256 = tpu.vector_load %arg11[%get3A_254, %get3A_255] {strides = array<i32>} : memref<80x128xf32, #tpu.memory_space<vmem>>, vector<1x16xf32>,
        %get3A_257 = vector.shape_cast %get3A_256 : vector<1x16xf32> to vector<16xf32>
        %get3A_258 = arith.index_cast %scan3A_124 : i32 to index
        %get3A_259 = arith.constant 96 : index
        %get3A_260 = tpu.vector_load %arg12[%get3A_258, %get3A_259] {strides = array<i32>} : memref<80x128xf32, #tpu.memory_space<vmem>>, vector<1x16xf32>,
        %get3A_261 = vector.shape_cast %get3A_260 : vector<1x16xf32> to vector<16xf32>
        %add3A_262 = arith.addf %get3A_257, %get3A_261 : vector<16xf32>
        %get3A_263 = arith.index_cast %scan3A_124 : i32 to index
        %get3A_264 = arith.constant 96 : index
        %get3A_265 = tpu.vector_load %arg13[%get3A_263, %get3A_264] {strides = array<i32>} : memref<80x128xf32, #tpu.memory_space<vmem>>, vector<1x16xf32>,
        %get3A_266 = vector.shape_cast %get3A_265 : vector<1x16xf32> to vector<16xf32>
        %add3A_267 = arith.addf %add3A_262, %get3A_266 : vector<16xf32>
        %max3A_268 = arith.constant 0.000000e+00 : f32
        %max3A_269 = vector.broadcast %max3A_268 : f32 to vector<16xf32>
        %max3A_270 = arith.maximumf %add3A_267, %max3A_269 : vector<16xf32>
        %swap3A_271 = arith.index_cast %scan3A_124 : i32 to index
        %swap3A_272 = arith.constant 96 : index
        %swap3A_273 = tpu.vector_load %arg14[%swap3A_271, %swap3A_272] {strides = array<i32>} : memref<80x128xf32, #tpu.memory_space<vmem>>, vector<1x16xf32>,
        %swap3A_274 = vector.shape_cast %swap3A_273 : vector<1x16xf32> to vector<16xf32>
        %swap3A_275 = vector.shape_cast %max3A_270 : vector<16xf32> to vector<1x16xf32>
        tpu.vector_store %arg14[%swap3A_271, %swap3A_272], %swap3A_275 {strides = array<i32>} : memref<80x128xf32, #tpu.memory_space<vmem>>, vector<1x16xf32>,
        %get3A_276 = arith.index_cast %scan3A_124 : i32 to index
        %get3A_277 = arith.constant 112 : index
        %get3A_278 = tpu.vector_load %arg11[%get3A_276, %get3A_277] {strides = array<i32>} : memref<80x128xf32, #tpu.memory_space<vmem>>, vector<1x16xf32>,
        %get3A_279 = vector.shape_cast %get3A_278 : vector<1x16xf32> to vector<16xf32>
        %get3A_280 = arith.index_cast %scan3A_124 : i32 to index
        %get3A_281 = arith.constant 112 : index
        %get3A_282 = tpu.vector_load %arg12[%get3A_280, %get3A_281] {strides = array<i32>} : memref<80x128xf32, #tpu.memory_space<vmem>>, vector<1x16xf32>,
        %get3A_283 = vector.shape_cast %get3A_282 : vector<1x16xf32> to vector<16xf32>
        %add3A_284 = arith.addf %get3A_279, %get3A_283 : vector<16xf32>
        %get3A_285 = arith.index_cast %scan3A_124 : i32 to index
        %get3A_286 = arith.constant 112 : index
        %get3A_287 = tpu.vector_load %arg13[%get3A_285, %get3A_286] {strides = array<i32>} : memref<80x128xf32, #tpu.memory_space<vmem>>, vector<1x16xf32>,
        %get3A_288 = vector.shape_cast %get3A_287 : vector<1x16xf32> to vector<16xf32>
        %add3A_289 = arith.addf %add3A_284, %get3A_288 : vector<16xf32>
        %max3A_290 = arith.constant 0.000000e+00 : f32
        %max3A_291 = vector.broadcast %max3A_290 : f32 to vector<16xf32>
        %max3A_292 = arith.maximumf %add3A_289, %max3A_291 : vector<16xf32>
        %swap3A_293 = arith.index_cast %scan3A_124 : i32 to index
        %swap3A_294 = arith.constant 112 : index
        %swap3A_295 = tpu.vector_load %arg14[%swap3A_293, %swap3A_294] {strides = array<i32>} : memref<80x128xf32, #tpu.memory_space<vmem>>, vector<1x16xf32>,
        %swap3A_296 = vector.shape_cast %swap3A_295 : vector<1x16xf32> to vector<16xf32>
        %swap3A_297 = vector.shape_cast %max3A_292 : vector<16xf32> to vector<1x16xf32>
        tpu.vector_store %arg14[%swap3A_293, %swap3A_294], %swap3A_297 {strides = array<i32>} : memref<80x128xf32, #tpu.memory_space<vmem>>, vector<1x16xf32>,
      }
      %scan3A_117 = arith.constant 80 : i32
      %dma_start3A_118 = arith.constant 0 : i32
      %dma_start3A_119 = arith.constant 0 : i32
      %dma_start3A_120 = tpu.memref_slice %arg8[%dma_start3A_118, %dma_start3A_119] : memref<10240x128xf32, #tpu.memory_space<vmem_shared>> -> memref<10240x128xf32, #tpu.memory_space<vmem_shared>>
      tpu.enqueue_indirect_dma source(%arg14 : memref<80x128xf32, #tpu.memory_space<vmem>>) target(%dma_start3A_120 : memref<10240x128xf32, #tpu.memory_space<vmem_shared>>) offsets(%arg9 : memref<80xi32, #tpu.memory_space<vmem>>) semaphore(%arg18 : memref<!tpu.dma_semaphore, #tpu.memory_space<semaphore_mem>>) {add = true}
      %dma_wait3A_121 = arith.constant 0 : i32
      %dma_wait3A_122 = arith.constant 0 : i32
      %dma_wait3A_123 = tpu.memref_slice %arg8[%dma_wait3A_121, %dma_wait3A_122] : memref<10240x128xf32, #tpu.memory_space<vmem_shared>> -> memref<10240x128xf32, #tpu.memory_space<vmem_shared>>
      tpu.wait_indirect_dma semaphore(%arg18 : memref<!tpu.dma_semaphore, #tpu.memory_space<semaphore_mem>>) src(%arg14 : memref<80x128xf32, #tpu.memory_space<vmem>>) dst(%dma_wait3A_123 : memref<10240x128xf32, #tpu.memory_space<vmem_shared>>)
    }
    %scan3A_94 = arith.constant 125 : i32
    %barrier3A_95 = arith.constant 0 : index
    tpu.barrier barrier_id(%barrier3A_95)
    %mul3A_96 = arith.constant 640 : i32
    %mul3A_97 = arith.muli %arg1, %mul3A_96 : i32
    "tpu.region"() ({
      %run_scoped3A = tpu.sem_alloc : memref<!tpu.dma_semaphore, #tpu.memory_space<semaphore_mem>>
      %dma_start3A = arith.constant 0 : i32
      %dma_start3A_98 = tpu.memref_slice %arg7[%arg0, %mul3A_97, %dma_start3A] : memref<2x10240x128xf32, #tpu.memory_space<hbm>> -> memref<1x640x128xf32, #tpu.memory_space<hbm>>
      %dma_start3A_99 = tpu.memref_squeeze %dma_start3A_98 : memref<1x640x128xf32, #tpu.memory_space<hbm>> -> memref<640x128xf32, #tpu.memory_space<hbm>>
      %dma_start3A_100 = arith.constant 0 : i32
      %dma_start3A_101 = tpu.memref_slice %arg8[%mul3A_97, %dma_start3A_100] : memref<10240x128xf32, #tpu.memory_space<vmem_shared>> -> memref<640x128xf32, #tpu.memory_space<vmem_shared>>
      tpu.enqueue_dma source(%dma_start3A_101 : memref<640x128xf32, #tpu.memory_space<vmem_shared>>) target(%dma_start3A_99 : memref<640x128xf32, #tpu.memory_space<hbm>>) target_semaphore(%run_scoped3A : memref<!tpu.dma_semaphore, #tpu.memory_space<semaphore_mem>>)
      %dma_wait3A = arith.constant 0 : i32
      %dma_wait3A_102 = tpu.memref_slice %arg7[%arg0, %mul3A_97, %dma_wait3A] : memref<2x10240x128xf32, #tpu.memory_space<hbm>> -> memref<1x640x128xf32, #tpu.memory_space<hbm>>
      %dma_wait3A_103 = tpu.memref_squeeze %dma_wait3A_102 : memref<1x640x128xf32, #tpu.memory_space<hbm>> -> memref<640x128xf32, #tpu.memory_space<hbm>>
      %dma_wait3A_104 = arith.constant 0 : i32
      %dma_wait3A_105 = tpu.memref_slice %arg8[%mul3A_97, %dma_wait3A_104] : memref<10240x128xf32, #tpu.memory_space<vmem_shared>> -> memref<640x128xf32, #tpu.memory_space<vmem_shared>>
      tpu.wait_dma2 semaphore(%run_scoped3A : memref<!tpu.dma_semaphore, #tpu.memory_space<semaphore_mem>>) src(%dma_wait3A_105 : memref<640x128xf32, #tpu.memory_space<vmem_shared>>) dst(%dma_wait3A_103 : memref<640x128xf32, #tpu.memory_space<hbm>>)
      tpu.yield
    }) : () -> ()
    return
  }
}

module attributes {stable_mosaic.version = 14 : i64} {
  func.func @_matmul_bias_body(%arg0: i32, %arg1: memref<400x128xf32, #tpu.memory_space<vmem>>, %arg2: memref<128x128xf32, #tpu.memory_space<vmem>>, %arg3: memref<1x128xf32, #tpu.memory_space<vmem>>, %arg4: memref<400x128xf32, #tpu.memory_space<vmem>>) attributes {dimension_semantics = [#tpu.dimension_semantics<arbitrary>], iteration_bounds = array<i64: 25>, scalar_prefetch = 0 : i64, scratch_operands = 0 : i64, tpu.core_type = #tpu.core_type<tc>, window_params = [{transform_indices = @transform_0, window_bounds = array<i64: 400, 128>}, {pipeline_mode = #tpu.pipeline_mode<synchronous>, transform_indices = @transform_1, window_bounds = array<i64: 128, 128>}, {pipeline_mode = #tpu.pipeline_mode<synchronous>, transform_indices = @transform_2, window_bounds = array<i64: 1, 128>}, {transform_indices = @transform_3, window_bounds = array<i64: 400, 128>}]} {
    %get3A = arith.constant 0 : index
    %get3A_0 = arith.constant 0 : index
    %get3A_1 = vector.load %arg1[%get3A, %get3A_0] : memref<400x128xf32, #tpu.memory_space<vmem>>, vector<400x128xf32>
    %get3A_2 = arith.constant 0 : index
    %get3A_3 = arith.constant 0 : index
    %get3A_4 = vector.load %arg2[%get3A_2, %get3A_3] : memref<128x128xf32, #tpu.memory_space<vmem>>, vector<128x128xf32>
    %dot_general3A = arith.constant dense<0.000000e+00> : vector<400x128xf32>
    %dot_general3A_5 = tpu.matmul %get3A_1, %get3A_4, %dot_general3A {dimension_numbers = #tpu.dot_dimension_numbers<[1], [0], [0], [1], [0, 0, 1, 1], [], []>, transpose_lhs_hint = false} : vector<400x128xf32>, vector<128x128xf32>, vector<400x128xf32> -> vector<400x128xf32>
    %get3A_6 = arith.constant 0 : index
    %get3A_7 = arith.constant 0 : index
    %get3A_8 = vector.load %arg3[%get3A_6, %get3A_7] : memref<1x128xf32, #tpu.memory_space<vmem>>, vector<1x128xf32>
    %add3A = vector.broadcast %get3A_8 : vector<1x128xf32> to vector<400x128xf32>
    %add3A_9 = arith.addf %dot_general3A_5, %add3A : vector<400x128xf32>
    %swap3A = arith.constant 0 : index
    %swap3A_10 = arith.constant 0 : index
    %swap3A_11 = vector.load %arg4[%swap3A, %swap3A_10] : memref<400x128xf32, #tpu.memory_space<vmem>>, vector<400x128xf32>
    tpu.vector_store %arg4[%swap3A, %swap3A_10], %add3A_9 {strides = array<i32>} : memref<400x128xf32, #tpu.memory_space<vmem>>, vector<400x128xf32>,
    return
  }
  func.func @transform_0(%arg0: i32) -> (i32, i32) {
    %c0_i32 = arith.constant 0 : i32
    %c0_i32_0 = arith.constant 0 : i32
    return %arg0, %c0_i32 : i32, i32
  }
  func.func @transform_1(%arg0: i32) -> (i32, i32) {
    %c0_i32 = arith.constant 0 : i32
    %c0_i32_0 = arith.constant 0 : i32
    %c0_i32_1 = arith.constant 0 : i32
    return %c0_i32, %c0_i32_0 : i32, i32
  }
  func.func @transform_2(%arg0: i32) -> (i32, i32) {
    %c0_i32 = arith.constant 0 : i32
    %c0_i32_0 = arith.constant 0 : i32
    %c0_i32_1 = arith.constant 0 : i32
    return %c0_i32, %c0_i32_0 : i32, i32
  }
  func.func @transform_3(%arg0: i32) -> (i32, i32) {
    %c0_i32 = arith.constant 0 : i32
    %c0_i32_0 = arith.constant 0 : i32
    return %arg0, %c0_i32 : i32, i32
  }
}

module attributes {stable_mosaic.version = 14 : i64} {
  func.func @_ab_body(%arg0: i32, %arg1: memref<400x128xf32, #tpu.memory_space<vmem>>, %arg2: memref<128x128xf32, #tpu.memory_space<vmem>>, %arg3: memref<128x128xf32, #tpu.memory_space<vmem>>, %arg4: memref<400x128xf32, #tpu.memory_space<vmem>>, %arg5: memref<400x128xf32, #tpu.memory_space<vmem>>) attributes {dimension_semantics = [#tpu.dimension_semantics<arbitrary>], iteration_bounds = array<i64: 25>, scalar_prefetch = 0 : i64, scratch_operands = 0 : i64, tpu.core_type = #tpu.core_type<tc>, window_params = [{transform_indices = @transform_0, window_bounds = array<i64: 400, 128>}, {pipeline_mode = #tpu.pipeline_mode<synchronous>, transform_indices = @transform_1, window_bounds = array<i64: 128, 128>}, {pipeline_mode = #tpu.pipeline_mode<synchronous>, transform_indices = @transform_2, window_bounds = array<i64: 128, 128>}, {transform_indices = @transform_3, window_bounds = array<i64: 400, 128>}, {transform_indices = @transform_4, window_bounds = array<i64: 400, 128>}]} {
    %get3A = arith.constant 0 : index
    %get3A_0 = arith.constant 0 : index
    %get3A_1 = vector.load %arg1[%get3A, %get3A_0] : memref<400x128xf32, #tpu.memory_space<vmem>>, vector<400x128xf32>
    %get3A_2 = arith.constant 0 : index
    %get3A_3 = arith.constant 0 : index
    %get3A_4 = vector.load %arg2[%get3A_2, %get3A_3] : memref<128x128xf32, #tpu.memory_space<vmem>>, vector<128x128xf32>
    %dot_general3A = arith.constant dense<0.000000e+00> : vector<400x128xf32>
    %dot_general3A_5 = tpu.matmul %get3A_1, %get3A_4, %dot_general3A {dimension_numbers = #tpu.dot_dimension_numbers<[1], [0], [0], [1], [0, 0, 1, 1], [], []>, transpose_lhs_hint = false} : vector<400x128xf32>, vector<128x128xf32>, vector<400x128xf32> -> vector<400x128xf32>
    %swap3A = arith.constant 0 : index
    %swap3A_6 = arith.constant 0 : index
    %swap3A_7 = vector.load %arg4[%swap3A, %swap3A_6] : memref<400x128xf32, #tpu.memory_space<vmem>>, vector<400x128xf32>
    tpu.vector_store %arg4[%swap3A, %swap3A_6], %dot_general3A_5 {strides = array<i32>} : memref<400x128xf32, #tpu.memory_space<vmem>>, vector<400x128xf32>,
    %get3A_8 = arith.constant 0 : index
    %get3A_9 = arith.constant 0 : index
    %get3A_10 = vector.load %arg3[%get3A_8, %get3A_9] : memref<128x128xf32, #tpu.memory_space<vmem>>, vector<128x128xf32>
    %dot_general3A_11 = arith.constant dense<0.000000e+00> : vector<400x128xf32>
    %dot_general3A_12 = tpu.matmul %get3A_1, %get3A_10, %dot_general3A_11 {dimension_numbers = #tpu.dot_dimension_numbers<[1], [0], [0], [1], [0, 0, 1, 1], [], []>, transpose_lhs_hint = false} : vector<400x128xf32>, vector<128x128xf32>, vector<400x128xf32> -> vector<400x128xf32>
    %swap3A_13 = arith.constant 0 : index
    %swap3A_14 = arith.constant 0 : index
    %swap3A_15 = vector.load %arg5[%swap3A_13, %swap3A_14] : memref<400x128xf32, #tpu.memory_space<vmem>>, vector<400x128xf32>
    tpu.vector_store %arg5[%swap3A_13, %swap3A_14], %dot_general3A_12 {strides = array<i32>} : memref<400x128xf32, #tpu.memory_space<vmem>>, vector<400x128xf32>,
    return
  }
  func.func @transform_0(%arg0: i32) -> (i32, i32) {
    %c0_i32 = arith.constant 0 : i32
    %c0_i32_0 = arith.constant 0 : i32
    return %arg0, %c0_i32 : i32, i32
  }
  func.func @transform_1(%arg0: i32) -> (i32, i32) {
    %c0_i32 = arith.constant 0 : i32
    %c0_i32_0 = arith.constant 0 : i32
    %c0_i32_1 = arith.constant 0 : i32
    return %c0_i32, %c0_i32_0 : i32, i32
  }
  func.func @transform_2(%arg0: i32) -> (i32, i32) {
    %c0_i32 = arith.constant 0 : i32
    %c0_i32_0 = arith.constant 0 : i32
    %c0_i32_1 = arith.constant 0 : i32
    return %c0_i32, %c0_i32_0 : i32, i32
  }
  func.func @transform_3(%arg0: i32) -> (i32, i32) {
    %c0_i32 = arith.constant 0 : i32
    %c0_i32_0 = arith.constant 0 : i32
    return %arg0, %c0_i32 : i32, i32
  }
  func.func @transform_4(%arg0: i32) -> (i32, i32) {
    %c0_i32 = arith.constant 0 : i32
    %c0_i32_0 = arith.constant 0 : i32
    return %arg0, %c0_i32 : i32, i32
  }
}

module attributes {stable_mosaic.version = 14 : i64} {
  func.func @_ec_body(%arg0: i32, %arg1: memref<2000x16xf32, #tpu.memory_space<vmem>>, %arg2: memref<3x16x128xf32, #tpu.memory_space<vmem>>, %arg3: memref<3x1x128xf32, #tpu.memory_space<vmem>>, %arg4: memref<2000x128xf32, #tpu.memory_space<vmem>>, %arg5: memref<2000x128xf32, #tpu.memory_space<vmem>>, %arg6: memref<2000x128xf32, #tpu.memory_space<vmem>>) attributes {dimension_semantics = [#tpu.dimension_semantics<arbitrary>], iteration_bounds = array<i64: 160>, scalar_prefetch = 0 : i64, scratch_operands = 0 : i64, tpu.core_type = #tpu.core_type<tc>, window_params = [{transform_indices = @transform_0, window_bounds = array<i64: 2000, 16>}, {pipeline_mode = #tpu.pipeline_mode<synchronous>, transform_indices = @transform_1, window_bounds = array<i64: 3, 16, 128>}, {pipeline_mode = #tpu.pipeline_mode<synchronous>, transform_indices = @transform_2, window_bounds = array<i64: 3, 1, 128>}, {transform_indices = @transform_3, window_bounds = array<i64: 2000, 128>}, {transform_indices = @transform_4, window_bounds = array<i64: 2000, 128>}, {transform_indices = @transform_5, window_bounds = array<i64: 2000, 128>}]} {
    %get3A = arith.constant 0 : index
    %get3A_0 = arith.constant 0 : index
    %get3A_1 = vector.load %arg1[%get3A, %get3A_0] : memref<2000x16xf32, #tpu.memory_space<vmem>>, vector<2000x16xf32>
    %get3A_2 = arith.constant 0 : index
    %get3A_3 = arith.constant 0 : index
    %get3A_4 = arith.constant 0 : index
    %get3A_5 = vector.load %arg2[%get3A_2, %get3A_3, %get3A_4] : memref<3x16x128xf32, #tpu.memory_space<vmem>>, vector<1x16x128xf32>
    %get3A_6 = vector.shape_cast %get3A_5 : vector<1x16x128xf32> to vector<16x128xf32>
    %dot_general3A = arith.constant dense<0.000000e+00> : vector<2000x128xf32>
    %dot_general3A_7 = tpu.matmul %get3A_1, %get3A_6, %dot_general3A {dimension_numbers = #tpu.dot_dimension_numbers<[1], [0], [0], [1], [0, 0, 1, 1], [], []>, transpose_lhs_hint = false} : vector<2000x16xf32>, vector<16x128xf32>, vector<2000x128xf32> -> vector<2000x128xf32>
    %get3A_8 = arith.constant 0 : index
    %get3A_9 = arith.constant 0 : index
    %get3A_10 = arith.constant 0 : index
    %get3A_11 = vector.load %arg3[%get3A_8, %get3A_9, %get3A_10] : memref<3x1x128xf32, #tpu.memory_space<vmem>>, vector<1x1x128xf32>
    %get3A_12 = vector.shape_cast %get3A_11 : vector<1x1x128xf32> to vector<1x128xf32>
    %add3A = vector.broadcast %get3A_12 : vector<1x128xf32> to vector<2000x128xf32>
    %add3A_13 = arith.addf %dot_general3A_7, %add3A : vector<2000x128xf32>
    %swap3A = arith.constant 0 : index
    %swap3A_14 = arith.constant 0 : index
    %swap3A_15 = vector.load %arg4[%swap3A, %swap3A_14] : memref<2000x128xf32, #tpu.memory_space<vmem>>, vector<2000x128xf32>
    tpu.vector_store %arg4[%swap3A, %swap3A_14], %add3A_13 {strides = array<i32>} : memref<2000x128xf32, #tpu.memory_space<vmem>>, vector<2000x128xf32>,
    %get3A_16 = arith.constant 1 : index
    %get3A_17 = arith.constant 0 : index
    %get3A_18 = arith.constant 0 : index
    %get3A_19 = vector.load %arg2[%get3A_16, %get3A_17, %get3A_18] : memref<3x16x128xf32, #tpu.memory_space<vmem>>, vector<1x16x128xf32>
    %get3A_20 = vector.shape_cast %get3A_19 : vector<1x16x128xf32> to vector<16x128xf32>
    %dot_general3A_21 = arith.constant dense<0.000000e+00> : vector<2000x128xf32>
    %dot_general3A_22 = tpu.matmul %get3A_1, %get3A_20, %dot_general3A_21 {dimension_numbers = #tpu.dot_dimension_numbers<[1], [0], [0], [1], [0, 0, 1, 1], [], []>, transpose_lhs_hint = false} : vector<2000x16xf32>, vector<16x128xf32>, vector<2000x128xf32> -> vector<2000x128xf32>
    %get3A_23 = arith.constant 1 : index
    %get3A_24 = arith.constant 0 : index
    %get3A_25 = arith.constant 0 : index
    %get3A_26 = vector.load %arg3[%get3A_23, %get3A_24, %get3A_25] : memref<3x1x128xf32, #tpu.memory_space<vmem>>, vector<1x1x128xf32>
    %get3A_27 = vector.shape_cast %get3A_26 : vector<1x1x128xf32> to vector<1x128xf32>
    %add3A_28 = vector.broadcast %get3A_27 : vector<1x128xf32> to vector<2000x128xf32>
    %add3A_29 = arith.addf %dot_general3A_22, %add3A_28 : vector<2000x128xf32>
    %swap3A_30 = arith.constant 0 : index
    %swap3A_31 = arith.constant 0 : index
    %swap3A_32 = vector.load %arg5[%swap3A_30, %swap3A_31] : memref<2000x128xf32, #tpu.memory_space<vmem>>, vector<2000x128xf32>
    tpu.vector_store %arg5[%swap3A_30, %swap3A_31], %add3A_29 {strides = array<i32>} : memref<2000x128xf32, #tpu.memory_space<vmem>>, vector<2000x128xf32>,
    %get3A_33 = arith.constant 2 : index
    %get3A_34 = arith.constant 0 : index
    %get3A_35 = arith.constant 0 : index
    %get3A_36 = vector.load %arg2[%get3A_33, %get3A_34, %get3A_35] : memref<3x16x128xf32, #tpu.memory_space<vmem>>, vector<1x16x128xf32>
    %get3A_37 = vector.shape_cast %get3A_36 : vector<1x16x128xf32> to vector<16x128xf32>
    %dot_general3A_38 = arith.constant dense<0.000000e+00> : vector<2000x128xf32>
    %dot_general3A_39 = tpu.matmul %get3A_1, %get3A_37, %dot_general3A_38 {dimension_numbers = #tpu.dot_dimension_numbers<[1], [0], [0], [1], [0, 0, 1, 1], [], []>, transpose_lhs_hint = false} : vector<2000x16xf32>, vector<16x128xf32>, vector<2000x128xf32> -> vector<2000x128xf32>
    %get3A_40 = arith.constant 2 : index
    %get3A_41 = arith.constant 0 : index
    %get3A_42 = arith.constant 0 : index
    %get3A_43 = vector.load %arg3[%get3A_40, %get3A_41, %get3A_42] : memref<3x1x128xf32, #tpu.memory_space<vmem>>, vector<1x1x128xf32>
    %get3A_44 = vector.shape_cast %get3A_43 : vector<1x1x128xf32> to vector<1x128xf32>
    %add3A_45 = vector.broadcast %get3A_44 : vector<1x128xf32> to vector<2000x128xf32>
    %add3A_46 = arith.addf %dot_general3A_39, %add3A_45 : vector<2000x128xf32>
    %swap3A_47 = arith.constant 0 : index
    %swap3A_48 = arith.constant 0 : index
    %swap3A_49 = vector.load %arg6[%swap3A_47, %swap3A_48] : memref<2000x128xf32, #tpu.memory_space<vmem>>, vector<2000x128xf32>
    tpu.vector_store %arg6[%swap3A_47, %swap3A_48], %add3A_46 {strides = array<i32>} : memref<2000x128xf32, #tpu.memory_space<vmem>>, vector<2000x128xf32>,
    return
  }
  func.func @transform_0(%arg0: i32) -> (i32, i32) {
    %c0_i32 = arith.constant 0 : i32
    %c0_i32_0 = arith.constant 0 : i32
    return %arg0, %c0_i32 : i32, i32
  }
  func.func @transform_1(%arg0: i32) -> (i32, i32, i32) {
    %c0_i32 = arith.constant 0 : i32
    %c0_i32_0 = arith.constant 0 : i32
    %c0_i32_1 = arith.constant 0 : i32
    %c0_i32_2 = arith.constant 0 : i32
    return %c0_i32, %c0_i32_0, %c0_i32_1 : i32, i32, i32
  }
  func.func @transform_2(%arg0: i32) -> (i32, i32, i32) {
    %c0_i32 = arith.constant 0 : i32
    %c0_i32_0 = arith.constant 0 : i32
    %c0_i32_1 = arith.constant 0 : i32
    %c0_i32_2 = arith.constant 0 : i32
    return %c0_i32, %c0_i32_0, %c0_i32_1 : i32, i32, i32
  }
  func.func @transform_3(%arg0: i32) -> (i32, i32) {
    %c0_i32 = arith.constant 0 : i32
    %c0_i32_0 = arith.constant 0 : i32
    return %arg0, %c0_i32 : i32, i32
  }
  func.func @transform_4(%arg0: i32) -> (i32, i32) {
    %c0_i32 = arith.constant 0 : i32
    %c0_i32_0 = arith.constant 0 : i32
    return %arg0, %c0_i32 : i32, i32
  }
  func.func @transform_5(%arg0: i32) -> (i32, i32) {
    %c0_i32 = arith.constant 0 : i32
    %c0_i32_0 = arith.constant 0 : i32
    return %arg0, %c0_i32 : i32, i32
  }
}

module attributes {stable_mosaic.version = 14 : i64} {
  func.func @_upd_body(%arg0: i32, %arg1: memref<2x400x128xf32, #tpu.memory_space<vmem>>, %arg2: memref<400x128xf32, #tpu.memory_space<vmem>>, %arg3: memref<400x1xf32, #tpu.memory_space<vmem>>, %arg4: memref<128x128xf32, #tpu.memory_space<vmem>>, %arg5: memref<1x128xf32, #tpu.memory_space<vmem>>, %arg6: memref<128x128xf32, #tpu.memory_space<vmem>>, %arg7: memref<128x128xf32, #tpu.memory_space<vmem>>, %arg8: memref<1x128xf32, #tpu.memory_space<vmem>>, %arg9: memref<128x128xf32, #tpu.memory_space<vmem>>, %arg10: memref<1x128xf32, #tpu.memory_space<vmem>>, %arg11: memref<1x128xf32, #tpu.memory_space<vmem>>, %arg12: memref<1x128xf32, #tpu.memory_space<vmem>>, %arg13: memref<400x128xf32, #tpu.memory_space<vmem>>) attributes {dimension_semantics = [#tpu.dimension_semantics<arbitrary>], iteration_bounds = array<i64: 25>, scalar_prefetch = 0 : i64, scratch_operands = 0 : i64, tpu.core_type = #tpu.core_type<tc>, window_params = [{transform_indices = @transform_0, window_bounds = array<i64: 2, 400, 128>}, {transform_indices = @transform_1, window_bounds = array<i64: 400, 128>}, {transform_indices = @transform_2, window_bounds = array<i64: 400, 1>}, {pipeline_mode = #tpu.pipeline_mode<synchronous>, transform_indices = @transform_3, window_bounds = array<i64: 128, 128>}, {pipeline_mode = #tpu.pipeline_mode<synchronous>, transform_indices = @transform_4, window_bounds = array<i64: 1, 128>}, {pipeline_mode = #tpu.pipeline_mode<synchronous>, transform_indices = @transform_5, window_bounds = array<i64: 128, 128>}, {pipeline_mode = #tpu.pipeline_mode<synchronous>, transform_indices = @transform_6, window_bounds = array<i64: 128, 128>}, {pipeline_mode = #tpu.pipeline_mode<synchronous>, transform_indices = @transform_7, window_bounds = array<i64: 1, 128>}, {pipeline_mode = #tpu.pipeline_mode<synchronous>, transform_indices = @transform_8, window_bounds = array<i64: 128, 128>}, {pipeline_mode = #tpu.pipeline_mode<synchronous>, transform_indices = @transform_9, window_bounds = array<i64: 1, 128>}, {pipeline_mode = #tpu.pipeline_mode<synchronous>, transform_indices = @transform_10, window_bounds = array<i64: 1, 128>}, {pipeline_mode = #tpu.pipeline_mode<synchronous>, transform_indices = @transform_11, window_bounds = array<i64: 1, 128>}, {transform_indices = @transform_12, window_bounds = array<i64: 400, 128>}]} {
    %get3A = arith.constant 0 : index
    %get3A_0 = arith.constant 0 : index
    %get3A_1 = arith.constant 0 : index
    %get3A_2 = vector.load %arg1[%get3A, %get3A_0, %get3A_1] : memref<2x400x128xf32, #tpu.memory_space<vmem>>, vector<1x400x128xf32>
    %get3A_3 = vector.shape_cast %get3A_2 : vector<1x400x128xf32> to vector<400x128xf32>
    %get3A_4 = arith.constant 1 : index
    %get3A_5 = arith.constant 0 : index
    %get3A_6 = arith.constant 0 : index
    %get3A_7 = vector.load %arg1[%get3A_4, %get3A_5, %get3A_6] : memref<2x400x128xf32, #tpu.memory_space<vmem>>, vector<1x400x128xf32>
    %get3A_8 = vector.shape_cast %get3A_7 : vector<1x400x128xf32> to vector<400x128xf32>
    %add3A = arith.addf %get3A_3, %get3A_8 : vector<400x128xf32>
    %get3A_9 = arith.constant 0 : index
    %get3A_10 = arith.constant 0 : index
    %get3A_11 = vector.load %arg4[%get3A_9, %get3A_10] : memref<128x128xf32, #tpu.memory_space<vmem>>, vector<128x128xf32>
    %dot_general3A = arith.constant dense<0.000000e+00> : vector<400x128xf32>
    %dot_general3A_12 = tpu.matmul %add3A, %get3A_11, %dot_general3A {dimension_numbers = #tpu.dot_dimension_numbers<[1], [0], [0], [1], [0, 0, 1, 1], [], []>, transpose_lhs_hint = false} : vector<400x128xf32>, vector<128x128xf32>, vector<400x128xf32> -> vector<400x128xf32>
    %get3A_13 = arith.constant 0 : index
    %get3A_14 = arith.constant 0 : index
    %get3A_15 = vector.load %arg3[%get3A_13, %get3A_14] : memref<400x1xf32, #tpu.memory_space<vmem>>, vector<400x1xf32>
    %get3A_16 = arith.constant 0 : index
    %get3A_17 = arith.constant 0 : index
    %get3A_18 = vector.load %arg5[%get3A_16, %get3A_17] : memref<1x128xf32, #tpu.memory_space<vmem>>, vector<1x128xf32>
    %mul3A = vector.broadcast %get3A_15 : vector<400x1xf32> to vector<400x128xf32>
    %mul3A_19 = vector.broadcast %get3A_18 : vector<1x128xf32> to vector<400x128xf32>
    %mul3A_20 = arith.mulf %mul3A, %mul3A_19 : vector<400x128xf32>
    %add3A_21 = arith.addf %dot_general3A_12, %mul3A_20 : vector<400x128xf32>
    %get3A_22 = arith.constant 0 : index
    %get3A_23 = arith.constant 0 : index
    %get3A_24 = vector.load %arg2[%get3A_22, %get3A_23] : memref<400x128xf32, #tpu.memory_space<vmem>>, vector<400x128xf32>
    %get3A_25 = arith.constant 0 : index
    %get3A_26 = arith.constant 0 : index
    %get3A_27 = vector.load %arg6[%get3A_25, %get3A_26] : memref<128x128xf32, #tpu.memory_space<vmem>>, vector<128x128xf32>
    %dot_general3A_28 = arith.constant dense<0.000000e+00> : vector<400x128xf32>
    %dot_general3A_29 = tpu.matmul %get3A_24, %get3A_27, %dot_general3A_28 {dimension_numbers = #tpu.dot_dimension_numbers<[1], [0], [0], [1], [0, 0, 1, 1], [], []>, transpose_lhs_hint = false} : vector<400x128xf32>, vector<128x128xf32>, vector<400x128xf32> -> vector<400x128xf32>
    %get3A_30 = arith.constant 0 : index
    %get3A_31 = arith.constant 0 : index
    %get3A_32 = vector.load %arg7[%get3A_30, %get3A_31] : memref<128x128xf32, #tpu.memory_space<vmem>>, vector<128x128xf32>
    %dot_general3A_33 = arith.constant dense<0.000000e+00> : vector<400x128xf32>
    %dot_general3A_34 = tpu.matmul %add3A_21, %get3A_32, %dot_general3A_33 {dimension_numbers = #tpu.dot_dimension_numbers<[1], [0], [0], [1], [0, 0, 1, 1], [], []>, transpose_lhs_hint = false} : vector<400x128xf32>, vector<128x128xf32>, vector<400x128xf32> -> vector<400x128xf32>
    %add3A_35 = arith.addf %dot_general3A_29, %dot_general3A_34 : vector<400x128xf32>
    %get3A_36 = arith.constant 0 : index
    %get3A_37 = arith.constant 0 : index
    %get3A_38 = vector.load %arg8[%get3A_36, %get3A_37] : memref<1x128xf32, #tpu.memory_space<vmem>>, vector<1x128xf32>
    %add3A_39 = vector.broadcast %get3A_38 : vector<1x128xf32> to vector<400x128xf32>
    %add3A_40 = arith.addf %add3A_35, %add3A_39 : vector<400x128xf32>
    %max3A = arith.constant 0.000000e+00 : f32
    %max3A_41 = vector.broadcast %max3A : f32 to vector<400x128xf32>
    %max3A_42 = arith.maximumf %add3A_40, %max3A_41 : vector<400x128xf32>
    %get3A_43 = arith.constant 0 : index
    %get3A_44 = arith.constant 0 : index
    %get3A_45 = vector.load %arg9[%get3A_43, %get3A_44] : memref<128x128xf32, #tpu.memory_space<vmem>>, vector<128x128xf32>
    %dot_general3A_46 = arith.constant dense<0.000000e+00> : vector<400x128xf32>
    %dot_general3A_47 = tpu.matmul %max3A_42, %get3A_45, %dot_general3A_46 {dimension_numbers = #tpu.dot_dimension_numbers<[1], [0], [0], [1], [0, 0, 1, 1], [], []>, transpose_lhs_hint = false} : vector<400x128xf32>, vector<128x128xf32>, vector<400x128xf32> -> vector<400x128xf32>
    %add3A_48 = arith.addf %get3A_24, %dot_general3A_47 : vector<400x128xf32>
    %get3A_49 = arith.constant 0 : index
    %get3A_50 = arith.constant 0 : index
    %get3A_51 = vector.load %arg10[%get3A_49, %get3A_50] : memref<1x128xf32, #tpu.memory_space<vmem>>, vector<1x128xf32>
    %add3A_52 = vector.broadcast %get3A_51 : vector<1x128xf32> to vector<400x128xf32>
    %add3A_53 = arith.addf %add3A_48, %add3A_52 : vector<400x128xf32>
    %reduce_sum3A = arith.constant dense<0.000000e+00> : vector<400xf32>
    %reduce_sum3A_54 = vector.multi_reduction <add>, %add3A_53, %reduce_sum3A [1] : vector<400x128xf32> to vector<400xf32>
    %broadcast_in_dim3A = vector.shape_cast %reduce_sum3A_54 : vector<400xf32> to vector<400x1xf32>
    %div3A = arith.constant 1.280000e+02 : f32
    %div3A_55 = vector.broadcast %div3A : f32 to vector<400x1xf32>
    %div3A_56 = arith.divf %broadcast_in_dim3A, %div3A_55 : vector<400x1xf32>
    %sub3A = vector.broadcast %div3A_56 : vector<400x1xf32> to vector<400x128xf32>
    %sub3A_57 = arith.subf %add3A_53, %sub3A : vector<400x128xf32>
    %integer_pow3A = arith.mulf %sub3A_57, %sub3A_57 : vector<400x128xf32>
    %reduce_sum3A_58 = arith.constant dense<0.000000e+00> : vector<400xf32>
    %reduce_sum3A_59 = vector.multi_reduction <add>, %integer_pow3A, %reduce_sum3A_58 [1] : vector<400x128xf32> to vector<400xf32>
    %broadcast_in_dim3A_60 = vector.shape_cast %reduce_sum3A_59 : vector<400xf32> to vector<400x1xf32>
    %div3A_61 = arith.constant 1.280000e+02 : f32
    %div3A_62 = vector.broadcast %div3A_61 : f32 to vector<400x1xf32>
    %div3A_63 = arith.divf %broadcast_in_dim3A_60, %div3A_62 : vector<400x1xf32>
    %sub3A_64 = vector.broadcast %div3A_56 : vector<400x1xf32> to vector<400x128xf32>
    %sub3A_65 = arith.subf %add3A_53, %sub3A_64 : vector<400x128xf32>
    %add3A_66 = arith.constant 9.99999974E-6 : f32
    %add3A_67 = vector.broadcast %add3A_66 : f32 to vector<400x1xf32>
    %add3A_68 = arith.addf %div3A_63, %add3A_67 : vector<400x1xf32>
    %rsqrt3A = math.rsqrt %add3A_68 : vector<400x1xf32>
    %mul3A_69 = vector.broadcast %rsqrt3A : vector<400x1xf32> to vector<400x128xf32>
    %mul3A_70 = arith.mulf %sub3A_65, %mul3A_69 : vector<400x128xf32>
    %get3A_71 = arith.constant 0 : index
    %get3A_72 = arith.constant 0 : index
    %get3A_73 = vector.load %arg11[%get3A_71, %get3A_72] : memref<1x128xf32, #tpu.memory_space<vmem>>, vector<1x128xf32>
    %mul3A_74 = vector.broadcast %get3A_73 : vector<1x128xf32> to vector<400x128xf32>
    %mul3A_75 = arith.mulf %mul3A_70, %mul3A_74 : vector<400x128xf32>
    %get3A_76 = arith.constant 0 : index
    %get3A_77 = arith.constant 0 : index
    %get3A_78 = vector.load %arg12[%get3A_76, %get3A_77] : memref<1x128xf32, #tpu.memory_space<vmem>>, vector<1x128xf32>
    %add3A_79 = vector.broadcast %get3A_78 : vector<1x128xf32> to vector<400x128xf32>
    %add3A_80 = arith.addf %mul3A_75, %add3A_79 : vector<400x128xf32>
    %swap3A = arith.constant 0 : index
    %swap3A_81 = arith.constant 0 : index
    %swap3A_82 = vector.load %arg13[%swap3A, %swap3A_81] : memref<400x128xf32, #tpu.memory_space<vmem>>, vector<400x128xf32>
    tpu.vector_store %arg13[%swap3A, %swap3A_81], %add3A_80 {strides = array<i32>} : memref<400x128xf32, #tpu.memory_space<vmem>>, vector<400x128xf32>,
    return
  }
  func.func @transform_0(%arg0: i32) -> (i32, i32, i32) {
    %c0_i32 = arith.constant 0 : i32
    %c0_i32_0 = arith.constant 0 : i32
    %c0_i32_1 = arith.constant 0 : i32
    return %c0_i32, %arg0, %c0_i32_0 : i32, i32, i32
  }
  func.func @transform_1(%arg0: i32) -> (i32, i32) {
    %c0_i32 = arith.constant 0 : i32
    %c0_i32_0 = arith.constant 0 : i32
    return %arg0, %c0_i32 : i32, i32
  }
  func.func @transform_2(%arg0: i32) -> (i32, i32) {
    %c0_i32 = arith.constant 0 : i32
    %c0_i32_0 = arith.constant 0 : i32
    return %arg0, %c0_i32 : i32, i32
  }
  func.func @transform_3(%arg0: i32) -> (i32, i32) {
    %c0_i32 = arith.constant 0 : i32
    %c0_i32_0 = arith.constant 0 : i32
    %c0_i32_1 = arith.constant 0 : i32
    return %c0_i32, %c0_i32_0 : i32, i32
  }
  func.func @transform_4(%arg0: i32) -> (i32, i32) {
    %c0_i32 = arith.constant 0 : i32
    %c0_i32_0 = arith.constant 0 : i32
    %c0_i32_1 = arith.constant 0 : i32
    return %c0_i32, %c0_i32_0 : i32, i32
  }
  func.func @transform_5(%arg0: i32) -> (i32, i32) {
    %c0_i32 = arith.constant 0 : i32
    %c0_i32_0 = arith.constant 0 : i32
    %c0_i32_1 = arith.constant 0 : i32
    return %c0_i32, %c0_i32_0 : i32, i32
  }
  func.func @transform_6(%arg0: i32) -> (i32, i32) {
    %c0_i32 = arith.constant 0 : i32
    %c0_i32_0 = arith.constant 0 : i32
    %c0_i32_1 = arith.constant 0 : i32
    return %c0_i32, %c0_i32_0 : i32, i32
  }
  func.func @transform_7(%arg0: i32) -> (i32, i32) {
    %c0_i32 = arith.constant 0 : i32
    %c0_i32_0 = arith.constant 0 : i32
    %c0_i32_1 = arith.constant 0 : i32
    return %c0_i32, %c0_i32_0 : i32, i32
  }
  func.func @transform_8(%arg0: i32) -> (i32, i32) {
    %c0_i32 = arith.constant 0 : i32
    %c0_i32_0 = arith.constant 0 : i32
    %c0_i32_1 = arith.constant 0 : i32
    return %c0_i32, %c0_i32_0 : i32, i32
  }
  func.func @transform_9(%arg0: i32) -> (i32, i32) {
    %c0_i32 = arith.constant 0 : i32
    %c0_i32_0 = arith.constant 0 : i32
    %c0_i32_1 = arith.constant 0 : i32
    return %c0_i32, %c0_i32_0 : i32, i32
  }
  func.func @transform_10(%arg0: i32) -> (i32, i32) {
    %c0_i32 = arith.constant 0 : i32
    %c0_i32_0 = arith.constant 0 : i32
    %c0_i32_1 = arith.constant 0 : i32
    return %c0_i32, %c0_i32_0 : i32, i32
  }
  func.func @transform_11(%arg0: i32) -> (i32, i32) {
    %c0_i32 = arith.constant 0 : i32
    %c0_i32_0 = arith.constant 0 : i32
    %c0_i32_1 = arith.constant 0 : i32
    return %c0_i32, %c0_i32_0 : i32, i32
  }
  func.func @transform_12(%arg0: i32) -> (i32, i32) {
    %c0_i32 = arith.constant 0 : i32
    %c0_i32_0 = arith.constant 0 : i32
    return %arg0, %c0_i32 : i32, i32
  }
}

module attributes {stable_mosaic.version = 14 : i64} {
  func.func @_upd_body(%arg0: i32, %arg1: memref<2x400x128xf32, #tpu.memory_space<vmem>>, %arg2: memref<400x128xf32, #tpu.memory_space<vmem>>, %arg3: memref<400x1xf32, #tpu.memory_space<vmem>>, %arg4: memref<128x128xf32, #tpu.memory_space<vmem>>, %arg5: memref<1x128xf32, #tpu.memory_space<vmem>>, %arg6: memref<128x128xf32, #tpu.memory_space<vmem>>, %arg7: memref<128x128xf32, #tpu.memory_space<vmem>>, %arg8: memref<1x128xf32, #tpu.memory_space<vmem>>, %arg9: memref<128x128xf32, #tpu.memory_space<vmem>>, %arg10: memref<1x128xf32, #tpu.memory_space<vmem>>, %arg11: memref<1x128xf32, #tpu.memory_space<vmem>>, %arg12: memref<1x128xf32, #tpu.memory_space<vmem>>, %arg13: memref<400x128xf32, #tpu.memory_space<vmem>>) attributes {dimension_semantics = [#tpu.dimension_semantics<arbitrary>], iteration_bounds = array<i64: 25>, scalar_prefetch = 0 : i64, scratch_operands = 0 : i64, tpu.core_type = #tpu.core_type<tc>, window_params = [{transform_indices = @transform_0, window_bounds = array<i64: 2, 400, 128>}, {transform_indices = @transform_1, window_bounds = array<i64: 400, 128>}, {transform_indices = @transform_2, window_bounds = array<i64: 400, 1>}, {pipeline_mode = #tpu.pipeline_mode<synchronous>, transform_indices = @transform_3, window_bounds = array<i64: 128, 128>}, {pipeline_mode = #tpu.pipeline_mode<synchronous>, transform_indices = @transform_4, window_bounds = array<i64: 1, 128>}, {pipeline_mode = #tpu.pipeline_mode<synchronous>, transform_indices = @transform_5, window_bounds = array<i64: 128, 128>}, {pipeline_mode = #tpu.pipeline_mode<synchronous>, transform_indices = @transform_6, window_bounds = array<i64: 128, 128>}, {pipeline_mode = #tpu.pipeline_mode<synchronous>, transform_indices = @transform_7, window_bounds = array<i64: 1, 128>}, {pipeline_mode = #tpu.pipeline_mode<synchronous>, transform_indices = @transform_8, window_bounds = array<i64: 128, 128>}, {pipeline_mode = #tpu.pipeline_mode<synchronous>, transform_indices = @transform_9, window_bounds = array<i64: 1, 128>}, {pipeline_mode = #tpu.pipeline_mode<synchronous>, transform_indices = @transform_10, window_bounds = array<i64: 1, 128>}, {pipeline_mode = #tpu.pipeline_mode<synchronous>, transform_indices = @transform_11, window_bounds = array<i64: 1, 128>}, {transform_indices = @transform_12, window_bounds = array<i64: 400, 128>}]} {
    %get3A = arith.constant 0 : index
    %get3A_0 = arith.constant 0 : index
    %get3A_1 = arith.constant 0 : index
    %get3A_2 = vector.load %arg1[%get3A, %get3A_0, %get3A_1] : memref<2x400x128xf32, #tpu.memory_space<vmem>>, vector<1x400x128xf32>
    %get3A_3 = vector.shape_cast %get3A_2 : vector<1x400x128xf32> to vector<400x128xf32>
    %get3A_4 = arith.constant 1 : index
    %get3A_5 = arith.constant 0 : index
    %get3A_6 = arith.constant 0 : index
    %get3A_7 = vector.load %arg1[%get3A_4, %get3A_5, %get3A_6] : memref<2x400x128xf32, #tpu.memory_space<vmem>>, vector<1x400x128xf32>
    %get3A_8 = vector.shape_cast %get3A_7 : vector<1x400x128xf32> to vector<400x128xf32>
    %add3A = arith.addf %get3A_3, %get3A_8 : vector<400x128xf32>
    %get3A_9 = arith.constant 0 : index
    %get3A_10 = arith.constant 0 : index
    %get3A_11 = vector.load %arg4[%get3A_9, %get3A_10] : memref<128x128xf32, #tpu.memory_space<vmem>>, vector<128x128xf32>
    %dot_general3A = arith.constant dense<0.000000e+00> : vector<400x128xf32>
    %dot_general3A_12 = tpu.matmul %add3A, %get3A_11, %dot_general3A {dimension_numbers = #tpu.dot_dimension_numbers<[1], [0], [0], [1], [0, 0, 1, 1], [], []>, transpose_lhs_hint = false} : vector<400x128xf32>, vector<128x128xf32>, vector<400x128xf32> -> vector<400x128xf32>
    %get3A_13 = arith.constant 0 : index
    %get3A_14 = arith.constant 0 : index
    %get3A_15 = vector.load %arg3[%get3A_13, %get3A_14] : memref<400x1xf32, #tpu.memory_space<vmem>>, vector<400x1xf32>
    %get3A_16 = arith.constant 0 : index
    %get3A_17 = arith.constant 0 : index
    %get3A_18 = vector.load %arg5[%get3A_16, %get3A_17] : memref<1x128xf32, #tpu.memory_space<vmem>>, vector<1x128xf32>
    %mul3A = vector.broadcast %get3A_15 : vector<400x1xf32> to vector<400x128xf32>
    %mul3A_19 = vector.broadcast %get3A_18 : vector<1x128xf32> to vector<400x128xf32>
    %mul3A_20 = arith.mulf %mul3A, %mul3A_19 : vector<400x128xf32>
    %add3A_21 = arith.addf %dot_general3A_12, %mul3A_20 : vector<400x128xf32>
    %get3A_22 = arith.constant 0 : index
    %get3A_23 = arith.constant 0 : index
    %get3A_24 = vector.load %arg2[%get3A_22, %get3A_23] : memref<400x128xf32, #tpu.memory_space<vmem>>, vector<400x128xf32>
    %get3A_25 = arith.constant 0 : index
    %get3A_26 = arith.constant 0 : index
    %get3A_27 = vector.load %arg6[%get3A_25, %get3A_26] : memref<128x128xf32, #tpu.memory_space<vmem>>, vector<128x128xf32>
    %dot_general3A_28 = arith.constant dense<0.000000e+00> : vector<400x128xf32>
    %dot_general3A_29 = tpu.matmul %get3A_24, %get3A_27, %dot_general3A_28 {dimension_numbers = #tpu.dot_dimension_numbers<[1], [0], [0], [1], [0, 0, 1, 1], [], []>, transpose_lhs_hint = false} : vector<400x128xf32>, vector<128x128xf32>, vector<400x128xf32> -> vector<400x128xf32>
    %get3A_30 = arith.constant 0 : index
    %get3A_31 = arith.constant 0 : index
    %get3A_32 = vector.load %arg7[%get3A_30, %get3A_31] : memref<128x128xf32, #tpu.memory_space<vmem>>, vector<128x128xf32>
    %dot_general3A_33 = arith.constant dense<0.000000e+00> : vector<400x128xf32>
    %dot_general3A_34 = tpu.matmul %add3A_21, %get3A_32, %dot_general3A_33 {dimension_numbers = #tpu.dot_dimension_numbers<[1], [0], [0], [1], [0, 0, 1, 1], [], []>, transpose_lhs_hint = false} : vector<400x128xf32>, vector<128x128xf32>, vector<400x128xf32> -> vector<400x128xf32>
    %add3A_35 = arith.addf %dot_general3A_29, %dot_general3A_34 : vector<400x128xf32>
    %get3A_36 = arith.constant 0 : index
    %get3A_37 = arith.constant 0 : index
    %get3A_38 = vector.load %arg8[%get3A_36, %get3A_37] : memref<1x128xf32, #tpu.memory_space<vmem>>, vector<1x128xf32>
    %add3A_39 = vector.broadcast %get3A_38 : vector<1x128xf32> to vector<400x128xf32>
    %add3A_40 = arith.addf %add3A_35, %add3A_39 : vector<400x128xf32>
    %max3A = arith.constant 0.000000e+00 : f32
    %max3A_41 = vector.broadcast %max3A : f32 to vector<400x128xf32>
    %max3A_42 = arith.maximumf %add3A_40, %max3A_41 : vector<400x128xf32>
    %get3A_43 = arith.constant 0 : index
    %get3A_44 = arith.constant 0 : index
    %get3A_45 = vector.load %arg9[%get3A_43, %get3A_44] : memref<128x128xf32, #tpu.memory_space<vmem>>, vector<128x128xf32>
    %dot_general3A_46 = arith.constant dense<0.000000e+00> : vector<400x128xf32>
    %dot_general3A_47 = tpu.matmul %max3A_42, %get3A_45, %dot_general3A_46 {dimension_numbers = #tpu.dot_dimension_numbers<[1], [0], [0], [1], [0, 0, 1, 1], [], []>, transpose_lhs_hint = false} : vector<400x128xf32>, vector<128x128xf32>, vector<400x128xf32> -> vector<400x128xf32>
    %add3A_48 = arith.addf %get3A_24, %dot_general3A_47 : vector<400x128xf32>
    %get3A_49 = arith.constant 0 : index
    %get3A_50 = arith.constant 0 : index
    %get3A_51 = vector.load %arg10[%get3A_49, %get3A_50] : memref<1x128xf32, #tpu.memory_space<vmem>>, vector<1x128xf32>
    %add3A_52 = vector.broadcast %get3A_51 : vector<1x128xf32> to vector<400x128xf32>
    %add3A_53 = arith.addf %add3A_48, %add3A_52 : vector<400x128xf32>
    %reduce_sum3A = arith.constant dense<0.000000e+00> : vector<400xf32>
    %reduce_sum3A_54 = vector.multi_reduction <add>, %add3A_53, %reduce_sum3A [1] : vector<400x128xf32> to vector<400xf32>
    %broadcast_in_dim3A = vector.shape_cast %reduce_sum3A_54 : vector<400xf32> to vector<400x1xf32>
    %div3A = arith.constant 1.280000e+02 : f32
    %div3A_55 = vector.broadcast %div3A : f32 to vector<400x1xf32>
    %div3A_56 = arith.divf %broadcast_in_dim3A, %div3A_55 : vector<400x1xf32>
    %sub3A = vector.broadcast %div3A_56 : vector<400x1xf32> to vector<400x128xf32>
    %sub3A_57 = arith.subf %add3A_53, %sub3A : vector<400x128xf32>
    %integer_pow3A = arith.mulf %sub3A_57, %sub3A_57 : vector<400x128xf32>
    %reduce_sum3A_58 = arith.constant dense<0.000000e+00> : vector<400xf32>
    %reduce_sum3A_59 = vector.multi_reduction <add>, %integer_pow3A, %reduce_sum3A_58 [1] : vector<400x128xf32> to vector<400xf32>
    %broadcast_in_dim3A_60 = vector.shape_cast %reduce_sum3A_59 : vector<400xf32> to vector<400x1xf32>
    %div3A_61 = arith.constant 1.280000e+02 : f32
    %div3A_62 = vector.broadcast %div3A_61 : f32 to vector<400x1xf32>
    %div3A_63 = arith.divf %broadcast_in_dim3A_60, %div3A_62 : vector<400x1xf32>
    %sub3A_64 = vector.broadcast %div3A_56 : vector<400x1xf32> to vector<400x128xf32>
    %sub3A_65 = arith.subf %add3A_53, %sub3A_64 : vector<400x128xf32>
    %add3A_66 = arith.constant 9.99999974E-6 : f32
    %add3A_67 = vector.broadcast %add3A_66 : f32 to vector<400x1xf32>
    %add3A_68 = arith.addf %div3A_63, %add3A_67 : vector<400x1xf32>
    %rsqrt3A = math.rsqrt %add3A_68 : vector<400x1xf32>
    %mul3A_69 = vector.broadcast %rsqrt3A : vector<400x1xf32> to vector<400x128xf32>
    %mul3A_70 = arith.mulf %sub3A_65, %mul3A_69 : vector<400x128xf32>
    %get3A_71 = arith.constant 0 : index
    %get3A_72 = arith.constant 0 : index
    %get3A_73 = vector.load %arg11[%get3A_71, %get3A_72] : memref<1x128xf32, #tpu.memory_space<vmem>>, vector<1x128xf32>
    %mul3A_74 = vector.broadcast %get3A_73 : vector<1x128xf32> to vector<400x128xf32>
    %mul3A_75 = arith.mulf %mul3A_70, %mul3A_74 : vector<400x128xf32>
    %get3A_76 = arith.constant 0 : index
    %get3A_77 = arith.constant 0 : index
    %get3A_78 = vector.load %arg12[%get3A_76, %get3A_77] : memref<1x128xf32, #tpu.memory_space<vmem>>, vector<1x128xf32>
    %add3A_79 = vector.broadcast %get3A_78 : vector<1x128xf32> to vector<400x128xf32>
    %add3A_80 = arith.addf %mul3A_75, %add3A_79 : vector<400x128xf32>
    %swap3A = arith.constant 0 : index
    %swap3A_81 = arith.constant 0 : index
    %swap3A_82 = vector.load %arg13[%swap3A, %swap3A_81] : memref<400x128xf32, #tpu.memory_space<vmem>>, vector<400x128xf32>
    tpu.vector_store %arg13[%swap3A, %swap3A_81], %add3A_80 {strides = array<i32>} : memref<400x128xf32, #tpu.memory_space<vmem>>, vector<400x128xf32>,
    return
  }
  func.func @transform_0(%arg0: i32) -> (i32, i32, i32) {
    %c0_i32 = arith.constant 0 : i32
    %c0_i32_0 = arith.constant 0 : i32
    %c0_i32_1 = arith.constant 0 : i32
    return %c0_i32, %arg0, %c0_i32_0 : i32, i32, i32
  }
  func.func @transform_1(%arg0: i32) -> (i32, i32) {
    %c0_i32 = arith.constant 0 : i32
    %c0_i32_0 = arith.constant 0 : i32
    return %arg0, %c0_i32 : i32, i32
  }
  func.func @transform_2(%arg0: i32) -> (i32, i32) {
    %c0_i32 = arith.constant 0 : i32
    %c0_i32_0 = arith.constant 0 : i32
    return %arg0, %c0_i32 : i32, i32
  }
  func.func @transform_3(%arg0: i32) -> (i32, i32) {
    %c0_i32 = arith.constant 0 : i32
    %c0_i32_0 = arith.constant 0 : i32
    %c0_i32_1 = arith.constant 0 : i32
    return %c0_i32, %c0_i32_0 : i32, i32
  }
  func.func @transform_4(%arg0: i32) -> (i32, i32) {
    %c0_i32 = arith.constant 0 : i32
    %c0_i32_0 = arith.constant 0 : i32
    %c0_i32_1 = arith.constant 0 : i32
    return %c0_i32, %c0_i32_0 : i32, i32
  }
  func.func @transform_5(%arg0: i32) -> (i32, i32) {
    %c0_i32 = arith.constant 0 : i32
    %c0_i32_0 = arith.constant 0 : i32
    %c0_i32_1 = arith.constant 0 : i32
    return %c0_i32, %c0_i32_0 : i32, i32
  }
  func.func @transform_6(%arg0: i32) -> (i32, i32) {
    %c0_i32 = arith.constant 0 : i32
    %c0_i32_0 = arith.constant 0 : i32
    %c0_i32_1 = arith.constant 0 : i32
    return %c0_i32, %c0_i32_0 : i32, i32
  }
  func.func @transform_7(%arg0: i32) -> (i32, i32) {
    %c0_i32 = arith.constant 0 : i32
    %c0_i32_0 = arith.constant 0 : i32
    %c0_i32_1 = arith.constant 0 : i32
    return %c0_i32, %c0_i32_0 : i32, i32
  }
  func.func @transform_8(%arg0: i32) -> (i32, i32) {
    %c0_i32 = arith.constant 0 : i32
    %c0_i32_0 = arith.constant 0 : i32
    %c0_i32_1 = arith.constant 0 : i32
    return %c0_i32, %c0_i32_0 : i32, i32
  }
  func.func @transform_9(%arg0: i32) -> (i32, i32) {
    %c0_i32 = arith.constant 0 : i32
    %c0_i32_0 = arith.constant 0 : i32
    %c0_i32_1 = arith.constant 0 : i32
    return %c0_i32, %c0_i32_0 : i32, i32
  }
  func.func @transform_10(%arg0: i32) -> (i32, i32) {
    %c0_i32 = arith.constant 0 : i32
    %c0_i32_0 = arith.constant 0 : i32
    %c0_i32_1 = arith.constant 0 : i32
    return %c0_i32, %c0_i32_0 : i32, i32
  }
  func.func @transform_11(%arg0: i32) -> (i32, i32) {
    %c0_i32 = arith.constant 0 : i32
    %c0_i32_0 = arith.constant 0 : i32
    %c0_i32_1 = arith.constant 0 : i32
    return %c0_i32, %c0_i32_0 : i32, i32
  }
  func.func @transform_12(%arg0: i32) -> (i32, i32) {
    %c0_i32 = arith.constant 0 : i32
    %c0_i32_0 = arith.constant 0 : i32
    return %arg0, %c0_i32 : i32, i32
  }
}

</mosaic_0001>

<sc_bundles>
// kernel: kernel.14.cloned.1.call-start
scs
__scs_entry_jumppad:
0x0: {  	(pc) =	sbr.rel $0x88, $3  }
0x1: {  	(tag) =	ssettag $0x0;
	lr =	simm.s32 $0x1  }
0x2: {  	[smem:$0x3F90] =	sst lr;
	_ =	strace $0xD0000000  }
0x3: {  	_ = 	snop  }
0x4: {  	_ = 	snop  }
0x5: {  	_ = 	snop  }
0x6: {  	_ = 	snop  }
0x7: {  	_ = 	snop  }
__scs_overlays_trampoline_lowered:
0x8: {  	[smem:$0x3F9F] =	sst s0  }
0x9: {  	[smem:$0x3FA0] =	sst s1  }
0xa: {  	[smem:$0x3FA1] =	sst s2  }
0xb: {  	[smem:$0x3FA2] =	sst s3  }
0xc: {  	[smem:$0x3FA3] =	sst s4  }
0xd: {  	[smem:$0x3FA4] =	sst s5  }
0xe: {  	[smem:$0x3FA5] =	sst s6  }
0xf: {  	[smem:$0x3FA6] =	sst s7  }
0x10: {  	[smem:$0x3FA7] =	sst s8  }
0x11: {  	[smem:$0x3FA8] =	sst s9;
	s0 =	simm.s32 @!p0 $0x0  }
0x12: {  	s1 =	sld [smem:$0x3F8E];
	s0 =	simm.s32 @p0 $0x1  }
0x13: {  	[smem:$0x3FA9] =	sst s0;
	s0 =	simm.s32 @!p1 $0x0  }
0x14: {  	s2 =	sld [smem:$0x3F8D];
	s0 =	simm.s32 @p1 $0x1  }
0x15: {  	[smem:$0x3FAA] =	sst s0;
	s0 =	simm.s32 @!p2 $0x0  }
0x16: {  	s3 =	sld [smem:$0x3FDB];
	s0 =	simm.s32 @p2 $0x1  }
0x17: {  	s4 =	simm.s32 $0x1BF5;
	[smem:$0x3FAC] =	sst s0  }
0x18: {  	s0 =	sld [smem:$0x3F8F];
	_ =	swait.ge [sflag:s4], $0x0  }
0x19: {  	s7 =	sld [smem:$0x3F90]  }
0x1a: {  	s8 =	sadd.s32 $0xFFFFE003, lr  }
0x1b: {  	s9 =	sadd.s32 $0xFFFFFEF7, lr;
	s5 =	simm.s32 $0xFFFFFFFF;
	p2 =	slt.u32 s8, $0xFFFFF086  }
0x1c: {  	p1 =	slt.u32 s9, $0xF7A;
	s5 =	simm.s32 @!p2 $0x0  }
0x1d: {  	s5 =	simm.s32 @p1 $0x1;
	p0 =	seq.s32 s7, s2  }
0x1e: {  	s7 =	smul.u32 @!p0 $0xF7A, s2;
	p2 =	seq.s32 @!p0 s5, $0x0  }
0x1f: {  	s9 =	smul.u32 $0xF7A, s1;
	s8 =	simm.s32 @!p0 $0x1BF5;
	p2 =	por !p2, p0  }
0x20: {  	[sflag:s8] =	ssyncset.s32 @!p0 $0xFFFFF086;
	s6 =	sadd.s32 @!p0 s3, s7;
	s7 =	simm.s32 @!p0 $0x108  }
0x21: {  	s3 =	sadd.s32 s3, s9;
	s6 =	sadd.s32 @!p0 $0x88, s6;
	s7 =	simm.s32 @p2 $0x1082  }
0x22: {  	[simem:s7], [sflag:s8] =	dma.local @!p0 [hbm:s6], $0xF7A  }
0x23: {  	s9 =	sor.u32 $0xD0000000, s2;
	s6 =	simm.s32 $0x108;
	_ =	swait.ge @!p0 [sflag:s8], $0x0  }
0x24: {  	s3 =	sadd.s32 $0x88, s3;
	s6 =	simm.s32 @!p1 $0x1082;
	[sflag:s4] =	ssyncset.s32 $0xFFFFF086  }
0x25: {  	[simem:s6], [sflag:s4] =	dma.local [hbm:s3], $0xF7A  }
0x26: {  	[smem:$0x3F90] =	sst s1;
	(tag) =	ssettag s2;
	_ =	strace s9  }
0x27: {  	s1 =	sld [smem:$0x3FA0]  }
0x28: {  	s2 =	sld [smem:$0x3FA1]  }
0x29: {  	s4 =	sld [smem:$0x3FA3]  }
0x2a: {  	p0 =	seq.s32 s5, $0x0;
	s5 =	sld [smem:$0x3FA4]  }
0x2b: {  	s6 =	sld [smem:$0x3FA5]  }
0x2c: {  	s7 =	sld [smem:$0x3FA6]  }
0x2d: {  	s3 =	simm.s32 $0x108;
	s8 =	sld [smem:$0x3FA7]  }
0x2e: {  	s3 =	simm.s32 @!p0 $0x1082;
	s9 =	sld [smem:$0x3FA8]  }
0x2f: {  	lr =	sadd.s32 s0, s3;
	s0 =	sld [smem:$0x3F9F]  }
0x30: {  	s3 =	sld [smem:$0x3FA2]  }
0x31: {  	[smem:$0x3FAB] =	sst s10  }
0x32: {  	s10 =	sld [smem:$0x3FA9];
	_ =	sdelay $0x3  }
0x33: {  	p0 =	seq.s32 s10, $0x1;
	s10 =	sld [smem:$0x3FAB];
	_ =	sdelay $0x3  }
0x34: {  	[smem:$0x3FAB] =	sst s10  }
0x35: {  	s10 =	sld [smem:$0x3FAA];
	_ =	sdelay $0x3  }
0x36: {  	p1 =	seq.s32 s10, $0x1;
	s10 =	sld [smem:$0x3FAB];
	_ =	sdelay $0x3  }
0x37: {  	[smem:$0x3FAB] =	sst s10  }
0x38: {  	s10 =	sld [smem:$0x3FAC]  }
0x39: {  	_ = 	snop;
	(pc) =	sbr.ind lr, $3  }
0x3a: {  	_ = 	snop  }
0x3b: {  	_ = 	snop  }
0x3c: {  	p2 =	seq.s32 s10, $0x1;
	s10 =	sld [smem:$0x3FAB]  }
0x3d: {  	_ =	shalt  }
0x3e: {  	_ =	shalt  }
0x3f: {  	_ =	shalt  }
0x40: {  	_ =	shalt  }
0x41: {  	_ =	shalt  }
0x42: {  	_ =	shalt  }
0x43: {  	_ =	shalt  }
0x44: {  	_ =	shalt  }
0x45: {  	_ =	shalt  }
0x46: {  	_ =	shalt  }
0x47: {  	_ =	shalt  }
0x48: {  	_ =	shalt  }
0x49: {  	_ =	shalt  }
0x4a: {  	_ =	shalt  }
0x4b: {  	_ =	shalt  }
0x4c: {  	_ =	shalt  }
0x4d: {  	_ =	shalt  }
0x4e: {  	_ =	shalt  }
0x4f: {  	_ =	shalt  }
0x50: {  	_ =	shalt  }
0x51: {  	_ =	shalt  }
0x52: {  	_ =	shalt  }
0x53: {  	_ =	shalt  }
0x54: {  	_ =	shalt  }
0x55: {  	_ =	shalt  }
0x56: {  	_ =	shalt  }
0x57: {  	_ =	shalt  }
0x58: {  	_ =	shalt  }
0x59: {  	_ =	shalt  }
0x5a: {  	_ =	shalt  }
0x5b: {  	_ =	shalt  }
0x5c: {  	_ =	shalt  }
0x5d: {  	_ =	shalt  }
0x5e: {  	_ =	shalt  }
0x5f: {  	_ =	shalt  }
0x60: {  	_ =	shalt  }
0x61: {  	_ =	shalt  }
0x62: {  	_ =	shalt  }
0x63: {  	_ =	shalt  }
0x64: {  	_ =	shalt  }
0x65: {  	_ =	shalt  }
0x66: {  	_ =	shalt  }
0x67: {  	_ =	shalt  }
0x68: {  	_ =	shalt  }
0x69: {  	_ =	shalt  }
0x6a: {  	_ =	shalt  }
0x6b: {  	_ =	shalt  }
0x6c: {  	_ =	shalt  }
0x6d: {  	_ =	shalt  }
0x6e: {  	_ =	shalt  }
0x6f: {  	_ =	shalt  }
0x70: {  	_ =	shalt  }
0x71: {  	_ =	shalt  }
0x72: {  	_ =	shalt  }
0x73: {  	_ =	shalt  }
0x74: {  	_ =	shalt  }
0x75: {  	_ =	shalt  }
0x76: {  	_ =	shalt  }
0x77: {  	_ =	shalt  }
0x78: {  	_ =	shalt  }
0x79: {  	_ =	shalt  }
0x7a: {  	_ =	shalt  }
0x7b: {  	_ =	shalt  }
0x7c: {  	_ =	shalt  }
0x7d: {  	_ =	shalt  }
0x7e: {  	_ =	shalt  }
0x7f: {  	_ =	shalt  }
0x80: {  	_ =	shalt  }
0x81: {  	_ =	shalt  }
0x82: {  	_ =	shalt  }
0x83: {  	_ =	shalt  }
0x84: {  	_ =	shalt  }
0x85: {  	_ =	shalt  }
0x86: {  	_ =	shalt  }
0x87: {  	_ =	shalt  }
.Lfunc_end0:
.L_simem_size_0:
called_computation_lowered:
.L_overlay_start_0:
0x88: {  	s2 =	sld [smem:$0x3FD9]  }
0x89: {  	s3 =	sld [smem:$0x3FFE];
	_ =	sdelay $0x1  }
0x8a: {  	s1 =	srdreg.scid  }
0x8b: {  	s0 =	sand.u32 $0x1, s1  }
0x8c: {  	s16 =	sshll.u32 s0, $0xA;
	s2 =	sadd.s32 s3, s2  }
0x8d: {  	s2 =	sadd.s32 s2, s16  }
0x8e: {  	[smem:$0x3FB7] =	sst s2  }
0x8f: {  	_ = 	snop  }
0x90: {  	(tm) =	ssettm $0x1  }
0x91: {  	s17 =	sld [smem:$0x3FFB];
	_ =	sdelay $0x3  }
0x92: {  	_ =	strace s17  }
0x93: {  	s2 =	sld [smem:$0x3FFC];
	_ =	sdelay $0x3  }
0x94: {  	_ =	strace s2  }
0x95: {  	s2 =	sld [smem:$0x3FFD];
	_ =	sdelay $0x3  }
0x96: {  	_ =	strace s2  }
0x97: {  	_ =	strace $0x8FFFFFFF  }
0x98: {  	s18 =	sld [smem:$0x3FDB];
	_ =	sdelay $0x1  }
0x99: {  	s19 =	simm.s32 $_scs_section_size  }
0x9a: {  	s4 =	simm.s32 $_size__tile_overlayer_lowered;
	s5 =	simm.s32 $_tile_overlayer_lowered  }
0x9b: {  	s22 =	simm.s32 $0x1BFF;
	s21 =	sshll.u32 s5, $0x1;
	s2 =	sadd.s32 s19, s18  }
0x9c: {  	s6 =	simm.s32 $0x0;
	s20 =	sshll.u32 s4, $0x1;
	s4 =	sadd.s32 s21, s2  }
0x9d: {  	[timem:s6], [sflag:s22] =	dma.local [hbm:s4], s20  }
0x9e: {  	_ =	swait.ge [sflag:s22], s20  }
0x9f: {  	s3 =	ssub.s32 $0x0, s20;
	[sflag:s22] =	ssyncset.done $0x0  }
0xa0: {  	[sflag:s22] =	ssyncadd.s32 s3;
	_ =	sdelay $0x1  }
0xa1: {  	s23 =	simm.s32 $0x1B8B  }
0xa2: {  	_ =	swait.ge [sflag:s23], $0x1  }
0xa3: {  	[sflag:s23] =	ssyncset.done $0x0  }
0xa4: {  	s25 =	simm.s32 $0x1B8E;
	s24 =	sld [smem:$0x3FFE];
	[sflag:s23] =	ssyncadd.s32 $0xFFFFFFFF  }
0xa5: {  	s26 =	simm.s32 $execute0_lowered;
	[smem:$0x3FD2] =	sst s25  }
0xa6: {  	s4 =	sshll.u32 s26, $0x1;
	_ =	strace $0x80000046;
	[dreg:$0x1] =	wrdreg $0xFFFFFFFF  }
0xa7: {  	s28 =	simm.s32 $_size_execute0_lowered;
	s2 =	sadd.s32 s2, s4;
	[dreg:$0x0] =	wrdreg $0x0  }
0xa8: {  	s4 =	sshll.u32 s28, $0x1;
	[dreg:$0x2] =	wrdreg s2  }
0xa9: {  	[dreg:$0x3] =	wrdreg s4  }
0xaa: {  	[dreg:$0x4] =	wrdreg $0xC0  }
0xab: {  	_ =	task [dreg:s6], $0x5FFFF  }
0xac: {  	[dreg:$0x1] =	wrdreg $0xFFFFFFFF  }
0xad: {  	[dreg:$0x0] =	wrdreg $0x60  }
0xae: {  	[dreg:$0x2] =	wrdreg s24  }
0xaf: {  	[dreg:$0x3] =	wrdreg $0x0  }
0xb0: {  	[dreg:$0x4] =	wrdreg $0x9  }
0xb1: {  	_ =	task.clear_ibuf [dreg:s6], $0x5FFFF;
	_ =	strace $0x90000046  }
0xb2: {  	s29 =	simm.s32 $0x9;
	_ =	strace $0x80000048  }
0xb3: {  	_ =	swait.ge [sflag:s29], $0x1  }
0xb4: {  	[sflag:s29] =	ssyncadd.s32 $0xFFFFFFFF  }
0xb5: {  	_ =	strace $0x90000048  }
0xb6: {  	_ =	sfence  }
0xb7: {  	s30 =	sld [smem:$0x0];
	_ =	sdelay $0x2  }
0xb8: {  	s31 =	sshll.u32 s1, $0xD;
	s1 =	sshrl.u32 s1, $0x2  }
0xb9: {  	s3 =	sand.u32 $0x4000, s31;
	s1 =	sadd.s32 s1, s30  }
0xba: {  	s0 =	sor.u32 s3, s0;
	s1 =	sshll.u32 s1, $0x11  }
0xbb: {  	s0 =	sor.u32 s1, s0  }
0xbc: {  	s0 =	sadd.s32 $0x8F2B, s0  }
0xbd: {  	[sflag:s0] =	ssyncadd.remote.s32 $0x1  }
0xbe: {  	_ =	sfence.sel $0xFFFF  }
0xbf: {  	[dreg:$0x0] =	wrdreg $0xFFFFFFFF;
	(pc) =	sbr.abs _section_cstart, $3  }
0xc0: {  	[dreg:$0x1] =	wrdreg $0xFFFFFFFF  }
0xc1: {  	_ =	task.clear_ibuf [dreg:s6], $0x2FFFF;
	_ =	strace $0x9FFFFFFF  }
0xc2: {  	(tm) =	ssettm $0x7FFFFFFF  }
0xc3: {  	_ =	shalt  }
tec
execute0_lowered:
.L_overlay_start_1:
0x0: {  	(tag) =	ssettag $0x1  }
0x1: {  	s0 =	srdreg.scid;
	s7 =	stileid.u32  }
0x2: {  	s1 =	rddreg [dreg:$0x0];
	s5 =	smul.u32 $0x2710, s7  }
0x3: {  	s2 =	rddreg [dreg:$0x1];
	s3 =	simm.s32 $0x0;
	s18 =	smul.u32 $0x14000, s7  }
0x4: {  	s28 =	simm.s32 $0x16880;
	s0 =	sand.u32 $0x1, s0;
	s7 =	smul.u32 $0x50000, s7  }
0x5: {  	s29 =	simm.s32 $0x2;
	s30 =	simm.s32 $0x14000;
	s4 =	smul.u32 $0x27100, s0  }
0x6: {  	s31 =	simm.s32 $0x50;
	[smem:$0x7FF] =	sst s3;
	s6 =	smul.u32 $0x140000, s0  }
0x7: {  	_ =	strace $0x80000047;
	s0 =	ssub.s32 $0x2, s0;
	s4 =	sadd.s32 s5, s4  }
0x8: {  	s20 =	sshrl.u32 s7, $0x2;
	s19 =	sadd.s32 s18, s6;
	s4 =	sshrl.u32 s4, $0x3  }
0x9: {  	s21 =	sshrl.u32 s0, $0x1;
	s25 =	sadd.s32 s4, s1;
	s4 =	sshrl.u32 s19, $0x3  }
0xa: {  	s0 =	ssub.s32 s0, s21;
	s1 =	sadd.s32 s4, s1;
	s4 =	sadd.s32 s20, s2  }
0xb: {  	s25 =	sadd.s32 $0xA800, s25;
	s5 =	sadd.s32 $0x1000, s4;
	s22 =	sadd.s32 $0x2000, s4  }
0xc: {  	s23 =	sadd.s32 $0x3000, s4;
	s24 =	sadd.s32 $0x4000, s4;
	s26 =	sadd.s32 $0x5000, s4  }
0xd: {  	s10 =	sadd.s32 $0x6000, s4;
	s11 =	sadd.s32 $0x7000, s4;
	s12 =	sadd.s32 $0x8000, s4  }
0xe: {  	s13 =	sadd.s32 $0x9000, s4;
	s14 =	sadd.s32 $0xA000, s4;
	[dreg:$0x3] =	wrdreg s5  }
0xf: {  	s15 =	sadd.s32 $0xB000, s4;
	s16 =	sadd.s32 $0xC000, s4;
	[dreg:$0x4] =	wrdreg s22  }
0x10: {  	s17 =	sadd.s32 $0xD000, s4;
	s18 =	sadd.s32 $0xE000, s4;
	[dreg:$0x5] =	wrdreg s23  }
0x11: {  	s19 =	sadd.s32 $0xF000, s4;
	s20 =	sadd.s32 $0x10000, s4;
	[dreg:$0x6] =	wrdreg s24  }
0x12: {  	s21 =	sadd.s32 $0x11000, s4;
	[dreg:$0x7] =	wrdreg s26;
	s22 =	sadd.s32 $0x12000, s4  }
0x13: {  	s23 =	sadd.s32 $0x1E400, s1;
	s24 =	smax.u32 s0, $0x1;
	s26 =	sadd.s32 $0x13000, s4  }
0x14: {  	v0 =	vimm.f32 $0.0e+00;
	v1 =	vimm.f32 $1.000000000e+00;
	s1 =	simm.s32 $0x14080;
	s0 =	simm.s32 $0x1;
	s5 =	simm.s32 $0x0  }
.LBB2_1:
0x15: {  	s6 =	simm.s32 $0x0;
	s7 =	simm.s32 $0x200  }
.LBB2_2:
0x16: {  	p0 =	sne.s32 s7, $0x3E00;
	[tilespmem:s6+$0x168F0] =	vst v0  }
0x17: {  	[tilespmem:s6+$0x16880] =	vst v0  }
0x18: {  	[tilespmem:s6+$0x16890] =	vst v0  }
.Ltmp0:
0x19: {  	[tilespmem:s6+$0x168A0] =	vst v0;
	(pc) =	sbr.rel @p0 .LBB2_2-.Ltmp0, $4  }
0x1a: {  	[tilespmem:s6+$0x168B0] =	vst v0  }
0x1b: {  	[tilespmem:s6+$0x168C0] =	vst v0  }
0x1c: {  	[tilespmem:s6+$0x168D0] =	vst v0  }
0x1d: {  	[tilespmem:s6+$0x168E0] =	vst v0;
	s6 =	sshra.s32 s7, $0x2;
	s7 =	sadd.s32 $0x200, s7  }
0x1e: {  	[tilespmem:s6+$0x168F0] =	vst v0  }
0x1f: {  	[tilespmem:s6+$0x16880] =	vst v0  }
0x20: {  	[tilespmem:s6+$0x16890] =	vst v0  }
0x21: {  	[tilespmem:s6+$0x168A0] =	vst v0  }
0x22: {  	[tilespmem:s6+$0x168B0] =	vst v0  }
0x23: {  	[tilespmem:s6+$0x168C0] =	vst v0  }
0x24: {  	[tilespmem:s6+$0x168D0] =	vst v0  }
0x25: {  	[tilespmem:s6+$0x168E0] =	vst v0  }
0x26: {  	[spmem:s4] =	stream.linear.scatter [tilespmem:s28], [sflag:$0x2], $0x1000, $0x38;
	[tilespmem:$0x17880] =	vst v63  }
0x27: {  	_ =	swait.ge [sflag:s29], $0x1000  }
0x28: {  	[sflag:s29] =	ssyncset.done $0x0  }
0x29: {  	s8 =	rddreg [dreg:$0x3];
	[sflag:s29] =	ssyncadd.s32 $0xFFFFF000  }
0x2a: {  	[spmem:s8] =	stream.linear.scatter [tilespmem:s28], [sflag:$0x2], $0x1000, $0x38;
	[tilespmem:$0x17880] =	vst v63  }
0x2b: {  	_ =	swait.ge [sflag:s29], $0x1000  }
0x2c: {  	[sflag:s29] =	ssyncset.done $0x0  }
0x2d: {  	s9 =	rddreg [dreg:$0x4];
	[sflag:s29] =	ssyncadd.s32 $0xFFFFF000  }
0x2e: {  	[spmem:s9] =	stream.linear.scatter [tilespmem:s28], [sflag:$0x2], $0x1000, $0x38;
	[tilespmem:$0x17880] =	vst v63  }
0x2f: {  	_ =	swait.ge [sflag:s29], $0x1000  }
0x30: {  	[sflag:s29] =	ssyncset.done $0x0  }
0x31: {  	s7 =	rddreg [dreg:$0x5];
	[sflag:s29] =	ssyncadd.s32 $0xFFFFF000  }
0x32: {  	[spmem:s7] =	stream.linear.scatter [tilespmem:s28], [sflag:$0x2], $0x1000, $0x38;
	[tilespmem:$0x17880] =	vst v63  }
0x33: {  	_ =	swait.ge [sflag:s29], $0x1000  }
0x34: {  	[sflag:s29] =	ssyncset.done $0x0  }
0x35: {  	s8 =	rddreg [dreg:$0x6];
	[sflag:s29] =	ssyncadd.s32 $0xFFFFF000  }
0x36: {  	[spmem:s8] =	stream.linear.scatter [tilespmem:s28], [sflag:$0x2], $0x1000, $0x38;
	[tilespmem:$0x17880] =	vst v63  }
0x37: {  	_ =	swait.ge [sflag:s29], $0x1000  }
0x38: {  	[sflag:s29] =	ssyncset.done $0x0  }
0x39: {  	s9 =	rddreg [dreg:$0x7];
	[sflag:s29] =	ssyncadd.s32 $0xFFFFF000  }
0x3a: {  	[spmem:s9] =	stream.linear.scatter [tilespmem:s28], [sflag:$0x2], $0x1000, $0x38;
	[tilespmem:$0x17880] =	vst v63  }
0x3b: {  	_ =	swait.ge [sflag:s29], $0x1000  }
0x3c: {  	[sflag:s29] =	ssyncset.done $0x0  }
0x3d: {  	[sflag:s29] =	ssyncadd.s32 $0xFFFFF000  }
0x3e: {  	[spmem:s10] =	stream.linear.scatter [tilespmem:s28], [sflag:$0x2], $0x1000, $0x38;
	[tilespmem:$0x17880] =	vst v63  }
0x3f: {  	_ =	swait.ge [sflag:s29], $0x1000  }
0x40: {  	[sflag:s29] =	ssyncset.done $0x0  }
0x41: {  	[sflag:s29] =	ssyncadd.s32 $0xFFFFF000  }
0x42: {  	[spmem:s11] =	stream.linear.scatter [tilespmem:s28], [sflag:$0x2], $0x1000, $0x38;
	[tilespmem:$0x17880] =	vst v63  }
0x43: {  	_ =	swait.ge [sflag:s29], $0x1000  }
0x44: {  	[sflag:s29] =	ssyncset.done $0x0  }
0x45: {  	[sflag:s29] =	ssyncadd.s32 $0xFFFFF000  }
0x46: {  	[spmem:s12] =	stream.linear.scatter [tilespmem:s28], [sflag:$0x2], $0x1000, $0x38;
	[tilespmem:$0x17880] =	vst v63  }
0x47: {  	_ =	swait.ge [sflag:s29], $0x1000  }
0x48: {  	[sflag:s29] =	ssyncset.done $0x0  }
0x49: {  	[sflag:s29] =	ssyncadd.s32 $0xFFFFF000  }
0x4a: {  	[spmem:s13] =	stream.linear.scatter [tilespmem:s28], [sflag:$0x2], $0x1000, $0x38;
	[tilespmem:$0x17880] =	vst v63  }
0x4b: {  	_ =	swait.ge [sflag:s29], $0x1000  }
0x4c: {  	[sflag:s29] =	ssyncset.done $0x0  }
0x4d: {  	[sflag:s29] =	ssyncadd.s32 $0xFFFFF000  }
0x4e: {  	[spmem:s14] =	stream.linear.scatter [tilespmem:s28], [sflag:$0x2], $0x1000, $0x38;
	[tilespmem:$0x17880] =	vst v63  }
0x4f: {  	_ =	swait.ge [sflag:s29], $0x1000  }
0x50: {  	[sflag:s29] =	ssyncset.done $0x0  }
0x51: {  	[sflag:s29] =	ssyncadd.s32 $0xFFFFF000  }
0x52: {  	[spmem:s15] =	stream.linear.scatter [tilespmem:s28], [sflag:$0x2], $0x1000, $0x38;
	[tilespmem:$0x17880] =	vst v63  }
0x53: {  	_ =	swait.ge [sflag:s29], $0x1000  }
0x54: {  	[sflag:s29] =	ssyncset.done $0x0  }
0x55: {  	[sflag:s29] =	ssyncadd.s32 $0xFFFFF000  }
0x56: {  	[spmem:s16] =	stream.linear.scatter [tilespmem:s28], [sflag:$0x2], $0x1000, $0x38;
	[tilespmem:$0x17880] =	vst v63  }
0x57: {  	_ =	swait.ge [sflag:s29], $0x1000  }
0x58: {  	[sflag:s29] =	ssyncset.done $0x0  }
0x59: {  	[sflag:s29] =	ssyncadd.s32 $0xFFFFF000  }
0x5a: {  	[spmem:s17] =	stream.linear.scatter [tilespmem:s28], [sflag:$0x2], $0x1000, $0x38;
	[tilespmem:$0x17880] =	vst v63  }
0x5b: {  	_ =	swait.ge [sflag:s29], $0x1000  }
0x5c: {  	[sflag:s29] =	ssyncset.done $0x0  }
0x5d: {  	[sflag:s29] =	ssyncadd.s32 $0xFFFFF000  }
0x5e: {  	[spmem:s18] =	stream.linear.scatter [tilespmem:s28], [sflag:$0x2], $0x1000, $0x38;
	[tilespmem:$0x17880] =	vst v63  }
0x5f: {  	_ =	swait.ge [sflag:s29], $0x1000  }
0x60: {  	[sflag:s29] =	ssyncset.done $0x0  }
0x61: {  	[sflag:s29] =	ssyncadd.s32 $0xFFFFF000  }
0x62: {  	[spmem:s19] =	stream.linear.scatter [tilespmem:s28], [sflag:$0x2], $0x1000, $0x38;
	[tilespmem:$0x17880] =	vst v63  }
0x63: {  	_ =	swait.ge [sflag:s29], $0x1000  }
0x64: {  	[sflag:s29] =	ssyncset.done $0x0  }
0x65: {  	[sflag:s29] =	ssyncadd.s32 $0xFFFFF000  }
0x66: {  	[spmem:s20] =	stream.linear.scatter [tilespmem:s28], [sflag:$0x2], $0x1000, $0x38;
	[tilespmem:$0x17880] =	vst v63  }
0x67: {  	_ =	swait.ge [sflag:s29], $0x1000  }
0x68: {  	[sflag:s29] =	ssyncset.done $0x0  }
0x69: {  	[sflag:s29] =	ssyncadd.s32 $0xFFFFF000  }
0x6a: {  	[spmem:s21] =	stream.linear.scatter [tilespmem:s28], [sflag:$0x2], $0x1000, $0x38;
	[tilespmem:$0x17880] =	vst v63  }
0x6b: {  	_ =	swait.ge [sflag:s29], $0x1000  }
0x6c: {  	[sflag:s29] =	ssyncset.done $0x0  }
0x6d: {  	[sflag:s29] =	ssyncadd.s32 $0xFFFFF000  }
0x6e: {  	[spmem:s22] =	stream.linear.scatter [tilespmem:s28], [sflag:$0x2], $0x1000, $0x38;
	[tilespmem:$0x17880] =	vst v63  }
0x6f: {  	_ =	swait.ge [sflag:s29], $0x1000  }
0x70: {  	[sflag:s29] =	ssyncset.done $0x0  }
0x71: {  	[sflag:s29] =	ssyncadd.s32 $0xFFFFF000  }
0x72: {  	[spmem:s26] =	stream.linear.scatter [tilespmem:s28], [sflag:$0x2], $0x1000, $0x38;
	[tilespmem:$0x17880] =	vst v63  }
0x73: {  	_ =	swait.ge [sflag:s29], $0x1000  }
0x74: {  	[sflag:s29] =	ssyncset.done $0x0  }
0x75: {  	s6 =	simm.s32 $0x0;
	s7 =	simm.s32 $0x200;
	[sflag:s29] =	ssyncadd.s32 $0xFFFFF000  }
.LBB2_4:
0x76: {  	p0 =	sne.s32 s7, $0x9E00;
	[tilespmem:s6+$0x140F0] =	vst v1  }
0x77: {  	[tilespmem:s6+$0x14080] =	vst v1  }
0x78: {  	[tilespmem:s6+$0x14090] =	vst v1  }
.Ltmp1:
0x79: {  	[tilespmem:s6+$0x140A0] =	vst v1;
	(pc) =	sbr.rel @p0 .LBB2_4-.Ltmp1, $4  }
0x7a: {  	[tilespmem:s6+$0x140B0] =	vst v1  }
0x7b: {  	[tilespmem:s6+$0x140C0] =	vst v1  }
0x7c: {  	[tilespmem:s6+$0x140D0] =	vst v1  }
0x7d: {  	[tilespmem:s6+$0x140E0] =	vst v1;
	s6 =	sshra.s32 s7, $0x2;
	s7 =	sadd.s32 $0x200, s7  }
0x7e: {  	[tilespmem:s6+$0x140F0] =	vst v1  }
0x7f: {  	[tilespmem:s6+$0x14080] =	vst v1  }
0x80: {  	[tilespmem:s6+$0x14090] =	vst v1  }
0x81: {  	[tilespmem:s6+$0x140A0] =	vst v1  }
0x82: {  	[tilespmem:s6+$0x140B0] =	vst v1  }
0x83: {  	[tilespmem:s6+$0x140C0] =	vst v1  }
0x84: {  	[tilespmem:s6+$0x140D0] =	vst v1  }
0x85: {  	[tilespmem:s6+$0x140E0] =	vst v1  }
0x86: {  	s9 =	sadd.s32 $0x0, s25;
	[bflag:$0x0] =	sbarrier.arrive $0xFFFF  }
0x87: {  	[tilespmem:s30], [sflag:$0x2] =	stream.linear.gather [hbm4b:s9+s3], $0x50, $0x38;
	[tilespmem:$0x17880] =	vst v63  }
0x88: {  	_ =	swait.ge [sflag:s29], $0x50  }
0x89: {  	[sflag:s29] =	ssyncset.done $0x0  }
0x8a: {  	[sflag:s29] =	ssyncadd.s32 $0xFFFFFFB0  }
0x8b: {  	[spmem:s2] =	stream.indirect.scatter.add.f32 [tilespmem:s1], [sflag:$0x1], $0x80, s30, s31, $0xb8;
	[tilespmem:$0x17880] =	vst v63  }
0x8c: {  	_ =	swait.ge [sflag:s0], $0x2800  }
0x8d: {  	s6 =	simm.s32 $0xA;
	s7 =	simm.s32 $0x14;
	[sflag:s0] =	ssyncset.done $0x0  }
.LBB2_6:
0x8e: {  	s8 =	sadd.s32 s6, s25  }
0x8f: {  	[sflag:s0] =	ssyncadd.s32 $0xFFFFD800;
	s6 =	smov.u32 s7;
	s9 =	sadd.s32 $0xA, s7  }
0x90: {  	[tilespmem:s30], [sflag:$0x2] =	stream.linear.gather [hbm4b:s8+s3], $0x50, $0x38;
	[tilespmem:$0x17880] =	vst v63  }
0x91: {  	p0 =	sne.s32 s7, $0x4D8;
	_ =	swait.ge [sflag:s29], $0x50  }
.Ltmp2:
0x92: {  	[sflag:s29] =	ssyncset.done $0x0;
	(pc) =	sbr.rel @p0 .LBB2_6-.Ltmp2, $4  }
0x93: {  	[sflag:s29] =	ssyncadd.s32 $0xFFFFFFB0  }
0x94: {  	[spmem:s2] =	stream.indirect.scatter.add.f32 [tilespmem:s1], [sflag:$0x1], $0x80, s30, s31, $0xb8;
	[tilespmem:$0x17880] =	vst v63  }
0x95: {  	_ =	swait.ge [sflag:s0], $0x2800  }
0x96: {  	s7 =	smov.u32 s9;
	[sflag:s0] =	ssyncset.done $0x0  }
0x97: {  	s6 =	sadd.s32 s6, s25;
	[sflag:s0] =	ssyncadd.s32 $0xFFFFD800  }
0x98: {  	[tilespmem:s30], [sflag:$0x2] =	stream.linear.gather [hbm4b:s6+s3], $0x50, $0x38;
	[tilespmem:$0x17880] =	vst v63  }
0x99: {  	_ =	swait.ge [sflag:s29], $0x50  }
0x9a: {  	[sflag:s29] =	ssyncset.done $0x0  }
0x9b: {  	[sflag:s29] =	ssyncadd.s32 $0xFFFFFFB0  }
0x9c: {  	[spmem:s2] =	stream.indirect.scatter.add.f32 [tilespmem:s1], [sflag:$0x1], $0x80, s30, s31, $0xb8;
	[tilespmem:$0x17880] =	vst v63  }
0x9d: {  	s9 =	stileid.u32;
	_ =	swait.ge [sflag:s0], $0x2800  }
0x9e: {  	s7 =	sshrl.u32 s4, $0x3;
	s5 =	sadd.s32 $0x1, s5;
	[sflag:s0] =	ssyncset.done $0x0  }
0x9f: {  	s6 =	sshll.u32 s9, $0x6;
	p0 =	sne.s32 s5, s24;
	[sflag:s0] =	ssyncadd.s32 $0xFFFFD800  }
.Ltmp3:
0xa0: {  	s6 =	sor.u32 $0x1C02, s6;
	[bflag:$0x0] =	sbarrier.arrive $0xFFFF;
	(pc) =	sbr.rel @p0 .LBB2_1-.Ltmp3, $4  }
0xa1: {  	[hbm:s23], [sflag:s6] =	dma.local [spmem:s7], $0x2800  }
0xa2: {  	_ =	swait.ge [sflag:s29], $0x2800  }
0xa3: {  	[sflag:s29] =	ssyncset.done $0x0  }
0xa4: {  	[sflag:s29] =	ssyncadd.s32 $0xFFFFD800  }
0xa5: {  	_ =	sfence.sel $0x180000  }
0xa6: {  	[bflag:$0x0] =	sbarrier.arrive $0xFFFF  }
0xa7: {  	_ =	strace $0x90000047  }
0xa8: {  	s0 =	stileid.u32;
	[bflag:$0x2] =	sbarrier.arrive $0xFFFF  }
0xa9: {  	p0 =	sne.s32 s0, $0x0;
	s0 =	rddreg [dreg:$0x2]  }
0xaa: {  	s0 =	sadd.s32 @!p0 $0x100000, s0  }
0xab: {  	[sflag:s0] =	ssyncadd.tile.s32 @!p0 $0x1;
	_ =	shalt  }
.Lfunc_end2:
_tile_overlayer_lowered:
.L_overlay_start_2:
0xac: {  	(tag) =	ssettag $0x2  }
0xad: {  	s0 =	rddreg [dreg:$0x0];
	s2 =	stileid.u32  }
0xae: {  	s1 =	rddreg [dreg:$0x1];
	p0 =	sne.s32 s2, $0x0  }
0xaf: {  	s3 =	rddreg [dreg:$0x2];
	[bflag:$0x3] =	sbarrier.arrive $0xFFFF;
	s2 =	simm.s32 @!p0 $0x1C02  }
0xb0: {  	[timem:s3], [sflag:s2] =	dma.local @!p0 [hbm:s0], s1  }
0xb1: {  	s0 =	simm.s32 @!p0 $0x2  }
0xb2: {  	_ =	swait.ge @!p0 [sflag:s0], s1  }
0xb3: {  	s1 =	ssub.s32 @!p0 $0x0, s1;
	[sflag:s0] =	ssyncset.done @!p0 $0x0  }
0xb4: {  	[sflag:s0] =	ssyncadd.s32 @!p0 s1  }
0xb5: {  	[bflag:$0x3] =	sbarrier.arrive $0xFFFF  }
0xb6: {  	_ =	shalt  }

// kernel: kernel.17.cloned.1.call-start
scs
__scs_entry_jumppad:
0x0: {  	(pc) =	sbr.rel $0x88, $3  }
0x1: {  	(tag) =	ssettag $0x0;
	lr =	simm.s32 $0x1  }
0x2: {  	[smem:$0x3F90] =	sst lr;
	_ =	strace $0xD0000000  }
0x3: {  	_ = 	snop  }
0x4: {  	_ = 	snop  }
0x5: {  	_ = 	snop  }
0x6: {  	_ = 	snop  }
0x7: {  	_ = 	snop  }
__scs_overlays_trampoline_lowered:
0x8: {  	[smem:$0x3F9F] =	sst s0  }
0x9: {  	[smem:$0x3FA0] =	sst s1  }
0xa: {  	[smem:$0x3FA1] =	sst s2  }
0xb: {  	[smem:$0x3FA2] =	sst s3  }
0xc: {  	[smem:$0x3FA3] =	sst s4  }
0xd: {  	[smem:$0x3FA4] =	sst s5  }
0xe: {  	[smem:$0x3FA5] =	sst s6  }
0xf: {  	[smem:$0x3FA6] =	sst s7  }
0x10: {  	[smem:$0x3FA7] =	sst s8  }
0x11: {  	[smem:$0x3FA8] =	sst s9;
	s0 =	simm.s32 @!p0 $0x0  }
0x12: {  	s1 =	sld [smem:$0x3F8E];
	s0 =	simm.s32 @p0 $0x1  }
0x13: {  	[smem:$0x3FA9] =	sst s0;
	s0 =	simm.s32 @!p1 $0x0  }
0x14: {  	s2 =	sld [smem:$0x3F8D];
	s0 =	simm.s32 @p1 $0x1  }
0x15: {  	[smem:$0x3FAA] =	sst s0;
	s0 =	simm.s32 @!p2 $0x0  }
0x16: {  	s3 =	sld [smem:$0x3FDB];
	s0 =	simm.s32 @p2 $0x1  }
0x17: {  	s4 =	simm.s32 $0x1BF5;
	[smem:$0x3FAC] =	sst s0  }
0x18: {  	s0 =	sld [smem:$0x3F8F];
	_ =	swait.ge [sflag:s4], $0x0  }
0x19: {  	s7 =	sld [smem:$0x3F90]  }
0x1a: {  	s8 =	sadd.s32 $0xFFFFE003, lr  }
0x1b: {  	s9 =	sadd.s32 $0xFFFFFEF7, lr;
	s5 =	simm.s32 $0xFFFFFFFF;
	p2 =	slt.u32 s8, $0xFFFFF086  }
0x1c: {  	p1 =	slt.u32 s9, $0xF7A;
	s5 =	simm.s32 @!p2 $0x0  }
0x1d: {  	s5 =	simm.s32 @p1 $0x1;
	p0 =	seq.s32 s7, s2  }
0x1e: {  	s7 =	smul.u32 @!p0 $0xF7A, s2;
	p2 =	seq.s32 @!p0 s5, $0x0  }
0x1f: {  	s9 =	smul.u32 $0xF7A, s1;
	s8 =	simm.s32 @!p0 $0x1BF5;
	p2 =	por !p2, p0  }
0x20: {  	[sflag:s8] =	ssyncset.s32 @!p0 $0xFFFFF086;
	s6 =	sadd.s32 @!p0 s3, s7;
	s7 =	simm.s32 @!p0 $0x108  }
0x21: {  	s3 =	sadd.s32 s3, s9;
	s6 =	sadd.s32 @!p0 $0x88, s6;
	s7 =	simm.s32 @p2 $0x1082  }
0x22: {  	[simem:s7], [sflag:s8] =	dma.local @!p0 [hbm:s6], $0xF7A  }
0x23: {  	s9 =	sor.u32 $0xD0000000, s2;
	s6 =	simm.s32 $0x108;
	_ =	swait.ge @!p0 [sflag:s8], $0x0  }
0x24: {  	s3 =	sadd.s32 $0x88, s3;
	s6 =	simm.s32 @!p1 $0x1082;
	[sflag:s4] =	ssyncset.s32 $0xFFFFF086  }
0x25: {  	[simem:s6], [sflag:s4] =	dma.local [hbm:s3], $0xF7A  }
0x26: {  	[smem:$0x3F90] =	sst s1;
	(tag) =	ssettag s2;
	_ =	strace s9  }
0x27: {  	s1 =	sld [smem:$0x3FA0]  }
0x28: {  	s2 =	sld [smem:$0x3FA1]  }
0x29: {  	s4 =	sld [smem:$0x3FA3]  }
0x2a: {  	p0 =	seq.s32 s5, $0x0;
	s5 =	sld [smem:$0x3FA4]  }
0x2b: {  	s6 =	sld [smem:$0x3FA5]  }
0x2c: {  	s7 =	sld [smem:$0x3FA6]  }
0x2d: {  	s3 =	simm.s32 $0x108;
	s8 =	sld [smem:$0x3FA7]  }
0x2e: {  	s3 =	simm.s32 @!p0 $0x1082;
	s9 =	sld [smem:$0x3FA8]  }
0x2f: {  	lr =	sadd.s32 s0, s3;
	s0 =	sld [smem:$0x3F9F]  }
0x30: {  	s3 =	sld [smem:$0x3FA2]  }
0x31: {  	[smem:$0x3FAB] =	sst s10  }
0x32: {  	s10 =	sld [smem:$0x3FA9];
	_ =	sdelay $0x3  }
0x33: {  	p0 =	seq.s32 s10, $0x1;
	s10 =	sld [smem:$0x3FAB];
	_ =	sdelay $0x3  }
0x34: {  	[smem:$0x3FAB] =	sst s10  }
0x35: {  	s10 =	sld [smem:$0x3FAA];
	_ =	sdelay $0x3  }
0x36: {  	p1 =	seq.s32 s10, $0x1;
	s10 =	sld [smem:$0x3FAB];
	_ =	sdelay $0x3  }
0x37: {  	[smem:$0x3FAB] =	sst s10  }
0x38: {  	s10 =	sld [smem:$0x3FAC]  }
0x39: {  	_ = 	snop;
	(pc) =	sbr.ind lr, $3  }
0x3a: {  	_ = 	snop  }
0x3b: {  	_ = 	snop  }
0x3c: {  	p2 =	seq.s32 s10, $0x1;
	s10 =	sld [smem:$0x3FAB]  }
0x3d: {  	_ =	shalt  }
0x3e: {  	_ =	shalt  }
0x3f: {  	_ =	shalt  }
0x40: {  	_ =	shalt  }
0x41: {  	_ =	shalt  }
0x42: {  	_ =	shalt  }
0x43: {  	_ =	shalt  }
0x44: {  	_ =	shalt  }
0x45: {  	_ =	shalt  }
0x46: {  	_ =	shalt  }
0x47: {  	_ =	shalt  }
0x48: {  	_ =	shalt  }
0x49: {  	_ =	shalt  }
0x4a: {  	_ =	shalt  }
0x4b: {  	_ =	shalt  }
0x4c: {  	_ =	shalt  }
0x4d: {  	_ =	shalt  }
0x4e: {  	_ =	shalt  }
0x4f: {  	_ =	shalt  }
0x50: {  	_ =	shalt  }
0x51: {  	_ =	shalt  }
0x52: {  	_ =	shalt  }
0x53: {  	_ =	shalt  }
0x54: {  	_ =	shalt  }
0x55: {  	_ =	shalt  }
0x56: {  	_ =	shalt  }
0x57: {  	_ =	shalt  }
0x58: {  	_ =	shalt  }
0x59: {  	_ =	shalt  }
0x5a: {  	_ =	shalt  }
0x5b: {  	_ =	shalt  }
0x5c: {  	_ =	shalt  }
0x5d: {  	_ =	shalt  }
0x5e: {  	_ =	shalt  }
0x5f: {  	_ =	shalt  }
0x60: {  	_ =	shalt  }
0x61: {  	_ =	shalt  }
0x62: {  	_ =	shalt  }
0x63: {  	_ =	shalt  }
0x64: {  	_ =	shalt  }
0x65: {  	_ =	shalt  }
0x66: {  	_ =	shalt  }
0x67: {  	_ =	shalt  }
0x68: {  	_ =	shalt  }
0x69: {  	_ =	shalt  }
0x6a: {  	_ =	shalt  }
0x6b: {  	_ =	shalt  }
0x6c: {  	_ =	shalt  }
0x6d: {  	_ =	shalt  }
0x6e: {  	_ =	shalt  }
0x6f: {  	_ =	shalt  }
0x70: {  	_ =	shalt  }
0x71: {  	_ =	shalt  }
0x72: {  	_ =	shalt  }
0x73: {  	_ =	shalt  }
0x74: {  	_ =	shalt  }
0x75: {  	_ =	shalt  }
0x76: {  	_ =	shalt  }
0x77: {  	_ =	shalt  }
0x78: {  	_ =	shalt  }
0x79: {  	_ =	shalt  }
0x7a: {  	_ =	shalt  }
0x7b: {  	_ =	shalt  }
0x7c: {  	_ =	shalt  }
0x7d: {  	_ =	shalt  }
0x7e: {  	_ =	shalt  }
0x7f: {  	_ =	shalt  }
0x80: {  	_ =	shalt  }
0x81: {  	_ =	shalt  }
0x82: {  	_ =	shalt  }
0x83: {  	_ =	shalt  }
0x84: {  	_ =	shalt  }
0x85: {  	_ =	shalt  }
0x86: {  	_ =	shalt  }
0x87: {  	_ =	shalt  }
.Lfunc_end0:
.L_simem_size_0:
called_computation.1_lowered:
.L_overlay_start_0:
0x88: {  	s2 =	sld [smem:$0x3FD9]  }
0x89: {  	s3 =	sld [smem:$0x3FFE];
	_ =	sdelay $0x1  }
0x8a: {  	s1 =	srdreg.scid  }
0x8b: {  	s0 =	sand.u32 $0x1, s1  }
0x8c: {  	s17 =	sshll.u32 s0, $0xA;
	s2 =	sadd.s32 s3, s2  }
0x8d: {  	s2 =	sadd.s32 s2, s17  }
0x8e: {  	[smem:$0x3FB7] =	sst s2  }
0x8f: {  	_ = 	snop  }
0x90: {  	s18 =	sld [smem:$0x3FD0];
	(tm) =	ssettm $0x1  }
0x91: {  	s19 =	sld [smem:$0x3FFB];
	_ =	sdelay $0x3  }
0x92: {  	_ =	strace s19  }
0x93: {  	s2 =	sld [smem:$0x3FFC];
	_ =	sdelay $0x3  }
0x94: {  	_ =	strace s2  }
0x95: {  	s2 =	sld [smem:$0x3FFD];
	_ =	sdelay $0x3  }
0x96: {  	_ =	strace s2  }
0x97: {  	_ =	strace $0x8FFFFFFF  }
0x98: {  	s20 =	sld [smem:$0x3FDB];
	_ =	sdelay $0x1  }
0x99: {  	s4 =	simm.s32 $_scs_section_size  }
0x9a: {  	s5 =	simm.s32 $_size__tile_overlayer_lowered;
	s6 =	simm.s32 $_tile_overlayer_lowered  }
0x9b: {  	s7 =	simm.s32 $0x1BFF;
	s21 =	sshll.u32 s6, $0x1;
	s4 =	sadd.s32 s4, s20  }
0x9c: {  	s22 =	simm.s32 $0x0;
	s5 =	sshll.u32 s5, $0x1;
	s6 =	sadd.s32 s21, s4  }
0x9d: {  	[timem:s22], [sflag:s7] =	dma.local [hbm:s6], s5  }
0x9e: {  	_ =	swait.ge [sflag:s7], s5  }
0x9f: {  	s5 =	ssub.s32 $0x0, s5;
	[sflag:s7] =	ssyncset.done $0x0  }
0xa0: {  	[sflag:s7] =	ssyncadd.s32 s5;
	_ =	sdelay $0x1  }
0xa1: {  	s23 =	simm.s32 $0x1B8B  }
0xa2: {  	_ =	swait.ge [sflag:s23], $0x1  }
0xa3: {  	[sflag:s23] =	ssyncset.done $0x0  }
0xa4: {  	[sflag:s23] =	ssyncadd.s32 $0xFFFFFFFF  }
0xa5: {  	s5 =	sld [smem:$0x0]  }
0xa6: {  	s6 =	sand.u32 $0xFFFFFFFE, s1  }
0xa7: {  	p0 =	sne.s32 s1, s6  }
0xa8: {  	s6 =	sshll.u32 @p0 s6, $0xE  }
0xa9: {  	s6 =	sadd.s32 @p0 $0x11B8D, s6;
	s7 =	sshll.u32 @p0 s5, $0x11  }
0xaa: {  	s6 =	sor.u32 @p0 s7, s6  }
0xab: {  	[sflag:s6] =	ssyncadd.remote.s32 @p0 $0x1;
	_ =	sdelay $0x1  }
0xac: {  	s6 =	simm.s32 @p0 $0x1B8D  }
0xad: {  	_ =	swait.eq @p0 [sflag:s6], $0x1  }
0xae: {  	[sflag:s6] =	ssyncadd.s32 @p0 $0xFFFFFFFF  }
0xaf: {  	s7 =	sshll.u32 @!p0 s1, $0xE  }
0xb0: {  	s7 =	sor.u32 @!p0 $0x4000, s7;
	s6 =	simm.s32 @!p0 $0x1B8D  }
0xb1: {  	s5 =	sshll.u32 @!p0 s5, $0x11;
	s7 =	sadd.s32 @!p0 $0x11B8D, s7;
	_ =	swait.eq @!p0 [sflag:s6], $0x1  }
0xb2: {  	s5 =	sor.u32 @!p0 s5, s7;
	[sflag:s6] =	ssyncadd.s32 @!p0 $0xFFFFFFFF  }
0xb3: {  	s25 =	simm.s32 $0x1B8E;
	s24 =	sld [smem:$0x3FFE];
	[sflag:s5] =	ssyncadd.remote.s32 @!p0 $0x1  }
0xb4: {  	s26 =	simm.s32 $execute0_lowered;
	[smem:$0x3FD2] =	sst s25  }
0xb5: {  	s6 =	sshll.u32 s26, $0x1;
	_ =	strace $0x80000049;
	[dreg:$0x1] =	wrdreg $0xFFFFFFFF  }
0xb6: {  	s28 =	simm.s32 $_size_execute0_lowered;
	s4 =	sadd.s32 s4, s6;
	[dreg:$0x0] =	wrdreg $0x0  }
0xb7: {  	s6 =	sshll.u32 s28, $0x1;
	[dreg:$0x2] =	wrdreg s4  }
0xb8: {  	[dreg:$0x3] =	wrdreg s6  }
0xb9: {  	[dreg:$0x4] =	wrdreg $0xC0  }
0xba: {  	_ =	task [dreg:s22], $0x5FFFF  }
0xbb: {  	[dreg:$0x1] =	wrdreg $0xFFFFFFFF  }
0xbc: {  	[dreg:$0x0] =	wrdreg $0x60  }
0xbd: {  	[dreg:$0x2] =	wrdreg s18  }
0xbe: {  	[dreg:$0x3] =	wrdreg s24  }
0xbf: {  	[dreg:$0x4] =	wrdreg $0x0  }
0xc0: {  	[dreg:$0x5] =	wrdreg $0xA  }
0xc1: {  	_ =	task.clear_ibuf [dreg:s22], $0x6FFFF;
	_ =	strace $0x90000049  }
0xc2: {  	s29 =	simm.s32 $0xA;
	_ =	strace $0x8000004B  }
0xc3: {  	_ =	swait.ge [sflag:s29], $0x1  }
0xc4: {  	[sflag:s29] =	ssyncadd.s32 $0xFFFFFFFF  }
0xc5: {  	_ =	strace $0x9000004B  }
0xc6: {  	_ =	sfence  }
0xc7: {  	s30 =	sld [smem:$0x0];
	_ =	sdelay $0x2  }
0xc8: {  	s31 =	sshll.u32 s1, $0xD;
	s1 =	sshrl.u32 s1, $0x2  }
0xc9: {  	s4 =	sand.u32 $0x4000, s31;
	s1 =	sadd.s32 s1, s30  }
0xca: {  	s0 =	sor.u32 s4, s0;
	s1 =	sshll.u32 s1, $0x11  }
0xcb: {  	s0 =	sor.u32 s1, s0  }
0xcc: {  	s0 =	sadd.s32 $0x8F2B, s0  }
0xcd: {  	[sflag:s0] =	ssyncadd.remote.s32 $0x1  }
0xce: {  	_ =	sfence.sel $0xFFFF  }
0xcf: {  	[dreg:$0x0] =	wrdreg $0xFFFFFFFF;
	(pc) =	sbr.abs _section_cstart, $3  }
0xd0: {  	[dreg:$0x1] =	wrdreg $0xFFFFFFFF  }
0xd1: {  	_ =	task.clear_ibuf [dreg:s22], $0x2FFFF;
	_ =	strace $0x9FFFFFFF  }
0xd2: {  	(tm) =	ssettm $0x7FFFFFFF  }
0xd3: {  	_ =	shalt  }
tec
execute0_lowered:
.L_overlay_start_1:
0x0: {  	(tag) =	ssettag $0x1  }
0x1: {  	s1 =	rddreg [dreg:$0x0]  }
0x2: {  	s0 =	rddreg [dreg:$0x1]  }
0x3: {  	s2 =	rddreg [dreg:$0x2];
	s12 =	stileid.u32  }
0x4: {  	s3 =	srdreg.scid;
	s4 =	simm.s32 $0x0;
	s10 =	smul.u32 $0x50000, s12  }
0x5: {  	s3 =	sand.u32 $0x1, s3;
	[smem:$0x7FF] =	sst s4;
	s9 =	smul.u32 $0x14000, s12  }
0x6: {  	s5 =	sadd.s32 $0x579600, s0;
	s8 =	smul.u32 $0x140000, s3;
	s10 =	sshrl.u32 s10, $0x2  }
0x7: {  	s26 =	ssub.s32 $0x2, s3;
	s3 =	sshll.u32 s3, $0x4;
	s10 =	sadd.s32 s10, s2  }
0x8: {  	s6 =	sadd.s32 $0x5A0800, s0;
	s3 =	sor.u32 s12, s3;
	s12 =	sadd.s32 $0x1000, s10  }
0x9: {  	_ =	strace $0x8000004A;
	s13 =	sadd.s32 $0x2000, s10;
	[dreg:$0x4] =	wrdreg s12  }
0xa: {  	s7 =	sadd.s32 $0x14600, s0;
	s14 =	sadd.s32 $0x3000, s10;
	[dreg:$0x5] =	wrdreg s13  }
0xb: {  	s11 =	sshrl.u32 s26, $0x1;
	s15 =	sadd.s32 $0x4000, s10;
	[dreg:$0x6] =	wrdreg s14  }
0xc: {  	s9 =	sadd.s32 s9, s8;
	s16 =	sadd.s32 $0x5000, s10;
	[dreg:$0x7] =	wrdreg s15  }
0xd: {  	s8 =	sadd.s32 $0xA800, s0;
	s17 =	sadd.s32 $0x6000, s10;
	[dreg:$0x8] =	wrdreg s16  }
0xe: {  	s11 =	ssub.s32 s26, s11;
	s18 =	sadd.s32 $0x7000, s10;
	[dreg:$0x9] =	wrdreg s17  }
0xf: {  	s9 =	sshrl.u32 s9, $0x3;
	s19 =	sadd.s32 $0x8000, s10;
	[dreg:$0xa] =	wrdreg s18  }
0x10: {  	s20 =	sadd.s32 $0x9000, s10;
	s21 =	sadd.s32 $0xA000, s10;
	[dreg:$0xb] =	wrdreg s19  }
0x11: {  	s22 =	sadd.s32 $0xB000, s10;
	s23 =	sadd.s32 $0xC000, s10;
	[dreg:$0xc] =	wrdreg s20  }
0x12: {  	s24 =	sadd.s32 $0xD000, s10;
	s25 =	smax.u32 s11, $0x1;
	[dreg:$0xd] =	wrdreg s21  }
0x13: {  	s26 =	sadd.s32 $0xE000, s10;
	s28 =	sadd.s32 $0xF000, s10;
	[dreg:$0xe] =	wrdreg s22  }
0x14: {  	s29 =	sadd.s32 $0x10000, s10;
	s30 =	sadd.s32 $0x11000, s10;
	[dreg:$0xf] =	wrdreg s23  }
0x15: {  	s31 =	sadd.s32 $0x12000, s10;
	s11 =	simm.s32 $0x4;
	[dreg:$0x10] =	wrdreg s24  }
0x16: {  	s0 =	sadd.s32 s9, s0;
	s9 =	smul.u32 $0x2710, s3;
	[dreg:$0x12] =	wrdreg s25  }
0x17: {  	[dreg:$0x13] =	wrdreg s26;
	s3 =	simm.s32 $0x1E100;
	s12 =	simm.s32 $0x14000  }
0x18: {  	s13 =	simm.s32 $0x50;
	s14 =	simm.s32 $0x14100;
	s15 =	simm.s32 $0x14080  }
0x19: {  	s16 =	simm.s32 $0x16900;
	s17 =	simm.s32 $0x19100;
	s18 =	simm.s32 $0x1  }
0x1a: {  	s19 =	simm.s32 $0x2;
	s20 =	simm.s32 $0x1B900;
	s0 =	sadd.s32 $0x6E400, s0  }
0x1b: {  	v0 =	vimm.f32 $0.0e+00;
	s21 =	simm.s32 $0x3;
	[dreg:$0x11] =	wrdreg s0;
	s0 =	sadd.s32 $0x13000, s10  }
.LBB2_1:
0x1c: {  	s22 =	simm.s32 $0x0;
	s23 =	simm.s32 $0x200  }
.LBB2_2:
0x1d: {  	p0 =	sne.s32 s23, $0x3E00;
	[tilespmem:s22+$0x1E170] =	vst v0  }
0x1e: {  	[tilespmem:s22+$0x1E100] =	vst v0  }
0x1f: {  	[tilespmem:s22+$0x1E110] =	vst v0  }
.Ltmp0:
0x20: {  	[tilespmem:s22+$0x1E120] =	vst v0;
	(pc) =	sbr.rel @p0 .LBB2_2-.Ltmp0, $4  }
0x21: {  	[tilespmem:s22+$0x1E130] =	vst v0  }
0x22: {  	[tilespmem:s22+$0x1E140] =	vst v0  }
0x23: {  	[tilespmem:s22+$0x1E150] =	vst v0  }
0x24: {  	[tilespmem:s22+$0x1E160] =	vst v0;
	s22 =	sshra.s32 s23, $0x2;
	s23 =	sadd.s32 $0x200, s23  }
0x25: {  	[tilespmem:s22+$0x1E170] =	vst v0  }
0x26: {  	[tilespmem:s22+$0x1E100] =	vst v0  }
0x27: {  	[tilespmem:s22+$0x1E110] =	vst v0  }
0x28: {  	[tilespmem:s22+$0x1E120] =	vst v0  }
0x29: {  	[tilespmem:s22+$0x1E130] =	vst v0  }
0x2a: {  	[tilespmem:s22+$0x1E140] =	vst v0  }
0x2b: {  	[tilespmem:s22+$0x1E150] =	vst v0  }
0x2c: {  	[tilespmem:s22+$0x1E160] =	vst v0  }
0x2d: {  	[spmem:s10] =	stream.linear.scatter [tilespmem:s3], [sflag:$0x4], $0x1000, $0x38;
	[tilespmem:$0x1F100] =	vst v63  }
0x2e: {  	_ =	swait.ge [sflag:s11], $0x1000  }
0x2f: {  	[sflag:s11] =	ssyncset.done $0x0  }
0x30: {  	s25 =	rddreg [dreg:$0x4];
	[sflag:s11] =	ssyncadd.s32 $0xFFFFF000  }
0x31: {  	[spmem:s25] =	stream.linear.scatter [tilespmem:s3], [sflag:$0x4], $0x1000, $0x38;
	[tilespmem:$0x1F100] =	vst v63  }
0x32: {  	_ =	swait.ge [sflag:s11], $0x1000  }
0x33: {  	[sflag:s11] =	ssyncset.done $0x0  }
0x34: {  	s26 =	rddreg [dreg:$0x5];
	[sflag:s11] =	ssyncadd.s32 $0xFFFFF000  }
0x35: {  	[spmem:s26] =	stream.linear.scatter [tilespmem:s3], [sflag:$0x4], $0x1000, $0x38;
	[tilespmem:$0x1F100] =	vst v63  }
0x36: {  	_ =	swait.ge [sflag:s11], $0x1000  }
0x37: {  	[sflag:s11] =	ssyncset.done $0x0  }
0x38: {  	s23 =	rddreg [dreg:$0x6];
	[sflag:s11] =	ssyncadd.s32 $0xFFFFF000  }
0x39: {  	[spmem:s23] =	stream.linear.scatter [tilespmem:s3], [sflag:$0x4], $0x1000, $0x38;
	[tilespmem:$0x1F100] =	vst v63  }
0x3a: {  	_ =	swait.ge [sflag:s11], $0x1000  }
0x3b: {  	[sflag:s11] =	ssyncset.done $0x0  }
0x3c: {  	s24 =	rddreg [dreg:$0x7];
	[sflag:s11] =	ssyncadd.s32 $0xFFFFF000  }
0x3d: {  	[spmem:s24] =	stream.linear.scatter [tilespmem:s3], [sflag:$0x4], $0x1000, $0x38;
	[tilespmem:$0x1F100] =	vst v63  }
0x3e: {  	_ =	swait.ge [sflag:s11], $0x1000  }
0x3f: {  	[sflag:s11] =	ssyncset.done $0x0  }
0x40: {  	s25 =	rddreg [dreg:$0x8];
	[sflag:s11] =	ssyncadd.s32 $0xFFFFF000  }
0x41: {  	[spmem:s25] =	stream.linear.scatter [tilespmem:s3], [sflag:$0x4], $0x1000, $0x38;
	[tilespmem:$0x1F100] =	vst v63  }
0x42: {  	_ =	swait.ge [sflag:s11], $0x1000  }
0x43: {  	[sflag:s11] =	ssyncset.done $0x0  }
0x44: {  	s26 =	rddreg [dreg:$0x9];
	[sflag:s11] =	ssyncadd.s32 $0xFFFFF000  }
0x45: {  	[spmem:s26] =	stream.linear.scatter [tilespmem:s3], [sflag:$0x4], $0x1000, $0x38;
	[tilespmem:$0x1F100] =	vst v63  }
0x46: {  	_ =	swait.ge [sflag:s11], $0x1000  }
0x47: {  	[sflag:s11] =	ssyncset.done $0x0  }
0x48: {  	s23 =	rddreg [dreg:$0xa];
	[sflag:s11] =	ssyncadd.s32 $0xFFFFF000  }
0x49: {  	[spmem:s23] =	stream.linear.scatter [tilespmem:s3], [sflag:$0x4], $0x1000, $0x38;
	[tilespmem:$0x1F100] =	vst v63  }
0x4a: {  	_ =	swait.ge [sflag:s11], $0x1000  }
0x4b: {  	[sflag:s11] =	ssyncset.done $0x0  }
0x4c: {  	s24 =	rddreg [dreg:$0xb];
	[sflag:s11] =	ssyncadd.s32 $0xFFFFF000  }
0x4d: {  	[spmem:s24] =	stream.linear.scatter [tilespmem:s3], [sflag:$0x4], $0x1000, $0x38;
	[tilespmem:$0x1F100] =	vst v63  }
0x4e: {  	_ =	swait.ge [sflag:s11], $0x1000  }
0x4f: {  	[sflag:s11] =	ssyncset.done $0x0  }
0x50: {  	s25 =	rddreg [dreg:$0xc];
	[sflag:s11] =	ssyncadd.s32 $0xFFFFF000  }
0x51: {  	[spmem:s25] =	stream.linear.scatter [tilespmem:s3], [sflag:$0x4], $0x1000, $0x38;
	[tilespmem:$0x1F100] =	vst v63  }
0x52: {  	_ =	swait.ge [sflag:s11], $0x1000  }
0x53: {  	[sflag:s11] =	ssyncset.done $0x0  }
0x54: {  	s26 =	rddreg [dreg:$0xd];
	[sflag:s11] =	ssyncadd.s32 $0xFFFFF000  }
0x55: {  	[spmem:s26] =	stream.linear.scatter [tilespmem:s3], [sflag:$0x4], $0x1000, $0x38;
	[tilespmem:$0x1F100] =	vst v63  }
0x56: {  	_ =	swait.ge [sflag:s11], $0x1000  }
0x57: {  	[sflag:s11] =	ssyncset.done $0x0  }
0x58: {  	s23 =	rddreg [dreg:$0xe];
	[sflag:s11] =	ssyncadd.s32 $0xFFFFF000  }
0x59: {  	[spmem:s23] =	stream.linear.scatter [tilespmem:s3], [sflag:$0x4], $0x1000, $0x38;
	[tilespmem:$0x1F100] =	vst v63  }
0x5a: {  	_ =	swait.ge [sflag:s11], $0x1000  }
0x5b: {  	[sflag:s11] =	ssyncset.done $0x0  }
0x5c: {  	s24 =	rddreg [dreg:$0xf];
	[sflag:s11] =	ssyncadd.s32 $0xFFFFF000  }
0x5d: {  	[spmem:s24] =	stream.linear.scatter [tilespmem:s3], [sflag:$0x4], $0x1000, $0x38;
	[tilespmem:$0x1F100] =	vst v63  }
0x5e: {  	_ =	swait.ge [sflag:s11], $0x1000  }
0x5f: {  	[sflag:s11] =	ssyncset.done $0x0  }
0x60: {  	s25 =	rddreg [dreg:$0x10];
	[sflag:s11] =	ssyncadd.s32 $0xFFFFF000  }
0x61: {  	[spmem:s25] =	stream.linear.scatter [tilespmem:s3], [sflag:$0x4], $0x1000, $0x38;
	[tilespmem:$0x1F100] =	vst v63  }
0x62: {  	_ =	swait.ge [sflag:s11], $0x1000  }
0x63: {  	[sflag:s11] =	ssyncset.done $0x0  }
0x64: {  	s26 =	rddreg [dreg:$0x13];
	[sflag:s11] =	ssyncadd.s32 $0xFFFFF000  }
0x65: {  	[spmem:s26] =	stream.linear.scatter [tilespmem:s3], [sflag:$0x4], $0x1000, $0x38;
	[tilespmem:$0x1F100] =	vst v63  }
0x66: {  	_ =	swait.ge [sflag:s11], $0x1000  }
0x67: {  	[sflag:s11] =	ssyncset.done $0x0  }
0x68: {  	[sflag:s11] =	ssyncadd.s32 $0xFFFFF000  }
0x69: {  	[spmem:s28] =	stream.linear.scatter [tilespmem:s3], [sflag:$0x4], $0x1000, $0x38;
	[tilespmem:$0x1F100] =	vst v63  }
0x6a: {  	_ =	swait.ge [sflag:s11], $0x1000  }
0x6b: {  	[sflag:s11] =	ssyncset.done $0x0  }
0x6c: {  	[sflag:s11] =	ssyncadd.s32 $0xFFFFF000  }
0x6d: {  	[spmem:s29] =	stream.linear.scatter [tilespmem:s3], [sflag:$0x4], $0x1000, $0x38;
	[tilespmem:$0x1F100] =	vst v63  }
0x6e: {  	_ =	swait.ge [sflag:s11], $0x1000  }
0x6f: {  	[sflag:s11] =	ssyncset.done $0x0  }
0x70: {  	[sflag:s11] =	ssyncadd.s32 $0xFFFFF000  }
0x71: {  	[spmem:s30] =	stream.linear.scatter [tilespmem:s3], [sflag:$0x4], $0x1000, $0x38;
	[tilespmem:$0x1F100] =	vst v63  }
0x72: {  	_ =	swait.ge [sflag:s11], $0x1000  }
0x73: {  	[sflag:s11] =	ssyncset.done $0x0  }
0x74: {  	[sflag:s11] =	ssyncadd.s32 $0xFFFFF000  }
0x75: {  	[spmem:s31] =	stream.linear.scatter [tilespmem:s3], [sflag:$0x4], $0x1000, $0x38;
	[tilespmem:$0x1F100] =	vst v63  }
0x76: {  	_ =	swait.ge [sflag:s11], $0x1000  }
0x77: {  	[sflag:s11] =	ssyncset.done $0x0  }
0x78: {  	[sflag:s11] =	ssyncadd.s32 $0xFFFFF000  }
0x79: {  	[spmem:s0] =	stream.linear.scatter [tilespmem:s3], [sflag:$0x4], $0x1000, $0x38;
	[tilespmem:$0x1F100] =	vst v63  }
0x7a: {  	_ =	swait.ge [sflag:s11], $0x1000  }
0x7b: {  	[sflag:s11] =	ssyncset.done $0x0  }
0x7c: {  	[sflag:s11] =	ssyncadd.s32 $0xFFFFF000  }
0x7d: {  	s22 =	simm.s32 $0x0;
	s23 =	simm.s32 $0x0;
	[bflag:$0x0] =	sbarrier.arrive $0xFFFF  }
.LBB2_4:
0x7e: {  	s24 =	smul.u32 $0x50, s23;
	_ =	sdelay $0x1  }
0x7f: {  	s24 =	sadd.s32 s9, s24  }
0x80: {  	s25 =	sshrl.u32 s24, $0x3  }
0x81: {  	s26 =	sadd.s32 s8, s25  }
0x82: {  	[tilespmem:s12], [sflag:$0x4] =	stream.linear.gather [hbm4b:s26+s22], $0x50, $0x38;
	[tilespmem:$0x1F100] =	vst v63  }
0x83: {  	_ =	swait.ge [sflag:s11], $0x50  }
0x84: {  	[sflag:s11] =	ssyncset.done $0x0  }
0x85: {  	[sflag:s11] =	ssyncadd.s32 $0xFFFFFFB0  }
0x86: {  	[tilespmem:s14], [sflag:$0x1] =	stream.indirect.gather [hbm4b:s1+s13], $0x80, s12, s13, $0xb8;
	[tilespmem:$0x1F100] =	vst v63  }
0x87: {  	s25 =	sadd.s32 s7, s25  }
0x88: {  	[tilespmem:s15], [sflag:$0x4] =	stream.linear.gather [hbm4b:s25+s22], $0x50, $0x38;
	[tilespmem:$0x1F100] =	vst v63  }
0x89: {  	_ =	swait.ge [sflag:s11], $0x50  }
0x8a: {  	[sflag:s11] =	ssyncset.done $0x0  }
0x8b: {  	s24 =	sshll.u32 s24, $0x4;
	[sflag:s11] =	ssyncadd.s32 $0xFFFFFFB0  }
0x8c: {  	[tilespmem:s16], [sflag:$0x2] =	stream.indirect.gather [hbm4b:s5+s13], $0x80, s15, s13, $0xb8;
	[tilespmem:$0x1F100] =	vst v63  }
0x8d: {  	s24 =	sadd.s32 s6, s24  }
0x8e: {  	[tilespmem:s17], [sflag:$0x4] =	stream.linear.gather [hbm4b:s24+s22], $0x2800, $0x38;
	[tilespmem:$0x1F100] =	vst v63  }
0x8f: {  	_ =	swait.ge [sflag:s11], $0x2800  }
0x90: {  	[sflag:s11] =	ssyncset.done $0x0  }
0x91: {  	[sflag:s11] =	ssyncadd.s32 $0xFFFFD800  }
0x92: {  	_ =	swait.ge [sflag:s18], $0x2800  }
0x93: {  	[sflag:s18] =	ssyncset.done $0x0  }
0x94: {  	[sflag:s18] =	ssyncadd.s32 $0xFFFFD800  }
0x95: {  	_ =	swait.ge [sflag:s19], $0x2800  }
0x96: {  	[sflag:s19] =	ssyncset.done $0x0  }
0x97: {  	s24 =	simm.s32 $0x0;
	[sflag:s19] =	ssyncadd.s32 $0xFFFFD800  }
0x98: {  	v1 =	vld [tilespmem:s24+$0x14170]  }
0x99: {  	v2 =	vld [tilespmem:s24+$0x16970]  }
0x9a: {  	v3 =	vld [tilespmem:s24+$0x14100]  }
0x9b: {  	v4 =	vld [tilespmem:s24+$0x19170]  }
0x9c: {  	v5 =	vld [tilespmem:s24+$0x16900]  }
0x9d: {  	v6 =	vld [tilespmem:s24+$0x14110]  }
0x9e: {  	v7 =	vld [tilespmem:s24+$0x16910]  }
0x9f: {  	v8 =	vld [tilespmem:s24+$0x16920]  }
0xa0: {  	v10 =	vld [tilespmem:s24+$0x16930]  }
0xa1: {  	v11 =	vld [tilespmem:s24+$0x14140]  }
0xa2: {  	v12 =	vld [tilespmem:s24+$0x14150]  }
0xa3: {  	v13 =	vld [tilespmem:s24+$0x16950]  }
0xa4: {  	v14 =	vld [tilespmem:s24+$0x14160];
	v1 =	vadd.f32 v2, v1  }
0xa5: {  	v15 =	vld [tilespmem:s24+$0x16960]  }
0xa6: {  	v16 =	vld [tilespmem:s24+$0x19100];
	v1 =	vadd.f32 v4, v1  }
0xa7: {  	v2 =	vld [tilespmem:s24+$0x14120]  }
0xa8: {  	v4 =	vld [tilespmem:s24+$0x14130];
	v1 =	vmax.f32 v1, $0.0e+00  }
0xa9: {  	[tilespmem:s24+$0x1B970] =	vst v1;
	v1 =	vld [tilespmem:s24+$0x16940]  }
0xaa: {  	v17 =	vld [tilespmem:s24+$0x19110]  }
0xab: {  	v18 =	vld [tilespmem:s24+$0x19120]  }
0xac: {  	v9 =	vld [tilespmem:s24+$0x19130];
	v3 =	vadd.f32 v5, v3;
	v19 =	vadd.f32 v7, v6  }
0xad: {  	v20 =	vadd.f32 v8, v2;
	v8 =	vld [tilespmem:s24+$0x19140];
	v5 =	vadd.f32 v10, v4  }
0xae: {  	v7 =	vld [tilespmem:s24+$0x19150];
	v4 =	vadd.f32 v1, v11;
	v11 =	vadd.f32 v16, v3  }
0xaf: {  	s25 =	simm.s32 $0x80;
	v6 =	vld [tilespmem:s24+$0x19160];
	v10 =	vadd.f32 v17, v19;
	v3 =	vadd.f32 v13, v12  }
0xb0: {  	s26 =	simm.s32 $0x400;
	v2 =	vld [tilespmem:s25+$0x14170];
	v1 =	vadd.f32 v15, v14;
	v12 =	vmax.f32 v11, $0.0e+00;
	v11 =	vadd.f32 v18, v20  }
.LBB2_5:
0xb1: {  	p0 =	sne.s32 s26, $0x9E00;
	v13 =	vld [tilespmem:s25+$0x16970];
	[tilespmem:s24+$0x1B900] =	vst v12;
	v10 =	vmax.f32 v10, $0.0e+00;
	v5 =	vadd.f32 v9, v5  }
0xb2: {  	v9 =	vld [tilespmem:s25+$0x14100];
	[tilespmem:s24+$0x1B910] =	vst v10;
	v10 =	vmax.f32 v11, $0.0e+00;
	v4 =	vadd.f32 v8, v4  }
0xb3: {  	v8 =	vld [tilespmem:s25+$0x19170];
	[tilespmem:s24+$0x1B920] =	vst v10;
	v5 =	vmax.f32 v5, $0.0e+00;
	v3 =	vadd.f32 v7, v3  }
0xb4: {  	v7 =	vld [tilespmem:s25+$0x16900];
	[tilespmem:s24+$0x1B930] =	vst v5;
	v4 =	vmax.f32 v4, $0.0e+00;
	v1 =	vadd.f32 v6, v1  }
0xb5: {  	v5 =	vld [tilespmem:s25+$0x14110];
	[tilespmem:s24+$0x1B940] =	vst v4;
	v3 =	vmax.f32 v3, $0.0e+00  }
0xb6: {  	v4 =	vld [tilespmem:s25+$0x16910];
	v2 =	vadd.f32 v13, v2;
	[tilespmem:s24+$0x1B950] =	vst v3;
	v1 =	vmax.f32 v1, $0.0e+00  }
0xb7: {  	v3 =	vld [tilespmem:s25+$0x14120];
	[tilespmem:s24+$0x1B960] =	vst v1;
	s24 =	smov.u32 s25  }
0xb8: {  	v1 =	vld [tilespmem:s24+$0x16920];
	v2 =	vadd.f32 v8, v2  }
0xb9: {  	v6 =	vadd.f32 v7, v9;
	v7 =	vld [tilespmem:s24+$0x14130]  }
0xba: {  	v8 =	vld [tilespmem:s24+$0x16930];
	v2 =	vmax.f32 v2, $0.0e+00  }
0xbb: {  	v10 =	vadd.f32 v4, v5;
	v4 =	vld [tilespmem:s24+$0x14140];
	[tilespmem:s24+$0x1B970] =	vst v2  }
0xbc: {  	v2 =	vld [tilespmem:s24+$0x16940]  }
0xbd: {  	v11 =	vadd.f32 v1, v3;
	v1 =	vld [tilespmem:s24+$0x14150]  }
0xbe: {  	v3 =	vld [tilespmem:s24+$0x16950]  }
0xbf: {  	v5 =	vadd.f32 v8, v7;
	v7 =	vld [tilespmem:s24+$0x14160]  }
0xc0: {  	v12 =	vld [tilespmem:s24+$0x16960]  }
0xc1: {  	v13 =	vld [tilespmem:s24+$0x19100];
	v4 =	vadd.f32 v2, v4  }
0xc2: {  	v2 =	vld [tilespmem:s24+$0x19110]  }
0xc3: {  	v14 =	vld [tilespmem:s24+$0x19120];
	v3 =	vadd.f32 v3, v1  }
.Ltmp1:
0xc4: {  	v9 =	vld [tilespmem:s24+$0x19130];
	(pc) =	sbr.rel @p0 .LBB2_5-.Ltmp1, $4  }
0xc5: {  	v8 =	vld [tilespmem:s24+$0x19140];
	v1 =	vadd.f32 v12, v7  }
0xc6: {  	v12 =	vadd.f32 v13, v6;
	v7 =	vld [tilespmem:s24+$0x19150]  }
0xc7: {  	s25 =	sshra.s32 s26, $0x2;
	v10 =	vadd.f32 v2, v10;
	v6 =	vld [tilespmem:s24+$0x19160]  }
0xc8: {  	s26 =	sadd.s32 $0x200, s26;
	v2 =	vld [tilespmem:s25+$0x14170];
	v12 =	vmax.f32 v12, $0.0e+00;
	v11 =	vadd.f32 v14, v11  }
0xc9: {  	v13 =	vld [tilespmem:s25+$0x16970];
	[tilespmem:s24+$0x1B900] =	vst v12;
	v10 =	vmax.f32 v10, $0.0e+00;
	v5 =	vadd.f32 v9, v5  }
0xca: {  	v12 =	vld [tilespmem:s25+$0x14100];
	[tilespmem:s24+$0x1B910] =	vst v10;
	v50 =	vmax.f32 v11, $0.0e+00;
	v4 =	vadd.f32 v8, v4  }
0xcb: {  	v10 =	vld [tilespmem:s25+$0x19170];
	[tilespmem:s24+$0x1B920] =	vst v50;
	v5 =	vmax.f32 v5, $0.0e+00;
	v3 =	vadd.f32 v7, v3  }
0xcc: {  	v51 =	vld [tilespmem:s25+$0x16900];
	[tilespmem:s24+$0x1B930] =	vst v5;
	v4 =	vmax.f32 v4, $0.0e+00;
	v1 =	vadd.f32 v6, v1  }
0xcd: {  	v5 =	vld [tilespmem:s25+$0x14110];
	[tilespmem:s24+$0x1B940] =	vst v4;
	v3 =	vmax.f32 v3, $0.0e+00  }
0xce: {  	v4 =	vld [tilespmem:s25+$0x16910];
	[tilespmem:s24+$0x1B950] =	vst v3;
	v1 =	vmax.f32 v1, $0.0e+00  }
0xcf: {  	v3 =	vld [tilespmem:s25+$0x14120];
	[tilespmem:s24+$0x1B960] =	vst v1  }
0xd0: {  	v1 =	vld [tilespmem:s25+$0x16920]  }
0xd1: {  	v52 =	vld [tilespmem:s25+$0x14130]  }
0xd2: {  	v53 =	vld [tilespmem:s25+$0x16930]  }
0xd3: {  	v9 =	vld [tilespmem:s25+$0x14140]  }
0xd4: {  	v54 =	vld [tilespmem:s25+$0x14150]  }
0xd5: {  	v55 =	vld [tilespmem:s25+$0x16950]  }
0xd6: {  	v2 =	vadd.f32 v13, v2;
	v56 =	vld [tilespmem:s25+$0x14160]  }
0xd7: {  	v14 =	vld [tilespmem:s25+$0x16960]  }
0xd8: {  	v2 =	vadd.f32 v10, v2;
	v15 =	vld [tilespmem:s25+$0x19100]  }
0xd9: {  	v16 =	vld [tilespmem:s25+$0x19110]  }
0xda: {  	v17 =	vld [tilespmem:s25+$0x19120];
	v2 =	vmax.f32 v2, $0.0e+00  }
0xdb: {  	[tilespmem:s25+$0x1B970] =	vst v2;
	v2 =	vld [tilespmem:s25+$0x16940]  }
0xdc: {  	v57 =	vld [tilespmem:s25+$0x19130];
	v8 =	vadd.f32 v51, v12  }
0xdd: {  	v58 =	vld [tilespmem:s25+$0x19140];
	v4 =	vadd.f32 v4, v5  }
0xde: {  	v59 =	vld [tilespmem:s25+$0x19150];
	v1 =	vadd.f32 v1, v3;
	v3 =	vadd.f32 v15, v8  }
0xdf: {  	v60 =	vld [tilespmem:s25+$0x19160];
	v6 =	vadd.f32 v53, v52;
	v4 =	vadd.f32 v16, v4  }
0xe0: {  	v1 =	vadd.f32 v17, v1;
	v3 =	vmax.f32 v3, $0.0e+00;
	v2 =	vadd.f32 v2, v9  }
0xe1: {  	v61 =	vadd.f32 v55, v54;
	v62 =	vadd.f32 v57, v6;
	[tilespmem:s25+$0x1B900] =	vst v3;
	v3 =	vmax.f32 v4, $0.0e+00  }
0xe2: {  	v63 =	vadd.f32 v14, v56;
	[tilespmem:s25+$0x1B910] =	vst v3;
	v1 =	vmax.f32 v1, $0.0e+00;
	v2 =	vadd.f32 v58, v2  }
0xe3: {  	v3 =	vadd.f32 v59, v61;
	[tilespmem:s25+$0x1B920] =	vst v1;
	v1 =	vmax.f32 v62, $0.0e+00  }
0xe4: {  	[tilespmem:s25+$0x1B930] =	vst v1;
	v1 =	vmax.f32 v2, $0.0e+00;
	v2 =	vadd.f32 v60, v63  }
0xe5: {  	s23 =	sadd.s32 $0x1, s23;
	[tilespmem:s25+$0x1B940] =	vst v1;
	v1 =	vmax.f32 v3, $0.0e+00  }
0xe6: {  	p0 =	sne.s32 s23, $0x7D;
	[tilespmem:s25+$0x1B950] =	vst v1;
	v1 =	vmax.f32 v2, $0.0e+00  }
.Ltmp2:
0xe7: {  	[tilespmem:s25+$0x1B960] =	vst v1;
	(pc) =	sbr.rel @p0 .LBB2_4-.Ltmp2, $4  }
0xe8: {  	[spmem:s2] =	stream.indirect.scatter.add.f32 [tilespmem:s20], [sflag:$0x3], $0x80, s12, s13, $0xb8;
	[tilespmem:$0x1F100] =	vst v63  }
0xe9: {  	_ =	swait.ge [sflag:s21], $0x2800  }
0xea: {  	[sflag:s21] =	ssyncset.done $0x0  }
0xeb: {  	[sflag:s21] =	ssyncadd.s32 $0xFFFFD800  }
0xec: {  	s22 =	stileid.u32  }
0xed: {  	[bflag:$0x0] =	sbarrier.arrive $0xFFFF;
	s22 =	sshll.u32 s22, $0x6  }
0xee: {  	s23 =	sshrl.u32 s10, $0x3;
	s24 =	rddreg [dreg:$0x11];
	s22 =	sor.u32 $0x1C04, s22  }
0xef: {  	[hbm:s24], [sflag:s22] =	dma.local [spmem:s23], $0x2800  }
0xf0: {  	_ =	swait.ge [sflag:s11], $0x2800  }
0xf1: {  	s4 =	sadd.s32 $0x1, s4;
	s26 =	rddreg [dreg:$0x12]  }
0xf2: {  	p0 =	sne.s32 s4, s26  }
.Ltmp3:
0xf3: {  	_ = 	snop;
	(pc) =	sbr.rel @p0 .LBB2_1-.Ltmp3, $3  }
0xf4: {  	_ =	sdelay $0x1  }
0xf5: {  	[sflag:s11] =	ssyncset.done $0x0  }
0xf6: {  	[sflag:s11] =	ssyncadd.s32 $0xFFFFD800  }
0xf7: {  	_ =	sfence.sel $0x180000  }
0xf8: {  	[bflag:$0x0] =	sbarrier.arrive $0xFFFF  }
0xf9: {  	_ =	strace $0x9000004A  }
0xfa: {  	s0 =	stileid.u32;
	[bflag:$0x2] =	sbarrier.arrive $0xFFFF  }
0xfb: {  	p0 =	sne.s32 s0, $0x0;
	s0 =	rddreg [dreg:$0x3]  }
0xfc: {  	s0 =	sadd.s32 @!p0 $0x100000, s0  }
0xfd: {  	[sflag:s0] =	ssyncadd.tile.s32 @!p0 $0x1;
	_ =	shalt  }
.Lfunc_end2:
_tile_overlayer_lowered:
.L_overlay_start_2:
0xfe: {  	(tag) =	ssettag $0x2  }
0xff: {  	s0 =	rddreg [dreg:$0x0];
	s2 =	stileid.u32  }
0x100: {  	s1 =	rddreg [dreg:$0x1];
	p0 =	sne.s32 s2, $0x0  }
0x101: {  	s3 =	rddreg [dreg:$0x2];
	[bflag:$0x3] =	sbarrier.arrive $0xFFFF;
	s2 =	simm.s32 @!p0 $0x1C04  }
0x102: {  	[timem:s3], [sflag:s2] =	dma.local @!p0 [hbm:s0], s1  }
0x103: {  	s0 =	simm.s32 @!p0 $0x4  }
0x104: {  	_ =	swait.ge @!p0 [sflag:s0], s1  }
0x105: {  	s1 =	ssub.s32 @!p0 $0x0, s1;
	[sflag:s0] =	ssyncset.done @!p0 $0x0  }
0x106: {  	[sflag:s0] =	ssyncadd.s32 @!p0 s1  }
0x107: {  	[bflag:$0x3] =	sbarrier.arrive $0xFFFF  }
0x108: {  	_ =	shalt  }

// kernel: kernel.20.cloned.1.call-start
scs
__scs_entry_jumppad:
0x0: {  	(pc) =	sbr.rel $0x88, $3  }
0x1: {  	(tag) =	ssettag $0x0;
	lr =	simm.s32 $0x1  }
0x2: {  	[smem:$0x3F90] =	sst lr;
	_ =	strace $0xD0000000  }
0x3: {  	_ = 	snop  }
0x4: {  	_ = 	snop  }
0x5: {  	_ = 	snop  }
0x6: {  	_ = 	snop  }
0x7: {  	_ = 	snop  }
__scs_overlays_trampoline_lowered:
0x8: {  	[smem:$0x3F9F] =	sst s0  }
0x9: {  	[smem:$0x3FA0] =	sst s1  }
0xa: {  	[smem:$0x3FA1] =	sst s2  }
0xb: {  	[smem:$0x3FA2] =	sst s3  }
0xc: {  	[smem:$0x3FA3] =	sst s4  }
0xd: {  	[smem:$0x3FA4] =	sst s5  }
0xe: {  	[smem:$0x3FA5] =	sst s6  }
0xf: {  	[smem:$0x3FA6] =	sst s7  }
0x10: {  	[smem:$0x3FA7] =	sst s8  }
0x11: {  	[smem:$0x3FA8] =	sst s9;
	s0 =	simm.s32 @!p0 $0x0  }
0x12: {  	s1 =	sld [smem:$0x3F8E];
	s0 =	simm.s32 @p0 $0x1  }
0x13: {  	[smem:$0x3FA9] =	sst s0;
	s0 =	simm.s32 @!p1 $0x0  }
0x14: {  	s2 =	sld [smem:$0x3F8D];
	s0 =	simm.s32 @p1 $0x1  }
0x15: {  	[smem:$0x3FAA] =	sst s0;
	s0 =	simm.s32 @!p2 $0x0  }
0x16: {  	s3 =	sld [smem:$0x3FDB];
	s0 =	simm.s32 @p2 $0x1  }
0x17: {  	s4 =	simm.s32 $0x1BF5;
	[smem:$0x3FAC] =	sst s0  }
0x18: {  	s0 =	sld [smem:$0x3F8F];
	_ =	swait.ge [sflag:s4], $0x0  }
0x19: {  	s7 =	sld [smem:$0x3F90]  }
0x1a: {  	s8 =	sadd.s32 $0xFFFFE003, lr  }
0x1b: {  	s9 =	sadd.s32 $0xFFFFFEF7, lr;
	s5 =	simm.s32 $0xFFFFFFFF;
	p2 =	slt.u32 s8, $0xFFFFF086  }
0x1c: {  	p1 =	slt.u32 s9, $0xF7A;
	s5 =	simm.s32 @!p2 $0x0  }
0x1d: {  	s5 =	simm.s32 @p1 $0x1;
	p0 =	seq.s32 s7, s2  }
0x1e: {  	s7 =	smul.u32 @!p0 $0xF7A, s2;
	p2 =	seq.s32 @!p0 s5, $0x0  }
0x1f: {  	s9 =	smul.u32 $0xF7A, s1;
	s8 =	simm.s32 @!p0 $0x1BF5;
	p2 =	por !p2, p0  }
0x20: {  	[sflag:s8] =	ssyncset.s32 @!p0 $0xFFFFF086;
	s6 =	sadd.s32 @!p0 s3, s7;
	s7 =	simm.s32 @!p0 $0x108  }
0x21: {  	s3 =	sadd.s32 s3, s9;
	s6 =	sadd.s32 @!p0 $0x88, s6;
	s7 =	simm.s32 @p2 $0x1082  }
0x22: {  	[simem:s7], [sflag:s8] =	dma.local @!p0 [hbm:s6], $0xF7A  }
0x23: {  	s9 =	sor.u32 $0xD0000000, s2;
	s6 =	simm.s32 $0x108;
	_ =	swait.ge @!p0 [sflag:s8], $0x0  }
0x24: {  	s3 =	sadd.s32 $0x88, s3;
	s6 =	simm.s32 @!p1 $0x1082;
	[sflag:s4] =	ssyncset.s32 $0xFFFFF086  }
0x25: {  	[simem:s6], [sflag:s4] =	dma.local [hbm:s3], $0xF7A  }
0x26: {  	[smem:$0x3F90] =	sst s1;
	(tag) =	ssettag s2;
	_ =	strace s9  }
0x27: {  	s1 =	sld [smem:$0x3FA0]  }
0x28: {  	s2 =	sld [smem:$0x3FA1]  }
0x29: {  	s4 =	sld [smem:$0x3FA3]  }
0x2a: {  	p0 =	seq.s32 s5, $0x0;
	s5 =	sld [smem:$0x3FA4]  }
0x2b: {  	s6 =	sld [smem:$0x3FA5]  }
0x2c: {  	s7 =	sld [smem:$0x3FA6]  }
0x2d: {  	s3 =	simm.s32 $0x108;
	s8 =	sld [smem:$0x3FA7]  }
0x2e: {  	s3 =	simm.s32 @!p0 $0x1082;
	s9 =	sld [smem:$0x3FA8]  }
0x2f: {  	lr =	sadd.s32 s0, s3;
	s0 =	sld [smem:$0x3F9F]  }
0x30: {  	s3 =	sld [smem:$0x3FA2]  }
0x31: {  	[smem:$0x3FAB] =	sst s10  }
0x32: {  	s10 =	sld [smem:$0x3FA9];
	_ =	sdelay $0x3  }
0x33: {  	p0 =	seq.s32 s10, $0x1;
	s10 =	sld [smem:$0x3FAB];
	_ =	sdelay $0x3  }
0x34: {  	[smem:$0x3FAB] =	sst s10  }
0x35: {  	s10 =	sld [smem:$0x3FAA];
	_ =	sdelay $0x3  }
0x36: {  	p1 =	seq.s32 s10, $0x1;
	s10 =	sld [smem:$0x3FAB];
	_ =	sdelay $0x3  }
0x37: {  	[smem:$0x3FAB] =	sst s10  }
0x38: {  	s10 =	sld [smem:$0x3FAC]  }
0x39: {  	_ = 	snop;
	(pc) =	sbr.ind lr, $3  }
0x3a: {  	_ = 	snop  }
0x3b: {  	_ = 	snop  }
0x3c: {  	p2 =	seq.s32 s10, $0x1;
	s10 =	sld [smem:$0x3FAB]  }
0x3d: {  	_ =	shalt  }
0x3e: {  	_ =	shalt  }
0x3f: {  	_ =	shalt  }
0x40: {  	_ =	shalt  }
0x41: {  	_ =	shalt  }
0x42: {  	_ =	shalt  }
0x43: {  	_ =	shalt  }
0x44: {  	_ =	shalt  }
0x45: {  	_ =	shalt  }
0x46: {  	_ =	shalt  }
0x47: {  	_ =	shalt  }
0x48: {  	_ =	shalt  }
0x49: {  	_ =	shalt  }
0x4a: {  	_ =	shalt  }
0x4b: {  	_ =	shalt  }
0x4c: {  	_ =	shalt  }
0x4d: {  	_ =	shalt  }
0x4e: {  	_ =	shalt  }
0x4f: {  	_ =	shalt  }
0x50: {  	_ =	shalt  }
0x51: {  	_ =	shalt  }
0x52: {  	_ =	shalt  }
0x53: {  	_ =	shalt  }
0x54: {  	_ =	shalt  }
0x55: {  	_ =	shalt  }
0x56: {  	_ =	shalt  }
0x57: {  	_ =	shalt  }
0x58: {  	_ =	shalt  }
0x59: {  	_ =	shalt  }
0x5a: {  	_ =	shalt  }
0x5b: {  	_ =	shalt  }
0x5c: {  	_ =	shalt  }
0x5d: {  	_ =	shalt  }
0x5e: {  	_ =	shalt  }
0x5f: {  	_ =	shalt  }
0x60: {  	_ =	shalt  }
0x61: {  	_ =	shalt  }
0x62: {  	_ =	shalt  }
0x63: {  	_ =	shalt  }
0x64: {  	_ =	shalt  }
0x65: {  	_ =	shalt  }
0x66: {  	_ =	shalt  }
0x67: {  	_ =	shalt  }
0x68: {  	_ =	shalt  }
0x69: {  	_ =	shalt  }
0x6a: {  	_ =	shalt  }
0x6b: {  	_ =	shalt  }
0x6c: {  	_ =	shalt  }
0x6d: {  	_ =	shalt  }
0x6e: {  	_ =	shalt  }
0x6f: {  	_ =	shalt  }
0x70: {  	_ =	shalt  }
0x71: {  	_ =	shalt  }
0x72: {  	_ =	shalt  }
0x73: {  	_ =	shalt  }
0x74: {  	_ =	shalt  }
0x75: {  	_ =	shalt  }
0x76: {  	_ =	shalt  }
0x77: {  	_ =	shalt  }
0x78: {  	_ =	shalt  }
0x79: {  	_ =	shalt  }
0x7a: {  	_ =	shalt  }
0x7b: {  	_ =	shalt  }
0x7c: {  	_ =	shalt  }
0x7d: {  	_ =	shalt  }
0x7e: {  	_ =	shalt  }
0x7f: {  	_ =	shalt  }
0x80: {  	_ =	shalt  }
0x81: {  	_ =	shalt  }
0x82: {  	_ =	shalt  }
0x83: {  	_ =	shalt  }
0x84: {  	_ =	shalt  }
0x85: {  	_ =	shalt  }
0x86: {  	_ =	shalt  }
0x87: {  	_ =	shalt  }
.Lfunc_end0:
.L_simem_size_0:
called_computation.2_lowered:
.L_overlay_start_0:
0x88: {  	s2 =	sld [smem:$0x3FD9]  }
0x89: {  	s3 =	sld [smem:$0x3FFE];
	_ =	sdelay $0x1  }
0x8a: {  	s1 =	srdreg.scid  }
0x8b: {  	s0 =	sand.u32 $0x1, s1  }
0x8c: {  	s17 =	sshll.u32 s0, $0xA;
	s2 =	sadd.s32 s3, s2  }
0x8d: {  	s2 =	sadd.s32 s2, s17  }
0x8e: {  	[smem:$0x3FB7] =	sst s2  }
0x8f: {  	_ = 	snop  }
0x90: {  	s2 =	sld [smem:$0x3FD0];
	(tm) =	ssettm $0x1  }
0x91: {  	s18 =	sld [smem:$0x3FFB];
	_ =	sdelay $0x3  }
0x92: {  	_ =	strace s18  }
0x93: {  	s3 =	sld [smem:$0x3FFC];
	_ =	sdelay $0x3  }
0x94: {  	_ =	strace s3  }
0x95: {  	s3 =	sld [smem:$0x3FFD];
	_ =	sdelay $0x3  }
0x96: {  	_ =	strace s3  }
0x97: {  	_ =	strace $0x8FFFFFFF  }
0x98: {  	s19 =	sld [smem:$0x3FDB];
	_ =	sdelay $0x1  }
0x99: {  	s4 =	simm.s32 $_scs_section_size  }
0x9a: {  	s5 =	simm.s32 $_size__tile_overlayer_lowered;
	s6 =	simm.s32 $_tile_overlayer_lowered  }
0x9b: {  	s22 =	simm.s32 $0x1BFF;
	s21 =	sshll.u32 s6, $0x1;
	s3 =	sadd.s32 s4, s19  }
0x9c: {  	s7 =	simm.s32 $0x0;
	s20 =	sshll.u32 s5, $0x1;
	s5 =	sadd.s32 s21, s3  }
0x9d: {  	[timem:s7], [sflag:s22] =	dma.local [hbm:s5], s20  }
0x9e: {  	_ =	swait.ge [sflag:s22], s20  }
0x9f: {  	s4 =	ssub.s32 $0x0, s20;
	[sflag:s22] =	ssyncset.done $0x0  }
0xa0: {  	[sflag:s22] =	ssyncadd.s32 s4;
	_ =	sdelay $0x1  }
0xa1: {  	s23 =	simm.s32 $0x1B8B  }
0xa2: {  	_ =	swait.ge [sflag:s23], $0x1  }
0xa3: {  	[sflag:s23] =	ssyncset.done $0x0  }
0xa4: {  	s25 =	simm.s32 $0x1B8E;
	s24 =	sld [smem:$0x3FFE];
	[sflag:s23] =	ssyncadd.s32 $0xFFFFFFFF  }
0xa5: {  	s26 =	simm.s32 $execute0_lowered;
	[smem:$0x3FD2] =	sst s25  }
0xa6: {  	s5 =	sshll.u32 s26, $0x1;
	_ =	strace $0x8000004C;
	[dreg:$0x1] =	wrdreg $0xFFFFFFFF  }
0xa7: {  	s28 =	simm.s32 $_size_execute0_lowered;
	s3 =	sadd.s32 s3, s5;
	[dreg:$0x0] =	wrdreg $0x0  }
0xa8: {  	s5 =	sshll.u32 s28, $0x1;
	[dreg:$0x2] =	wrdreg s3  }
0xa9: {  	[dreg:$0x3] =	wrdreg s5  }
0xaa: {  	[dreg:$0x4] =	wrdreg $0xC0  }
0xab: {  	_ =	task [dreg:s7], $0x5FFFF  }
0xac: {  	[dreg:$0x1] =	wrdreg $0xFFFFFFFF  }
0xad: {  	[dreg:$0x0] =	wrdreg $0x60  }
0xae: {  	[dreg:$0x2] =	wrdreg s2  }
0xaf: {  	[dreg:$0x3] =	wrdreg s24  }
0xb0: {  	[dreg:$0x4] =	wrdreg $0x0  }
0xb1: {  	[dreg:$0x5] =	wrdreg $0x9  }
0xb2: {  	_ =	task.clear_ibuf [dreg:s7], $0x6FFFF;
	_ =	strace $0x9000004C  }
0xb3: {  	s29 =	simm.s32 $0x9;
	_ =	strace $0x8000004E  }
0xb4: {  	_ =	swait.ge [sflag:s29], $0x1  }
0xb5: {  	[sflag:s29] =	ssyncadd.s32 $0xFFFFFFFF  }
0xb6: {  	_ =	strace $0x9000004E  }
0xb7: {  	_ =	sfence  }
0xb8: {  	s30 =	sld [smem:$0x0];
	_ =	sdelay $0x2  }
0xb9: {  	s31 =	sshll.u32 s1, $0xD;
	s1 =	sshrl.u32 s1, $0x2  }
0xba: {  	s3 =	sand.u32 $0x4000, s31;
	s1 =	sadd.s32 s1, s30  }
0xbb: {  	s0 =	sor.u32 s3, s0;
	s1 =	sshll.u32 s1, $0x11  }
0xbc: {  	s0 =	sor.u32 s1, s0  }
0xbd: {  	s0 =	sadd.s32 $0x8F2B, s0  }
0xbe: {  	[sflag:s0] =	ssyncadd.remote.s32 $0x1  }
0xbf: {  	_ =	sfence.sel $0xFFFF  }
0xc0: {  	[dreg:$0x0] =	wrdreg $0xFFFFFFFF;
	(pc) =	sbr.abs _section_cstart, $3  }
0xc1: {  	[dreg:$0x1] =	wrdreg $0xFFFFFFFF  }
0xc2: {  	_ =	task.clear_ibuf [dreg:s7], $0x2FFFF;
	_ =	strace $0x9FFFFFFF  }
0xc3: {  	(tm) =	ssettm $0x7FFFFFFF  }
tec
execute0_lowered:
.L_overlay_start_1:
0x0: {  	(tag) =	ssettag $0x1  }
0x1: {  	s1 =	rddreg [dreg:$0x0]  }
0x2: {  	s0 =	rddreg [dreg:$0x1]  }
0x3: {  	s2 =	rddreg [dreg:$0x2];
	s12 =	stileid.u32  }
0x4: {  	s3 =	srdreg.scid;
	s4 =	simm.s32 $0x0;
	s10 =	smul.u32 $0x50000, s12  }
0x5: {  	s3 =	sand.u32 $0x1, s3;
	[smem:$0x7FF] =	sst s4;
	s9 =	smul.u32 $0x14000, s12  }
0x6: {  	s5 =	sadd.s32 $0x6C800, s0;
	s8 =	smul.u32 $0x140000, s3;
	s10 =	sshrl.u32 s10, $0x2  }
0x7: {  	s26 =	ssub.s32 $0x2, s3;
	s3 =	sshll.u32 s3, $0x4;
	s10 =	sadd.s32 s10, s2  }
0x8: {  	s6 =	sadd.s32 $0xA82800, s0;
	s3 =	sor.u32 s12, s3;
	s12 =	sadd.s32 $0x1000, s10  }
0x9: {  	_ =	strace $0x8000004D;
	s13 =	sadd.s32 $0x2000, s10;
	[dreg:$0x4] =	wrdreg s12  }
0xa: {  	s7 =	sadd.s32 $0x14600, s0;
	s14 =	sadd.s32 $0x3000, s10;
	[dreg:$0x5] =	wrdreg s13  }
0xb: {  	s11 =	sshrl.u32 s26, $0x1;
	s15 =	sadd.s32 $0x4000, s10;
	[dreg:$0x6] =	wrdreg s14  }
0xc: {  	s9 =	sadd.s32 s9, s8;
	s16 =	sadd.s32 $0x5000, s10;
	[dreg:$0x7] =	wrdreg s15  }
0xd: {  	s8 =	sadd.s32 $0xA800, s0;
	s17 =	sadd.s32 $0x6000, s10;
	[dreg:$0x8] =	wrdreg s16  }
0xe: {  	s11 =	ssub.s32 s26, s11;
	s18 =	sadd.s32 $0x7000, s10;
	[dreg:$0x9] =	wrdreg s17  }
0xf: {  	s9 =	sshrl.u32 s9, $0x3;
	s19 =	sadd.s32 $0x8000, s10;
	[dreg:$0xa] =	wrdreg s18  }
0x10: {  	s20 =	sadd.s32 $0x9000, s10;
	s21 =	sadd.s32 $0xA000, s10;
	[dreg:$0xb] =	wrdreg s19  }
0x11: {  	s22 =	sadd.s32 $0xB000, s10;
	s23 =	sadd.s32 $0xC000, s10;
	[dreg:$0xc] =	wrdreg s20  }
0x12: {  	s24 =	sadd.s32 $0xD000, s10;
	s25 =	smax.u32 s11, $0x1;
	[dreg:$0xd] =	wrdreg s21  }
0x13: {  	s26 =	sadd.s32 $0xE000, s10;
	s28 =	sadd.s32 $0xF000, s10;
	[dreg:$0xe] =	wrdreg s22  }
0x14: {  	s29 =	sadd.s32 $0x10000, s10;
	s30 =	sadd.s32 $0x11000, s10;
	[dreg:$0xf] =	wrdreg s23  }
0x15: {  	s31 =	sadd.s32 $0x12000, s10;
	s11 =	simm.s32 $0x4;
	[dreg:$0x10] =	wrdreg s24  }
0x16: {  	s0 =	sadd.s32 s9, s0;
	s9 =	smul.u32 $0x2710, s3;
	[dreg:$0x12] =	wrdreg s25  }
0x17: {  	[dreg:$0x13] =	wrdreg s26;
	s3 =	simm.s32 $0x1E100;
	s12 =	simm.s32 $0x14000  }
0x18: {  	s13 =	simm.s32 $0x50;
	s14 =	simm.s32 $0x14100;
	s15 =	simm.s32 $0x14080  }
0x19: {  	s16 =	simm.s32 $0x16900;
	s17 =	simm.s32 $0x19100;
	s18 =	simm.s32 $0x1  }
0x1a: {  	s19 =	simm.s32 $0x2;
	s20 =	simm.s32 $0x1B900;
	s0 =	sadd.s32 $0xC3800, s0  }
0x1b: {  	v0 =	vimm.f32 $0.0e+00;
	s21 =	simm.s32 $0x3;
	[dreg:$0x11] =	wrdreg s0;
	s0 =	sadd.s32 $0x13000, s10  }
.LBB2_1:
0x1c: {  	s22 =	simm.s32 $0x0;
	s23 =	simm.s32 $0x200  }
.LBB2_2:
0x1d: {  	p0 =	sne.s32 s23, $0x3E00;
	[tilespmem:s22+$0x1E170] =	vst v0  }
0x1e: {  	[tilespmem:s22+$0x1E100] =	vst v0  }
0x1f: {  	[tilespmem:s22+$0x1E110] =	vst v0  }
.Ltmp0:
0x20: {  	[tilespmem:s22+$0x1E120] =	vst v0;
	(pc) =	sbr.rel @p0 .LBB2_2-.Ltmp0, $4  }
0x21: {  	[tilespmem:s22+$0x1E130] =	vst v0  }
0x22: {  	[tilespmem:s22+$0x1E140] =	vst v0  }
0x23: {  	[tilespmem:s22+$0x1E150] =	vst v0  }
0x24: {  	[tilespmem:s22+$0x1E160] =	vst v0;
	s22 =	sshra.s32 s23, $0x2;
	s23 =	sadd.s32 $0x200, s23  }
0x25: {  	[tilespmem:s22+$0x1E170] =	vst v0  }
0x26: {  	[tilespmem:s22+$0x1E100] =	vst v0  }
0x27: {  	[tilespmem:s22+$0x1E110] =	vst v0  }
0x28: {  	[tilespmem:s22+$0x1E120] =	vst v0  }
0x29: {  	[tilespmem:s22+$0x1E130] =	vst v0  }
0x2a: {  	[tilespmem:s22+$0x1E140] =	vst v0  }
0x2b: {  	[tilespmem:s22+$0x1E150] =	vst v0  }
0x2c: {  	[tilespmem:s22+$0x1E160] =	vst v0  }
0x2d: {  	[spmem:s10] =	stream.linear.scatter [tilespmem:s3], [sflag:$0x4], $0x1000, $0x38;
	[tilespmem:$0x1F100] =	vst v63  }
0x2e: {  	_ =	swait.ge [sflag:s11], $0x1000  }
0x2f: {  	[sflag:s11] =	ssyncset.done $0x0  }
0x30: {  	s25 =	rddreg [dreg:$0x4];
	[sflag:s11] =	ssyncadd.s32 $0xFFFFF000  }
0x31: {  	[spmem:s25] =	stream.linear.scatter [tilespmem:s3], [sflag:$0x4], $0x1000, $0x38;
	[tilespmem:$0x1F100] =	vst v63  }
0x32: {  	_ =	swait.ge [sflag:s11], $0x1000  }
0x33: {  	[sflag:s11] =	ssyncset.done $0x0  }
0x34: {  	s26 =	rddreg [dreg:$0x5];
	[sflag:s11] =	ssyncadd.s32 $0xFFFFF000  }
0x35: {  	[spmem:s26] =	stream.linear.scatter [tilespmem:s3], [sflag:$0x4], $0x1000, $0x38;
	[tilespmem:$0x1F100] =	vst v63  }
0x36: {  	_ =	swait.ge [sflag:s11], $0x1000  }
0x37: {  	[sflag:s11] =	ssyncset.done $0x0  }
0x38: {  	s23 =	rddreg [dreg:$0x6];
	[sflag:s11] =	ssyncadd.s32 $0xFFFFF000  }
0x39: {  	[spmem:s23] =	stream.linear.scatter [tilespmem:s3], [sflag:$0x4], $0x1000, $0x38;
	[tilespmem:$0x1F100] =	vst v63  }
0x3a: {  	_ =	swait.ge [sflag:s11], $0x1000  }
0x3b: {  	[sflag:s11] =	ssyncset.done $0x0  }
0x3c: {  	s24 =	rddreg [dreg:$0x7];
	[sflag:s11] =	ssyncadd.s32 $0xFFFFF000  }
0x3d: {  	[spmem:s24] =	stream.linear.scatter [tilespmem:s3], [sflag:$0x4], $0x1000, $0x38;
	[tilespmem:$0x1F100] =	vst v63  }
0x3e: {  	_ =	swait.ge [sflag:s11], $0x1000  }
0x3f: {  	[sflag:s11] =	ssyncset.done $0x0  }
0x40: {  	s25 =	rddreg [dreg:$0x8];
	[sflag:s11] =	ssyncadd.s32 $0xFFFFF000  }
0x41: {  	[spmem:s25] =	stream.linear.scatter [tilespmem:s3], [sflag:$0x4], $0x1000, $0x38;
	[tilespmem:$0x1F100] =	vst v63  }
0x42: {  	_ =	swait.ge [sflag:s11], $0x1000  }
0x43: {  	[sflag:s11] =	ssyncset.done $0x0  }
0x44: {  	s26 =	rddreg [dreg:$0x9];
	[sflag:s11] =	ssyncadd.s32 $0xFFFFF000  }
0x45: {  	[spmem:s26] =	stream.linear.scatter [tilespmem:s3], [sflag:$0x4], $0x1000, $0x38;
	[tilespmem:$0x1F100] =	vst v63  }
0x46: {  	_ =	swait.ge [sflag:s11], $0x1000  }
0x47: {  	[sflag:s11] =	ssyncset.done $0x0  }
0x48: {  	s23 =	rddreg [dreg:$0xa];
	[sflag:s11] =	ssyncadd.s32 $0xFFFFF000  }
0x49: {  	[spmem:s23] =	stream.linear.scatter [tilespmem:s3], [sflag:$0x4], $0x1000, $0x38;
	[tilespmem:$0x1F100] =	vst v63  }
0x4a: {  	_ =	swait.ge [sflag:s11], $0x1000  }
0x4b: {  	[sflag:s11] =	ssyncset.done $0x0  }
0x4c: {  	s24 =	rddreg [dreg:$0xb];
	[sflag:s11] =	ssyncadd.s32 $0xFFFFF000  }
0x4d: {  	[spmem:s24] =	stream.linear.scatter [tilespmem:s3], [sflag:$0x4], $0x1000, $0x38;
	[tilespmem:$0x1F100] =	vst v63  }
0x4e: {  	_ =	swait.ge [sflag:s11], $0x1000  }
0x4f: {  	[sflag:s11] =	ssyncset.done $0x0  }
0x50: {  	s25 =	rddreg [dreg:$0xc];
	[sflag:s11] =	ssyncadd.s32 $0xFFFFF000  }
0x51: {  	[spmem:s25] =	stream.linear.scatter [tilespmem:s3], [sflag:$0x4], $0x1000, $0x38;
	[tilespmem:$0x1F100] =	vst v63  }
0x52: {  	_ =	swait.ge [sflag:s11], $0x1000  }
0x53: {  	[sflag:s11] =	ssyncset.done $0x0  }
0x54: {  	s26 =	rddreg [dreg:$0xd];
	[sflag:s11] =	ssyncadd.s32 $0xFFFFF000  }
0x55: {  	[spmem:s26] =	stream.linear.scatter [tilespmem:s3], [sflag:$0x4], $0x1000, $0x38;
	[tilespmem:$0x1F100] =	vst v63  }
0x56: {  	_ =	swait.ge [sflag:s11], $0x1000  }
0x57: {  	[sflag:s11] =	ssyncset.done $0x0  }
0x58: {  	s23 =	rddreg [dreg:$0xe];
	[sflag:s11] =	ssyncadd.s32 $0xFFFFF000  }
0x59: {  	[spmem:s23] =	stream.linear.scatter [tilespmem:s3], [sflag:$0x4], $0x1000, $0x38;
	[tilespmem:$0x1F100] =	vst v63  }
0x5a: {  	_ =	swait.ge [sflag:s11], $0x1000  }
0x5b: {  	[sflag:s11] =	ssyncset.done $0x0  }
0x5c: {  	s24 =	rddreg [dreg:$0xf];
	[sflag:s11] =	ssyncadd.s32 $0xFFFFF000  }
0x5d: {  	[spmem:s24] =	stream.linear.scatter [tilespmem:s3], [sflag:$0x4], $0x1000, $0x38;
	[tilespmem:$0x1F100] =	vst v63  }
0x5e: {  	_ =	swait.ge [sflag:s11], $0x1000  }
0x5f: {  	[sflag:s11] =	ssyncset.done $0x0  }
0x60: {  	s25 =	rddreg [dreg:$0x10];
	[sflag:s11] =	ssyncadd.s32 $0xFFFFF000  }
0x61: {  	[spmem:s25] =	stream.linear.scatter [tilespmem:s3], [sflag:$0x4], $0x1000, $0x38;
	[tilespmem:$0x1F100] =	vst v63  }
0x62: {  	_ =	swait.ge [sflag:s11], $0x1000  }
0x63: {  	[sflag:s11] =	ssyncset.done $0x0  }
0x64: {  	s26 =	rddreg [dreg:$0x13];
	[sflag:s11] =	ssyncadd.s32 $0xFFFFF000  }
0x65: {  	[spmem:s26] =	stream.linear.scatter [tilespmem:s3], [sflag:$0x4], $0x1000, $0x38;
	[tilespmem:$0x1F100] =	vst v63  }
0x66: {  	_ =	swait.ge [sflag:s11], $0x1000  }
0x67: {  	[sflag:s11] =	ssyncset.done $0x0  }
0x68: {  	[sflag:s11] =	ssyncadd.s32 $0xFFFFF000  }
0x69: {  	[spmem:s28] =	stream.linear.scatter [tilespmem:s3], [sflag:$0x4], $0x1000, $0x38;
	[tilespmem:$0x1F100] =	vst v63  }
0x6a: {  	_ =	swait.ge [sflag:s11], $0x1000  }
0x6b: {  	[sflag:s11] =	ssyncset.done $0x0  }
0x6c: {  	[sflag:s11] =	ssyncadd.s32 $0xFFFFF000  }
0x6d: {  	[spmem:s29] =	stream.linear.scatter [tilespmem:s3], [sflag:$0x4], $0x1000, $0x38;
	[tilespmem:$0x1F100] =	vst v63  }
0x6e: {  	_ =	swait.ge [sflag:s11], $0x1000  }
0x6f: {  	[sflag:s11] =	ssyncset.done $0x0  }
0x70: {  	[sflag:s11] =	ssyncadd.s32 $0xFFFFF000  }
0x71: {  	[spmem:s30] =	stream.linear.scatter [tilespmem:s3], [sflag:$0x4], $0x1000, $0x38;
	[tilespmem:$0x1F100] =	vst v63  }
0x72: {  	_ =	swait.ge [sflag:s11], $0x1000  }
0x73: {  	[sflag:s11] =	ssyncset.done $0x0  }
0x74: {  	[sflag:s11] =	ssyncadd.s32 $0xFFFFF000  }
0x75: {  	[spmem:s31] =	stream.linear.scatter [tilespmem:s3], [sflag:$0x4], $0x1000, $0x38;
	[tilespmem:$0x1F100] =	vst v63  }
0x76: {  	_ =	swait.ge [sflag:s11], $0x1000  }
0x77: {  	[sflag:s11] =	ssyncset.done $0x0  }
0x78: {  	[sflag:s11] =	ssyncadd.s32 $0xFFFFF000  }
0x79: {  	[spmem:s0] =	stream.linear.scatter [tilespmem:s3], [sflag:$0x4], $0x1000, $0x38;
	[tilespmem:$0x1F100] =	vst v63  }
0x7a: {  	_ =	swait.ge [sflag:s11], $0x1000  }
0x7b: {  	[sflag:s11] =	ssyncset.done $0x0  }
0x7c: {  	[sflag:s11] =	ssyncadd.s32 $0xFFFFF000  }
0x7d: {  	s22 =	simm.s32 $0x0;
	s23 =	simm.s32 $0x0;
	[bflag:$0x0] =	sbarrier.arrive $0xFFFF  }
.LBB2_4:
0x7e: {  	s24 =	smul.u32 $0x50, s23;
	_ =	sdelay $0x1  }
0x7f: {  	s24 =	sadd.s32 s9, s24  }
0x80: {  	s25 =	sshrl.u32 s24, $0x3  }
0x81: {  	s26 =	sadd.s32 s8, s25  }
0x82: {  	[tilespmem:s12], [sflag:$0x4] =	stream.linear.gather [hbm4b:s26+s22], $0x50, $0x38;
	[tilespmem:$0x1F100] =	vst v63  }
0x83: {  	_ =	swait.ge [sflag:s11], $0x50  }
0x84: {  	[sflag:s11] =	ssyncset.done $0x0  }
0x85: {  	[sflag:s11] =	ssyncadd.s32 $0xFFFFFFB0  }
0x86: {  	[tilespmem:s14], [sflag:$0x1] =	stream.indirect.gather [hbm4b:s1+s13], $0x80, s12, s13, $0xb8;
	[tilespmem:$0x1F100] =	vst v63  }
0x87: {  	s25 =	sadd.s32 s7, s25  }
0x88: {  	[tilespmem:s15], [sflag:$0x4] =	stream.linear.gather [hbm4b:s25+s22], $0x50, $0x38;
	[tilespmem:$0x1F100] =	vst v63  }
0x89: {  	_ =	swait.ge [sflag:s11], $0x50  }
0x8a: {  	[sflag:s11] =	ssyncset.done $0x0  }
0x8b: {  	s24 =	sshll.u32 s24, $0x4;
	[sflag:s11] =	ssyncadd.s32 $0xFFFFFFB0  }
0x8c: {  	[tilespmem:s16], [sflag:$0x2] =	stream.indirect.gather [hbm4b:s5+s13], $0x80, s15, s13, $0xb8;
	[tilespmem:$0x1F100] =	vst v63  }
0x8d: {  	s24 =	sadd.s32 s6, s24  }
0x8e: {  	[tilespmem:s17], [sflag:$0x4] =	stream.linear.gather [hbm4b:s24+s22], $0x2800, $0x38;
	[tilespmem:$0x1F100] =	vst v63  }
0x8f: {  	_ =	swait.ge [sflag:s11], $0x2800  }
0x90: {  	[sflag:s11] =	ssyncset.done $0x0  }
0x91: {  	[sflag:s11] =	ssyncadd.s32 $0xFFFFD800  }
0x92: {  	_ =	swait.ge [sflag:s18], $0x2800  }
0x93: {  	[sflag:s18] =	ssyncset.done $0x0  }
0x94: {  	[sflag:s18] =	ssyncadd.s32 $0xFFFFD800  }
0x95: {  	_ =	swait.ge [sflag:s19], $0x2800  }
0x96: {  	[sflag:s19] =	ssyncset.done $0x0  }
0x97: {  	s24 =	simm.s32 $0x0;
	[sflag:s19] =	ssyncadd.s32 $0xFFFFD800  }
0x98: {  	v1 =	vld [tilespmem:s24+$0x14170]  }
0x99: {  	v2 =	vld [tilespmem:s24+$0x16970]  }
0x9a: {  	v3 =	vld [tilespmem:s24+$0x14100]  }
0x9b: {  	v4 =	vld [tilespmem:s24+$0x19170]  }
0x9c: {  	v5 =	vld [tilespmem:s24+$0x16900]  }
0x9d: {  	v6 =	vld [tilespmem:s24+$0x14110]  }
0x9e: {  	v7 =	vld [tilespmem:s24+$0x16910]  }
0x9f: {  	v8 =	vld [tilespmem:s24+$0x16920]  }
0xa0: {  	v10 =	vld [tilespmem:s24+$0x16930]  }
0xa1: {  	v11 =	vld [tilespmem:s24+$0x14140]  }
0xa2: {  	v12 =	vld [tilespmem:s24+$0x14150]  }
0xa3: {  	v13 =	vld [tilespmem:s24+$0x16950]  }
0xa4: {  	v14 =	vld [tilespmem:s24+$0x14160];
	v1 =	vadd.f32 v2, v1  }
0xa5: {  	v15 =	vld [tilespmem:s24+$0x16960]  }
0xa6: {  	v16 =	vld [tilespmem:s24+$0x19100];
	v1 =	vadd.f32 v4, v1  }
0xa7: {  	v2 =	vld [tilespmem:s24+$0x14120]  }
0xa8: {  	v4 =	vld [tilespmem:s24+$0x14130];
	v1 =	vmax.f32 v1, $0.0e+00  }
0xa9: {  	[tilespmem:s24+$0x1B970] =	vst v1;
	v1 =	vld [tilespmem:s24+$0x16940]  }
0xaa: {  	v17 =	vld [tilespmem:s24+$0x19110]  }
0xab: {  	v18 =	vld [tilespmem:s24+$0x19120]  }
0xac: {  	v9 =	vld [tilespmem:s24+$0x19130];
	v3 =	vadd.f32 v5, v3;
	v19 =	vadd.f32 v7, v6  }
0xad: {  	v20 =	vadd.f32 v8, v2;
	v8 =	vld [tilespmem:s24+$0x19140];
	v5 =	vadd.f32 v10, v4  }
0xae: {  	v7 =	vld [tilespmem:s24+$0x19150];
	v4 =	vadd.f32 v1, v11;
	v11 =	vadd.f32 v16, v3  }
0xaf: {  	s25 =	simm.s32 $0x80;
	v6 =	vld [tilespmem:s24+$0x19160];
	v10 =	vadd.f32 v17, v19;
	v3 =	vadd.f32 v13, v12  }
0xb0: {  	s26 =	simm.s32 $0x400;
	v2 =	vld [tilespmem:s25+$0x14170];
	v1 =	vadd.f32 v15, v14;
	v12 =	vmax.f32 v11, $0.0e+00;
	v11 =	vadd.f32 v18, v20  }
.LBB2_5:
0xb1: {  	p0 =	sne.s32 s26, $0x9E00;
	v13 =	vld [tilespmem:s25+$0x16970];
	[tilespmem:s24+$0x1B900] =	vst v12;
	v10 =	vmax.f32 v10, $0.0e+00;
	v5 =	vadd.f32 v9, v5  }
0xb2: {  	v9 =	vld [tilespmem:s25+$0x14100];
	[tilespmem:s24+$0x1B910] =	vst v10;
	v10 =	vmax.f32 v11, $0.0e+00;
	v4 =	vadd.f32 v8, v4  }
0xb3: {  	v8 =	vld [tilespmem:s25+$0x19170];
	[tilespmem:s24+$0x1B920] =	vst v10;
	v5 =	vmax.f32 v5, $0.0e+00;
	v3 =	vadd.f32 v7, v3  }
0xb4: {  	v7 =	vld [tilespmem:s25+$0x16900];
	[tilespmem:s24+$0x1B930] =	vst v5;
	v4 =	vmax.f32 v4, $0.0e+00;
	v1 =	vadd.f32 v6, v1  }
0xb5: {  	v5 =	vld [tilespmem:s25+$0x14110];
	[tilespmem:s24+$0x1B940] =	vst v4;
	v3 =	vmax.f32 v3, $0.0e+00  }
0xb6: {  	v4 =	vld [tilespmem:s25+$0x16910];
	v2 =	vadd.f32 v13, v2;
	[tilespmem:s24+$0x1B950] =	vst v3;
	v1 =	vmax.f32 v1, $0.0e+00  }
0xb7: {  	v3 =	vld [tilespmem:s25+$0x14120];
	[tilespmem:s24+$0x1B960] =	vst v1;
	s24 =	smov.u32 s25  }
0xb8: {  	v1 =	vld [tilespmem:s24+$0x16920];
	v2 =	vadd.f32 v8, v2  }
0xb9: {  	v6 =	vadd.f32 v7, v9;
	v7 =	vld [tilespmem:s24+$0x14130]  }
0xba: {  	v8 =	vld [tilespmem:s24+$0x16930];
	v2 =	vmax.f32 v2, $0.0e+00  }
0xbb: {  	v10 =	vadd.f32 v4, v5;
	v4 =	vld [tilespmem:s24+$0x14140];
	[tilespmem:s24+$0x1B970] =	vst v2  }
0xbc: {  	v2 =	vld [tilespmem:s24+$0x16940]  }
0xbd: {  	v11 =	vadd.f32 v1, v3;
	v1 =	vld [tilespmem:s24+$0x14150]  }
0xbe: {  	v3 =	vld [tilespmem:s24+$0x16950]  }
0xbf: {  	v5 =	vadd.f32 v8, v7;
	v7 =	vld [tilespmem:s24+$0x14160]  }
0xc0: {  	v12 =	vld [tilespmem:s24+$0x16960]  }
0xc1: {  	v13 =	vld [tilespmem:s24+$0x19100];
	v4 =	vadd.f32 v2, v4  }
0xc2: {  	v2 =	vld [tilespmem:s24+$0x19110]  }
0xc3: {  	v14 =	vld [tilespmem:s24+$0x19120];
	v3 =	vadd.f32 v3, v1  }
.Ltmp1:
0xc4: {  	v9 =	vld [tilespmem:s24+$0x19130];
	(pc) =	sbr.rel @p0 .LBB2_5-.Ltmp1, $4  }
0xc5: {  	v8 =	vld [tilespmem:s24+$0x19140];
	v1 =	vadd.f32 v12, v7  }
0xc6: {  	v12 =	vadd.f32 v13, v6;
	v7 =	vld [tilespmem:s24+$0x19150]  }
0xc7: {  	s25 =	sshra.s32 s26, $0x2;
	v10 =	vadd.f32 v2, v10;
	v6 =	vld [tilespmem:s24+$0x19160]  }
0xc8: {  	s26 =	sadd.s32 $0x200, s26;
	v2 =	vld [tilespmem:s25+$0x14170];
	v12 =	vmax.f32 v12, $0.0e+00;
	v11 =	vadd.f32 v14, v11  }
0xc9: {  	v13 =	vld [tilespmem:s25+$0x16970];
	[tilespmem:s24+$0x1B900] =	vst v12;
	v10 =	vmax.f32 v10, $0.0e+00;
	v5 =	vadd.f32 v9, v5  }
0xca: {  	v12 =	vld [tilespmem:s25+$0x14100];
	[tilespmem:s24+$0x1B910] =	vst v10;
	v50 =	vmax.f32 v11, $0.0e+00;
	v4 =	vadd.f32 v8, v4  }
0xcb: {  	v10 =	vld [tilespmem:s25+$0x19170];
	[tilespmem:s24+$0x1B920] =	vst v50;
	v5 =	vmax.f32 v5, $0.0e+00;
	v3 =	vadd.f32 v7, v3  }
0xcc: {  	v51 =	vld [tilespmem:s25+$0x16900];
	[tilespmem:s24+$0x1B930] =	vst v5;
	v4 =	vmax.f32 v4, $0.0e+00;
	v1 =	vadd.f32 v6, v1  }
0xcd: {  	v5 =	vld [tilespmem:s25+$0x14110];
	[tilespmem:s24+$0x1B940] =	vst v4;
	v3 =	vmax.f32 v3, $0.0e+00  }
0xce: {  	v4 =	vld [tilespmem:s25+$0x16910];
	[tilespmem:s24+$0x1B950] =	vst v3;
	v1 =	vmax.f32 v1, $0.0e+00  }
0xcf: {  	v3 =	vld [tilespmem:s25+$0x14120];
	[tilespmem:s24+$0x1B960] =	vst v1  }
0xd0: {  	v1 =	vld [tilespmem:s25+$0x16920]  }
0xd1: {  	v52 =	vld [tilespmem:s25+$0x14130]  }
0xd2: {  	v53 =	vld [tilespmem:s25+$0x16930]  }
0xd3: {  	v9 =	vld [tilespmem:s25+$0x14140]  }
0xd4: {  	v54 =	vld [tilespmem:s25+$0x14150]  }
0xd5: {  	v55 =	vld [tilespmem:s25+$0x16950]  }
0xd6: {  	v2 =	vadd.f32 v13, v2;
	v56 =	vld [tilespmem:s25+$0x14160]  }
0xd7: {  	v14 =	vld [tilespmem:s25+$0x16960]  }
0xd8: {  	v2 =	vadd.f32 v10, v2;
	v15 =	vld [tilespmem:s25+$0x19100]  }
0xd9: {  	v16 =	vld [tilespmem:s25+$0x19110]  }
0xda: {  	v17 =	vld [tilespmem:s25+$0x19120];
	v2 =	vmax.f32 v2, $0.0e+00  }
0xdb: {  	[tilespmem:s25+$0x1B970] =	vst v2;
	v2 =	vld [tilespmem:s25+$0x16940]  }
0xdc: {  	v57 =	vld [tilespmem:s25+$0x19130];
	v8 =	vadd.f32 v51, v12  }
0xdd: {  	v58 =	vld [tilespmem:s25+$0x19140];
	v4 =	vadd.f32 v4, v5  }
0xde: {  	v59 =	vld [tilespmem:s25+$0x19150];
	v1 =	vadd.f32 v1, v3;
	v3 =	vadd.f32 v15, v8  }
0xdf: {  	v60 =	vld [tilespmem:s25+$0x19160];
	v6 =	vadd.f32 v53, v52;
	v4 =	vadd.f32 v16, v4  }
0xe0: {  	v1 =	vadd.f32 v17, v1;
	v3 =	vmax.f32 v3, $0.0e+00;
	v2 =	vadd.f32 v2, v9  }
0xe1: {  	v61 =	vadd.f32 v55, v54;
	v62 =	vadd.f32 v57, v6;
	[tilespmem:s25+$0x1B900] =	vst v3;
	v3 =	vmax.f32 v4, $0.0e+00  }
0xe2: {  	v63 =	vadd.f32 v14, v56;
	[tilespmem:s25+$0x1B910] =	vst v3;
	v1 =	vmax.f32 v1, $0.0e+00;
	v2 =	vadd.f32 v58, v2  }
0xe3: {  	v3 =	vadd.f32 v59, v61;
	[tilespmem:s25+$0x1B920] =	vst v1;
	v1 =	vmax.f32 v62, $0.0e+00  }
0xe4: {  	[tilespmem:s25+$0x1B930] =	vst v1;
	v1 =	vmax.f32 v2, $0.0e+00;
	v2 =	vadd.f32 v60, v63  }
0xe5: {  	s23 =	sadd.s32 $0x1, s23;
	[tilespmem:s25+$0x1B940] =	vst v1;
	v1 =	vmax.f32 v3, $0.0e+00  }
0xe6: {  	p0 =	sne.s32 s23, $0x7D;
	[tilespmem:s25+$0x1B950] =	vst v1;
	v1 =	vmax.f32 v2, $0.0e+00  }
.Ltmp2:
0xe7: {  	[tilespmem:s25+$0x1B960] =	vst v1;
	(pc) =	sbr.rel @p0 .LBB2_4-.Ltmp2, $4  }
0xe8: {  	[spmem:s2] =	stream.indirect.scatter.add.f32 [tilespmem:s20], [sflag:$0x3], $0x80, s12, s13, $0xb8;
	[tilespmem:$0x1F100] =	vst v63  }
0xe9: {  	_ =	swait.ge [sflag:s21], $0x2800  }
0xea: {  	[sflag:s21] =	ssyncset.done $0x0  }
0xeb: {  	[sflag:s21] =	ssyncadd.s32 $0xFFFFD800  }
0xec: {  	s22 =	stileid.u32  }
0xed: {  	[bflag:$0x0] =	sbarrier.arrive $0xFFFF;
	s22 =	sshll.u32 s22, $0x6  }
0xee: {  	s23 =	sshrl.u32 s10, $0x3;
	s24 =	rddreg [dreg:$0x11];
	s22 =	sor.u32 $0x1C04, s22  }
0xef: {  	[hbm:s24], [sflag:s22] =	dma.local [spmem:s23], $0x2800  }
0xf0: {  	_ =	swait.ge [sflag:s11], $0x2800  }
0xf1: {  	s4 =	sadd.s32 $0x1, s4;
	s26 =	rddreg [dreg:$0x12]  }
0xf2: {  	p0 =	sne.s32 s4, s26  }
.Ltmp3:
0xf3: {  	_ = 	snop;
	(pc) =	sbr.rel @p0 .LBB2_1-.Ltmp3, $3  }
0xf4: {  	_ =	sdelay $0x1  }
0xf5: {  	[sflag:s11] =	ssyncset.done $0x0  }
0xf6: {  	[sflag:s11] =	ssyncadd.s32 $0xFFFFD800  }
0xf7: {  	_ =	sfence.sel $0x180000  }
0xf8: {  	[bflag:$0x0] =	sbarrier.arrive $0xFFFF  }
0xf9: {  	_ =	strace $0x9000004D  }
0xfa: {  	s0 =	stileid.u32;
	[bflag:$0x2] =	sbarrier.arrive $0xFFFF  }
0xfb: {  	p0 =	sne.s32 s0, $0x0;
	s0 =	rddreg [dreg:$0x3]  }
0xfc: {  	s0 =	sadd.s32 @!p0 $0x100000, s0  }
0xfd: {  	[sflag:s0] =	ssyncadd.tile.s32 @!p0 $0x1;
	_ =	shalt  }
.Lfunc_end2:
_tile_overlayer_lowered:
.L_overlay_start_2:
0xfe: {  	(tag) =	ssettag $0x2  }
0xff: {  	s0 =	rddreg [dreg:$0x0];
	s2 =	stileid.u32  }
0x100: {  	s1 =	rddreg [dreg:$0x1];
	p0 =	sne.s32 s2, $0x0  }
0x101: {  	s3 =	rddreg [dreg:$0x2];
	[bflag:$0x3] =	sbarrier.arrive $0xFFFF;
	s2 =	simm.s32 @!p0 $0x1C04  }
0x102: {  	[timem:s3], [sflag:s2] =	dma.local @!p0 [hbm:s0], s1  }
0x103: {  	s0 =	simm.s32 @!p0 $0x4  }
0x104: {  	_ =	swait.ge @!p0 [sflag:s0], s1  }
0x105: {  	s1 =	ssub.s32 @!p0 $0x0, s1;
	[sflag:s0] =	ssyncset.done @!p0 $0x0  }
0x106: {  	[sflag:s0] =	ssyncadd.s32 @!p0 s1  }
0x107: {  	[bflag:$0x3] =	sbarrier.arrive $0xFFFF  }
0x108: {  	_ =	shalt  }

// kernel: kernel.23.cloned.1.call-start
scs
__scs_entry_jumppad:
0x0: {  	(pc) =	sbr.rel $0x88, $3  }
0x1: {  	(tag) =	ssettag $0x0;
	lr =	simm.s32 $0x1  }
0x2: {  	[smem:$0x3F90] =	sst lr;
	_ =	strace $0xD0000000  }
0x3: {  	_ = 	snop  }
0x4: {  	_ = 	snop  }
0x5: {  	_ = 	snop  }
0x6: {  	_ = 	snop  }
0x7: {  	_ = 	snop  }
__scs_overlays_trampoline_lowered:
0x8: {  	[smem:$0x3F9F] =	sst s0  }
0x9: {  	[smem:$0x3FA0] =	sst s1  }
0xa: {  	[smem:$0x3FA1] =	sst s2  }
0xb: {  	[smem:$0x3FA2] =	sst s3  }
0xc: {  	[smem:$0x3FA3] =	sst s4  }
0xd: {  	[smem:$0x3FA4] =	sst s5  }
0xe: {  	[smem:$0x3FA5] =	sst s6  }
0xf: {  	[smem:$0x3FA6] =	sst s7  }
0x10: {  	[smem:$0x3FA7] =	sst s8  }
0x11: {  	[smem:$0x3FA8] =	sst s9;
	s0 =	simm.s32 @!p0 $0x0  }
0x12: {  	s1 =	sld [smem:$0x3F8E];
	s0 =	simm.s32 @p0 $0x1  }
0x13: {  	[smem:$0x3FA9] =	sst s0;
	s0 =	simm.s32 @!p1 $0x0  }
0x14: {  	s2 =	sld [smem:$0x3F8D];
	s0 =	simm.s32 @p1 $0x1  }
0x15: {  	[smem:$0x3FAA] =	sst s0;
	s0 =	simm.s32 @!p2 $0x0  }
0x16: {  	s3 =	sld [smem:$0x3FDB];
	s0 =	simm.s32 @p2 $0x1  }
0x17: {  	s4 =	simm.s32 $0x1BF5;
	[smem:$0x3FAC] =	sst s0  }
0x18: {  	s0 =	sld [smem:$0x3F8F];
	_ =	swait.ge [sflag:s4], $0x0  }
0x19: {  	s7 =	sld [smem:$0x3F90]  }
0x1a: {  	s8 =	sadd.s32 $0xFFFFE003, lr  }
0x1b: {  	s9 =	sadd.s32 $0xFFFFFEF7, lr;
	s5 =	simm.s32 $0xFFFFFFFF;
	p2 =	slt.u32 s8, $0xFFFFF086  }
0x1c: {  	p1 =	slt.u32 s9, $0xF7A;
	s5 =	simm.s32 @!p2 $0x0  }
0x1d: {  	s5 =	simm.s32 @p1 $0x1;
	p0 =	seq.s32 s7, s2  }
0x1e: {  	s7 =	smul.u32 @!p0 $0xF7A, s2;
	p2 =	seq.s32 @!p0 s5, $0x0  }
0x1f: {  	s9 =	smul.u32 $0xF7A, s1;
	s8 =	simm.s32 @!p0 $0x1BF5;
	p2 =	por !p2, p0  }
0x20: {  	[sflag:s8] =	ssyncset.s32 @!p0 $0xFFFFF086;
	s6 =	sadd.s32 @!p0 s3, s7;
	s7 =	simm.s32 @!p0 $0x108  }
0x21: {  	s3 =	sadd.s32 s3, s9;
	s6 =	sadd.s32 @!p0 $0x88, s6;
	s7 =	simm.s32 @p2 $0x1082  }
0x22: {  	[simem:s7], [sflag:s8] =	dma.local @!p0 [hbm:s6], $0xF7A  }
0x23: {  	s9 =	sor.u32 $0xD0000000, s2;
	s6 =	simm.s32 $0x108;
	_ =	swait.ge @!p0 [sflag:s8], $0x0  }
0x24: {  	s3 =	sadd.s32 $0x88, s3;
	s6 =	simm.s32 @!p1 $0x1082;
	[sflag:s4] =	ssyncset.s32 $0xFFFFF086  }
0x25: {  	[simem:s6], [sflag:s4] =	dma.local [hbm:s3], $0xF7A  }
0x26: {  	[smem:$0x3F90] =	sst s1;
	(tag) =	ssettag s2;
	_ =	strace s9  }
0x27: {  	s1 =	sld [smem:$0x3FA0]  }
0x28: {  	s2 =	sld [smem:$0x3FA1]  }
0x29: {  	s4 =	sld [smem:$0x3FA3]  }
0x2a: {  	p0 =	seq.s32 s5, $0x0;
	s5 =	sld [smem:$0x3FA4]  }
0x2b: {  	s6 =	sld [smem:$0x3FA5]  }
0x2c: {  	s7 =	sld [smem:$0x3FA6]  }
0x2d: {  	s3 =	simm.s32 $0x108;
	s8 =	sld [smem:$0x3FA7]  }
0x2e: {  	s3 =	simm.s32 @!p0 $0x1082;
	s9 =	sld [smem:$0x3FA8]  }
0x2f: {  	lr =	sadd.s32 s0, s3;
	s0 =	sld [smem:$0x3F9F]  }
0x30: {  	s3 =	sld [smem:$0x3FA2]  }
0x31: {  	[smem:$0x3FAB] =	sst s10  }
0x32: {  	s10 =	sld [smem:$0x3FA9];
	_ =	sdelay $0x3  }
0x33: {  	p0 =	seq.s32 s10, $0x1;
	s10 =	sld [smem:$0x3FAB];
	_ =	sdelay $0x3  }
0x34: {  	[smem:$0x3FAB] =	sst s10  }
0x35: {  	s10 =	sld [smem:$0x3FAA];
	_ =	sdelay $0x3  }
0x36: {  	p1 =	seq.s32 s10, $0x1;
	s10 =	sld [smem:$0x3FAB];
	_ =	sdelay $0x3  }
0x37: {  	[smem:$0x3FAB] =	sst s10  }
0x38: {  	s10 =	sld [smem:$0x3FAC]  }
0x39: {  	_ = 	snop;
	(pc) =	sbr.ind lr, $3  }
0x3a: {  	_ = 	snop  }
0x3b: {  	_ = 	snop  }
0x3c: {  	p2 =	seq.s32 s10, $0x1;
	s10 =	sld [smem:$0x3FAB]  }
0x3d: {  	_ =	shalt  }
0x3e: {  	_ =	shalt  }
0x3f: {  	_ =	shalt  }
0x40: {  	_ =	shalt  }
0x41: {  	_ =	shalt  }
0x42: {  	_ =	shalt  }
0x43: {  	_ =	shalt  }
0x44: {  	_ =	shalt  }
0x45: {  	_ =	shalt  }
0x46: {  	_ =	shalt  }
0x47: {  	_ =	shalt  }
0x48: {  	_ =	shalt  }
0x49: {  	_ =	shalt  }
0x4a: {  	_ =	shalt  }
0x4b: {  	_ =	shalt  }
0x4c: {  	_ =	shalt  }
0x4d: {  	_ =	shalt  }
0x4e: {  	_ =	shalt  }
0x4f: {  	_ =	shalt  }
0x50: {  	_ =	shalt  }
0x51: {  	_ =	shalt  }
0x52: {  	_ =	shalt  }
0x53: {  	_ =	shalt  }
0x54: {  	_ =	shalt  }
0x55: {  	_ =	shalt  }
0x56: {  	_ =	shalt  }
0x57: {  	_ =	shalt  }
0x58: {  	_ =	shalt  }
0x59: {  	_ =	shalt  }
0x5a: {  	_ =	shalt  }
0x5b: {  	_ =	shalt  }
0x5c: {  	_ =	shalt  }
0x5d: {  	_ =	shalt  }
0x5e: {  	_ =	shalt  }
0x5f: {  	_ =	shalt  }
0x60: {  	_ =	shalt  }
0x61: {  	_ =	shalt  }
0x62: {  	_ =	shalt  }
0x63: {  	_ =	shalt  }
0x64: {  	_ =	shalt  }
0x65: {  	_ =	shalt  }
0x66: {  	_ =	shalt  }
0x67: {  	_ =	shalt  }
0x68: {  	_ =	shalt  }
0x69: {  	_ =	shalt  }
0x6a: {  	_ =	shalt  }
0x6b: {  	_ =	shalt  }
0x6c: {  	_ =	shalt  }
0x6d: {  	_ =	shalt  }
0x6e: {  	_ =	shalt  }
0x6f: {  	_ =	shalt  }
0x70: {  	_ =	shalt  }
0x71: {  	_ =	shalt  }
0x72: {  	_ =	shalt  }
0x73: {  	_ =	shalt  }
0x74: {  	_ =	shalt  }
0x75: {  	_ =	shalt  }
0x76: {  	_ =	shalt  }
0x77: {  	_ =	shalt  }
0x78: {  	_ =	shalt  }
0x79: {  	_ =	shalt  }
0x7a: {  	_ =	shalt  }
0x7b: {  	_ =	shalt  }
0x7c: {  	_ =	shalt  }
0x7d: {  	_ =	shalt  }
0x7e: {  	_ =	shalt  }
0x7f: {  	_ =	shalt  }
0x80: {  	_ =	shalt  }
0x81: {  	_ =	shalt  }
0x82: {  	_ =	shalt  }
0x83: {  	_ =	shalt  }
0x84: {  	_ =	shalt  }
0x85: {  	_ =	shalt  }
0x86: {  	_ =	shalt  }
0x87: {  	_ =	shalt  }
.Lfunc_end0:
.L_simem_size_0:
called_computation.3_lowered:
.L_overlay_start_0:
0x88: {  	s2 =	sld [smem:$0x3FD9]  }
0x89: {  	s3 =	sld [smem:$0x3FFE];
	_ =	sdelay $0x1  }
0x8a: {  	s1 =	srdreg.scid  }
0x8b: {  	s0 =	sand.u32 $0x1, s1  }
0x8c: {  	s17 =	sshll.u32 s0, $0xA;
	s2 =	sadd.s32 s3, s2  }
0x8d: {  	s2 =	sadd.s32 s2, s17  }
0x8e: {  	[smem:$0x3FB7] =	sst s2  }
0x8f: {  	_ = 	snop  }
0x90: {  	s2 =	sld [smem:$0x3FD0];
	(tm) =	ssettm $0x1  }
0x91: {  	s18 =	sld [smem:$0x3FFB];
	_ =	sdelay $0x3  }
0x92: {  	_ =	strace s18  }
0x93: {  	s3 =	sld [smem:$0x3FFC];
	_ =	sdelay $0x3  }
0x94: {  	_ =	strace s3  }
0x95: {  	s3 =	sld [smem:$0x3FFD];
	_ =	sdelay $0x3  }
0x96: {  	_ =	strace s3  }
0x97: {  	_ =	strace $0x8FFFFFFF  }
0x98: {  	s19 =	sld [smem:$0x3FDB];
	_ =	sdelay $0x1  }
0x99: {  	s4 =	simm.s32 $_scs_section_size  }
0x9a: {  	s5 =	simm.s32 $_size__tile_overlayer_lowered;
	s6 =	simm.s32 $_tile_overlayer_lowered  }
0x9b: {  	s22 =	simm.s32 $0x1BFF;
	s21 =	sshll.u32 s6, $0x1;
	s3 =	sadd.s32 s4, s19  }
0x9c: {  	s7 =	simm.s32 $0x0;
	s20 =	sshll.u32 s5, $0x1;
	s5 =	sadd.s32 s21, s3  }
0x9d: {  	[timem:s7], [sflag:s22] =	dma.local [hbm:s5], s20  }
0x9e: {  	_ =	swait.ge [sflag:s22], s20  }
0x9f: {  	s4 =	ssub.s32 $0x0, s20;
	[sflag:s22] =	ssyncset.done $0x0  }
0xa0: {  	[sflag:s22] =	ssyncadd.s32 s4;
	_ =	sdelay $0x1  }
0xa1: {  	s23 =	simm.s32 $0x1B8B  }
0xa2: {  	_ =	swait.ge [sflag:s23], $0x1  }
0xa3: {  	[sflag:s23] =	ssyncset.done $0x0  }
0xa4: {  	s25 =	simm.s32 $0x1B8E;
	s24 =	sld [smem:$0x3FFE];
	[sflag:s23] =	ssyncadd.s32 $0xFFFFFFFF  }
0xa5: {  	s26 =	simm.s32 $execute0_lowered;
	[smem:$0x3FD2] =	sst s25  }
0xa6: {  	s5 =	sshll.u32 s26, $0x1;
	_ =	strace $0x8000004F;
	[dreg:$0x1] =	wrdreg $0xFFFFFFFF  }
0xa7: {  	s28 =	simm.s32 $_size_execute0_lowered;
	s3 =	sadd.s32 s3, s5;
	[dreg:$0x0] =	wrdreg $0x0  }
0xa8: {  	s5 =	sshll.u32 s28, $0x1;
	[dreg:$0x2] =	wrdreg s3  }
0xa9: {  	[dreg:$0x3] =	wrdreg s5  }
0xaa: {  	[dreg:$0x4] =	wrdreg $0xC0  }
0xab: {  	_ =	task [dreg:s7], $0x5FFFF  }
0xac: {  	[dreg:$0x1] =	wrdreg $0xFFFFFFFF  }
0xad: {  	[dreg:$0x0] =	wrdreg $0x60  }
0xae: {  	[dreg:$0x2] =	wrdreg s2  }
0xaf: {  	[dreg:$0x3] =	wrdreg s24  }
0xb0: {  	[dreg:$0x4] =	wrdreg $0x0  }
0xb1: {  	[dreg:$0x5] =	wrdreg $0x9  }
0xb2: {  	_ =	task.clear_ibuf [dreg:s7], $0x6FFFF;
	_ =	strace $0x9000004F  }
0xb3: {  	s29 =	simm.s32 $0x9;
	_ =	strace $0x80000051  }
0xb4: {  	_ =	swait.ge [sflag:s29], $0x1  }
0xb5: {  	[sflag:s29] =	ssyncadd.s32 $0xFFFFFFFF  }
0xb6: {  	_ =	strace $0x90000051  }
0xb7: {  	_ =	sfence  }
0xb8: {  	s30 =	sld [smem:$0x0];
	_ =	sdelay $0x2  }
0xb9: {  	s31 =	sshll.u32 s1, $0xD;
	s1 =	sshrl.u32 s1, $0x2  }
0xba: {  	s3 =	sand.u32 $0x4000, s31;
	s1 =	sadd.s32 s1, s30  }
0xbb: {  	s0 =	sor.u32 s3, s0;
	s1 =	sshll.u32 s1, $0x11  }
0xbc: {  	s0 =	sor.u32 s1, s0  }
0xbd: {  	s0 =	sadd.s32 $0x8F2B, s0  }
0xbe: {  	[sflag:s0] =	ssyncadd.remote.s32 $0x1  }
0xbf: {  	_ =	sfence.sel $0xFFFF  }
0xc0: {  	[dreg:$0x0] =	wrdreg $0xFFFFFFFF;
	(pc) =	sbr.abs _section_cstart, $3  }
0xc1: {  	[dreg:$0x1] =	wrdreg $0xFFFFFFFF  }
0xc2: {  	_ =	task.clear_ibuf [dreg:s7], $0x2FFFF;
	_ =	strace $0x9FFFFFFF  }
0xc3: {  	(tm) =	ssettm $0x7FFFFFFF  }
tec
execute0_lowered:
.L_overlay_start_1:
0x0: {  	(tag) =	ssettag $0x1  }
0x1: {  	s1 =	rddreg [dreg:$0x0]  }
0x2: {  	s0 =	rddreg [dreg:$0x1]  }
0x3: {  	s2 =	rddreg [dreg:$0x2];
	s12 =	stileid.u32  }
0x4: {  	s3 =	srdreg.scid;
	s4 =	simm.s32 $0x0;
	s10 =	smul.u32 $0x50000, s12  }
0x5: {  	s3 =	sand.u32 $0x1, s3;
	[smem:$0x7FF] =	sst s4;
	s9 =	smul.u32 $0x14000, s12  }
0x6: {  	s5 =	sadd.s32 $0x6C800, s0;
	s8 =	smul.u32 $0x140000, s3;
	s10 =	sshrl.u32 s10, $0x2  }
0x7: {  	s26 =	ssub.s32 $0x2, s3;
	s3 =	sshll.u32 s3, $0x4;
	s10 =	sadd.s32 s10, s2  }
0x8: {  	s6 =	sadd.s32 $0xF64800, s0;
	s3 =	sor.u32 s12, s3;
	s12 =	sadd.s32 $0x1000, s10  }
0x9: {  	_ =	strace $0x80000050;
	s13 =	sadd.s32 $0x2000, s10;
	[dreg:$0x4] =	wrdreg s12  }
0xa: {  	s7 =	sadd.s32 $0x14600, s0;
	s14 =	sadd.s32 $0x3000, s10;
	[dreg:$0x5] =	wrdreg s13  }
0xb: {  	s11 =	sshrl.u32 s26, $0x1;
	s15 =	sadd.s32 $0x4000, s10;
	[dreg:$0x6] =	wrdreg s14  }
0xc: {  	s9 =	sadd.s32 s9, s8;
	s16 =	sadd.s32 $0x5000, s10;
	[dreg:$0x7] =	wrdreg s15  }
0xd: {  	s8 =	sadd.s32 $0xA800, s0;
	s17 =	sadd.s32 $0x6000, s10;
	[dreg:$0x8] =	wrdreg s16  }
0xe: {  	s11 =	ssub.s32 s26, s11;
	s18 =	sadd.s32 $0x7000, s10;
	[dreg:$0x9] =	wrdreg s17  }
0xf: {  	s9 =	sshrl.u32 s9, $0x3;
	s19 =	sadd.s32 $0x8000, s10;
	[dreg:$0xa] =	wrdreg s18  }
0x10: {  	s20 =	sadd.s32 $0x9000, s10;
	s21 =	sadd.s32 $0xA000, s10;
	[dreg:$0xb] =	wrdreg s19  }
0x11: {  	s22 =	sadd.s32 $0xB000, s10;
	s23 =	sadd.s32 $0xC000, s10;
	[dreg:$0xc] =	wrdreg s20  }
0x12: {  	s24 =	sadd.s32 $0xD000, s10;
	s25 =	smax.u32 s11, $0x1;
	[dreg:$0xd] =	wrdreg s21  }
0x13: {  	s26 =	sadd.s32 $0xE000, s10;
	s28 =	sadd.s32 $0xF000, s10;
	[dreg:$0xe] =	wrdreg s22  }
0x14: {  	s29 =	sadd.s32 $0x10000, s10;
	s30 =	sadd.s32 $0x11000, s10;
	[dreg:$0xf] =	wrdreg s23  }
0x15: {  	s31 =	sadd.s32 $0x12000, s10;
	s11 =	simm.s32 $0x4;
	[dreg:$0x10] =	wrdreg s24  }
0x16: {  	s0 =	sadd.s32 s9, s0;
	s9 =	smul.u32 $0x2710, s3;
	[dreg:$0x12] =	wrdreg s25  }
0x17: {  	[dreg:$0x13] =	wrdreg s26;
	s3 =	simm.s32 $0x1E100;
	s12 =	simm.s32 $0x14000  }
0x18: {  	s13 =	simm.s32 $0x50;
	s14 =	simm.s32 $0x14100;
	s15 =	simm.s32 $0x14080  }
0x19: {  	s16 =	simm.s32 $0x16900;
	s17 =	simm.s32 $0x19100;
	s18 =	simm.s32 $0x1  }
0x1a: {  	s19 =	simm.s32 $0x2;
	s20 =	simm.s32 $0x1B900;
	s0 =	sadd.s32 $0xC3800, s0  }
0x1b: {  	v0 =	vimm.f32 $0.0e+00;
	s21 =	simm.s32 $0x3;
	[dreg:$0x11] =	wrdreg s0;
	s0 =	sadd.s32 $0x13000, s10  }
.LBB2_1:
0x1c: {  	s22 =	simm.s32 $0x0;
	s23 =	simm.s32 $0x200  }
.LBB2_2:
0x1d: {  	p0 =	sne.s32 s23, $0x3E00;
	[tilespmem:s22+$0x1E170] =	vst v0  }
0x1e: {  	[tilespmem:s22+$0x1E100] =	vst v0  }
0x1f: {  	[tilespmem:s22+$0x1E110] =	vst v0  }
.Ltmp0:
0x20: {  	[tilespmem:s22+$0x1E120] =	vst v0;
	(pc) =	sbr.rel @p0 .LBB2_2-.Ltmp0, $4  }
0x21: {  	[tilespmem:s22+$0x1E130] =	vst v0  }
0x22: {  	[tilespmem:s22+$0x1E140] =	vst v0  }
0x23: {  	[tilespmem:s22+$0x1E150] =	vst v0  }
0x24: {  	[tilespmem:s22+$0x1E160] =	vst v0;
	s22 =	sshra.s32 s23, $0x2;
	s23 =	sadd.s32 $0x200, s23  }
0x25: {  	[tilespmem:s22+$0x1E170] =	vst v0  }
0x26: {  	[tilespmem:s22+$0x1E100] =	vst v0  }
0x27: {  	[tilespmem:s22+$0x1E110] =	vst v0  }
0x28: {  	[tilespmem:s22+$0x1E120] =	vst v0  }
0x29: {  	[tilespmem:s22+$0x1E130] =	vst v0  }
0x2a: {  	[tilespmem:s22+$0x1E140] =	vst v0  }
0x2b: {  	[tilespmem:s22+$0x1E150] =	vst v0  }
0x2c: {  	[tilespmem:s22+$0x1E160] =	vst v0  }
0x2d: {  	[spmem:s10] =	stream.linear.scatter [tilespmem:s3], [sflag:$0x4], $0x1000, $0x38;
	[tilespmem:$0x1F100] =	vst v63  }
0x2e: {  	_ =	swait.ge [sflag:s11], $0x1000  }
0x2f: {  	[sflag:s11] =	ssyncset.done $0x0  }
0x30: {  	s25 =	rddreg [dreg:$0x4];
	[sflag:s11] =	ssyncadd.s32 $0xFFFFF000  }
0x31: {  	[spmem:s25] =	stream.linear.scatter [tilespmem:s3], [sflag:$0x4], $0x1000, $0x38;
	[tilespmem:$0x1F100] =	vst v63  }
0x32: {  	_ =	swait.ge [sflag:s11], $0x1000  }
0x33: {  	[sflag:s11] =	ssyncset.done $0x0  }
0x34: {  	s26 =	rddreg [dreg:$0x5];
	[sflag:s11] =	ssyncadd.s32 $0xFFFFF000  }
0x35: {  	[spmem:s26] =	stream.linear.scatter [tilespmem:s3], [sflag:$0x4], $0x1000, $0x38;
	[tilespmem:$0x1F100] =	vst v63  }
0x36: {  	_ =	swait.ge [sflag:s11], $0x1000  }
0x37: {  	[sflag:s11] =	ssyncset.done $0x0  }
0x38: {  	s23 =	rddreg [dreg:$0x6];
	[sflag:s11] =	ssyncadd.s32 $0xFFFFF000  }
0x39: {  	[spmem:s23] =	stream.linear.scatter [tilespmem:s3], [sflag:$0x4], $0x1000, $0x38;
	[tilespmem:$0x1F100] =	vst v63  }
0x3a: {  	_ =	swait.ge [sflag:s11], $0x1000  }
0x3b: {  	[sflag:s11] =	ssyncset.done $0x0  }
0x3c: {  	s24 =	rddreg [dreg:$0x7];
	[sflag:s11] =	ssyncadd.s32 $0xFFFFF000  }
0x3d: {  	[spmem:s24] =	stream.linear.scatter [tilespmem:s3], [sflag:$0x4], $0x1000, $0x38;
	[tilespmem:$0x1F100] =	vst v63  }
0x3e: {  	_ =	swait.ge [sflag:s11], $0x1000  }
0x3f: {  	[sflag:s11] =	ssyncset.done $0x0  }
0x40: {  	s25 =	rddreg [dreg:$0x8];
	[sflag:s11] =	ssyncadd.s32 $0xFFFFF000  }
0x41: {  	[spmem:s25] =	stream.linear.scatter [tilespmem:s3], [sflag:$0x4], $0x1000, $0x38;
	[tilespmem:$0x1F100] =	vst v63  }
0x42: {  	_ =	swait.ge [sflag:s11], $0x1000  }
0x43: {  	[sflag:s11] =	ssyncset.done $0x0  }
0x44: {  	s26 =	rddreg [dreg:$0x9];
	[sflag:s11] =	ssyncadd.s32 $0xFFFFF000  }
0x45: {  	[spmem:s26] =	stream.linear.scatter [tilespmem:s3], [sflag:$0x4], $0x1000, $0x38;
	[tilespmem:$0x1F100] =	vst v63  }
0x46: {  	_ =	swait.ge [sflag:s11], $0x1000  }
0x47: {  	[sflag:s11] =	ssyncset.done $0x0  }
0x48: {  	s23 =	rddreg [dreg:$0xa];
	[sflag:s11] =	ssyncadd.s32 $0xFFFFF000  }
0x49: {  	[spmem:s23] =	stream.linear.scatter [tilespmem:s3], [sflag:$0x4], $0x1000, $0x38;
	[tilespmem:$0x1F100] =	vst v63  }
0x4a: {  	_ =	swait.ge [sflag:s11], $0x1000  }
0x4b: {  	[sflag:s11] =	ssyncset.done $0x0  }
0x4c: {  	s24 =	rddreg [dreg:$0xb];
	[sflag:s11] =	ssyncadd.s32 $0xFFFFF000  }
0x4d: {  	[spmem:s24] =	stream.linear.scatter [tilespmem:s3], [sflag:$0x4], $0x1000, $0x38;
	[tilespmem:$0x1F100] =	vst v63  }
0x4e: {  	_ =	swait.ge [sflag:s11], $0x1000  }
0x4f: {  	[sflag:s11] =	ssyncset.done $0x0  }
0x50: {  	s25 =	rddreg [dreg:$0xc];
	[sflag:s11] =	ssyncadd.s32 $0xFFFFF000  }
0x51: {  	[spmem:s25] =	stream.linear.scatter [tilespmem:s3], [sflag:$0x4], $0x1000, $0x38;
	[tilespmem:$0x1F100] =	vst v63  }
0x52: {  	_ =	swait.ge [sflag:s11], $0x1000  }
0x53: {  	[sflag:s11] =	ssyncset.done $0x0  }
0x54: {  	s26 =	rddreg [dreg:$0xd];
	[sflag:s11] =	ssyncadd.s32 $0xFFFFF000  }
0x55: {  	[spmem:s26] =	stream.linear.scatter [tilespmem:s3], [sflag:$0x4], $0x1000, $0x38;
	[tilespmem:$0x1F100] =	vst v63  }
0x56: {  	_ =	swait.ge [sflag:s11], $0x1000  }
0x57: {  	[sflag:s11] =	ssyncset.done $0x0  }
0x58: {  	s23 =	rddreg [dreg:$0xe];
	[sflag:s11] =	ssyncadd.s32 $0xFFFFF000  }
0x59: {  	[spmem:s23] =	stream.linear.scatter [tilespmem:s3], [sflag:$0x4], $0x1000, $0x38;
	[tilespmem:$0x1F100] =	vst v63  }
0x5a: {  	_ =	swait.ge [sflag:s11], $0x1000  }
0x5b: {  	[sflag:s11] =	ssyncset.done $0x0  }
0x5c: {  	s24 =	rddreg [dreg:$0xf];
	[sflag:s11] =	ssyncadd.s32 $0xFFFFF000  }
0x5d: {  	[spmem:s24] =	stream.linear.scatter [tilespmem:s3], [sflag:$0x4], $0x1000, $0x38;
	[tilespmem:$0x1F100] =	vst v63  }
0x5e: {  	_ =	swait.ge [sflag:s11], $0x1000  }
0x5f: {  	[sflag:s11] =	ssyncset.done $0x0  }
0x60: {  	s25 =	rddreg [dreg:$0x10];
	[sflag:s11] =	ssyncadd.s32 $0xFFFFF000  }
0x61: {  	[spmem:s25] =	stream.linear.scatter [tilespmem:s3], [sflag:$0x4], $0x1000, $0x38;
	[tilespmem:$0x1F100] =	vst v63  }
0x62: {  	_ =	swait.ge [sflag:s11], $0x1000  }
0x63: {  	[sflag:s11] =	ssyncset.done $0x0  }
0x64: {  	s26 =	rddreg [dreg:$0x13];
	[sflag:s11] =	ssyncadd.s32 $0xFFFFF000  }
0x65: {  	[spmem:s26] =	stream.linear.scatter [tilespmem:s3], [sflag:$0x4], $0x1000, $0x38;
	[tilespmem:$0x1F100] =	vst v63  }
0x66: {  	_ =	swait.ge [sflag:s11], $0x1000  }
0x67: {  	[sflag:s11] =	ssyncset.done $0x0  }
0x68: {  	[sflag:s11] =	ssyncadd.s32 $0xFFFFF000  }
0x69: {  	[spmem:s28] =	stream.linear.scatter [tilespmem:s3], [sflag:$0x4], $0x1000, $0x38;
	[tilespmem:$0x1F100] =	vst v63  }
0x6a: {  	_ =	swait.ge [sflag:s11], $0x1000  }
0x6b: {  	[sflag:s11] =	ssyncset.done $0x0  }
0x6c: {  	[sflag:s11] =	ssyncadd.s32 $0xFFFFF000  }
0x6d: {  	[spmem:s29] =	stream.linear.scatter [tilespmem:s3], [sflag:$0x4], $0x1000, $0x38;
	[tilespmem:$0x1F100] =	vst v63  }
0x6e: {  	_ =	swait.ge [sflag:s11], $0x1000  }
0x6f: {  	[sflag:s11] =	ssyncset.done $0x0  }
0x70: {  	[sflag:s11] =	ssyncadd.s32 $0xFFFFF000  }
0x71: {  	[spmem:s30] =	stream.linear.scatter [tilespmem:s3], [sflag:$0x4], $0x1000, $0x38;
	[tilespmem:$0x1F100] =	vst v63  }
0x72: {  	_ =	swait.ge [sflag:s11], $0x1000  }
0x73: {  	[sflag:s11] =	ssyncset.done $0x0  }
0x74: {  	[sflag:s11] =	ssyncadd.s32 $0xFFFFF000  }
0x75: {  	[spmem:s31] =	stream.linear.scatter [tilespmem:s3], [sflag:$0x4], $0x1000, $0x38;
	[tilespmem:$0x1F100] =	vst v63  }
0x76: {  	_ =	swait.ge [sflag:s11], $0x1000  }
0x77: {  	[sflag:s11] =	ssyncset.done $0x0  }
0x78: {  	[sflag:s11] =	ssyncadd.s32 $0xFFFFF000  }
0x79: {  	[spmem:s0] =	stream.linear.scatter [tilespmem:s3], [sflag:$0x4], $0x1000, $0x38;
	[tilespmem:$0x1F100] =	vst v63  }
0x7a: {  	_ =	swait.ge [sflag:s11], $0x1000  }
0x7b: {  	[sflag:s11] =	ssyncset.done $0x0  }
0x7c: {  	[sflag:s11] =	ssyncadd.s32 $0xFFFFF000  }
0x7d: {  	s22 =	simm.s32 $0x0;
	s23 =	simm.s32 $0x0;
	[bflag:$0x0] =	sbarrier.arrive $0xFFFF  }
.LBB2_4:
0x7e: {  	s24 =	smul.u32 $0x50, s23;
	_ =	sdelay $0x1  }
0x7f: {  	s24 =	sadd.s32 s9, s24  }
0x80: {  	s25 =	sshrl.u32 s24, $0x3  }
0x81: {  	s26 =	sadd.s32 s8, s25  }
0x82: {  	[tilespmem:s12], [sflag:$0x4] =	stream.linear.gather [hbm4b:s26+s22], $0x50, $0x38;
	[tilespmem:$0x1F100] =	vst v63  }
0x83: {  	_ =	swait.ge [sflag:s11], $0x50  }
0x84: {  	[sflag:s11] =	ssyncset.done $0x0  }
0x85: {  	[sflag:s11] =	ssyncadd.s32 $0xFFFFFFB0  }
0x86: {  	[tilespmem:s14], [sflag:$0x1] =	stream.indirect.gather [hbm4b:s1+s13], $0x80, s12, s13, $0xb8;
	[tilespmem:$0x1F100] =	vst v63  }
0x87: {  	s25 =	sadd.s32 s7, s25  }
0x88: {  	[tilespmem:s15], [sflag:$0x4] =	stream.linear.gather [hbm4b:s25+s22], $0x50, $0x38;
	[tilespmem:$0x1F100] =	vst v63  }
0x89: {  	_ =	swait.ge [sflag:s11], $0x50  }
0x8a: {  	[sflag:s11] =	ssyncset.done $0x0  }
0x8b: {  	s24 =	sshll.u32 s24, $0x4;
	[sflag:s11] =	ssyncadd.s32 $0xFFFFFFB0  }
0x8c: {  	[tilespmem:s16], [sflag:$0x2] =	stream.indirect.gather [hbm4b:s5+s13], $0x80, s15, s13, $0xb8;
	[tilespmem:$0x1F100] =	vst v63  }
0x8d: {  	s24 =	sadd.s32 s6, s24  }
0x8e: {  	[tilespmem:s17], [sflag:$0x4] =	stream.linear.gather [hbm4b:s24+s22], $0x2800, $0x38;
	[tilespmem:$0x1F100] =	vst v63  }
0x8f: {  	_ =	swait.ge [sflag:s11], $0x2800  }
0x90: {  	[sflag:s11] =	ssyncset.done $0x0  }
0x91: {  	[sflag:s11] =	ssyncadd.s32 $0xFFFFD800  }
0x92: {  	_ =	swait.ge [sflag:s18], $0x2800  }
0x93: {  	[sflag:s18] =	ssyncset.done $0x0  }
0x94: {  	[sflag:s18] =	ssyncadd.s32 $0xFFFFD800  }
0x95: {  	_ =	swait.ge [sflag:s19], $0x2800  }
0x96: {  	[sflag:s19] =	ssyncset.done $0x0  }
0x97: {  	s24 =	simm.s32 $0x0;
	[sflag:s19] =	ssyncadd.s32 $0xFFFFD800  }
0x98: {  	v1 =	vld [tilespmem:s24+$0x14170]  }
0x99: {  	v2 =	vld [tilespmem:s24+$0x16970]  }
0x9a: {  	v3 =	vld [tilespmem:s24+$0x14100]  }
0x9b: {  	v4 =	vld [tilespmem:s24+$0x19170]  }
0x9c: {  	v5 =	vld [tilespmem:s24+$0x16900]  }
0x9d: {  	v6 =	vld [tilespmem:s24+$0x14110]  }
0x9e: {  	v7 =	vld [tilespmem:s24+$0x16910]  }
0x9f: {  	v8 =	vld [tilespmem:s24+$0x16920]  }
0xa0: {  	v10 =	vld [tilespmem:s24+$0x16930]  }
0xa1: {  	v11 =	vld [tilespmem:s24+$0x14140]  }
0xa2: {  	v12 =	vld [tilespmem:s24+$0x14150]  }
0xa3: {  	v13 =	vld [tilespmem:s24+$0x16950]  }
0xa4: {  	v14 =	vld [tilespmem:s24+$0x14160];
	v1 =	vadd.f32 v2, v1  }
0xa5: {  	v15 =	vld [tilespmem:s24+$0x16960]  }
0xa6: {  	v16 =	vld [tilespmem:s24+$0x19100];
	v1 =	vadd.f32 v4, v1  }
0xa7: {  	v2 =	vld [tilespmem:s24+$0x14120]  }
0xa8: {  	v4 =	vld [tilespmem:s24+$0x14130];
	v1 =	vmax.f32 v1, $0.0e+00  }
0xa9: {  	[tilespmem:s24+$0x1B970] =	vst v1;
	v1 =	vld [tilespmem:s24+$0x16940]  }
0xaa: {  	v17 =	vld [tilespmem:s24+$0x19110]  }
0xab: {  	v18 =	vld [tilespmem:s24+$0x19120]  }
0xac: {  	v9 =	vld [tilespmem:s24+$0x19130];
	v3 =	vadd.f32 v5, v3;
	v19 =	vadd.f32 v7, v6  }
0xad: {  	v20 =	vadd.f32 v8, v2;
	v8 =	vld [tilespmem:s24+$0x19140];
	v5 =	vadd.f32 v10, v4  }
0xae: {  	v7 =	vld [tilespmem:s24+$0x19150];
	v4 =	vadd.f32 v1, v11;
	v11 =	vadd.f32 v16, v3  }
0xaf: {  	s25 =	simm.s32 $0x80;
	v6 =	vld [tilespmem:s24+$0x19160];
	v10 =	vadd.f32 v17, v19;
	v3 =	vadd.f32 v13, v12  }
0xb0: {  	s26 =	simm.s32 $0x400;
	v2 =	vld [tilespmem:s25+$0x14170];
	v1 =	vadd.f32 v15, v14;
	v12 =	vmax.f32 v11, $0.0e+00;
	v11 =	vadd.f32 v18, v20  }
.LBB2_5:
0xb1: {  	p0 =	sne.s32 s26, $0x9E00;
	v13 =	vld [tilespmem:s25+$0x16970];
	[tilespmem:s24+$0x1B900] =	vst v12;
	v10 =	vmax.f32 v10, $0.0e+00;
	v5 =	vadd.f32 v9, v5  }
0xb2: {  	v9 =	vld [tilespmem:s25+$0x14100];
	[tilespmem:s24+$0x1B910] =	vst v10;
	v10 =	vmax.f32 v11, $0.0e+00;
	v4 =	vadd.f32 v8, v4  }
0xb3: {  	v8 =	vld [tilespmem:s25+$0x19170];
	[tilespmem:s24+$0x1B920] =	vst v10;
	v5 =	vmax.f32 v5, $0.0e+00;
	v3 =	vadd.f32 v7, v3  }
0xb4: {  	v7 =	vld [tilespmem:s25+$0x16900];
	[tilespmem:s24+$0x1B930] =	vst v5;
	v4 =	vmax.f32 v4, $0.0e+00;
	v1 =	vadd.f32 v6, v1  }
0xb5: {  	v5 =	vld [tilespmem:s25+$0x14110];
	[tilespmem:s24+$0x1B940] =	vst v4;
	v3 =	vmax.f32 v3, $0.0e+00  }
0xb6: {  	v4 =	vld [tilespmem:s25+$0x16910];
	v2 =	vadd.f32 v13, v2;
	[tilespmem:s24+$0x1B950] =	vst v3;
	v1 =	vmax.f32 v1, $0.0e+00  }
0xb7: {  	v3 =	vld [tilespmem:s25+$0x14120];
	[tilespmem:s24+$0x1B960] =	vst v1;
	s24 =	smov.u32 s25  }
0xb8: {  	v1 =	vld [tilespmem:s24+$0x16920];
	v2 =	vadd.f32 v8, v2  }
0xb9: {  	v6 =	vadd.f32 v7, v9;
	v7 =	vld [tilespmem:s24+$0x14130]  }
0xba: {  	v8 =	vld [tilespmem:s24+$0x16930];
	v2 =	vmax.f32 v2, $0.0e+00  }
0xbb: {  	v10 =	vadd.f32 v4, v5;
	v4 =	vld [tilespmem:s24+$0x14140];
	[tilespmem:s24+$0x1B970] =	vst v2  }
0xbc: {  	v2 =	vld [tilespmem:s24+$0x16940]  }
0xbd: {  	v11 =	vadd.f32 v1, v3;
	v1 =	vld [tilespmem:s24+$0x14150]  }
0xbe: {  	v3 =	vld [tilespmem:s24+$0x16950]  }
0xbf: {  	v5 =	vadd.f32 v8, v7;
	v7 =	vld [tilespmem:s24+$0x14160]  }
0xc0: {  	v12 =	vld [tilespmem:s24+$0x16960]  }
0xc1: {  	v13 =	vld [tilespmem:s24+$0x19100];
	v4 =	vadd.f32 v2, v4  }
0xc2: {  	v2 =	vld [tilespmem:s24+$0x19110]  }
0xc3: {  	v14 =	vld [tilespmem:s24+$0x19120];
	v3 =	vadd.f32 v3, v1  }
.Ltmp1:
0xc4: {  	v9 =	vld [tilespmem:s24+$0x19130];
	(pc) =	sbr.rel @p0 .LBB2_5-.Ltmp1, $4  }
0xc5: {  	v8 =	vld [tilespmem:s24+$0x19140];
	v1 =	vadd.f32 v12, v7  }
0xc6: {  	v12 =	vadd.f32 v13, v6;
	v7 =	vld [tilespmem:s24+$0x19150]  }
0xc7: {  	s25 =	sshra.s32 s26, $0x2;
	v10 =	vadd.f32 v2, v10;
	v6 =	vld [tilespmem:s24+$0x19160]  }
0xc8: {  	s26 =	sadd.s32 $0x200, s26;
	v2 =	vld [tilespmem:s25+$0x14170];
	v12 =	vmax.f32 v12, $0.0e+00;
	v11 =	vadd.f32 v14, v11  }
0xc9: {  	v13 =	vld [tilespmem:s25+$0x16970];
	[tilespmem:s24+$0x1B900] =	vst v12;
	v10 =	vmax.f32 v10, $0.0e+00;
	v5 =	vadd.f32 v9, v5  }
0xca: {  	v12 =	vld [tilespmem:s25+$0x14100];
	[tilespmem:s24+$0x1B910] =	vst v10;
	v50 =	vmax.f32 v11, $0.0e+00;
	v4 =	vadd.f32 v8, v4  }
0xcb: {  	v10 =	vld [tilespmem:s25+$0x19170];
	[tilespmem:s24+$0x1B920] =	vst v50;
	v5 =	vmax.f32 v5, $0.0e+00;
	v3 =	vadd.f32 v7, v3  }
0xcc: {  	v51 =	vld [tilespmem:s25+$0x16900];
	[tilespmem:s24+$0x1B930] =	vst v5;
	v4 =	vmax.f32 v4, $0.0e+00;
	v1 =	vadd.f32 v6, v1  }
0xcd: {  	v5 =	vld [tilespmem:s25+$0x14110];
	[tilespmem:s24+$0x1B940] =	vst v4;
	v3 =	vmax.f32 v3, $0.0e+00  }
0xce: {  	v4 =	vld [tilespmem:s25+$0x16910];
	[tilespmem:s24+$0x1B950] =	vst v3;
	v1 =	vmax.f32 v1, $0.0e+00  }
0xcf: {  	v3 =	vld [tilespmem:s25+$0x14120];
	[tilespmem:s24+$0x1B960] =	vst v1  }
0xd0: {  	v1 =	vld [tilespmem:s25+$0x16920]  }
0xd1: {  	v52 =	vld [tilespmem:s25+$0x14130]  }
0xd2: {  	v53 =	vld [tilespmem:s25+$0x16930]  }
0xd3: {  	v9 =	vld [tilespmem:s25+$0x14140]  }
0xd4: {  	v54 =	vld [tilespmem:s25+$0x14150]  }
0xd5: {  	v55 =	vld [tilespmem:s25+$0x16950]  }
0xd6: {  	v2 =	vadd.f32 v13, v2;
	v56 =	vld [tilespmem:s25+$0x14160]  }
0xd7: {  	v14 =	vld [tilespmem:s25+$0x16960]  }
0xd8: {  	v2 =	vadd.f32 v10, v2;
	v15 =	vld [tilespmem:s25+$0x19100]  }
0xd9: {  	v16 =	vld [tilespmem:s25+$0x19110]  }
0xda: {  	v17 =	vld [tilespmem:s25+$0x19120];
	v2 =	vmax.f32 v2, $0.0e+00  }
0xdb: {  	[tilespmem:s25+$0x1B970] =	vst v2;
	v2 =	vld [tilespmem:s25+$0x16940]  }
0xdc: {  	v57 =	vld [tilespmem:s25+$0x19130];
	v8 =	vadd.f32 v51, v12  }
0xdd: {  	v58 =	vld [tilespmem:s25+$0x19140];
	v4 =	vadd.f32 v4, v5  }
0xde: {  	v59 =	vld [tilespmem:s25+$0x19150];
	v1 =	vadd.f32 v1, v3;
	v3 =	vadd.f32 v15, v8  }
0xdf: {  	v60 =	vld [tilespmem:s25+$0x19160];
	v6 =	vadd.f32 v53, v52;
	v4 =	vadd.f32 v16, v4  }
0xe0: {  	v1 =	vadd.f32 v17, v1;
	v3 =	vmax.f32 v3, $0.0e+00;
	v2 =	vadd.f32 v2, v9  }
0xe1: {  	v61 =	vadd.f32 v55, v54;
	v62 =	vadd.f32 v57, v6;
	[tilespmem:s25+$0x1B900] =	vst v3;
	v3 =	vmax.f32 v4, $0.0e+00  }
0xe2: {  	v63 =	vadd.f32 v14, v56;
	[tilespmem:s25+$0x1B910] =	vst v3;
	v1 =	vmax.f32 v1, $0.0e+00;
	v2 =	vadd.f32 v58, v2  }
0xe3: {  	v3 =	vadd.f32 v59, v61;
	[tilespmem:s25+$0x1B920] =	vst v1;
	v1 =	vmax.f32 v62, $0.0e+00  }
0xe4: {  	[tilespmem:s25+$0x1B930] =	vst v1;
	v1 =	vmax.f32 v2, $0.0e+00;
	v2 =	vadd.f32 v60, v63  }
0xe5: {  	s23 =	sadd.s32 $0x1, s23;
	[tilespmem:s25+$0x1B940] =	vst v1;
	v1 =	vmax.f32 v3, $0.0e+00  }
0xe6: {  	p0 =	sne.s32 s23, $0x7D;
	[tilespmem:s25+$0x1B950] =	vst v1;
	v1 =	vmax.f32 v2, $0.0e+00  }
.Ltmp2:
0xe7: {  	[tilespmem:s25+$0x1B960] =	vst v1;
	(pc) =	sbr.rel @p0 .LBB2_4-.Ltmp2, $4  }
0xe8: {  	[spmem:s2] =	stream.indirect.scatter.add.f32 [tilespmem:s20], [sflag:$0x3], $0x80, s12, s13, $0xb8;
	[tilespmem:$0x1F100] =	vst v63  }
0xe9: {  	_ =	swait.ge [sflag:s21], $0x2800  }
0xea: {  	[sflag:s21] =	ssyncset.done $0x0  }
0xeb: {  	[sflag:s21] =	ssyncadd.s32 $0xFFFFD800  }
0xec: {  	s22 =	stileid.u32  }
0xed: {  	[bflag:$0x0] =	sbarrier.arrive $0xFFFF;
	s22 =	sshll.u32 s22, $0x6  }
0xee: {  	s23 =	sshrl.u32 s10, $0x3;
	s24 =	rddreg [dreg:$0x11];
	s22 =	sor.u32 $0x1C04, s22  }
0xef: {  	[hbm:s24], [sflag:s22] =	dma.local [spmem:s23], $0x2800  }
0xf0: {  	_ =	swait.ge [sflag:s11], $0x2800  }
0xf1: {  	s4 =	sadd.s32 $0x1, s4;
	s26 =	rddreg [dreg:$0x12]  }
0xf2: {  	p0 =	sne.s32 s4, s26  }
.Ltmp3:
0xf3: {  	_ = 	snop;
	(pc) =	sbr.rel @p0 .LBB2_1-.Ltmp3, $3  }
0xf4: {  	_ =	sdelay $0x1  }
0xf5: {  	[sflag:s11] =	ssyncset.done $0x0  }
0xf6: {  	[sflag:s11] =	ssyncadd.s32 $0xFFFFD800  }
0xf7: {  	_ =	sfence.sel $0x180000  }
0xf8: {  	[bflag:$0x0] =	sbarrier.arrive $0xFFFF  }
0xf9: {  	_ =	strace $0x90000050  }
0xfa: {  	s0 =	stileid.u32;
	[bflag:$0x2] =	sbarrier.arrive $0xFFFF  }
0xfb: {  	p0 =	sne.s32 s0, $0x0;
	s0 =	rddreg [dreg:$0x3]  }
0xfc: {  	s0 =	sadd.s32 @!p0 $0x100000, s0  }
0xfd: {  	[sflag:s0] =	ssyncadd.tile.s32 @!p0 $0x1;
	_ =	shalt  }
.Lfunc_end2:
_tile_overlayer_lowered:
.L_overlay_start_2:
0xfe: {  	(tag) =	ssettag $0x2  }
0xff: {  	s0 =	rddreg [dreg:$0x0];
	s2 =	stileid.u32  }
0x100: {  	s1 =	rddreg [dreg:$0x1];
	p0 =	sne.s32 s2, $0x0  }
0x101: {  	s3 =	rddreg [dreg:$0x2];
	[bflag:$0x3] =	sbarrier.arrive $0xFFFF;
	s2 =	simm.s32 @!p0 $0x1C04  }
0x102: {  	[timem:s3], [sflag:s2] =	dma.local @!p0 [hbm:s0], s1  }
0x103: {  	s0 =	simm.s32 @!p0 $0x4  }
0x104: {  	_ =	swait.ge @!p0 [sflag:s0], s1  }
0x105: {  	s1 =	ssub.s32 @!p0 $0x0, s1;
	[sflag:s0] =	ssyncset.done @!p0 $0x0  }
0x106: {  	[sflag:s0] =	ssyncadd.s32 @!p0 s1  }
0x107: {  	[bflag:$0x3] =	sbarrier.arrive $0xFFFF  }
0x108: {  	_ =	shalt  }

</sc_bundles>
